<compile_context>
chip_gen: v7x
topology: tpu7x:2x2x1
jax: 0.10.2.dev20260603
libtpu: 0.0.44.dev20260713+nightly
codegen_flags: <defaults>
</compile_context>

<pallas_src>
import functools

import jax
import jax.numpy as jnp
from jax import lax
from jax.experimental import pallas as pl
from jax.experimental.pallas import tpu as pltpu
from jax.experimental.pallas import tpu_sc as plsc

N = 10000
E = 320000
D = 128

NC = 2
NS = 16
NW = NC * NS
EDGES_PER_TILE = E // NW
CHUNK = 80
NCHUNK = 126
EP = NCHUNK * CHUNK
NPAD = N + 8
STRIPE = 632
LAST_STRIPE = NPAD - (NS - 1) * STRIPE



@functools.partial(
    pl.kernel,
    out_type=jax.ShapeDtypeStruct((NC, NPAD, D), jnp.float32),
    mesh=plsc.VectorSubcoreMesh(core_axis_name="c", subcore_axis_name="s"),
    scratch_types=[
        pltpu.VMEM((EP,), jnp.int32),
        pltpu.VMEM((NCHUNK // 2, CHUNK), jnp.int32),
        pltpu.VMEM((CHUNK, D), jnp.float32),
        pltpu.VMEM((CHUNK, D), jnp.float32),
        pltpu.VMEM((CHUNK, D), jnp.float32),
        pltpu.SemaphoreType.DMA,
        pltpu.SemaphoreType.DMA,
        pltpu.SemaphoreType.DMA,
        pltpu.SemaphoreType.DMA,
        pltpu.SemaphoreType.DMA,
        pltpu.SemaphoreType.DMA,
        pltpu.VMEM_SHARED((NPAD, D), jnp.float32),
    ],
)
def _seg_sum(h_hbm, src_hbm, dst_hbm, zeros_hbm, out_hbm,
             sidx, didx, rows0, rows1, rows2,
             gsem0, gsem1, gsem2, ssem0, ssem1, ssem2, acc):
    c = lax.axis_index("c")
    s = lax.axis_index("s")
    wid = c * NS + s
    pltpu.sync_copy(src_hbm.at[wid], sidx)
    pltpu.sync_copy(dst_hbm.at[wid, 0], didx)

    rows = (rows0, rows1, rows2)
    gsems = (gsem0, gsem1, gsem2)
    ssems = (ssem0, ssem1, ssem2)

    def gather(i, b):
        pltpu.async_copy(h_hbm.at[sidx.at[pl.ds(i * CHUNK, CHUNK)]],
                         rows[b], gsems[b])

    def wait_gather(b):
        pltpu.make_async_copy(h_hbm.at[sidx.at[pl.ds(0, CHUNK)]],
                              rows[b], gsems[b]).wait()

    def scatter(j, b):
        pltpu.async_copy(rows[b], acc.at[didx.at[j]], ssems[b], add=True)

    def wait_scatter(b):
        pltpu.make_async_copy(rows[b], acc.at[didx.at[0]], ssems[b]).wait()

    gather(0, 0)
    gather(1, 1)

    @pl.when(s < NS - 1)
    def _():
        pltpu.sync_copy(zeros_hbm, acc.at[pl.ds(s * STRIPE, STRIPE)])

    @pl.when(s == NS - 1)
    def _():
        pltpu.sync_copy(zeros_hbm.at[pl.ds(0, LAST_STRIPE)],
                        acc.at[pl.ds((NS - 1) * STRIPE, LAST_STRIPE)])

    plsc.subcore_barrier()

    def step(i, j, b, wait_prev, prefetch):
        wait_gather(b)
        scatter(j, b)
        if wait_prev:
            wait_scatter((b + 2) % 3)
        if prefetch:
            gather(i + 2, (b + 2) % 3)

    step(0, 0, 0, False, True)
    step(1, 1, 1, True, True)

    def body1(p, carry):
        i = 2 + 3 * p
        step(i, i, 2, True, True)
        step(i + 1, i + 1, 0, True, True)
        step(i + 2, i + 2, 1, True, True)
        return carry

    lax.fori_loop(0, 20, body1, 0)
    step(62, 62, 2, True, True)
    wait_scatter(2)
    pltpu.sync_copy(dst_hbm.at[wid, 1], didx)

    step(63, 0, 0, False, True)
    step(64, 1, 1, True, True)

    def body2(p, carry):
        i = 65 + 3 * p
        step(i, i - 63, 2, True, True)
        step(i + 1, i - 62, 0, True, True)
        step(i + 2, i - 61, 1, True, True)
        return carry

    lax.fori_loop(0, 19, body2, 0)
    step(122, 59, 2, True, True)
    step(123, 60, 0, True, True)
    step(124, 61, 1, True, False)
    step(125, 62, 2, True, False)
    wait_scatter(2)
    plsc.subcore_barrier()

    @pl.when(s < NS - 1)
    def _():
        pltpu.sync_copy(acc.at[pl.ds(s * STRIPE, STRIPE)],
                        out_hbm.at[c, pl.ds(s * STRIPE, STRIPE)])

    @pl.when(s == NS - 1)
    def _():
        pltpu.sync_copy(acc.at[pl.ds((NS - 1) * STRIPE, LAST_STRIPE)],
                        out_hbm.at[c, pl.ds((NS - 1) * STRIPE, LAST_STRIPE)])



BR = 2000


def _mlp_body(part_ref, h_ref, w1_ref, b1_ref, w2_ref, b2_ref, out_ref):
    z = h_ref[...] + part_ref[0] + part_ref[1]
    z1 = jnp.maximum(
        jnp.dot(z, w1_ref[...], preferred_element_type=jnp.float32) + b1_ref[...],
        0.0)
    z2 = jnp.dot(z1, w2_ref[...], preferred_element_type=jnp.float32) + b2_ref[...]
    out_ref[...] = jnp.maximum(z2, 0.0)


_mlp = pl.pallas_call(
    _mlp_body,
    grid=(N // BR,),
    in_specs=[
        pl.BlockSpec((NC, BR, D), lambda i: (0, i, 0)),
        pl.BlockSpec((BR, D), lambda i: (i, 0)),
        pl.BlockSpec((D, D), lambda i: (0, 0)),
        pl.BlockSpec((1, D), lambda i: (0, 0)),
        pl.BlockSpec((D, D), lambda i: (0, 0)),
        pl.BlockSpec((1, D), lambda i: (0, 0)),
    ],
    out_specs=pl.BlockSpec((BR, D), lambda i: (i, 0)),
    out_shape=jax.ShapeDtypeStruct((N, D), jnp.float32),
)


def _mlp_final_body(part_ref, h_ref, w1_ref, b1_ref, w2_ref, b2_ref,
                    wl_ref, bl_ref, out_ref):
    z = h_ref[...] + part_ref[0] + part_ref[1]
    z1 = jnp.maximum(
        jnp.dot(z, w1_ref[...], preferred_element_type=jnp.float32) + b1_ref[...],
        0.0)
    z2 = jnp.dot(z1, w2_ref[...], preferred_element_type=jnp.float32) + b2_ref[...]
    h3 = jnp.maximum(z2, 0.0)
    logit = jnp.dot(h3, wl_ref[...], preferred_element_type=jnp.float32) + bl_ref[...]
    out_ref[...] = 1.0 / (1.0 + jnp.exp(-logit))


_mlp_final = pl.pallas_call(
    _mlp_final_body,
    grid=(N // BR,),
    in_specs=[
        pl.BlockSpec((NC, BR, D), lambda i: (0, i, 0)),
        pl.BlockSpec((BR, D), lambda i: (i, 0)),
        pl.BlockSpec((D, D), lambda i: (0, 0)),
        pl.BlockSpec((1, D), lambda i: (0, 0)),
        pl.BlockSpec((D, D), lambda i: (0, 0)),
        pl.BlockSpec((1, D), lambda i: (0, 0)),
        pl.BlockSpec((D, 1), lambda i: (0, 0)),
        pl.BlockSpec((1, 1), lambda i: (0, 0)),
    ],
    out_specs=pl.BlockSpec((BR, 1), lambda i: (i, 0)),
    out_shape=jax.ShapeDtypeStruct((N, 1), jnp.float32),
)


def kernel(x, edge_index, W1_0, b1_0, W2_0, b2_0, W1_1, b1_1, W2_1, b2_1,
           W1_2, b1_2, W2_2, b2_2, Wl, bl):
    src = edge_index[0].reshape(NW, EDGES_PER_TILE)
    dst = edge_index[1].reshape(NW, EDGES_PER_TILE)
    pad = EP - EDGES_PER_TILE
    srcf = jnp.concatenate(
        [src, jnp.zeros((NW, pad), jnp.int32)], axis=1)
    dst3 = jnp.concatenate(
        [dst, jnp.full((NW, pad), N, jnp.int32)],
        axis=1).reshape(NW, 2, NCHUNK // 2, CHUNK)
    zeros = jnp.zeros((STRIPE, D), jnp.float32)
    params = [(W1_0, b1_0, W2_0, b2_0), (W1_1, b1_1, W2_1, b2_1),
              (W1_2, b1_2, W2_2, b2_2)]
    h = x
    for li, (W1, b1, W2, b2) in enumerate(params):
        part = _seg_sum(h, srcf, dst3, zeros)
        b1r = b1.reshape(1, D)
        b2r = b2.reshape(1, D)
        if li < 2:
            h = _mlp(part, h, W1, b1r, W2, b2r)
        else:
            out = _mlp_final(part, h, W1, b1r, W2, b2r, Wl, bl.reshape(1, 1))
    return out[:, 0]

# --- scband reference (transcript-rebuilt; emitter-appended) ---
"""Pipeline reference for scband-ginmodel-12455405159093 (READ-ONLY COPY).

The authoritative reference and input builder live on the scoring server;
editing this copy changes nothing except your own understanding.
"""

import jax, jax.numpy as jnp
import numpy as np

N = 10000
E = 320000
D = 128
H = 128


def setup_inputs(seed: int = 0):
    key = jax.random.key(seed)
    ks = jax.random.split(key, 20)
    inp = {}
    inp['x'] = jax.random.normal(ks[0], (N, D), dtype=jnp.float32)
    inp['edge_index'] = jax.random.randint(ks[1], (2, E), 0, N, dtype=jnp.int32)
    dims = [(D, H), (H, H), (H, H)]
    for i, (din, dh) in enumerate(dims):
        inp['W1_%d' % i] = jax.random.normal(ks[2 + 4 * i], (din, dh), dtype=jnp.float32) / np.sqrt(din)
        inp['b1_%d' % i] = jnp.zeros((dh,), dtype=jnp.float32)
        inp['W2_%d' % i] = jax.random.normal(ks[3 + 4 * i], (dh, dh), dtype=jnp.float32) / np.sqrt(dh)
        inp['b2_%d' % i] = jnp.zeros((dh,), dtype=jnp.float32)
    inp['Wl'] = jax.random.normal(ks[15], (H, 1), dtype=jnp.float32) / np.sqrt(H)
    inp['bl'] = jnp.zeros((1,), dtype=jnp.float32)
    return inp


def reference(x, edge_index, W1_0, b1_0, W2_0, b2_0, W1_1, b1_1, W2_1, b2_1, W1_2, b1_2, W2_2, b2_2, Wl, bl):
    src = edge_index[0]
    dst = edge_index[1]
    params = [(W1_0, b1_0, W2_0, b2_0), (W1_1, b1_1, W2_1, b2_1), (W1_2, b1_2, W2_2, b2_2)]
    h = x
    for (W1, b1, W2, b2) in params:
        # GINConv with eps=0: h' = MLP((1+eps)*h + sum_{j in N(i)} h_j)
        agg = jax.ops.segment_sum(h[src], dst, num_segments=N)
        z = h + agg
        z = jnp.maximum(z @ W1 + b1, 0.0)
        z = z @ W2 + b2
        # outer activation (relu); dropout p=0.0 -> identity
        h = jnp.maximum(z, 0.0)
    out = jax.nn.sigmoid(h @ Wl + bl)
    return out.squeeze(-1)

if __name__ == "__main__":
    import jax
    _d = setup_inputs()
    print(jax.jit(kernel)(*tuple(_d.values())))

</pallas_src>

<mosaic_0001>
#map = affine_map<(d0, d1) -> (0, 0)>
#map1 = affine_map<(d0, d1) -> (0, 0, 0, 0)>
#map2 = affine_map<(d0, d1) -> (0, 0, 0)>
module attributes {stable_mosaic.version = 14 : i64} {
  func.func @_seg_sum(%arg0: i32, %arg1: i32, %arg2: memref<10000x128xf32, #tpu.memory_space<hbm>>, %arg3: memref<32x10080xi32, #tpu.memory_space<hbm>>, %arg4: memref<32x2x63x80xi32, #tpu.memory_space<hbm>>, %arg5: memref<632x128xf32, #tpu.memory_space<hbm>>, %arg6: memref<2x10008x128xf32, #tpu.memory_space<hbm>>, %arg7: memref<10080xi32, #tpu.memory_space<vmem>>, %arg8: memref<63x80xi32, #tpu.memory_space<vmem>>, %arg9: memref<80x128xf32, #tpu.memory_space<vmem>>, %arg10: memref<80x128xf32, #tpu.memory_space<vmem>>, %arg11: memref<80x128xf32, #tpu.memory_space<vmem>>, %arg12: memref<!tpu.dma_semaphore, #tpu.memory_space<semaphore_mem>>, %arg13: memref<!tpu.dma_semaphore, #tpu.memory_space<semaphore_mem>>, %arg14: memref<!tpu.dma_semaphore, #tpu.memory_space<semaphore_mem>>, %arg15: memref<!tpu.dma_semaphore, #tpu.memory_space<semaphore_mem>>, %arg16: memref<!tpu.dma_semaphore, #tpu.memory_space<semaphore_mem>>, %arg17: memref<!tpu.dma_semaphore, #tpu.memory_space<semaphore_mem>>, %arg18: memref<10008x128xf32, #tpu.memory_space<vmem_shared>>) attributes {dimension_semantics = [#tpu.dimension_semantics<core_parallel>, #tpu.dimension_semantics<subcore_parallel>], iteration_bounds = array<i64: 2, 16>, scalar_prefetch = 0 : i64, scratch_operands = 12 : i64, tpu.core_type = #tpu.core_type<sc_vector_subcore>, window_params = [{transform_indices = #map}, {transform_indices = #map}, {transform_indices = #map1}, {transform_indices = #map}, {transform_indices = #map2}]} {
    %mul3A = arith.constant 16 : i32
    %mul3A_0 = arith.muli %arg0, %mul3A : i32
    %add3A = arith.addi %mul3A_0, %arg1 : i32
    "tpu.region"() ({
      %run_scoped3A_244 = tpu.sem_alloc : memref<!tpu.dma_semaphore, #tpu.memory_space<semaphore_mem>>
      %dma_start3A_245 = arith.constant 0 : i32
      %dma_start3A_246 = tpu.memref_slice %arg3[%add3A, %dma_start3A_245] : memref<32x10080xi32, #tpu.memory_space<hbm>> -> memref<1x10080xi32, #tpu.memory_space<hbm>>
      %dma_start3A_247 = tpu.memref_squeeze %dma_start3A_246 : memref<1x10080xi32, #tpu.memory_space<hbm>> -> memref<10080xi32, #tpu.memory_space<hbm>>
      %dma_start3A_248 = arith.constant 0 : i32
      %dma_start3A_249 = tpu.memref_slice %arg3[%add3A, %dma_start3A_248] : memref<32x10080xi32, #tpu.memory_space<hbm>> -> memref<1x10080xi32, #tpu.memory_space<hbm>>
      %dma_start3A_250 = tpu.memref_squeeze %dma_start3A_249 : memref<1x10080xi32, #tpu.memory_space<hbm>> -> memref<10080xi32, #tpu.memory_space<hbm>>
      tpu.enqueue_dma source(%dma_start3A_250 : memref<10080xi32, #tpu.memory_space<hbm>>) target(%arg7 : memref<10080xi32, #tpu.memory_space<vmem>>) target_semaphore(%run_scoped3A_244 : memref<!tpu.dma_semaphore, #tpu.memory_space<semaphore_mem>>)
      %dma_wait3A_251 = arith.constant 0 : i32
      %dma_wait3A_252 = tpu.memref_slice %arg3[%add3A, %dma_wait3A_251] : memref<32x10080xi32, #tpu.memory_space<hbm>> -> memref<1x10080xi32, #tpu.memory_space<hbm>>
      %dma_wait3A_253 = tpu.memref_squeeze %dma_wait3A_252 : memref<1x10080xi32, #tpu.memory_space<hbm>> -> memref<10080xi32, #tpu.memory_space<hbm>>
      %dma_wait3A_254 = arith.constant 0 : i32
      %dma_wait3A_255 = tpu.memref_slice %arg3[%add3A, %dma_wait3A_254] : memref<32x10080xi32, #tpu.memory_space<hbm>> -> memref<1x10080xi32, #tpu.memory_space<hbm>>
      %dma_wait3A_256 = tpu.memref_squeeze %dma_wait3A_255 : memref<1x10080xi32, #tpu.memory_space<hbm>> -> memref<10080xi32, #tpu.memory_space<hbm>>
      tpu.wait_dma2 semaphore(%run_scoped3A_244 : memref<!tpu.dma_semaphore, #tpu.memory_space<semaphore_mem>>) src(%dma_wait3A_256 : memref<10080xi32, #tpu.memory_space<hbm>>) dst(%arg7 : memref<10080xi32, #tpu.memory_space<vmem>>)
      tpu.yield
    }) : () -> ()
    %run_scoped3A = arith.constant 0 : i32
    "tpu.region"() ({
      %run_scoped3A_244 = tpu.sem_alloc : memref<!tpu.dma_semaphore, #tpu.memory_space<semaphore_mem>>
      %dma_start3A_245 = arith.constant 0 : i32
      %dma_start3A_246 = arith.constant 0 : i32
      %dma_start3A_247 = tpu.memref_slice %arg4[%add3A, %run_scoped3A, %dma_start3A_245, %dma_start3A_246] : memref<32x2x63x80xi32, #tpu.memory_space<hbm>> -> memref<1x1x63x80xi32, #tpu.memory_space<hbm>>
      %dma_start3A_248 = tpu.memref_squeeze %dma_start3A_247 : memref<1x1x63x80xi32, #tpu.memory_space<hbm>> -> memref<63x80xi32, #tpu.memory_space<hbm>>
      %dma_start3A_249 = arith.constant 0 : i32
      %dma_start3A_250 = arith.constant 0 : i32
      %dma_start3A_251 = tpu.memref_slice %arg4[%add3A, %run_scoped3A, %dma_start3A_249, %dma_start3A_250] : memref<32x2x63x80xi32, #tpu.memory_space<hbm>> -> memref<1x1x63x80xi32, #tpu.memory_space<hbm>>
      %dma_start3A_252 = tpu.memref_squeeze %dma_start3A_251 : memref<1x1x63x80xi32, #tpu.memory_space<hbm>> -> memref<63x80xi32, #tpu.memory_space<hbm>>
      tpu.enqueue_dma source(%dma_start3A_252 : memref<63x80xi32, #tpu.memory_space<hbm>>) target(%arg8 : memref<63x80xi32, #tpu.memory_space<vmem>>) target_semaphore(%run_scoped3A_244 : memref<!tpu.dma_semaphore, #tpu.memory_space<semaphore_mem>>)
      %dma_wait3A_253 = arith.constant 0 : i32
      %dma_wait3A_254 = arith.constant 0 : i32
      %dma_wait3A_255 = tpu.memref_slice %arg4[%add3A, %run_scoped3A, %dma_wait3A_253, %dma_wait3A_254] : memref<32x2x63x80xi32, #tpu.memory_space<hbm>> -> memref<1x1x63x80xi32, #tpu.memory_space<hbm>>
      %dma_wait3A_256 = tpu.memref_squeeze %dma_wait3A_255 : memref<1x1x63x80xi32, #tpu.memory_space<hbm>> -> memref<63x80xi32, #tpu.memory_space<hbm>>
      %dma_wait3A_257 = arith.constant 0 : i32
      %dma_wait3A_258 = arith.constant 0 : i32
      %dma_wait3A_259 = tpu.memref_slice %arg4[%add3A, %run_scoped3A, %dma_wait3A_257, %dma_wait3A_258] : memref<32x2x63x80xi32, #tpu.memory_space<hbm>> -> memref<1x1x63x80xi32, #tpu.memory_space<hbm>>
      %dma_wait3A_260 = tpu.memref_squeeze %dma_wait3A_259 : memref<1x1x63x80xi32, #tpu.memory_space<hbm>> -> memref<63x80xi32, #tpu.memory_space<hbm>>
      tpu.wait_dma2 semaphore(%run_scoped3A_244 : memref<!tpu.dma_semaphore, #tpu.memory_space<semaphore_mem>>) src(%dma_wait3A_260 : memref<63x80xi32, #tpu.memory_space<hbm>>) dst(%arg8 : memref<63x80xi32, #tpu.memory_space<vmem>>)
      tpu.yield
    }) : () -> ()
    %dma_start3A = arith.constant 0 : i32
    %dma_start3A_1 = tpu.memref_slice %arg7[%dma_start3A] : memref<10080xi32, #tpu.memory_space<vmem>> -> memref<80xi32, #tpu.memory_space<vmem>>
    %dma_start3A_2 = arith.constant 0 : i32
    %dma_start3A_3 = arith.constant 0 : i32
    %dma_start3A_4 = tpu.memref_slice %arg2[%dma_start3A_2, %dma_start3A_3] : memref<10000x128xf32, #tpu.memory_space<hbm>> -> memref<10000x128xf32, #tpu.memory_space<hbm>>
    tpu.enqueue_indirect_dma source(%dma_start3A_4 : memref<10000x128xf32, #tpu.memory_space<hbm>>) target(%arg9 : memref<80x128xf32, #tpu.memory_space<vmem>>) offsets(%dma_start3A_1 : memref<80xi32, #tpu.memory_space<vmem>>) semaphore(%arg12 : memref<!tpu.dma_semaphore, #tpu.memory_space<semaphore_mem>>)
    %dma_start3A_5 = arith.constant 80 : i32
    %dma_start3A_6 = tpu.memref_slice %arg7[%dma_start3A_5] : memref<10080xi32, #tpu.memory_space<vmem>> -> memref<80xi32, #tpu.memory_space<vmem>>
    %dma_start3A_7 = arith.constant 0 : i32
    %dma_start3A_8 = arith.constant 0 : i32
    %dma_start3A_9 = tpu.memref_slice %arg2[%dma_start3A_7, %dma_start3A_8] : memref<10000x128xf32, #tpu.memory_space<hbm>> -> memref<10000x128xf32, #tpu.memory_space<hbm>>
    tpu.enqueue_indirect_dma source(%dma_start3A_9 : memref<10000x128xf32, #tpu.memory_space<hbm>>) target(%arg10 : memref<80x128xf32, #tpu.memory_space<vmem>>) offsets(%dma_start3A_6 : memref<80xi32, #tpu.memory_space<vmem>>) semaphore(%arg13 : memref<!tpu.dma_semaphore, #tpu.memory_space<semaphore_mem>>)
    %lt3A = arith.constant 15 : i32
    %lt3A_10 = arith.cmpi slt, %arg1, %lt3A : i32
    %convert_element_type3A = arith.extui %lt3A_10 : i1 to i32
    %cond3A = arith.constant 0 : i32
    %cond3A_11 = arith.cmpi ne, %convert_element_type3A, %cond3A : i32
    scf.if %cond3A_11 {
      %mul3A_244 = arith.constant 632 : i32
      %mul3A_245 = arith.muli %arg1, %mul3A_244 : i32
      "tpu.region"() ({
        %run_scoped3A_246 = tpu.sem_alloc : memref<!tpu.dma_semaphore, #tpu.memory_space<semaphore_mem>>
        %dma_start3A_247 = arith.constant 0 : i32
        %dma_start3A_248 = tpu.memref_slice %arg18[%mul3A_245, %dma_start3A_247] : memref<10008x128xf32, #tpu.memory_space<vmem_shared>> -> memref<632x128xf32, #tpu.memory_space<vmem_shared>>
        tpu.enqueue_dma source(%arg5 : memref<632x128xf32, #tpu.memory_space<hbm>>) target(%dma_start3A_248 : memref<632x128xf32, #tpu.memory_space<vmem_shared>>) target_semaphore(%run_scoped3A_246 : memref<!tpu.dma_semaphore, #tpu.memory_space<semaphore_mem>>)
        %dma_wait3A_249 = arith.constant 0 : i32
        %dma_wait3A_250 = tpu.memref_slice %arg18[%mul3A_245, %dma_wait3A_249] : memref<10008x128xf32, #tpu.memory_space<vmem_shared>> -> memref<632x128xf32, #tpu.memory_space<vmem_shared>>
        tpu.wait_dma2 semaphore(%run_scoped3A_246 : memref<!tpu.dma_semaphore, #tpu.memory_space<semaphore_mem>>) src(%arg5 : memref<632x128xf32, #tpu.memory_space<hbm>>) dst(%dma_wait3A_250 : memref<632x128xf32, #tpu.memory_space<vmem_shared>>)
        tpu.yield
      }) : () -> ()
    } else {
    }
    %eq3A = arith.constant 15 : i32
    %eq3A_12 = arith.cmpi eq, %arg1, %eq3A : i32
    %convert_element_type3A_13 = arith.extui %eq3A_12 : i1 to i32
    %cond3A_14 = arith.constant 0 : i32
    %cond3A_15 = arith.cmpi ne, %convert_element_type3A_13, %cond3A_14 : i32
    scf.if %cond3A_15 {
      "tpu.region"() ({
        %run_scoped3A_244 = tpu.sem_alloc : memref<!tpu.dma_semaphore, #tpu.memory_space<semaphore_mem>>
        %dma_start3A_245 = arith.constant 9480 : i32
        %dma_start3A_246 = arith.constant 0 : i32
        %dma_start3A_247 = tpu.memref_slice %arg18[%dma_start3A_245, %dma_start3A_246] : memref<10008x128xf32, #tpu.memory_space<vmem_shared>> -> memref<528x128xf32, #tpu.memory_space<vmem_shared>>
        %dma_start3A_248 = arith.constant 0 : i32
        %dma_start3A_249 = arith.constant 0 : i32
        %dma_start3A_250 = tpu.memref_slice %arg5[%dma_start3A_248, %dma_start3A_249] : memref<632x128xf32, #tpu.memory_space<hbm>> -> memref<528x128xf32, #tpu.memory_space<hbm>>
        tpu.enqueue_dma source(%dma_start3A_250 : memref<528x128xf32, #tpu.memory_space<hbm>>) target(%dma_start3A_247 : memref<528x128xf32, #tpu.memory_space<vmem_shared>>) target_semaphore(%run_scoped3A_244 : memref<!tpu.dma_semaphore, #tpu.memory_space<semaphore_mem>>)
        %dma_wait3A_251 = arith.constant 9480 : i32
        %dma_wait3A_252 = arith.constant 0 : i32
        %dma_wait3A_253 = tpu.memref_slice %arg18[%dma_wait3A_251, %dma_wait3A_252] : memref<10008x128xf32, #tpu.memory_space<vmem_shared>> -> memref<528x128xf32, #tpu.memory_space<vmem_shared>>
        %dma_wait3A_254 = arith.constant 0 : i32
        %dma_wait3A_255 = arith.constant 0 : i32
        %dma_wait3A_256 = tpu.memref_slice %arg5[%dma_wait3A_254, %dma_wait3A_255] : memref<632x128xf32, #tpu.memory_space<hbm>> -> memref<528x128xf32, #tpu.memory_space<hbm>>
        tpu.wait_dma2 semaphore(%run_scoped3A_244 : memref<!tpu.dma_semaphore, #tpu.memory_space<semaphore_mem>>) src(%dma_wait3A_256 : memref<528x128xf32, #tpu.memory_space<hbm>>) dst(%dma_wait3A_253 : memref<528x128xf32, #tpu.memory_space<vmem_shared>>)
        tpu.yield
      }) : () -> ()
    } else {
    }
    %barrier3A = arith.constant 0 : index
    tpu.barrier barrier_id(%barrier3A)
    %dma_wait3A = arith.constant 0 : i32
    %dma_wait3A_16 = tpu.memref_slice %arg7[%dma_wait3A] : memref<10080xi32, #tpu.memory_space<vmem>> -> memref<80xi32, #tpu.memory_space<vmem>>
    %dma_wait3A_17 = arith.constant 0 : i32
    %dma_wait3A_18 = arith.constant 0 : i32
    %dma_wait3A_19 = tpu.memref_slice %arg2[%dma_wait3A_17, %dma_wait3A_18] : memref<10000x128xf32, #tpu.memory_space<hbm>> -> memref<10000x128xf32, #tpu.memory_space<hbm>>
    tpu.wait_indirect_dma semaphore(%arg12 : memref<!tpu.dma_semaphore, #tpu.memory_space<semaphore_mem>>) src(%dma_wait3A_19 : memref<10000x128xf32, #tpu.memory_space<hbm>>) dst(%arg9 : memref<80x128xf32, #tpu.memory_space<vmem>>)
    %dma_start3A_20 = arith.constant 0 : i32
    %dma_start3A_21 = arith.constant 0 : i32
    %dma_start3A_22 = tpu.memref_slice %arg8[%dma_start3A_20, %dma_start3A_21] : memref<63x80xi32, #tpu.memory_space<vmem>> -> memref<1x80xi32, #tpu.memory_space<vmem>>
    %dma_start3A_23 = tpu.memref_squeeze %dma_start3A_22 : memref<1x80xi32, #tpu.memory_space<vmem>> -> memref<80xi32, #tpu.memory_space<vmem>>
    %dma_start3A_24 = arith.constant 0 : i32
    %dma_start3A_25 = arith.constant 0 : i32
    %dma_start3A_26 = tpu.memref_slice %arg18[%dma_start3A_24, %dma_start3A_25] : memref<10008x128xf32, #tpu.memory_space<vmem_shared>> -> memref<10008x128xf32, #tpu.memory_space<vmem_shared>>
    tpu.enqueue_indirect_dma source(%arg9 : memref<80x128xf32, #tpu.memory_space<vmem>>) target(%dma_start3A_26 : memref<10008x128xf32, #tpu.memory_space<vmem_shared>>) offsets(%dma_start3A_23 : memref<80xi32, #tpu.memory_space<vmem>>) semaphore(%arg15 : memref<!tpu.dma_semaphore, #tpu.memory_space<semaphore_mem>>) {add = true}
    %dma_start3A_27 = arith.constant 160 : i32
    %dma_start3A_28 = tpu.memref_slice %arg7[%dma_start3A_27] : memref<10080xi32, #tpu.memory_space<vmem>> -> memref<80xi32, #tpu.memory_space<vmem>>
    %dma_start3A_29 = arith.constant 0 : i32
    %dma_start3A_30 = arith.constant 0 : i32
    %dma_start3A_31 = tpu.memref_slice %arg2[%dma_start3A_29, %dma_start3A_30] : memref<10000x128xf32, #tpu.memory_space<hbm>> -> memref<10000x128xf32, #tpu.memory_space<hbm>>
    tpu.enqueue_indirect_dma source(%dma_start3A_31 : memref<10000x128xf32, #tpu.memory_space<hbm>>) target(%arg11 : memref<80x128xf32, #tpu.memory_space<vmem>>) offsets(%dma_start3A_28 : memref<80xi32, #tpu.memory_space<vmem>>) semaphore(%arg14 : memref<!tpu.dma_semaphore, #tpu.memory_space<semaphore_mem>>)
    %dma_wait3A_32 = arith.constant 0 : i32
    %dma_wait3A_33 = tpu.memref_slice %arg7[%dma_wait3A_32] : memref<10080xi32, #tpu.memory_space<vmem>> -> memref<80xi32, #tpu.memory_space<vmem>>
    %dma_wait3A_34 = arith.constant 0 : i32
    %dma_wait3A_35 = arith.constant 0 : i32
    %dma_wait3A_36 = tpu.memref_slice %arg2[%dma_wait3A_34, %dma_wait3A_35] : memref<10000x128xf32, #tpu.memory_space<hbm>> -> memref<10000x128xf32, #tpu.memory_space<hbm>>
    tpu.wait_indirect_dma semaphore(%arg13 : memref<!tpu.dma_semaphore, #tpu.memory_space<semaphore_mem>>) src(%dma_wait3A_36 : memref<10000x128xf32, #tpu.memory_space<hbm>>) dst(%arg10 : memref<80x128xf32, #tpu.memory_space<vmem>>)
    %dma_start3A_37 = arith.constant 1 : i32
    %dma_start3A_38 = arith.constant 0 : i32
    %dma_start3A_39 = tpu.memref_slice %arg8[%dma_start3A_37, %dma_start3A_38] : memref<63x80xi32, #tpu.memory_space<vmem>> -> memref<1x80xi32, #tpu.memory_space<vmem>>
    %dma_start3A_40 = tpu.memref_squeeze %dma_start3A_39 : memref<1x80xi32, #tpu.memory_space<vmem>> -> memref<80xi32, #tpu.memory_space<vmem>>
    %dma_start3A_41 = arith.constant 0 : i32
    %dma_start3A_42 = arith.constant 0 : i32
    %dma_start3A_43 = tpu.memref_slice %arg18[%dma_start3A_41, %dma_start3A_42] : memref<10008x128xf32, #tpu.memory_space<vmem_shared>> -> memref<10008x128xf32, #tpu.memory_space<vmem_shared>>
    tpu.enqueue_indirect_dma source(%arg10 : memref<80x128xf32, #tpu.memory_space<vmem>>) target(%dma_start3A_43 : memref<10008x128xf32, #tpu.memory_space<vmem_shared>>) offsets(%dma_start3A_40 : memref<80xi32, #tpu.memory_space<vmem>>) semaphore(%arg16 : memref<!tpu.dma_semaphore, #tpu.memory_space<semaphore_mem>>) {add = true}
    %dma_wait3A_44 = arith.constant 0 : i32
    %dma_wait3A_45 = arith.constant 0 : i32
    %dma_wait3A_46 = tpu.memref_slice %arg8[%dma_wait3A_44, %dma_wait3A_45] : memref<63x80xi32, #tpu.memory_space<vmem>> -> memref<1x80xi32, #tpu.memory_space<vmem>>
    %dma_wait3A_47 = tpu.memref_squeeze %dma_wait3A_46 : memref<1x80xi32, #tpu.memory_space<vmem>> -> memref<80xi32, #tpu.memory_space<vmem>>
    %dma_wait3A_48 = arith.constant 0 : i32
    %dma_wait3A_49 = arith.constant 0 : i32
    %dma_wait3A_50 = tpu.memref_slice %arg18[%dma_wait3A_48, %dma_wait3A_49] : memref<10008x128xf32, #tpu.memory_space<vmem_shared>> -> memref<10008x128xf32, #tpu.memory_space<vmem_shared>>
    tpu.wait_indirect_dma semaphore(%arg15 : memref<!tpu.dma_semaphore, #tpu.memory_space<semaphore_mem>>) src(%arg9 : memref<80x128xf32, #tpu.memory_space<vmem>>) dst(%dma_wait3A_50 : memref<10008x128xf32, #tpu.memory_space<vmem_shared>>)
    %dma_start3A_51 = arith.constant 240 : i32
    %dma_start3A_52 = tpu.memref_slice %arg7[%dma_start3A_51] : memref<10080xi32, #tpu.memory_space<vmem>> -> memref<80xi32, #tpu.memory_space<vmem>>
    %dma_start3A_53 = arith.constant 0 : i32
    %dma_start3A_54 = arith.constant 0 : i32
    %dma_start3A_55 = tpu.memref_slice %arg2[%dma_start3A_53, %dma_start3A_54] : memref<10000x128xf32, #tpu.memory_space<hbm>> -> memref<10000x128xf32, #tpu.memory_space<hbm>>
    tpu.enqueue_indirect_dma source(%dma_start3A_55 : memref<10000x128xf32, #tpu.memory_space<hbm>>) target(%arg9 : memref<80x128xf32, #tpu.memory_space<vmem>>) offsets(%dma_start3A_52 : memref<80xi32, #tpu.memory_space<vmem>>) semaphore(%arg12 : memref<!tpu.dma_semaphore, #tpu.memory_space<semaphore_mem>>)
    %scan3A = arith.constant 0 : i32
    %scan3A_56 = arith.constant 0 : i32
    %scan3A_57 = arith.constant 20 : i32
    %scan3A_58 = arith.addi %scan3A_56, %scan3A_57 : i32
    %scan3A_59 = arith.constant 1 : i32
    scf.for %scan3A_244 = %scan3A_56 to %scan3A_58 step %scan3A_59  : i32 {
      %mul3A_245 = arith.constant 3 : i32
      %mul3A_246 = arith.muli %mul3A_245, %scan3A_244 : i32
      %add3A_247 = arith.constant 2 : i32
      %add3A_248 = arith.addi %add3A_247, %mul3A_246 : i32
      %dma_wait3A_249 = arith.constant 0 : i32
      %dma_wait3A_250 = tpu.memref_slice %arg7[%dma_wait3A_249] : memref<10080xi32, #tpu.memory_space<vmem>> -> memref<80xi32, #tpu.memory_space<vmem>>
      %dma_wait3A_251 = arith.constant 0 : i32
      %dma_wait3A_252 = arith.constant 0 : i32
      %dma_wait3A_253 = tpu.memref_slice %arg2[%dma_wait3A_251, %dma_wait3A_252] : memref<10000x128xf32, #tpu.memory_space<hbm>> -> memref<10000x128xf32, #tpu.memory_space<hbm>>
      tpu.wait_indirect_dma semaphore(%arg14 : memref<!tpu.dma_semaphore, #tpu.memory_space<semaphore_mem>>) src(%dma_wait3A_253 : memref<10000x128xf32, #tpu.memory_space<hbm>>) dst(%arg11 : memref<80x128xf32, #tpu.memory_space<vmem>>)
      %dma_start3A_254 = arith.constant 0 : i32
      %dma_start3A_255 = tpu.memref_slice %arg8[%add3A_248, %dma_start3A_254] : memref<63x80xi32, #tpu.memory_space<vmem>> -> memref<1x80xi32, #tpu.memory_space<vmem>>
      %dma_start3A_256 = tpu.memref_squeeze %dma_start3A_255 : memref<1x80xi32, #tpu.memory_space<vmem>> -> memref<80xi32, #tpu.memory_space<vmem>>
      %dma_start3A_257 = arith.constant 0 : i32
      %dma_start3A_258 = arith.constant 0 : i32
      %dma_start3A_259 = tpu.memref_slice %arg18[%dma_start3A_257, %dma_start3A_258] : memref<10008x128xf32, #tpu.memory_space<vmem_shared>> -> memref<10008x128xf32, #tpu.memory_space<vmem_shared>>
      tpu.enqueue_indirect_dma source(%arg11 : memref<80x128xf32, #tpu.memory_space<vmem>>) target(%dma_start3A_259 : memref<10008x128xf32, #tpu.memory_space<vmem_shared>>) offsets(%dma_start3A_256 : memref<80xi32, #tpu.memory_space<vmem>>) semaphore(%arg17 : memref<!tpu.dma_semaphore, #tpu.memory_space<semaphore_mem>>) {add = true}
      %dma_wait3A_260 = arith.constant 0 : i32
      %dma_wait3A_261 = arith.constant 0 : i32
      %dma_wait3A_262 = tpu.memref_slice %arg8[%dma_wait3A_260, %dma_wait3A_261] : memref<63x80xi32, #tpu.memory_space<vmem>> -> memref<1x80xi32, #tpu.memory_space<vmem>>
      %dma_wait3A_263 = tpu.memref_squeeze %dma_wait3A_262 : memref<1x80xi32, #tpu.memory_space<vmem>> -> memref<80xi32, #tpu.memory_space<vmem>>
      %dma_wait3A_264 = arith.constant 0 : i32
      %dma_wait3A_265 = arith.constant 0 : i32
      %dma_wait3A_266 = tpu.memref_slice %arg18[%dma_wait3A_264, %dma_wait3A_265] : memref<10008x128xf32, #tpu.memory_space<vmem_shared>> -> memref<10008x128xf32, #tpu.memory_space<vmem_shared>>
      tpu.wait_indirect_dma semaphore(%arg16 : memref<!tpu.dma_semaphore, #tpu.memory_space<semaphore_mem>>) src(%arg10 : memref<80x128xf32, #tpu.memory_space<vmem>>) dst(%dma_wait3A_266 : memref<10008x128xf32, #tpu.memory_space<vmem_shared>>)
      %add3A_267 = arith.constant 2 : i32
      %add3A_268 = arith.addi %add3A_248, %add3A_267 : i32
      %mul3A_269 = arith.constant 80 : i32
      %mul3A_270 = arith.muli %add3A_268, %mul3A_269 : i32
      %dma_start3A_271 = tpu.memref_slice %arg7[%mul3A_270] : memref<10080xi32, #tpu.memory_space<vmem>> -> memref<80xi32, #tpu.memory_space<vmem>>
      %dma_start3A_272 = arith.constant 0 : i32
      %dma_start3A_273 = arith.constant 0 : i32
      %dma_start3A_274 = tpu.memref_slice %arg2[%dma_start3A_272, %dma_start3A_273] : memref<10000x128xf32, #tpu.memory_space<hbm>> -> memref<10000x128xf32, #tpu.memory_space<hbm>>
      tpu.enqueue_indirect_dma source(%dma_start3A_274 : memref<10000x128xf32, #tpu.memory_space<hbm>>) target(%arg10 : memref<80x128xf32, #tpu.memory_space<vmem>>) offsets(%dma_start3A_271 : memref<80xi32, #tpu.memory_space<vmem>>) semaphore(%arg13 : memref<!tpu.dma_semaphore, #tpu.memory_space<semaphore_mem>>)
      %add3A_275 = arith.constant 1 : i32
      %add3A_276 = arith.addi %add3A_248, %add3A_275 : i32
      %add3A_277 = arith.constant 1 : i32
      %add3A_278 = arith.addi %add3A_248, %add3A_277 : i32
      %dma_wait3A_279 = arith.constant 0 : i32
      %dma_wait3A_280 = tpu.memref_slice %arg7[%dma_wait3A_279] : memref<10080xi32, #tpu.memory_space<vmem>> -> memref<80xi32, #tpu.memory_space<vmem>>
      %dma_wait3A_281 = arith.constant 0 : i32
      %dma_wait3A_282 = arith.constant 0 : i32
      %dma_wait3A_283 = tpu.memref_slice %arg2[%dma_wait3A_281, %dma_wait3A_282] : memref<10000x128xf32, #tpu.memory_space<hbm>> -> memref<10000x128xf32, #tpu.memory_space<hbm>>
      tpu.wait_indirect_dma semaphore(%arg12 : memref<!tpu.dma_semaphore, #tpu.memory_space<semaphore_mem>>) src(%dma_wait3A_283 : memref<10000x128xf32, #tpu.memory_space<hbm>>) dst(%arg9 : memref<80x128xf32, #tpu.memory_space<vmem>>)
      %dma_start3A_284 = arith.constant 0 : i32
      %dma_start3A_285 = tpu.memref_slice %arg8[%add3A_278, %dma_start3A_284] : memref<63x80xi32, #tpu.memory_space<vmem>> -> memref<1x80xi32, #tpu.memory_space<vmem>>
      %dma_start3A_286 = tpu.memref_squeeze %dma_start3A_285 : memref<1x80xi32, #tpu.memory_space<vmem>> -> memref<80xi32, #tpu.memory_space<vmem>>
      %dma_start3A_287 = arith.constant 0 : i32
      %dma_start3A_288 = arith.constant 0 : i32
      %dma_start3A_289 = tpu.memref_slice %arg18[%dma_start3A_287, %dma_start3A_288] : memref<10008x128xf32, #tpu.memory_space<vmem_shared>> -> memref<10008x128xf32, #tpu.memory_space<vmem_shared>>
      tpu.enqueue_indirect_dma source(%arg9 : memref<80x128xf32, #tpu.memory_space<vmem>>) target(%dma_start3A_289 : memref<10008x128xf32, #tpu.memory_space<vmem_shared>>) offsets(%dma_start3A_286 : memref<80xi32, #tpu.memory_space<vmem>>) semaphore(%arg15 : memref<!tpu.dma_semaphore, #tpu.memory_space<semaphore_mem>>) {add = true}
      %dma_wait3A_290 = arith.constant 0 : i32
      %dma_wait3A_291 = arith.constant 0 : i32
      %dma_wait3A_292 = tpu.memref_slice %arg8[%dma_wait3A_290, %dma_wait3A_291] : memref<63x80xi32, #tpu.memory_space<vmem>> -> memref<1x80xi32, #tpu.memory_space<vmem>>
      %dma_wait3A_293 = tpu.memref_squeeze %dma_wait3A_292 : memref<1x80xi32, #tpu.memory_space<vmem>> -> memref<80xi32, #tpu.memory_space<vmem>>
      %dma_wait3A_294 = arith.constant 0 : i32
      %dma_wait3A_295 = arith.constant 0 : i32
      %dma_wait3A_296 = tpu.memref_slice %arg18[%dma_wait3A_294, %dma_wait3A_295] : memref<10008x128xf32, #tpu.memory_space<vmem_shared>> -> memref<10008x128xf32, #tpu.memory_space<vmem_shared>>
      tpu.wait_indirect_dma semaphore(%arg17 : memref<!tpu.dma_semaphore, #tpu.memory_space<semaphore_mem>>) src(%arg11 : memref<80x128xf32, #tpu.memory_space<vmem>>) dst(%dma_wait3A_296 : memref<10008x128xf32, #tpu.memory_space<vmem_shared>>)
      %add3A_297 = arith.constant 2 : i32
      %add3A_298 = arith.addi %add3A_276, %add3A_297 : i32
      %mul3A_299 = arith.constant 80 : i32
      %mul3A_300 = arith.muli %add3A_298, %mul3A_299 : i32
      %dma_start3A_301 = tpu.memref_slice %arg7[%mul3A_300] : memref<10080xi32, #tpu.memory_space<vmem>> -> memref<80xi32, #tpu.memory_space<vmem>>
      %dma_start3A_302 = arith.constant 0 : i32
      %dma_start3A_303 = arith.constant 0 : i32
      %dma_start3A_304 = tpu.memref_slice %arg2[%dma_start3A_302, %dma_start3A_303] : memref<10000x128xf32, #tpu.memory_space<hbm>> -> memref<10000x128xf32, #tpu.memory_space<hbm>>
      tpu.enqueue_indirect_dma source(%dma_start3A_304 : memref<10000x128xf32, #tpu.memory_space<hbm>>) target(%arg11 : memref<80x128xf32, #tpu.memory_space<vmem>>) offsets(%dma_start3A_301 : memref<80xi32, #tpu.memory_space<vmem>>) semaphore(%arg14 : memref<!tpu.dma_semaphore, #tpu.memory_space<semaphore_mem>>)
      %add3A_305 = arith.constant 2 : i32
      %add3A_306 = arith.addi %add3A_248, %add3A_305 : i32
      %add3A_307 = arith.constant 2 : i32
      %add3A_308 = arith.addi %add3A_248, %add3A_307 : i32
      %dma_wait3A_309 = arith.constant 0 : i32
      %dma_wait3A_310 = tpu.memref_slice %arg7[%dma_wait3A_309] : memref<10080xi32, #tpu.memory_space<vmem>> -> memref<80xi32, #tpu.memory_space<vmem>>
      %dma_wait3A_311 = arith.constant 0 : i32
      %dma_wait3A_312 = arith.constant 0 : i32
      %dma_wait3A_313 = tpu.memref_slice %arg2[%dma_wait3A_311, %dma_wait3A_312] : memref<10000x128xf32, #tpu.memory_space<hbm>> -> memref<10000x128xf32, #tpu.memory_space<hbm>>
      tpu.wait_indirect_dma semaphore(%arg13 : memref<!tpu.dma_semaphore, #tpu.memory_space<semaphore_mem>>) src(%dma_wait3A_313 : memref<10000x128xf32, #tpu.memory_space<hbm>>) dst(%arg10 : memref<80x128xf32, #tpu.memory_space<vmem>>)
      %dma_start3A_314 = arith.constant 0 : i32
      %dma_start3A_315 = tpu.memref_slice %arg8[%add3A_308, %dma_start3A_314] : memref<63x80xi32, #tpu.memory_space<vmem>> -> memref<1x80xi32, #tpu.memory_space<vmem>>
      %dma_start3A_316 = tpu.memref_squeeze %dma_start3A_315 : memref<1x80xi32, #tpu.memory_space<vmem>> -> memref<80xi32, #tpu.memory_space<vmem>>
      %dma_start3A_317 = arith.constant 0 : i32
      %dma_start3A_318 = arith.constant 0 : i32
      %dma_start3A_319 = tpu.memref_slice %arg18[%dma_start3A_317, %dma_start3A_318] : memref<10008x128xf32, #tpu.memory_space<vmem_shared>> -> memref<10008x128xf32, #tpu.memory_space<vmem_shared>>
      tpu.enqueue_indirect_dma source(%arg10 : memref<80x128xf32, #tpu.memory_space<vmem>>) target(%dma_start3A_319 : memref<10008x128xf32, #tpu.memory_space<vmem_shared>>) offsets(%dma_start3A_316 : memref<80xi32, #tpu.memory_space<vmem>>) semaphore(%arg16 : memref<!tpu.dma_semaphore, #tpu.memory_space<semaphore_mem>>) {add = true}
      %dma_wait3A_320 = arith.constant 0 : i32
      %dma_wait3A_321 = arith.constant 0 : i32
      %dma_wait3A_322 = tpu.memref_slice %arg8[%dma_wait3A_320, %dma_wait3A_321] : memref<63x80xi32, #tpu.memory_space<vmem>> -> memref<1x80xi32, #tpu.memory_space<vmem>>
      %dma_wait3A_323 = tpu.memref_squeeze %dma_wait3A_322 : memref<1x80xi32, #tpu.memory_space<vmem>> -> memref<80xi32, #tpu.memory_space<vmem>>
      %dma_wait3A_324 = arith.constant 0 : i32
      %dma_wait3A_325 = arith.constant 0 : i32
      %dma_wait3A_326 = tpu.memref_slice %arg18[%dma_wait3A_324, %dma_wait3A_325] : memref<10008x128xf32, #tpu.memory_space<vmem_shared>> -> memref<10008x128xf32, #tpu.memory_space<vmem_shared>>
      tpu.wait_indirect_dma semaphore(%arg15 : memref<!tpu.dma_semaphore, #tpu.memory_space<semaphore_mem>>) src(%arg9 : memref<80x128xf32, #tpu.memory_space<vmem>>) dst(%dma_wait3A_326 : memref<10008x128xf32, #tpu.memory_space<vmem_shared>>)
      %add3A_327 = arith.constant 2 : i32
      %add3A_328 = arith.addi %add3A_306, %add3A_327 : i32
      %mul3A_329 = arith.constant 80 : i32
      %mul3A_330 = arith.muli %add3A_328, %mul3A_329 : i32
      %dma_start3A_331 = tpu.memref_slice %arg7[%mul3A_330] : memref<10080xi32, #tpu.memory_space<vmem>> -> memref<80xi32, #tpu.memory_space<vmem>>
      %dma_start3A_332 = arith.constant 0 : i32
      %dma_start3A_333 = arith.constant 0 : i32
      %dma_start3A_334 = tpu.memref_slice %arg2[%dma_start3A_332, %dma_start3A_333] : memref<10000x128xf32, #tpu.memory_space<hbm>> -> memref<10000x128xf32, #tpu.memory_space<hbm>>
      tpu.enqueue_indirect_dma source(%dma_start3A_334 : memref<10000x128xf32, #tpu.memory_space<hbm>>) target(%arg9 : memref<80x128xf32, #tpu.memory_space<vmem>>) offsets(%dma_start3A_331 : memref<80xi32, #tpu.memory_space<vmem>>) semaphore(%arg12 : memref<!tpu.dma_semaphore, #tpu.memory_space<semaphore_mem>>)
    }
    %scan3A_60 = arith.constant 20 : i32
    %dma_wait3A_61 = arith.constant 0 : i32
    %dma_wait3A_62 = tpu.memref_slice %arg7[%dma_wait3A_61] : memref<10080xi32, #tpu.memory_space<vmem>> -> memref<80xi32, #tpu.memory_space<vmem>>
    %dma_wait3A_63 = arith.constant 0 : i32
    %dma_wait3A_64 = arith.constant 0 : i32
    %dma_wait3A_65 = tpu.memref_slice %arg2[%dma_wait3A_63, %dma_wait3A_64] : memref<10000x128xf32, #tpu.memory_space<hbm>> -> memref<10000x128xf32, #tpu.memory_space<hbm>>
    tpu.wait_indirect_dma semaphore(%arg14 : memref<!tpu.dma_semaphore, #tpu.memory_space<semaphore_mem>>) src(%dma_wait3A_65 : memref<10000x128xf32, #tpu.memory_space<hbm>>) dst(%arg11 : memref<80x128xf32, #tpu.memory_space<vmem>>)
    %dma_start3A_66 = arith.constant 62 : i32
    %dma_start3A_67 = arith.constant 0 : i32
    %dma_start3A_68 = tpu.memref_slice %arg8[%dma_start3A_66, %dma_start3A_67] : memref<63x80xi32, #tpu.memory_space<vmem>> -> memref<1x80xi32, #tpu.memory_space<vmem>>
    %dma_start3A_69 = tpu.memref_squeeze %dma_start3A_68 : memref<1x80xi32, #tpu.memory_space<vmem>> -> memref<80xi32, #tpu.memory_space<vmem>>
    %dma_start3A_70 = arith.constant 0 : i32
    %dma_start3A_71 = arith.constant 0 : i32
    %dma_start3A_72 = tpu.memref_slice %arg18[%dma_start3A_70, %dma_start3A_71] : memref<10008x128xf32, #tpu.memory_space<vmem_shared>> -> memref<10008x128xf32, #tpu.memory_space<vmem_shared>>
    tpu.enqueue_indirect_dma source(%arg11 : memref<80x128xf32, #tpu.memory_space<vmem>>) target(%dma_start3A_72 : memref<10008x128xf32, #tpu.memory_space<vmem_shared>>) offsets(%dma_start3A_69 : memref<80xi32, #tpu.memory_space<vmem>>) semaphore(%arg17 : memref<!tpu.dma_semaphore, #tpu.memory_space<semaphore_mem>>) {add = true}
    %dma_wait3A_73 = arith.constant 0 : i32
    %dma_wait3A_74 = arith.constant 0 : i32
    %dma_wait3A_75 = tpu.memref_slice %arg8[%dma_wait3A_73, %dma_wait3A_74] : memref<63x80xi32, #tpu.memory_space<vmem>> -> memref<1x80xi32, #tpu.memory_space<vmem>>
    %dma_wait3A_76 = tpu.memref_squeeze %dma_wait3A_75 : memref<1x80xi32, #tpu.memory_space<vmem>> -> memref<80xi32, #tpu.memory_space<vmem>>
    %dma_wait3A_77 = arith.constant 0 : i32
    %dma_wait3A_78 = arith.constant 0 : i32
    %dma_wait3A_79 = tpu.memref_slice %arg18[%dma_wait3A_77, %dma_wait3A_78] : memref<10008x128xf32, #tpu.memory_space<vmem_shared>> -> memref<10008x128xf32, #tpu.memory_space<vmem_shared>>
    tpu.wait_indirect_dma semaphore(%arg16 : memref<!tpu.dma_semaphore, #tpu.memory_space<semaphore_mem>>) src(%arg10 : memref<80x128xf32, #tpu.memory_space<vmem>>) dst(%dma_wait3A_79 : memref<10008x128xf32, #tpu.memory_space<vmem_shared>>)
    %dma_start3A_80 = arith.constant 5120 : i32
    %dma_start3A_81 = tpu.memref_slice %arg7[%dma_start3A_80] : memref<10080xi32, #tpu.memory_space<vmem>> -> memref<80xi32, #tpu.memory_space<vmem>>
    %dma_start3A_82 = arith.constant 0 : i32
    %dma_start3A_83 = arith.constant 0 : i32
    %dma_start3A_84 = tpu.memref_slice %arg2[%dma_start3A_82, %dma_start3A_83] : memref<10000x128xf32, #tpu.memory_space<hbm>> -> memref<10000x128xf32, #tpu.memory_space<hbm>>
    tpu.enqueue_indirect_dma source(%dma_start3A_84 : memref<10000x128xf32, #tpu.memory_space<hbm>>) target(%arg10 : memref<80x128xf32, #tpu.memory_space<vmem>>) offsets(%dma_start3A_81 : memref<80xi32, #tpu.memory_space<vmem>>) semaphore(%arg13 : memref<!tpu.dma_semaphore, #tpu.memory_space<semaphore_mem>>)
    %dma_wait3A_85 = arith.constant 0 : i32
    %dma_wait3A_86 = arith.constant 0 : i32
    %dma_wait3A_87 = tpu.memref_slice %arg8[%dma_wait3A_85, %dma_wait3A_86] : memref<63x80xi32, #tpu.memory_space<vmem>> -> memref<1x80xi32, #tpu.memory_space<vmem>>
    %dma_wait3A_88 = tpu.memref_squeeze %dma_wait3A_87 : memref<1x80xi32, #tpu.memory_space<vmem>> -> memref<80xi32, #tpu.memory_space<vmem>>
    %dma_wait3A_89 = arith.constant 0 : i32
    %dma_wait3A_90 = arith.constant 0 : i32
    %dma_wait3A_91 = tpu.memref_slice %arg18[%dma_wait3A_89, %dma_wait3A_90] : memref<10008x128xf32, #tpu.memory_space<vmem_shared>> -> memref<10008x128xf32, #tpu.memory_space<vmem_shared>>
    tpu.wait_indirect_dma semaphore(%arg17 : memref<!tpu.dma_semaphore, #tpu.memory_space<semaphore_mem>>) src(%arg11 : memref<80x128xf32, #tpu.memory_space<vmem>>) dst(%dma_wait3A_91 : memref<10008x128xf32, #tpu.memory_space<vmem_shared>>)
    %run_scoped3A_92 = arith.constant 1 : i32
    "tpu.region"() ({
      %run_scoped3A_244 = tpu.sem_alloc : memref<!tpu.dma_semaphore, #tpu.memory_space<semaphore_mem>>
      %dma_start3A_245 = arith.constant 0 : i32
      %dma_start3A_246 = arith.constant 0 : i32
      %dma_start3A_247 = tpu.memref_slice %arg4[%add3A, %run_scoped3A_92, %dma_start3A_245, %dma_start3A_246] : memref<32x2x63x80xi32, #tpu.memory_space<hbm>> -> memref<1x1x63x80xi32, #tpu.memory_space<hbm>>
      %dma_start3A_248 = tpu.memref_squeeze %dma_start3A_247 : memref<1x1x63x80xi32, #tpu.memory_space<hbm>> -> memref<63x80xi32, #tpu.memory_space<hbm>>
      %dma_start3A_249 = arith.constant 0 : i32
      %dma_start3A_250 = arith.constant 0 : i32
      %dma_start3A_251 = tpu.memref_slice %arg4[%add3A, %run_scoped3A_92, %dma_start3A_249, %dma_start3A_250] : memref<32x2x63x80xi32, #tpu.memory_space<hbm>> -> memref<1x1x63x80xi32, #tpu.memory_space<hbm>>
      %dma_start3A_252 = tpu.memref_squeeze %dma_start3A_251 : memref<1x1x63x80xi32, #tpu.memory_space<hbm>> -> memref<63x80xi32, #tpu.memory_space<hbm>>
      tpu.enqueue_dma source(%dma_start3A_252 : memref<63x80xi32, #tpu.memory_space<hbm>>) target(%arg8 : memref<63x80xi32, #tpu.memory_space<vmem>>) target_semaphore(%run_scoped3A_244 : memref<!tpu.dma_semaphore, #tpu.memory_space<semaphore_mem>>)
      %dma_wait3A_253 = arith.constant 0 : i32
      %dma_wait3A_254 = arith.constant 0 : i32
      %dma_wait3A_255 = tpu.memref_slice %arg4[%add3A, %run_scoped3A_92, %dma_wait3A_253, %dma_wait3A_254] : memref<32x2x63x80xi32, #tpu.memory_space<hbm>> -> memref<1x1x63x80xi32, #tpu.memory_space<hbm>>
      %dma_wait3A_256 = tpu.memref_squeeze %dma_wait3A_255 : memref<1x1x63x80xi32, #tpu.memory_space<hbm>> -> memref<63x80xi32, #tpu.memory_space<hbm>>
      %dma_wait3A_257 = arith.constant 0 : i32
      %dma_wait3A_258 = arith.constant 0 : i32
      %dma_wait3A_259 = tpu.memref_slice %arg4[%add3A, %run_scoped3A_92, %dma_wait3A_257, %dma_wait3A_258] : memref<32x2x63x80xi32, #tpu.memory_space<hbm>> -> memref<1x1x63x80xi32, #tpu.memory_space<hbm>>
      %dma_wait3A_260 = tpu.memref_squeeze %dma_wait3A_259 : memref<1x1x63x80xi32, #tpu.memory_space<hbm>> -> memref<63x80xi32, #tpu.memory_space<hbm>>
      tpu.wait_dma2 semaphore(%run_scoped3A_244 : memref<!tpu.dma_semaphore, #tpu.memory_space<semaphore_mem>>) src(%dma_wait3A_260 : memref<63x80xi32, #tpu.memory_space<hbm>>) dst(%arg8 : memref<63x80xi32, #tpu.memory_space<vmem>>)
      tpu.yield
    }) : () -> ()
    %dma_wait3A_93 = arith.constant 0 : i32
    %dma_wait3A_94 = tpu.memref_slice %arg7[%dma_wait3A_93] : memref<10080xi32, #tpu.memory_space<vmem>> -> memref<80xi32, #tpu.memory_space<vmem>>
    %dma_wait3A_95 = arith.constant 0 : i32
    %dma_wait3A_96 = arith.constant 0 : i32
    %dma_wait3A_97 = tpu.memref_slice %arg2[%dma_wait3A_95, %dma_wait3A_96] : memref<10000x128xf32, #tpu.memory_space<hbm>> -> memref<10000x128xf32, #tpu.memory_space<hbm>>
    tpu.wait_indirect_dma semaphore(%arg12 : memref<!tpu.dma_semaphore, #tpu.memory_space<semaphore_mem>>) src(%dma_wait3A_97 : memref<10000x128xf32, #tpu.memory_space<hbm>>) dst(%arg9 : memref<80x128xf32, #tpu.memory_space<vmem>>)
    %dma_start3A_98 = arith.constant 0 : i32
    %dma_start3A_99 = arith.constant 0 : i32
    %dma_start3A_100 = tpu.memref_slice %arg8[%dma_start3A_98, %dma_start3A_99] : memref<63x80xi32, #tpu.memory_space<vmem>> -> memref<1x80xi32, #tpu.memory_space<vmem>>
    %dma_start3A_101 = tpu.memref_squeeze %dma_start3A_100 : memref<1x80xi32, #tpu.memory_space<vmem>> -> memref<80xi32, #tpu.memory_space<vmem>>
    %dma_start3A_102 = arith.constant 0 : i32
    %dma_start3A_103 = arith.constant 0 : i32
    %dma_start3A_104 = tpu.memref_slice %arg18[%dma_start3A_102, %dma_start3A_103] : memref<10008x128xf32, #tpu.memory_space<vmem_shared>> -> memref<10008x128xf32, #tpu.memory_space<vmem_shared>>
    tpu.enqueue_indirect_dma source(%arg9 : memref<80x128xf32, #tpu.memory_space<vmem>>) target(%dma_start3A_104 : memref<10008x128xf32, #tpu.memory_space<vmem_shared>>) offsets(%dma_start3A_101 : memref<80xi32, #tpu.memory_space<vmem>>) semaphore(%arg15 : memref<!tpu.dma_semaphore, #tpu.memory_space<semaphore_mem>>) {add = true}
    %dma_start3A_105 = arith.constant 5200 : i32
    %dma_start3A_106 = tpu.memref_slice %arg7[%dma_start3A_105] : memref<10080xi32, #tpu.memory_space<vmem>> -> memref<80xi32, #tpu.memory_space<vmem>>
    %dma_start3A_107 = arith.constant 0 : i32
    %dma_start3A_108 = arith.constant 0 : i32
    %dma_start3A_109 = tpu.memref_slice %arg2[%dma_start3A_107, %dma_start3A_108] : memref<10000x128xf32, #tpu.memory_space<hbm>> -> memref<10000x128xf32, #tpu.memory_space<hbm>>
    tpu.enqueue_indirect_dma source(%dma_start3A_109 : memref<10000x128xf32, #tpu.memory_space<hbm>>) target(%arg11 : memref<80x128xf32, #tpu.memory_space<vmem>>) offsets(%dma_start3A_106 : memref<80xi32, #tpu.memory_space<vmem>>) semaphore(%arg14 : memref<!tpu.dma_semaphore, #tpu.memory_space<semaphore_mem>>)
    %dma_wait3A_110 = arith.constant 0 : i32
    %dma_wait3A_111 = tpu.memref_slice %arg7[%dma_wait3A_110] : memref<10080xi32, #tpu.memory_space<vmem>> -> memref<80xi32, #tpu.memory_space<vmem>>
    %dma_wait3A_112 = arith.constant 0 : i32
    %dma_wait3A_113 = arith.constant 0 : i32
    %dma_wait3A_114 = tpu.memref_slice %arg2[%dma_wait3A_112, %dma_wait3A_113] : memref<10000x128xf32, #tpu.memory_space<hbm>> -> memref<10000x128xf32, #tpu.memory_space<hbm>>
    tpu.wait_indirect_dma semaphore(%arg13 : memref<!tpu.dma_semaphore, #tpu.memory_space<semaphore_mem>>) src(%dma_wait3A_114 : memref<10000x128xf32, #tpu.memory_space<hbm>>) dst(%arg10 : memref<80x128xf32, #tpu.memory_space<vmem>>)
    %dma_start3A_115 = arith.constant 1 : i32
    %dma_start3A_116 = arith.constant 0 : i32
    %dma_start3A_117 = tpu.memref_slice %arg8[%dma_start3A_115, %dma_start3A_116] : memref<63x80xi32, #tpu.memory_space<vmem>> -> memref<1x80xi32, #tpu.memory_space<vmem>>
    %dma_start3A_118 = tpu.memref_squeeze %dma_start3A_117 : memref<1x80xi32, #tpu.memory_space<vmem>> -> memref<80xi32, #tpu.memory_space<vmem>>
    %dma_start3A_119 = arith.constant 0 : i32
    %dma_start3A_120 = arith.constant 0 : i32
    %dma_start3A_121 = tpu.memref_slice %arg18[%dma_start3A_119, %dma_start3A_120] : memref<10008x128xf32, #tpu.memory_space<vmem_shared>> -> memref<10008x128xf32, #tpu.memory_space<vmem_shared>>
    tpu.enqueue_indirect_dma source(%arg10 : memref<80x128xf32, #tpu.memory_space<vmem>>) target(%dma_start3A_121 : memref<10008x128xf32, #tpu.memory_space<vmem_shared>>) offsets(%dma_start3A_118 : memref<80xi32, #tpu.memory_space<vmem>>) semaphore(%arg16 : memref<!tpu.dma_semaphore, #tpu.memory_space<semaphore_mem>>) {add = true}
    %dma_wait3A_122 = arith.constant 0 : i32
    %dma_wait3A_123 = arith.constant 0 : i32
    %dma_wait3A_124 = tpu.memref_slice %arg8[%dma_wait3A_122, %dma_wait3A_123] : memref<63x80xi32, #tpu.memory_space<vmem>> -> memref<1x80xi32, #tpu.memory_space<vmem>>
    %dma_wait3A_125 = tpu.memref_squeeze %dma_wait3A_124 : memref<1x80xi32, #tpu.memory_space<vmem>> -> memref<80xi32, #tpu.memory_space<vmem>>
    %dma_wait3A_126 = arith.constant 0 : i32
    %dma_wait3A_127 = arith.constant 0 : i32
    %dma_wait3A_128 = tpu.memref_slice %arg18[%dma_wait3A_126, %dma_wait3A_127] : memref<10008x128xf32, #tpu.memory_space<vmem_shared>> -> memref<10008x128xf32, #tpu.memory_space<vmem_shared>>
    tpu.wait_indirect_dma semaphore(%arg15 : memref<!tpu.dma_semaphore, #tpu.memory_space<semaphore_mem>>) src(%arg9 : memref<80x128xf32, #tpu.memory_space<vmem>>) dst(%dma_wait3A_128 : memref<10008x128xf32, #tpu.memory_space<vmem_shared>>)
    %dma_start3A_129 = arith.constant 5280 : i32
    %dma_start3A_130 = tpu.memref_slice %arg7[%dma_start3A_129] : memref<10080xi32, #tpu.memory_space<vmem>> -> memref<80xi32, #tpu.memory_space<vmem>>
    %dma_start3A_131 = arith.constant 0 : i32
    %dma_start3A_132 = arith.constant 0 : i32
    %dma_start3A_133 = tpu.memref_slice %arg2[%dma_start3A_131, %dma_start3A_132] : memref<10000x128xf32, #tpu.memory_space<hbm>> -> memref<10000x128xf32, #tpu.memory_space<hbm>>
    tpu.enqueue_indirect_dma source(%dma_start3A_133 : memref<10000x128xf32, #tpu.memory_space<hbm>>) target(%arg9 : memref<80x128xf32, #tpu.memory_space<vmem>>) offsets(%dma_start3A_130 : memref<80xi32, #tpu.memory_space<vmem>>) semaphore(%arg12 : memref<!tpu.dma_semaphore, #tpu.memory_space<semaphore_mem>>)
    %scan3A_134 = arith.constant 0 : i32
    %scan3A_135 = arith.constant 0 : i32
    %scan3A_136 = arith.constant 19 : i32
    %scan3A_137 = arith.addi %scan3A_135, %scan3A_136 : i32
    %scan3A_138 = arith.constant 1 : i32
    scf.for %scan3A_244 = %scan3A_135 to %scan3A_137 step %scan3A_138  : i32 {
      %mul3A_245 = arith.constant 3 : i32
      %mul3A_246 = arith.muli %mul3A_245, %scan3A_244 : i32
      %add3A_247 = arith.constant 65 : i32
      %add3A_248 = arith.addi %add3A_247, %mul3A_246 : i32
      %sub3A = arith.constant 63 : i32
      %sub3A_249 = arith.subi %add3A_248, %sub3A : i32
      %dma_wait3A_250 = arith.constant 0 : i32
      %dma_wait3A_251 = tpu.memref_slice %arg7[%dma_wait3A_250] : memref<10080xi32, #tpu.memory_space<vmem>> -> memref<80xi32, #tpu.memory_space<vmem>>
      %dma_wait3A_252 = arith.constant 0 : i32
      %dma_wait3A_253 = arith.constant 0 : i32
      %dma_wait3A_254 = tpu.memref_slice %arg2[%dma_wait3A_252, %dma_wait3A_253] : memref<10000x128xf32, #tpu.memory_space<hbm>> -> memref<10000x128xf32, #tpu.memory_space<hbm>>
      tpu.wait_indirect_dma semaphore(%arg14 : memref<!tpu.dma_semaphore, #tpu.memory_space<semaphore_mem>>) src(%dma_wait3A_254 : memref<10000x128xf32, #tpu.memory_space<hbm>>) dst(%arg11 : memref<80x128xf32, #tpu.memory_space<vmem>>)
      %dma_start3A_255 = arith.constant 0 : i32
      %dma_start3A_256 = tpu.memref_slice %arg8[%sub3A_249, %dma_start3A_255] : memref<63x80xi32, #tpu.memory_space<vmem>> -> memref<1x80xi32, #tpu.memory_space<vmem>>
      %dma_start3A_257 = tpu.memref_squeeze %dma_start3A_256 : memref<1x80xi32, #tpu.memory_space<vmem>> -> memref<80xi32, #tpu.memory_space<vmem>>
      %dma_start3A_258 = arith.constant 0 : i32
      %dma_start3A_259 = arith.constant 0 : i32
      %dma_start3A_260 = tpu.memref_slice %arg18[%dma_start3A_258, %dma_start3A_259] : memref<10008x128xf32, #tpu.memory_space<vmem_shared>> -> memref<10008x128xf32, #tpu.memory_space<vmem_shared>>
      tpu.enqueue_indirect_dma source(%arg11 : memref<80x128xf32, #tpu.memory_space<vmem>>) target(%dma_start3A_260 : memref<10008x128xf32, #tpu.memory_space<vmem_shared>>) offsets(%dma_start3A_257 : memref<80xi32, #tpu.memory_space<vmem>>) semaphore(%arg17 : memref<!tpu.dma_semaphore, #tpu.memory_space<semaphore_mem>>) {add = true}
      %dma_wait3A_261 = arith.constant 0 : i32
      %dma_wait3A_262 = arith.constant 0 : i32
      %dma_wait3A_263 = tpu.memref_slice %arg8[%dma_wait3A_261, %dma_wait3A_262] : memref<63x80xi32, #tpu.memory_space<vmem>> -> memref<1x80xi32, #tpu.memory_space<vmem>>
      %dma_wait3A_264 = tpu.memref_squeeze %dma_wait3A_263 : memref<1x80xi32, #tpu.memory_space<vmem>> -> memref<80xi32, #tpu.memory_space<vmem>>
      %dma_wait3A_265 = arith.constant 0 : i32
      %dma_wait3A_266 = arith.constant 0 : i32
      %dma_wait3A_267 = tpu.memref_slice %arg18[%dma_wait3A_265, %dma_wait3A_266] : memref<10008x128xf32, #tpu.memory_space<vmem_shared>> -> memref<10008x128xf32, #tpu.memory_space<vmem_shared>>
      tpu.wait_indirect_dma semaphore(%arg16 : memref<!tpu.dma_semaphore, #tpu.memory_space<semaphore_mem>>) src(%arg10 : memref<80x128xf32, #tpu.memory_space<vmem>>) dst(%dma_wait3A_267 : memref<10008x128xf32, #tpu.memory_space<vmem_shared>>)
      %add3A_268 = arith.constant 2 : i32
      %add3A_269 = arith.addi %add3A_248, %add3A_268 : i32
      %mul3A_270 = arith.constant 80 : i32
      %mul3A_271 = arith.muli %add3A_269, %mul3A_270 : i32
      %dma_start3A_272 = tpu.memref_slice %arg7[%mul3A_271] : memref<10080xi32, #tpu.memory_space<vmem>> -> memref<80xi32, #tpu.memory_space<vmem>>
      %dma_start3A_273 = arith.constant 0 : i32
      %dma_start3A_274 = arith.constant 0 : i32
      %dma_start3A_275 = tpu.memref_slice %arg2[%dma_start3A_273, %dma_start3A_274] : memref<10000x128xf32, #tpu.memory_space<hbm>> -> memref<10000x128xf32, #tpu.memory_space<hbm>>
      tpu.enqueue_indirect_dma source(%dma_start3A_275 : memref<10000x128xf32, #tpu.memory_space<hbm>>) target(%arg10 : memref<80x128xf32, #tpu.memory_space<vmem>>) offsets(%dma_start3A_272 : memref<80xi32, #tpu.memory_space<vmem>>) semaphore(%arg13 : memref<!tpu.dma_semaphore, #tpu.memory_space<semaphore_mem>>)
      %add3A_276 = arith.constant 1 : i32
      %add3A_277 = arith.addi %add3A_248, %add3A_276 : i32
      %sub3A_278 = arith.constant 62 : i32
      %sub3A_279 = arith.subi %add3A_248, %sub3A_278 : i32
      %dma_wait3A_280 = arith.constant 0 : i32
      %dma_wait3A_281 = tpu.memref_slice %arg7[%dma_wait3A_280] : memref<10080xi32, #tpu.memory_space<vmem>> -> memref<80xi32, #tpu.memory_space<vmem>>
      %dma_wait3A_282 = arith.constant 0 : i32
      %dma_wait3A_283 = arith.constant 0 : i32
      %dma_wait3A_284 = tpu.memref_slice %arg2[%dma_wait3A_282, %dma_wait3A_283] : memref<10000x128xf32, #tpu.memory_space<hbm>> -> memref<10000x128xf32, #tpu.memory_space<hbm>>
      tpu.wait_indirect_dma semaphore(%arg12 : memref<!tpu.dma_semaphore, #tpu.memory_space<semaphore_mem>>) src(%dma_wait3A_284 : memref<10000x128xf32, #tpu.memory_space<hbm>>) dst(%arg9 : memref<80x128xf32, #tpu.memory_space<vmem>>)
      %dma_start3A_285 = arith.constant 0 : i32
      %dma_start3A_286 = tpu.memref_slice %arg8[%sub3A_279, %dma_start3A_285] : memref<63x80xi32, #tpu.memory_space<vmem>> -> memref<1x80xi32, #tpu.memory_space<vmem>>
      %dma_start3A_287 = tpu.memref_squeeze %dma_start3A_286 : memref<1x80xi32, #tpu.memory_space<vmem>> -> memref<80xi32, #tpu.memory_space<vmem>>
      %dma_start3A_288 = arith.constant 0 : i32
      %dma_start3A_289 = arith.constant 0 : i32
      %dma_start3A_290 = tpu.memref_slice %arg18[%dma_start3A_288, %dma_start3A_289] : memref<10008x128xf32, #tpu.memory_space<vmem_shared>> -> memref<10008x128xf32, #tpu.memory_space<vmem_shared>>
      tpu.enqueue_indirect_dma source(%arg9 : memref<80x128xf32, #tpu.memory_space<vmem>>) target(%dma_start3A_290 : memref<10008x128xf32, #tpu.memory_space<vmem_shared>>) offsets(%dma_start3A_287 : memref<80xi32, #tpu.memory_space<vmem>>) semaphore(%arg15 : memref<!tpu.dma_semaphore, #tpu.memory_space<semaphore_mem>>) {add = true}
      %dma_wait3A_291 = arith.constant 0 : i32
      %dma_wait3A_292 = arith.constant 0 : i32
      %dma_wait3A_293 = tpu.memref_slice %arg8[%dma_wait3A_291, %dma_wait3A_292] : memref<63x80xi32, #tpu.memory_space<vmem>> -> memref<1x80xi32, #tpu.memory_space<vmem>>
      %dma_wait3A_294 = tpu.memref_squeeze %dma_wait3A_293 : memref<1x80xi32, #tpu.memory_space<vmem>> -> memref<80xi32, #tpu.memory_space<vmem>>
      %dma_wait3A_295 = arith.constant 0 : i32
      %dma_wait3A_296 = arith.constant 0 : i32
      %dma_wait3A_297 = tpu.memref_slice %arg18[%dma_wait3A_295, %dma_wait3A_296] : memref<10008x128xf32, #tpu.memory_space<vmem_shared>> -> memref<10008x128xf32, #tpu.memory_space<vmem_shared>>
      tpu.wait_indirect_dma semaphore(%arg17 : memref<!tpu.dma_semaphore, #tpu.memory_space<semaphore_mem>>) src(%arg11 : memref<80x128xf32, #tpu.memory_space<vmem>>) dst(%dma_wait3A_297 : memref<10008x128xf32, #tpu.memory_space<vmem_shared>>)
      %add3A_298 = arith.constant 2 : i32
      %add3A_299 = arith.addi %add3A_277, %add3A_298 : i32
      %mul3A_300 = arith.constant 80 : i32
      %mul3A_301 = arith.muli %add3A_299, %mul3A_300 : i32
      %dma_start3A_302 = tpu.memref_slice %arg7[%mul3A_301] : memref<10080xi32, #tpu.memory_space<vmem>> -> memref<80xi32, #tpu.memory_space<vmem>>
      %dma_start3A_303 = arith.constant 0 : i32
      %dma_start3A_304 = arith.constant 0 : i32
      %dma_start3A_305 = tpu.memref_slice %arg2[%dma_start3A_303, %dma_start3A_304] : memref<10000x128xf32, #tpu.memory_space<hbm>> -> memref<10000x128xf32, #tpu.memory_space<hbm>>
      tpu.enqueue_indirect_dma source(%dma_start3A_305 : memref<10000x128xf32, #tpu.memory_space<hbm>>) target(%arg11 : memref<80x128xf32, #tpu.memory_space<vmem>>) offsets(%dma_start3A_302 : memref<80xi32, #tpu.memory_space<vmem>>) semaphore(%arg14 : memref<!tpu.dma_semaphore, #tpu.memory_space<semaphore_mem>>)
      %add3A_306 = arith.constant 2 : i32
      %add3A_307 = arith.addi %add3A_248, %add3A_306 : i32
      %sub3A_308 = arith.constant 61 : i32
      %sub3A_309 = arith.subi %add3A_248, %sub3A_308 : i32
      %dma_wait3A_310 = arith.constant 0 : i32
      %dma_wait3A_311 = tpu.memref_slice %arg7[%dma_wait3A_310] : memref<10080xi32, #tpu.memory_space<vmem>> -> memref<80xi32, #tpu.memory_space<vmem>>
      %dma_wait3A_312 = arith.constant 0 : i32
      %dma_wait3A_313 = arith.constant 0 : i32
      %dma_wait3A_314 = tpu.memref_slice %arg2[%dma_wait3A_312, %dma_wait3A_313] : memref<10000x128xf32, #tpu.memory_space<hbm>> -> memref<10000x128xf32, #tpu.memory_space<hbm>>
      tpu.wait_indirect_dma semaphore(%arg13 : memref<!tpu.dma_semaphore, #tpu.memory_space<semaphore_mem>>) src(%dma_wait3A_314 : memref<10000x128xf32, #tpu.memory_space<hbm>>) dst(%arg10 : memref<80x128xf32, #tpu.memory_space<vmem>>)
      %dma_start3A_315 = arith.constant 0 : i32
      %dma_start3A_316 = tpu.memref_slice %arg8[%sub3A_309, %dma_start3A_315] : memref<63x80xi32, #tpu.memory_space<vmem>> -> memref<1x80xi32, #tpu.memory_space<vmem>>
      %dma_start3A_317 = tpu.memref_squeeze %dma_start3A_316 : memref<1x80xi32, #tpu.memory_space<vmem>> -> memref<80xi32, #tpu.memory_space<vmem>>
      %dma_start3A_318 = arith.constant 0 : i32
      %dma_start3A_319 = arith.constant 0 : i32
      %dma_start3A_320 = tpu.memref_slice %arg18[%dma_start3A_318, %dma_start3A_319] : memref<10008x128xf32, #tpu.memory_space<vmem_shared>> -> memref<10008x128xf32, #tpu.memory_space<vmem_shared>>
      tpu.enqueue_indirect_dma source(%arg10 : memref<80x128xf32, #tpu.memory_space<vmem>>) target(%dma_start3A_320 : memref<10008x128xf32, #tpu.memory_space<vmem_shared>>) offsets(%dma_start3A_317 : memref<80xi32, #tpu.memory_space<vmem>>) semaphore(%arg16 : memref<!tpu.dma_semaphore, #tpu.memory_space<semaphore_mem>>) {add = true}
      %dma_wait3A_321 = arith.constant 0 : i32
      %dma_wait3A_322 = arith.constant 0 : i32
      %dma_wait3A_323 = tpu.memref_slice %arg8[%dma_wait3A_321, %dma_wait3A_322] : memref<63x80xi32, #tpu.memory_space<vmem>> -> memref<1x80xi32, #tpu.memory_space<vmem>>
      %dma_wait3A_324 = tpu.memref_squeeze %dma_wait3A_323 : memref<1x80xi32, #tpu.memory_space<vmem>> -> memref<80xi32, #tpu.memory_space<vmem>>
      %dma_wait3A_325 = arith.constant 0 : i32
      %dma_wait3A_326 = arith.constant 0 : i32
      %dma_wait3A_327 = tpu.memref_slice %arg18[%dma_wait3A_325, %dma_wait3A_326] : memref<10008x128xf32, #tpu.memory_space<vmem_shared>> -> memref<10008x128xf32, #tpu.memory_space<vmem_shared>>
      tpu.wait_indirect_dma semaphore(%arg15 : memref<!tpu.dma_semaphore, #tpu.memory_space<semaphore_mem>>) src(%arg9 : memref<80x128xf32, #tpu.memory_space<vmem>>) dst(%dma_wait3A_327 : memref<10008x128xf32, #tpu.memory_space<vmem_shared>>)
      %add3A_328 = arith.constant 2 : i32
      %add3A_329 = arith.addi %add3A_307, %add3A_328 : i32
      %mul3A_330 = arith.constant 80 : i32
      %mul3A_331 = arith.muli %add3A_329, %mul3A_330 : i32
      %dma_start3A_332 = tpu.memref_slice %arg7[%mul3A_331] : memref<10080xi32, #tpu.memory_space<vmem>> -> memref<80xi32, #tpu.memory_space<vmem>>
      %dma_start3A_333 = arith.constant 0 : i32
      %dma_start3A_334 = arith.constant 0 : i32
      %dma_start3A_335 = tpu.memref_slice %arg2[%dma_start3A_333, %dma_start3A_334] : memref<10000x128xf32, #tpu.memory_space<hbm>> -> memref<10000x128xf32, #tpu.memory_space<hbm>>
      tpu.enqueue_indirect_dma source(%dma_start3A_335 : memref<10000x128xf32, #tpu.memory_space<hbm>>) target(%arg9 : memref<80x128xf32, #tpu.memory_space<vmem>>) offsets(%dma_start3A_332 : memref<80xi32, #tpu.memory_space<vmem>>) semaphore(%arg12 : memref<!tpu.dma_semaphore, #tpu.memory_space<semaphore_mem>>)
    }
    %scan3A_139 = arith.constant 19 : i32
    %dma_wait3A_140 = arith.constant 0 : i32
    %dma_wait3A_141 = tpu.memref_slice %arg7[%dma_wait3A_140] : memref<10080xi32, #tpu.memory_space<vmem>> -> memref<80xi32, #tpu.memory_space<vmem>>
    %dma_wait3A_142 = arith.constant 0 : i32
    %dma_wait3A_143 = arith.constant 0 : i32
    %dma_wait3A_144 = tpu.memref_slice %arg2[%dma_wait3A_142, %dma_wait3A_143] : memref<10000x128xf32, #tpu.memory_space<hbm>> -> memref<10000x128xf32, #tpu.memory_space<hbm>>
    tpu.wait_indirect_dma semaphore(%arg14 : memref<!tpu.dma_semaphore, #tpu.memory_space<semaphore_mem>>) src(%dma_wait3A_144 : memref<10000x128xf32, #tpu.memory_space<hbm>>) dst(%arg11 : memref<80x128xf32, #tpu.memory_space<vmem>>)
    %dma_start3A_145 = arith.constant 59 : i32
    %dma_start3A_146 = arith.constant 0 : i32
    %dma_start3A_147 = tpu.memref_slice %arg8[%dma_start3A_145, %dma_start3A_146] : memref<63x80xi32, #tpu.memory_space<vmem>> -> memref<1x80xi32, #tpu.memory_space<vmem>>
    %dma_start3A_148 = tpu.memref_squeeze %dma_start3A_147 : memref<1x80xi32, #tpu.memory_space<vmem>> -> memref<80xi32, #tpu.memory_space<vmem>>
    %dma_start3A_149 = arith.constant 0 : i32
    %dma_start3A_150 = arith.constant 0 : i32
    %dma_start3A_151 = tpu.memref_slice %arg18[%dma_start3A_149, %dma_start3A_150] : memref<10008x128xf32, #tpu.memory_space<vmem_shared>> -> memref<10008x128xf32, #tpu.memory_space<vmem_shared>>
    tpu.enqueue_indirect_dma source(%arg11 : memref<80x128xf32, #tpu.memory_space<vmem>>) target(%dma_start3A_151 : memref<10008x128xf32, #tpu.memory_space<vmem_shared>>) offsets(%dma_start3A_148 : memref<80xi32, #tpu.memory_space<vmem>>) semaphore(%arg17 : memref<!tpu.dma_semaphore, #tpu.memory_space<semaphore_mem>>) {add = true}
    %dma_wait3A_152 = arith.constant 0 : i32
    %dma_wait3A_153 = arith.constant 0 : i32
    %dma_wait3A_154 = tpu.memref_slice %arg8[%dma_wait3A_152, %dma_wait3A_153] : memref<63x80xi32, #tpu.memory_space<vmem>> -> memref<1x80xi32, #tpu.memory_space<vmem>>
    %dma_wait3A_155 = tpu.memref_squeeze %dma_wait3A_154 : memref<1x80xi32, #tpu.memory_space<vmem>> -> memref<80xi32, #tpu.memory_space<vmem>>
    %dma_wait3A_156 = arith.constant 0 : i32
    %dma_wait3A_157 = arith.constant 0 : i32
    %dma_wait3A_158 = tpu.memref_slice %arg18[%dma_wait3A_156, %dma_wait3A_157] : memref<10008x128xf32, #tpu.memory_space<vmem_shared>> -> memref<10008x128xf32, #tpu.memory_space<vmem_shared>>
    tpu.wait_indirect_dma semaphore(%arg16 : memref<!tpu.dma_semaphore, #tpu.memory_space<semaphore_mem>>) src(%arg10 : memref<80x128xf32, #tpu.memory_space<vmem>>) dst(%dma_wait3A_158 : memref<10008x128xf32, #tpu.memory_space<vmem_shared>>)
    %dma_start3A_159 = arith.constant 9920 : i32
    %dma_start3A_160 = tpu.memref_slice %arg7[%dma_start3A_159] : memref<10080xi32, #tpu.memory_space<vmem>> -> memref<80xi32, #tpu.memory_space<vmem>>
    %dma_start3A_161 = arith.constant 0 : i32
    %dma_start3A_162 = arith.constant 0 : i32
    %dma_start3A_163 = tpu.memref_slice %arg2[%dma_start3A_161, %dma_start3A_162] : memref<10000x128xf32, #tpu.memory_space<hbm>> -> memref<10000x128xf32, #tpu.memory_space<hbm>>
    tpu.enqueue_indirect_dma source(%dma_start3A_163 : memref<10000x128xf32, #tpu.memory_space<hbm>>) target(%arg10 : memref<80x128xf32, #tpu.memory_space<vmem>>) offsets(%dma_start3A_160 : memref<80xi32, #tpu.memory_space<vmem>>) semaphore(%arg13 : memref<!tpu.dma_semaphore, #tpu.memory_space<semaphore_mem>>)
    %dma_wait3A_164 = arith.constant 0 : i32
    %dma_wait3A_165 = tpu.memref_slice %arg7[%dma_wait3A_164] : memref<10080xi32, #tpu.memory_space<vmem>> -> memref<80xi32, #tpu.memory_space<vmem>>
    %dma_wait3A_166 = arith.constant 0 : i32
    %dma_wait3A_167 = arith.constant 0 : i32
    %dma_wait3A_168 = tpu.memref_slice %arg2[%dma_wait3A_166, %dma_wait3A_167] : memref<10000x128xf32, #tpu.memory_space<hbm>> -> memref<10000x128xf32, #tpu.memory_space<hbm>>
    tpu.wait_indirect_dma semaphore(%arg12 : memref<!tpu.dma_semaphore, #tpu.memory_space<semaphore_mem>>) src(%dma_wait3A_168 : memref<10000x128xf32, #tpu.memory_space<hbm>>) dst(%arg9 : memref<80x128xf32, #tpu.memory_space<vmem>>)
    %dma_start3A_169 = arith.constant 60 : i32
    %dma_start3A_170 = arith.constant 0 : i32
    %dma_start3A_171 = tpu.memref_slice %arg8[%dma_start3A_169, %dma_start3A_170] : memref<63x80xi32, #tpu.memory_space<vmem>> -> memref<1x80xi32, #tpu.memory_space<vmem>>
    %dma_start3A_172 = tpu.memref_squeeze %dma_start3A_171 : memref<1x80xi32, #tpu.memory_space<vmem>> -> memref<80xi32, #tpu.memory_space<vmem>>
    %dma_start3A_173 = arith.constant 0 : i32
    %dma_start3A_174 = arith.constant 0 : i32
    %dma_start3A_175 = tpu.memref_slice %arg18[%dma_start3A_173, %dma_start3A_174] : memref<10008x128xf32, #tpu.memory_space<vmem_shared>> -> memref<10008x128xf32, #tpu.memory_space<vmem_shared>>
    tpu.enqueue_indirect_dma source(%arg9 : memref<80x128xf32, #tpu.memory_space<vmem>>) target(%dma_start3A_175 : memref<10008x128xf32, #tpu.memory_space<vmem_shared>>) offsets(%dma_start3A_172 : memref<80xi32, #tpu.memory_space<vmem>>) semaphore(%arg15 : memref<!tpu.dma_semaphore, #tpu.memory_space<semaphore_mem>>) {add = true}
    %dma_wait3A_176 = arith.constant 0 : i32
    %dma_wait3A_177 = arith.constant 0 : i32
    %dma_wait3A_178 = tpu.memref_slice %arg8[%dma_wait3A_176, %dma_wait3A_177] : memref<63x80xi32, #tpu.memory_space<vmem>> -> memref<1x80xi32, #tpu.memory_space<vmem>>
    %dma_wait3A_179 = tpu.memref_squeeze %dma_wait3A_178 : memref<1x80xi32, #tpu.memory_space<vmem>> -> memref<80xi32, #tpu.memory_space<vmem>>
    %dma_wait3A_180 = arith.constant 0 : i32
    %dma_wait3A_181 = arith.constant 0 : i32
    %dma_wait3A_182 = tpu.memref_slice %arg18[%dma_wait3A_180, %dma_wait3A_181] : memref<10008x128xf32, #tpu.memory_space<vmem_shared>> -> memref<10008x128xf32, #tpu.memory_space<vmem_shared>>
    tpu.wait_indirect_dma semaphore(%arg17 : memref<!tpu.dma_semaphore, #tpu.memory_space<semaphore_mem>>) src(%arg11 : memref<80x128xf32, #tpu.memory_space<vmem>>) dst(%dma_wait3A_182 : memref<10008x128xf32, #tpu.memory_space<vmem_shared>>)
    %dma_start3A_183 = arith.constant 10000 : i32
    %dma_start3A_184 = tpu.memref_slice %arg7[%dma_start3A_183] : memref<10080xi32, #tpu.memory_space<vmem>> -> memref<80xi32, #tpu.memory_space<vmem>>
    %dma_start3A_185 = arith.constant 0 : i32
    %dma_start3A_186 = arith.constant 0 : i32
    %dma_start3A_187 = tpu.memref_slice %arg2[%dma_start3A_185, %dma_start3A_186] : memref<10000x128xf32, #tpu.memory_space<hbm>> -> memref<10000x128xf32, #tpu.memory_space<hbm>>
    tpu.enqueue_indirect_dma source(%dma_start3A_187 : memref<10000x128xf32, #tpu.memory_space<hbm>>) target(%arg11 : memref<80x128xf32, #tpu.memory_space<vmem>>) offsets(%dma_start3A_184 : memref<80xi32, #tpu.memory_space<vmem>>) semaphore(%arg14 : memref<!tpu.dma_semaphore, #tpu.memory_space<semaphore_mem>>)
    %dma_wait3A_188 = arith.constant 0 : i32
    %dma_wait3A_189 = tpu.memref_slice %arg7[%dma_wait3A_188] : memref<10080xi32, #tpu.memory_space<vmem>> -> memref<80xi32, #tpu.memory_space<vmem>>
    %dma_wait3A_190 = arith.constant 0 : i32
    %dma_wait3A_191 = arith.constant 0 : i32
    %dma_wait3A_192 = tpu.memref_slice %arg2[%dma_wait3A_190, %dma_wait3A_191] : memref<10000x128xf32, #tpu.memory_space<hbm>> -> memref<10000x128xf32, #tpu.memory_space<hbm>>
    tpu.wait_indirect_dma semaphore(%arg13 : memref<!tpu.dma_semaphore, #tpu.memory_space<semaphore_mem>>) src(%dma_wait3A_192 : memref<10000x128xf32, #tpu.memory_space<hbm>>) dst(%arg10 : memref<80x128xf32, #tpu.memory_space<vmem>>)
    %dma_start3A_193 = arith.constant 61 : i32
    %dma_start3A_194 = arith.constant 0 : i32
    %dma_start3A_195 = tpu.memref_slice %arg8[%dma_start3A_193, %dma_start3A_194] : memref<63x80xi32, #tpu.memory_space<vmem>> -> memref<1x80xi32, #tpu.memory_space<vmem>>
    %dma_start3A_196 = tpu.memref_squeeze %dma_start3A_195 : memref<1x80xi32, #tpu.memory_space<vmem>> -> memref<80xi32, #tpu.memory_space<vmem>>
    %dma_start3A_197 = arith.constant 0 : i32
    %dma_start3A_198 = arith.constant 0 : i32
    %dma_start3A_199 = tpu.memref_slice %arg18[%dma_start3A_197, %dma_start3A_198] : memref<10008x128xf32, #tpu.memory_space<vmem_shared>> -> memref<10008x128xf32, #tpu.memory_space<vmem_shared>>
    tpu.enqueue_indirect_dma source(%arg10 : memref<80x128xf32, #tpu.memory_space<vmem>>) target(%dma_start3A_199 : memref<10008x128xf32, #tpu.memory_space<vmem_shared>>) offsets(%dma_start3A_196 : memref<80xi32, #tpu.memory_space<vmem>>) semaphore(%arg16 : memref<!tpu.dma_semaphore, #tpu.memory_space<semaphore_mem>>) {add = true}
    %dma_wait3A_200 = arith.constant 0 : i32
    %dma_wait3A_201 = arith.constant 0 : i32
    %dma_wait3A_202 = tpu.memref_slice %arg8[%dma_wait3A_200, %dma_wait3A_201] : memref<63x80xi32, #tpu.memory_space<vmem>> -> memref<1x80xi32, #tpu.memory_space<vmem>>
    %dma_wait3A_203 = tpu.memref_squeeze %dma_wait3A_202 : memref<1x80xi32, #tpu.memory_space<vmem>> -> memref<80xi32, #tpu.memory_space<vmem>>
    %dma_wait3A_204 = arith.constant 0 : i32
    %dma_wait3A_205 = arith.constant 0 : i32
    %dma_wait3A_206 = tpu.memref_slice %arg18[%dma_wait3A_204, %dma_wait3A_205] : memref<10008x128xf32, #tpu.memory_space<vmem_shared>> -> memref<10008x128xf32, #tpu.memory_space<vmem_shared>>
    tpu.wait_indirect_dma semaphore(%arg15 : memref<!tpu.dma_semaphore, #tpu.memory_space<semaphore_mem>>) src(%arg9 : memref<80x128xf32, #tpu.memory_space<vmem>>) dst(%dma_wait3A_206 : memref<10008x128xf32, #tpu.memory_space<vmem_shared>>)
    %dma_wait3A_207 = arith.constant 0 : i32
    %dma_wait3A_208 = tpu.memref_slice %arg7[%dma_wait3A_207] : memref<10080xi32, #tpu.memory_space<vmem>> -> memref<80xi32, #tpu.memory_space<vmem>>
    %dma_wait3A_209 = arith.constant 0 : i32
    %dma_wait3A_210 = arith.constant 0 : i32
    %dma_wait3A_211 = tpu.memref_slice %arg2[%dma_wait3A_209, %dma_wait3A_210] : memref<10000x128xf32, #tpu.memory_space<hbm>> -> memref<10000x128xf32, #tpu.memory_space<hbm>>
    tpu.wait_indirect_dma semaphore(%arg14 : memref<!tpu.dma_semaphore, #tpu.memory_space<semaphore_mem>>) src(%dma_wait3A_211 : memref<10000x128xf32, #tpu.memory_space<hbm>>) dst(%arg11 : memref<80x128xf32, #tpu.memory_space<vmem>>)
    %dma_start3A_212 = arith.constant 62 : i32
    %dma_start3A_213 = arith.constant 0 : i32
    %dma_start3A_214 = tpu.memref_slice %arg8[%dma_start3A_212, %dma_start3A_213] : memref<63x80xi32, #tpu.memory_space<vmem>> -> memref<1x80xi32, #tpu.memory_space<vmem>>
    %dma_start3A_215 = tpu.memref_squeeze %dma_start3A_214 : memref<1x80xi32, #tpu.memory_space<vmem>> -> memref<80xi32, #tpu.memory_space<vmem>>
    %dma_start3A_216 = arith.constant 0 : i32
    %dma_start3A_217 = arith.constant 0 : i32
    %dma_start3A_218 = tpu.memref_slice %arg18[%dma_start3A_216, %dma_start3A_217] : memref<10008x128xf32, #tpu.memory_space<vmem_shared>> -> memref<10008x128xf32, #tpu.memory_space<vmem_shared>>
    tpu.enqueue_indirect_dma source(%arg11 : memref<80x128xf32, #tpu.memory_space<vmem>>) target(%dma_start3A_218 : memref<10008x128xf32, #tpu.memory_space<vmem_shared>>) offsets(%dma_start3A_215 : memref<80xi32, #tpu.memory_space<vmem>>) semaphore(%arg17 : memref<!tpu.dma_semaphore, #tpu.memory_space<semaphore_mem>>) {add = true}
    %dma_wait3A_219 = arith.constant 0 : i32
    %dma_wait3A_220 = arith.constant 0 : i32
    %dma_wait3A_221 = tpu.memref_slice %arg8[%dma_wait3A_219, %dma_wait3A_220] : memref<63x80xi32, #tpu.memory_space<vmem>> -> memref<1x80xi32, #tpu.memory_space<vmem>>
    %dma_wait3A_222 = tpu.memref_squeeze %dma_wait3A_221 : memref<1x80xi32, #tpu.memory_space<vmem>> -> memref<80xi32, #tpu.memory_space<vmem>>
    %dma_wait3A_223 = arith.constant 0 : i32
    %dma_wait3A_224 = arith.constant 0 : i32
    %dma_wait3A_225 = tpu.memref_slice %arg18[%dma_wait3A_223, %dma_wait3A_224] : memref<10008x128xf32, #tpu.memory_space<vmem_shared>> -> memref<10008x128xf32, #tpu.memory_space<vmem_shared>>
    tpu.wait_indirect_dma semaphore(%arg16 : memref<!tpu.dma_semaphore, #tpu.memory_space<semaphore_mem>>) src(%arg10 : memref<80x128xf32, #tpu.memory_space<vmem>>) dst(%dma_wait3A_225 : memref<10008x128xf32, #tpu.memory_space<vmem_shared>>)
    %dma_wait3A_226 = arith.constant 0 : i32
    %dma_wait3A_227 = arith.constant 0 : i32
    %dma_wait3A_228 = tpu.memref_slice %arg8[%dma_wait3A_226, %dma_wait3A_227] : memref<63x80xi32, #tpu.memory_space<vmem>> -> memref<1x80xi32, #tpu.memory_space<vmem>>
    %dma_wait3A_229 = tpu.memref_squeeze %dma_wait3A_228 : memref<1x80xi32, #tpu.memory_space<vmem>> -> memref<80xi32, #tpu.memory_space<vmem>>
    %dma_wait3A_230 = arith.constant 0 : i32
    %dma_wait3A_231 = arith.constant 0 : i32
    %dma_wait3A_232 = tpu.memref_slice %arg18[%dma_wait3A_230, %dma_wait3A_231] : memref<10008x128xf32, #tpu.memory_space<vmem_shared>> -> memref<10008x128xf32, #tpu.memory_space<vmem_shared>>
    tpu.wait_indirect_dma semaphore(%arg17 : memref<!tpu.dma_semaphore, #tpu.memory_space<semaphore_mem>>) src(%arg11 : memref<80x128xf32, #tpu.memory_space<vmem>>) dst(%dma_wait3A_232 : memref<10008x128xf32, #tpu.memory_space<vmem_shared>>)
    %barrier3A_233 = arith.constant 0 : index
    tpu.barrier barrier_id(%barrier3A_233)
    %lt3A_234 = arith.constant 15 : i32
    %lt3A_235 = arith.cmpi slt, %arg1, %lt3A_234 : i32
    %convert_element_type3A_236 = arith.extui %lt3A_235 : i1 to i32
    %cond3A_237 = arith.constant 0 : i32
    %cond3A_238 = arith.cmpi ne, %convert_element_type3A_236, %cond3A_237 : i32
    scf.if %cond3A_238 {
      %mul3A_244 = arith.constant 632 : i32
      %mul3A_245 = arith.muli %arg1, %mul3A_244 : i32
      %mul3A_246 = arith.constant 632 : i32
      %mul3A_247 = arith.muli %arg1, %mul3A_246 : i32
      "tpu.region"() ({
        %run_scoped3A_248 = tpu.sem_alloc : memref<!tpu.dma_semaphore, #tpu.memory_space<semaphore_mem>>
        %dma_start3A_249 = arith.constant 0 : i32
        %dma_start3A_250 = tpu.memref_slice %arg6[%arg0, %mul3A_247, %dma_start3A_249] : memref<2x10008x128xf32, #tpu.memory_space<hbm>> -> memref<1x632x128xf32, #tpu.memory_space<hbm>>
        %dma_start3A_251 = tpu.memref_squeeze %dma_start3A_250 : memref<1x632x128xf32, #tpu.memory_space<hbm>> -> memref<632x128xf32, #tpu.memory_space<hbm>>
        %dma_start3A_252 = arith.constant 0 : i32
        %dma_start3A_253 = tpu.memref_slice %arg18[%mul3A_245, %dma_start3A_252] : memref<10008x128xf32, #tpu.memory_space<vmem_shared>> -> memref<632x128xf32, #tpu.memory_space<vmem_shared>>
        tpu.enqueue_dma source(%dma_start3A_253 : memref<632x128xf32, #tpu.memory_space<vmem_shared>>) target(%dma_start3A_251 : memref<632x128xf32, #tpu.memory_space<hbm>>) target_semaphore(%run_scoped3A_248 : memref<!tpu.dma_semaphore, #tpu.memory_space<semaphore_mem>>)
        %dma_wait3A_254 = arith.constant 0 : i32
        %dma_wait3A_255 = tpu.memref_slice %arg6[%arg0, %mul3A_247, %dma_wait3A_254] : memref<2x10008x128xf32, #tpu.memory_space<hbm>> -> memref<1x632x128xf32, #tpu.memory_space<hbm>>
        %dma_wait3A_256 = tpu.memref_squeeze %dma_wait3A_255 : memref<1x632x128xf32, #tpu.memory_space<hbm>> -> memref<632x128xf32, #tpu.memory_space<hbm>>
        %dma_wait3A_257 = arith.constant 0 : i32
        %dma_wait3A_258 = tpu.memref_slice %arg18[%mul3A_245, %dma_wait3A_257] : memref<10008x128xf32, #tpu.memory_space<vmem_shared>> -> memref<632x128xf32, #tpu.memory_space<vmem_shared>>
        tpu.wait_dma2 semaphore(%run_scoped3A_248 : memref<!tpu.dma_semaphore, #tpu.memory_space<semaphore_mem>>) src(%dma_wait3A_258 : memref<632x128xf32, #tpu.memory_space<vmem_shared>>) dst(%dma_wait3A_256 : memref<632x128xf32, #tpu.memory_space<hbm>>)
        tpu.yield
      }) : () -> ()
    } else {
    }
    %eq3A_239 = arith.constant 15 : i32
    %eq3A_240 = arith.cmpi eq, %arg1, %eq3A_239 : i32
    %convert_element_type3A_241 = arith.extui %eq3A_240 : i1 to i32
    %cond3A_242 = arith.constant 0 : i32
    %cond3A_243 = arith.cmpi ne, %convert_element_type3A_241, %cond3A_242 : i32
    scf.if %cond3A_243 {
      "tpu.region"() ({
        %run_scoped3A_244 = tpu.sem_alloc : memref<!tpu.dma_semaphore, #tpu.memory_space<semaphore_mem>>
        %dma_start3A_245 = arith.constant 9480 : i32
        %dma_start3A_246 = arith.constant 0 : i32
        %dma_start3A_247 = tpu.memref_slice %arg6[%arg0, %dma_start3A_245, %dma_start3A_246] : memref<2x10008x128xf32, #tpu.memory_space<hbm>> -> memref<1x528x128xf32, #tpu.memory_space<hbm>>
        %dma_start3A_248 = tpu.memref_squeeze %dma_start3A_247 : memref<1x528x128xf32, #tpu.memory_space<hbm>> -> memref<528x128xf32, #tpu.memory_space<hbm>>
        %dma_start3A_249 = arith.constant 9480 : i32
        %dma_start3A_250 = arith.constant 0 : i32
        %dma_start3A_251 = tpu.memref_slice %arg18[%dma_start3A_249, %dma_start3A_250] : memref<10008x128xf32, #tpu.memory_space<vmem_shared>> -> memref<528x128xf32, #tpu.memory_space<vmem_shared>>
        tpu.enqueue_dma source(%dma_start3A_251 : memref<528x128xf32, #tpu.memory_space<vmem_shared>>) target(%dma_start3A_248 : memref<528x128xf32, #tpu.memory_space<hbm>>) target_semaphore(%run_scoped3A_244 : memref<!tpu.dma_semaphore, #tpu.memory_space<semaphore_mem>>)
        %dma_wait3A_252 = arith.constant 9480 : i32
        %dma_wait3A_253 = arith.constant 0 : i32
        %dma_wait3A_254 = tpu.memref_slice %arg6[%arg0, %dma_wait3A_252, %dma_wait3A_253] : memref<2x10008x128xf32, #tpu.memory_space<hbm>> -> memref<1x528x128xf32, #tpu.memory_space<hbm>>
        %dma_wait3A_255 = tpu.memref_squeeze %dma_wait3A_254 : memref<1x528x128xf32, #tpu.memory_space<hbm>> -> memref<528x128xf32, #tpu.memory_space<hbm>>
        %dma_wait3A_256 = arith.constant 9480 : i32
        %dma_wait3A_257 = arith.constant 0 : i32
        %dma_wait3A_258 = tpu.memref_slice %arg18[%dma_wait3A_256, %dma_wait3A_257] : memref<10008x128xf32, #tpu.memory_space<vmem_shared>> -> memref<528x128xf32, #tpu.memory_space<vmem_shared>>
        tpu.wait_dma2 semaphore(%run_scoped3A_244 : memref<!tpu.dma_semaphore, #tpu.memory_space<semaphore_mem>>) src(%dma_wait3A_258 : memref<528x128xf32, #tpu.memory_space<vmem_shared>>) dst(%dma_wait3A_255 : memref<528x128xf32, #tpu.memory_space<hbm>>)
        tpu.yield
      }) : () -> ()
    } else {
    }
    return
  }
}

#map = affine_map<(d0, d1) -> (0, 0)>
#map1 = affine_map<(d0, d1) -> (0, 0, 0, 0)>
#map2 = affine_map<(d0, d1) -> (0, 0, 0)>
module attributes {stable_mosaic.version = 14 : i64} {
  func.func @_seg_sum(%arg0: i32, %arg1: i32, %arg2: memref<10000x128xf32, #tpu.memory_space<hbm>>, %arg3: memref<32x10080xi32, #tpu.memory_space<hbm>>, %arg4: memref<32x2x63x80xi32, #tpu.memory_space<hbm>>, %arg5: memref<632x128xf32, #tpu.memory_space<hbm>>, %arg6: memref<2x10008x128xf32, #tpu.memory_space<hbm>>, %arg7: memref<10080xi32, #tpu.memory_space<vmem>>, %arg8: memref<63x80xi32, #tpu.memory_space<vmem>>, %arg9: memref<80x128xf32, #tpu.memory_space<vmem>>, %arg10: memref<80x128xf32, #tpu.memory_space<vmem>>, %arg11: memref<80x128xf32, #tpu.memory_space<vmem>>, %arg12: memref<!tpu.dma_semaphore, #tpu.memory_space<semaphore_mem>>, %arg13: memref<!tpu.dma_semaphore, #tpu.memory_space<semaphore_mem>>, %arg14: memref<!tpu.dma_semaphore, #tpu.memory_space<semaphore_mem>>, %arg15: memref<!tpu.dma_semaphore, #tpu.memory_space<semaphore_mem>>, %arg16: memref<!tpu.dma_semaphore, #tpu.memory_space<semaphore_mem>>, %arg17: memref<!tpu.dma_semaphore, #tpu.memory_space<semaphore_mem>>, %arg18: memref<10008x128xf32, #tpu.memory_space<vmem_shared>>) attributes {dimension_semantics = [#tpu.dimension_semantics<core_parallel>, #tpu.dimension_semantics<subcore_parallel>], iteration_bounds = array<i64: 2, 16>, scalar_prefetch = 0 : i64, scratch_operands = 12 : i64, tpu.core_type = #tpu.core_type<sc_vector_subcore>, window_params = [{transform_indices = #map}, {transform_indices = #map}, {transform_indices = #map1}, {transform_indices = #map}, {transform_indices = #map2}]} {
    %mul3A = arith.constant 16 : i32
    %mul3A_0 = arith.muli %arg0, %mul3A : i32
    %add3A = arith.addi %mul3A_0, %arg1 : i32
    "tpu.region"() ({
      %run_scoped3A_244 = tpu.sem_alloc : memref<!tpu.dma_semaphore, #tpu.memory_space<semaphore_mem>>
      %dma_start3A_245 = arith.constant 0 : i32
      %dma_start3A_246 = tpu.memref_slice %arg3[%add3A, %dma_start3A_245] : memref<32x10080xi32, #tpu.memory_space<hbm>> -> memref<1x10080xi32, #tpu.memory_space<hbm>>
      %dma_start3A_247 = tpu.memref_squeeze %dma_start3A_246 : memref<1x10080xi32, #tpu.memory_space<hbm>> -> memref<10080xi32, #tpu.memory_space<hbm>>
      %dma_start3A_248 = arith.constant 0 : i32
      %dma_start3A_249 = tpu.memref_slice %arg3[%add3A, %dma_start3A_248] : memref<32x10080xi32, #tpu.memory_space<hbm>> -> memref<1x10080xi32, #tpu.memory_space<hbm>>
      %dma_start3A_250 = tpu.memref_squeeze %dma_start3A_249 : memref<1x10080xi32, #tpu.memory_space<hbm>> -> memref<10080xi32, #tpu.memory_space<hbm>>
      tpu.enqueue_dma source(%dma_start3A_250 : memref<10080xi32, #tpu.memory_space<hbm>>) target(%arg7 : memref<10080xi32, #tpu.memory_space<vmem>>) target_semaphore(%run_scoped3A_244 : memref<!tpu.dma_semaphore, #tpu.memory_space<semaphore_mem>>)
      %dma_wait3A_251 = arith.constant 0 : i32
      %dma_wait3A_252 = tpu.memref_slice %arg3[%add3A, %dma_wait3A_251] : memref<32x10080xi32, #tpu.memory_space<hbm>> -> memref<1x10080xi32, #tpu.memory_space<hbm>>
      %dma_wait3A_253 = tpu.memref_squeeze %dma_wait3A_252 : memref<1x10080xi32, #tpu.memory_space<hbm>> -> memref<10080xi32, #tpu.memory_space<hbm>>
      %dma_wait3A_254 = arith.constant 0 : i32
      %dma_wait3A_255 = tpu.memref_slice %arg3[%add3A, %dma_wait3A_254] : memref<32x10080xi32, #tpu.memory_space<hbm>> -> memref<1x10080xi32, #tpu.memory_space<hbm>>
      %dma_wait3A_256 = tpu.memref_squeeze %dma_wait3A_255 : memref<1x10080xi32, #tpu.memory_space<hbm>> -> memref<10080xi32, #tpu.memory_space<hbm>>
      tpu.wait_dma2 semaphore(%run_scoped3A_244 : memref<!tpu.dma_semaphore, #tpu.memory_space<semaphore_mem>>) src(%dma_wait3A_256 : memref<10080xi32, #tpu.memory_space<hbm>>) dst(%arg7 : memref<10080xi32, #tpu.memory_space<vmem>>)
      tpu.yield
    }) : () -> ()
    %run_scoped3A = arith.constant 0 : i32
    "tpu.region"() ({
      %run_scoped3A_244 = tpu.sem_alloc : memref<!tpu.dma_semaphore, #tpu.memory_space<semaphore_mem>>
      %dma_start3A_245 = arith.constant 0 : i32
      %dma_start3A_246 = arith.constant 0 : i32
      %dma_start3A_247 = tpu.memref_slice %arg4[%add3A, %run_scoped3A, %dma_start3A_245, %dma_start3A_246] : memref<32x2x63x80xi32, #tpu.memory_space<hbm>> -> memref<1x1x63x80xi32, #tpu.memory_space<hbm>>
      %dma_start3A_248 = tpu.memref_squeeze %dma_start3A_247 : memref<1x1x63x80xi32, #tpu.memory_space<hbm>> -> memref<63x80xi32, #tpu.memory_space<hbm>>
      %dma_start3A_249 = arith.constant 0 : i32
      %dma_start3A_250 = arith.constant 0 : i32
      %dma_start3A_251 = tpu.memref_slice %arg4[%add3A, %run_scoped3A, %dma_start3A_249, %dma_start3A_250] : memref<32x2x63x80xi32, #tpu.memory_space<hbm>> -> memref<1x1x63x80xi32, #tpu.memory_space<hbm>>
      %dma_start3A_252 = tpu.memref_squeeze %dma_start3A_251 : memref<1x1x63x80xi32, #tpu.memory_space<hbm>> -> memref<63x80xi32, #tpu.memory_space<hbm>>
      tpu.enqueue_dma source(%dma_start3A_252 : memref<63x80xi32, #tpu.memory_space<hbm>>) target(%arg8 : memref<63x80xi32, #tpu.memory_space<vmem>>) target_semaphore(%run_scoped3A_244 : memref<!tpu.dma_semaphore, #tpu.memory_space<semaphore_mem>>)
      %dma_wait3A_253 = arith.constant 0 : i32
      %dma_wait3A_254 = arith.constant 0 : i32
      %dma_wait3A_255 = tpu.memref_slice %arg4[%add3A, %run_scoped3A, %dma_wait3A_253, %dma_wait3A_254] : memref<32x2x63x80xi32, #tpu.memory_space<hbm>> -> memref<1x1x63x80xi32, #tpu.memory_space<hbm>>
      %dma_wait3A_256 = tpu.memref_squeeze %dma_wait3A_255 : memref<1x1x63x80xi32, #tpu.memory_space<hbm>> -> memref<63x80xi32, #tpu.memory_space<hbm>>
      %dma_wait3A_257 = arith.constant 0 : i32
      %dma_wait3A_258 = arith.constant 0 : i32
      %dma_wait3A_259 = tpu.memref_slice %arg4[%add3A, %run_scoped3A, %dma_wait3A_257, %dma_wait3A_258] : memref<32x2x63x80xi32, #tpu.memory_space<hbm>> -> memref<1x1x63x80xi32, #tpu.memory_space<hbm>>
      %dma_wait3A_260 = tpu.memref_squeeze %dma_wait3A_259 : memref<1x1x63x80xi32, #tpu.memory_space<hbm>> -> memref<63x80xi32, #tpu.memory_space<hbm>>
      tpu.wait_dma2 semaphore(%run_scoped3A_244 : memref<!tpu.dma_semaphore, #tpu.memory_space<semaphore_mem>>) src(%dma_wait3A_260 : memref<63x80xi32, #tpu.memory_space<hbm>>) dst(%arg8 : memref<63x80xi32, #tpu.memory_space<vmem>>)
      tpu.yield
    }) : () -> ()
    %dma_start3A = arith.constant 0 : i32
    %dma_start3A_1 = tpu.memref_slice %arg7[%dma_start3A] : memref<10080xi32, #tpu.memory_space<vmem>> -> memref<80xi32, #tpu.memory_space<vmem>>
    %dma_start3A_2 = arith.constant 0 : i32
    %dma_start3A_3 = arith.constant 0 : i32
    %dma_start3A_4 = tpu.memref_slice %arg2[%dma_start3A_2, %dma_start3A_3] : memref<10000x128xf32, #tpu.memory_space<hbm>> -> memref<10000x128xf32, #tpu.memory_space<hbm>>
    tpu.enqueue_indirect_dma source(%dma_start3A_4 : memref<10000x128xf32, #tpu.memory_space<hbm>>) target(%arg9 : memref<80x128xf32, #tpu.memory_space<vmem>>) offsets(%dma_start3A_1 : memref<80xi32, #tpu.memory_space<vmem>>) semaphore(%arg12 : memref<!tpu.dma_semaphore, #tpu.memory_space<semaphore_mem>>)
    %dma_start3A_5 = arith.constant 80 : i32
    %dma_start3A_6 = tpu.memref_slice %arg7[%dma_start3A_5] : memref<10080xi32, #tpu.memory_space<vmem>> -> memref<80xi32, #tpu.memory_space<vmem>>
    %dma_start3A_7 = arith.constant 0 : i32
    %dma_start3A_8 = arith.constant 0 : i32
    %dma_start3A_9 = tpu.memref_slice %arg2[%dma_start3A_7, %dma_start3A_8] : memref<10000x128xf32, #tpu.memory_space<hbm>> -> memref<10000x128xf32, #tpu.memory_space<hbm>>
    tpu.enqueue_indirect_dma source(%dma_start3A_9 : memref<10000x128xf32, #tpu.memory_space<hbm>>) target(%arg10 : memref<80x128xf32, #tpu.memory_space<vmem>>) offsets(%dma_start3A_6 : memref<80xi32, #tpu.memory_space<vmem>>) semaphore(%arg13 : memref<!tpu.dma_semaphore, #tpu.memory_space<semaphore_mem>>)
    %lt3A = arith.constant 15 : i32
    %lt3A_10 = arith.cmpi slt, %arg1, %lt3A : i32
    %convert_element_type3A = arith.extui %lt3A_10 : i1 to i32
    %cond3A = arith.constant 0 : i32
    %cond3A_11 = arith.cmpi ne, %convert_element_type3A, %cond3A : i32
    scf.if %cond3A_11 {
      %mul3A_244 = arith.constant 632 : i32
      %mul3A_245 = arith.muli %arg1, %mul3A_244 : i32
      "tpu.region"() ({
        %run_scoped3A_246 = tpu.sem_alloc : memref<!tpu.dma_semaphore, #tpu.memory_space<semaphore_mem>>
        %dma_start3A_247 = arith.constant 0 : i32
        %dma_start3A_248 = tpu.memref_slice %arg18[%mul3A_245, %dma_start3A_247] : memref<10008x128xf32, #tpu.memory_space<vmem_shared>> -> memref<632x128xf32, #tpu.memory_space<vmem_shared>>
        tpu.enqueue_dma source(%arg5 : memref<632x128xf32, #tpu.memory_space<hbm>>) target(%dma_start3A_248 : memref<632x128xf32, #tpu.memory_space<vmem_shared>>) target_semaphore(%run_scoped3A_246 : memref<!tpu.dma_semaphore, #tpu.memory_space<semaphore_mem>>)
        %dma_wait3A_249 = arith.constant 0 : i32
        %dma_wait3A_250 = tpu.memref_slice %arg18[%mul3A_245, %dma_wait3A_249] : memref<10008x128xf32, #tpu.memory_space<vmem_shared>> -> memref<632x128xf32, #tpu.memory_space<vmem_shared>>
        tpu.wait_dma2 semaphore(%run_scoped3A_246 : memref<!tpu.dma_semaphore, #tpu.memory_space<semaphore_mem>>) src(%arg5 : memref<632x128xf32, #tpu.memory_space<hbm>>) dst(%dma_wait3A_250 : memref<632x128xf32, #tpu.memory_space<vmem_shared>>)
        tpu.yield
      }) : () -> ()
    } else {
    }
    %eq3A = arith.constant 15 : i32
    %eq3A_12 = arith.cmpi eq, %arg1, %eq3A : i32
    %convert_element_type3A_13 = arith.extui %eq3A_12 : i1 to i32
    %cond3A_14 = arith.constant 0 : i32
    %cond3A_15 = arith.cmpi ne, %convert_element_type3A_13, %cond3A_14 : i32
    scf.if %cond3A_15 {
      "tpu.region"() ({
        %run_scoped3A_244 = tpu.sem_alloc : memref<!tpu.dma_semaphore, #tpu.memory_space<semaphore_mem>>
        %dma_start3A_245 = arith.constant 9480 : i32
        %dma_start3A_246 = arith.constant 0 : i32
        %dma_start3A_247 = tpu.memref_slice %arg18[%dma_start3A_245, %dma_start3A_246] : memref<10008x128xf32, #tpu.memory_space<vmem_shared>> -> memref<528x128xf32, #tpu.memory_space<vmem_shared>>
        %dma_start3A_248 = arith.constant 0 : i32
        %dma_start3A_249 = arith.constant 0 : i32
        %dma_start3A_250 = tpu.memref_slice %arg5[%dma_start3A_248, %dma_start3A_249] : memref<632x128xf32, #tpu.memory_space<hbm>> -> memref<528x128xf32, #tpu.memory_space<hbm>>
        tpu.enqueue_dma source(%dma_start3A_250 : memref<528x128xf32, #tpu.memory_space<hbm>>) target(%dma_start3A_247 : memref<528x128xf32, #tpu.memory_space<vmem_shared>>) target_semaphore(%run_scoped3A_244 : memref<!tpu.dma_semaphore, #tpu.memory_space<semaphore_mem>>)
        %dma_wait3A_251 = arith.constant 9480 : i32
        %dma_wait3A_252 = arith.constant 0 : i32
        %dma_wait3A_253 = tpu.memref_slice %arg18[%dma_wait3A_251, %dma_wait3A_252] : memref<10008x128xf32, #tpu.memory_space<vmem_shared>> -> memref<528x128xf32, #tpu.memory_space<vmem_shared>>
        %dma_wait3A_254 = arith.constant 0 : i32
        %dma_wait3A_255 = arith.constant 0 : i32
        %dma_wait3A_256 = tpu.memref_slice %arg5[%dma_wait3A_254, %dma_wait3A_255] : memref<632x128xf32, #tpu.memory_space<hbm>> -> memref<528x128xf32, #tpu.memory_space<hbm>>
        tpu.wait_dma2 semaphore(%run_scoped3A_244 : memref<!tpu.dma_semaphore, #tpu.memory_space<semaphore_mem>>) src(%dma_wait3A_256 : memref<528x128xf32, #tpu.memory_space<hbm>>) dst(%dma_wait3A_253 : memref<528x128xf32, #tpu.memory_space<vmem_shared>>)
        tpu.yield
      }) : () -> ()
    } else {
    }
    %barrier3A = arith.constant 0 : index
    tpu.barrier barrier_id(%barrier3A)
    %dma_wait3A = arith.constant 0 : i32
    %dma_wait3A_16 = tpu.memref_slice %arg7[%dma_wait3A] : memref<10080xi32, #tpu.memory_space<vmem>> -> memref<80xi32, #tpu.memory_space<vmem>>
    %dma_wait3A_17 = arith.constant 0 : i32
    %dma_wait3A_18 = arith.constant 0 : i32
    %dma_wait3A_19 = tpu.memref_slice %arg2[%dma_wait3A_17, %dma_wait3A_18] : memref<10000x128xf32, #tpu.memory_space<hbm>> -> memref<10000x128xf32, #tpu.memory_space<hbm>>
    tpu.wait_indirect_dma semaphore(%arg12 : memref<!tpu.dma_semaphore, #tpu.memory_space<semaphore_mem>>) src(%dma_wait3A_19 : memref<10000x128xf32, #tpu.memory_space<hbm>>) dst(%arg9 : memref<80x128xf32, #tpu.memory_space<vmem>>)
    %dma_start3A_20 = arith.constant 0 : i32
    %dma_start3A_21 = arith.constant 0 : i32
    %dma_start3A_22 = tpu.memref_slice %arg8[%dma_start3A_20, %dma_start3A_21] : memref<63x80xi32, #tpu.memory_space<vmem>> -> memref<1x80xi32, #tpu.memory_space<vmem>>
    %dma_start3A_23 = tpu.memref_squeeze %dma_start3A_22 : memref<1x80xi32, #tpu.memory_space<vmem>> -> memref<80xi32, #tpu.memory_space<vmem>>
    %dma_start3A_24 = arith.constant 0 : i32
    %dma_start3A_25 = arith.constant 0 : i32
    %dma_start3A_26 = tpu.memref_slice %arg18[%dma_start3A_24, %dma_start3A_25] : memref<10008x128xf32, #tpu.memory_space<vmem_shared>> -> memref<10008x128xf32, #tpu.memory_space<vmem_shared>>
    tpu.enqueue_indirect_dma source(%arg9 : memref<80x128xf32, #tpu.memory_space<vmem>>) target(%dma_start3A_26 : memref<10008x128xf32, #tpu.memory_space<vmem_shared>>) offsets(%dma_start3A_23 : memref<80xi32, #tpu.memory_space<vmem>>) semaphore(%arg15 : memref<!tpu.dma_semaphore, #tpu.memory_space<semaphore_mem>>) {add = true}
    %dma_start3A_27 = arith.constant 160 : i32
    %dma_start3A_28 = tpu.memref_slice %arg7[%dma_start3A_27] : memref<10080xi32, #tpu.memory_space<vmem>> -> memref<80xi32, #tpu.memory_space<vmem>>
    %dma_start3A_29 = arith.constant 0 : i32
    %dma_start3A_30 = arith.constant 0 : i32
    %dma_start3A_31 = tpu.memref_slice %arg2[%dma_start3A_29, %dma_start3A_30] : memref<10000x128xf32, #tpu.memory_space<hbm>> -> memref<10000x128xf32, #tpu.memory_space<hbm>>
    tpu.enqueue_indirect_dma source(%dma_start3A_31 : memref<10000x128xf32, #tpu.memory_space<hbm>>) target(%arg11 : memref<80x128xf32, #tpu.memory_space<vmem>>) offsets(%dma_start3A_28 : memref<80xi32, #tpu.memory_space<vmem>>) semaphore(%arg14 : memref<!tpu.dma_semaphore, #tpu.memory_space<semaphore_mem>>)
    %dma_wait3A_32 = arith.constant 0 : i32
    %dma_wait3A_33 = tpu.memref_slice %arg7[%dma_wait3A_32] : memref<10080xi32, #tpu.memory_space<vmem>> -> memref<80xi32, #tpu.memory_space<vmem>>
    %dma_wait3A_34 = arith.constant 0 : i32
    %dma_wait3A_35 = arith.constant 0 : i32
    %dma_wait3A_36 = tpu.memref_slice %arg2[%dma_wait3A_34, %dma_wait3A_35] : memref<10000x128xf32, #tpu.memory_space<hbm>> -> memref<10000x128xf32, #tpu.memory_space<hbm>>
    tpu.wait_indirect_dma semaphore(%arg13 : memref<!tpu.dma_semaphore, #tpu.memory_space<semaphore_mem>>) src(%dma_wait3A_36 : memref<10000x128xf32, #tpu.memory_space<hbm>>) dst(%arg10 : memref<80x128xf32, #tpu.memory_space<vmem>>)
    %dma_start3A_37 = arith.constant 1 : i32
    %dma_start3A_38 = arith.constant 0 : i32
    %dma_start3A_39 = tpu.memref_slice %arg8[%dma_start3A_37, %dma_start3A_38] : memref<63x80xi32, #tpu.memory_space<vmem>> -> memref<1x80xi32, #tpu.memory_space<vmem>>
    %dma_start3A_40 = tpu.memref_squeeze %dma_start3A_39 : memref<1x80xi32, #tpu.memory_space<vmem>> -> memref<80xi32, #tpu.memory_space<vmem>>
    %dma_start3A_41 = arith.constant 0 : i32
    %dma_start3A_42 = arith.constant 0 : i32
    %dma_start3A_43 = tpu.memref_slice %arg18[%dma_start3A_41, %dma_start3A_42] : memref<10008x128xf32, #tpu.memory_space<vmem_shared>> -> memref<10008x128xf32, #tpu.memory_space<vmem_shared>>
    tpu.enqueue_indirect_dma source(%arg10 : memref<80x128xf32, #tpu.memory_space<vmem>>) target(%dma_start3A_43 : memref<10008x128xf32, #tpu.memory_space<vmem_shared>>) offsets(%dma_start3A_40 : memref<80xi32, #tpu.memory_space<vmem>>) semaphore(%arg16 : memref<!tpu.dma_semaphore, #tpu.memory_space<semaphore_mem>>) {add = true}
    %dma_wait3A_44 = arith.constant 0 : i32
    %dma_wait3A_45 = arith.constant 0 : i32
    %dma_wait3A_46 = tpu.memref_slice %arg8[%dma_wait3A_44, %dma_wait3A_45] : memref<63x80xi32, #tpu.memory_space<vmem>> -> memref<1x80xi32, #tpu.memory_space<vmem>>
    %dma_wait3A_47 = tpu.memref_squeeze %dma_wait3A_46 : memref<1x80xi32, #tpu.memory_space<vmem>> -> memref<80xi32, #tpu.memory_space<vmem>>
    %dma_wait3A_48 = arith.constant 0 : i32
    %dma_wait3A_49 = arith.constant 0 : i32
    %dma_wait3A_50 = tpu.memref_slice %arg18[%dma_wait3A_48, %dma_wait3A_49] : memref<10008x128xf32, #tpu.memory_space<vmem_shared>> -> memref<10008x128xf32, #tpu.memory_space<vmem_shared>>
    tpu.wait_indirect_dma semaphore(%arg15 : memref<!tpu.dma_semaphore, #tpu.memory_space<semaphore_mem>>) src(%arg9 : memref<80x128xf32, #tpu.memory_space<vmem>>) dst(%dma_wait3A_50 : memref<10008x128xf32, #tpu.memory_space<vmem_shared>>)
    %dma_start3A_51 = arith.constant 240 : i32
    %dma_start3A_52 = tpu.memref_slice %arg7[%dma_start3A_51] : memref<10080xi32, #tpu.memory_space<vmem>> -> memref<80xi32, #tpu.memory_space<vmem>>
    %dma_start3A_53 = arith.constant 0 : i32
    %dma_start3A_54 = arith.constant 0 : i32
    %dma_start3A_55 = tpu.memref_slice %arg2[%dma_start3A_53, %dma_start3A_54] : memref<10000x128xf32, #tpu.memory_space<hbm>> -> memref<10000x128xf32, #tpu.memory_space<hbm>>
    tpu.enqueue_indirect_dma source(%dma_start3A_55 : memref<10000x128xf32, #tpu.memory_space<hbm>>) target(%arg9 : memref<80x128xf32, #tpu.memory_space<vmem>>) offsets(%dma_start3A_52 : memref<80xi32, #tpu.memory_space<vmem>>) semaphore(%arg12 : memref<!tpu.dma_semaphore, #tpu.memory_space<semaphore_mem>>)
    %scan3A = arith.constant 0 : i32
    %scan3A_56 = arith.constant 0 : i32
    %scan3A_57 = arith.constant 20 : i32
    %scan3A_58 = arith.addi %scan3A_56, %scan3A_57 : i32
    %scan3A_59 = arith.constant 1 : i32
    scf.for %scan3A_244 = %scan3A_56 to %scan3A_58 step %scan3A_59  : i32 {
      %mul3A_245 = arith.constant 3 : i32
      %mul3A_246 = arith.muli %mul3A_245, %scan3A_244 : i32
      %add3A_247 = arith.constant 2 : i32
      %add3A_248 = arith.addi %add3A_247, %mul3A_246 : i32
      %dma_wait3A_249 = arith.constant 0 : i32
      %dma_wait3A_250 = tpu.memref_slice %arg7[%dma_wait3A_249] : memref<10080xi32, #tpu.memory_space<vmem>> -> memref<80xi32, #tpu.memory_space<vmem>>
      %dma_wait3A_251 = arith.constant 0 : i32
      %dma_wait3A_252 = arith.constant 0 : i32
      %dma_wait3A_253 = tpu.memref_slice %arg2[%dma_wait3A_251, %dma_wait3A_252] : memref<10000x128xf32, #tpu.memory_space<hbm>> -> memref<10000x128xf32, #tpu.memory_space<hbm>>
      tpu.wait_indirect_dma semaphore(%arg14 : memref<!tpu.dma_semaphore, #tpu.memory_space<semaphore_mem>>) src(%dma_wait3A_253 : memref<10000x128xf32, #tpu.memory_space<hbm>>) dst(%arg11 : memref<80x128xf32, #tpu.memory_space<vmem>>)
      %dma_start3A_254 = arith.constant 0 : i32
      %dma_start3A_255 = tpu.memref_slice %arg8[%add3A_248, %dma_start3A_254] : memref<63x80xi32, #tpu.memory_space<vmem>> -> memref<1x80xi32, #tpu.memory_space<vmem>>
      %dma_start3A_256 = tpu.memref_squeeze %dma_start3A_255 : memref<1x80xi32, #tpu.memory_space<vmem>> -> memref<80xi32, #tpu.memory_space<vmem>>
      %dma_start3A_257 = arith.constant 0 : i32
      %dma_start3A_258 = arith.constant 0 : i32
      %dma_start3A_259 = tpu.memref_slice %arg18[%dma_start3A_257, %dma_start3A_258] : memref<10008x128xf32, #tpu.memory_space<vmem_shared>> -> memref<10008x128xf32, #tpu.memory_space<vmem_shared>>
      tpu.enqueue_indirect_dma source(%arg11 : memref<80x128xf32, #tpu.memory_space<vmem>>) target(%dma_start3A_259 : memref<10008x128xf32, #tpu.memory_space<vmem_shared>>) offsets(%dma_start3A_256 : memref<80xi32, #tpu.memory_space<vmem>>) semaphore(%arg17 : memref<!tpu.dma_semaphore, #tpu.memory_space<semaphore_mem>>) {add = true}
      %dma_wait3A_260 = arith.constant 0 : i32
      %dma_wait3A_261 = arith.constant 0 : i32
      %dma_wait3A_262 = tpu.memref_slice %arg8[%dma_wait3A_260, %dma_wait3A_261] : memref<63x80xi32, #tpu.memory_space<vmem>> -> memref<1x80xi32, #tpu.memory_space<vmem>>
      %dma_wait3A_263 = tpu.memref_squeeze %dma_wait3A_262 : memref<1x80xi32, #tpu.memory_space<vmem>> -> memref<80xi32, #tpu.memory_space<vmem>>
      %dma_wait3A_264 = arith.constant 0 : i32
      %dma_wait3A_265 = arith.constant 0 : i32
      %dma_wait3A_266 = tpu.memref_slice %arg18[%dma_wait3A_264, %dma_wait3A_265] : memref<10008x128xf32, #tpu.memory_space<vmem_shared>> -> memref<10008x128xf32, #tpu.memory_space<vmem_shared>>
      tpu.wait_indirect_dma semaphore(%arg16 : memref<!tpu.dma_semaphore, #tpu.memory_space<semaphore_mem>>) src(%arg10 : memref<80x128xf32, #tpu.memory_space<vmem>>) dst(%dma_wait3A_266 : memref<10008x128xf32, #tpu.memory_space<vmem_shared>>)
      %add3A_267 = arith.constant 2 : i32
      %add3A_268 = arith.addi %add3A_248, %add3A_267 : i32
      %mul3A_269 = arith.constant 80 : i32
      %mul3A_270 = arith.muli %add3A_268, %mul3A_269 : i32
      %dma_start3A_271 = tpu.memref_slice %arg7[%mul3A_270] : memref<10080xi32, #tpu.memory_space<vmem>> -> memref<80xi32, #tpu.memory_space<vmem>>
      %dma_start3A_272 = arith.constant 0 : i32
      %dma_start3A_273 = arith.constant 0 : i32
      %dma_start3A_274 = tpu.memref_slice %arg2[%dma_start3A_272, %dma_start3A_273] : memref<10000x128xf32, #tpu.memory_space<hbm>> -> memref<10000x128xf32, #tpu.memory_space<hbm>>
      tpu.enqueue_indirect_dma source(%dma_start3A_274 : memref<10000x128xf32, #tpu.memory_space<hbm>>) target(%arg10 : memref<80x128xf32, #tpu.memory_space<vmem>>) offsets(%dma_start3A_271 : memref<80xi32, #tpu.memory_space<vmem>>) semaphore(%arg13 : memref<!tpu.dma_semaphore, #tpu.memory_space<semaphore_mem>>)
      %add3A_275 = arith.constant 1 : i32
      %add3A_276 = arith.addi %add3A_248, %add3A_275 : i32
      %add3A_277 = arith.constant 1 : i32
      %add3A_278 = arith.addi %add3A_248, %add3A_277 : i32
      %dma_wait3A_279 = arith.constant 0 : i32
      %dma_wait3A_280 = tpu.memref_slice %arg7[%dma_wait3A_279] : memref<10080xi32, #tpu.memory_space<vmem>> -> memref<80xi32, #tpu.memory_space<vmem>>
      %dma_wait3A_281 = arith.constant 0 : i32
      %dma_wait3A_282 = arith.constant 0 : i32
      %dma_wait3A_283 = tpu.memref_slice %arg2[%dma_wait3A_281, %dma_wait3A_282] : memref<10000x128xf32, #tpu.memory_space<hbm>> -> memref<10000x128xf32, #tpu.memory_space<hbm>>
      tpu.wait_indirect_dma semaphore(%arg12 : memref<!tpu.dma_semaphore, #tpu.memory_space<semaphore_mem>>) src(%dma_wait3A_283 : memref<10000x128xf32, #tpu.memory_space<hbm>>) dst(%arg9 : memref<80x128xf32, #tpu.memory_space<vmem>>)
      %dma_start3A_284 = arith.constant 0 : i32
      %dma_start3A_285 = tpu.memref_slice %arg8[%add3A_278, %dma_start3A_284] : memref<63x80xi32, #tpu.memory_space<vmem>> -> memref<1x80xi32, #tpu.memory_space<vmem>>
      %dma_start3A_286 = tpu.memref_squeeze %dma_start3A_285 : memref<1x80xi32, #tpu.memory_space<vmem>> -> memref<80xi32, #tpu.memory_space<vmem>>
      %dma_start3A_287 = arith.constant 0 : i32
      %dma_start3A_288 = arith.constant 0 : i32
      %dma_start3A_289 = tpu.memref_slice %arg18[%dma_start3A_287, %dma_start3A_288] : memref<10008x128xf32, #tpu.memory_space<vmem_shared>> -> memref<10008x128xf32, #tpu.memory_space<vmem_shared>>
      tpu.enqueue_indirect_dma source(%arg9 : memref<80x128xf32, #tpu.memory_space<vmem>>) target(%dma_start3A_289 : memref<10008x128xf32, #tpu.memory_space<vmem_shared>>) offsets(%dma_start3A_286 : memref<80xi32, #tpu.memory_space<vmem>>) semaphore(%arg15 : memref<!tpu.dma_semaphore, #tpu.memory_space<semaphore_mem>>) {add = true}
      %dma_wait3A_290 = arith.constant 0 : i32
      %dma_wait3A_291 = arith.constant 0 : i32
      %dma_wait3A_292 = tpu.memref_slice %arg8[%dma_wait3A_290, %dma_wait3A_291] : memref<63x80xi32, #tpu.memory_space<vmem>> -> memref<1x80xi32, #tpu.memory_space<vmem>>
      %dma_wait3A_293 = tpu.memref_squeeze %dma_wait3A_292 : memref<1x80xi32, #tpu.memory_space<vmem>> -> memref<80xi32, #tpu.memory_space<vmem>>
      %dma_wait3A_294 = arith.constant 0 : i32
      %dma_wait3A_295 = arith.constant 0 : i32
      %dma_wait3A_296 = tpu.memref_slice %arg18[%dma_wait3A_294, %dma_wait3A_295] : memref<10008x128xf32, #tpu.memory_space<vmem_shared>> -> memref<10008x128xf32, #tpu.memory_space<vmem_shared>>
      tpu.wait_indirect_dma semaphore(%arg17 : memref<!tpu.dma_semaphore, #tpu.memory_space<semaphore_mem>>) src(%arg11 : memref<80x128xf32, #tpu.memory_space<vmem>>) dst(%dma_wait3A_296 : memref<10008x128xf32, #tpu.memory_space<vmem_shared>>)
      %add3A_297 = arith.constant 2 : i32
      %add3A_298 = arith.addi %add3A_276, %add3A_297 : i32
      %mul3A_299 = arith.constant 80 : i32
      %mul3A_300 = arith.muli %add3A_298, %mul3A_299 : i32
      %dma_start3A_301 = tpu.memref_slice %arg7[%mul3A_300] : memref<10080xi32, #tpu.memory_space<vmem>> -> memref<80xi32, #tpu.memory_space<vmem>>
      %dma_start3A_302 = arith.constant 0 : i32
      %dma_start3A_303 = arith.constant 0 : i32
      %dma_start3A_304 = tpu.memref_slice %arg2[%dma_start3A_302, %dma_start3A_303] : memref<10000x128xf32, #tpu.memory_space<hbm>> -> memref<10000x128xf32, #tpu.memory_space<hbm>>
      tpu.enqueue_indirect_dma source(%dma_start3A_304 : memref<10000x128xf32, #tpu.memory_space<hbm>>) target(%arg11 : memref<80x128xf32, #tpu.memory_space<vmem>>) offsets(%dma_start3A_301 : memref<80xi32, #tpu.memory_space<vmem>>) semaphore(%arg14 : memref<!tpu.dma_semaphore, #tpu.memory_space<semaphore_mem>>)
      %add3A_305 = arith.constant 2 : i32
      %add3A_306 = arith.addi %add3A_248, %add3A_305 : i32
      %add3A_307 = arith.constant 2 : i32
      %add3A_308 = arith.addi %add3A_248, %add3A_307 : i32
      %dma_wait3A_309 = arith.constant 0 : i32
      %dma_wait3A_310 = tpu.memref_slice %arg7[%dma_wait3A_309] : memref<10080xi32, #tpu.memory_space<vmem>> -> memref<80xi32, #tpu.memory_space<vmem>>
      %dma_wait3A_311 = arith.constant 0 : i32
      %dma_wait3A_312 = arith.constant 0 : i32
      %dma_wait3A_313 = tpu.memref_slice %arg2[%dma_wait3A_311, %dma_wait3A_312] : memref<10000x128xf32, #tpu.memory_space<hbm>> -> memref<10000x128xf32, #tpu.memory_space<hbm>>
      tpu.wait_indirect_dma semaphore(%arg13 : memref<!tpu.dma_semaphore, #tpu.memory_space<semaphore_mem>>) src(%dma_wait3A_313 : memref<10000x128xf32, #tpu.memory_space<hbm>>) dst(%arg10 : memref<80x128xf32, #tpu.memory_space<vmem>>)
      %dma_start3A_314 = arith.constant 0 : i32
      %dma_start3A_315 = tpu.memref_slice %arg8[%add3A_308, %dma_start3A_314] : memref<63x80xi32, #tpu.memory_space<vmem>> -> memref<1x80xi32, #tpu.memory_space<vmem>>
      %dma_start3A_316 = tpu.memref_squeeze %dma_start3A_315 : memref<1x80xi32, #tpu.memory_space<vmem>> -> memref<80xi32, #tpu.memory_space<vmem>>
      %dma_start3A_317 = arith.constant 0 : i32
      %dma_start3A_318 = arith.constant 0 : i32
      %dma_start3A_319 = tpu.memref_slice %arg18[%dma_start3A_317, %dma_start3A_318] : memref<10008x128xf32, #tpu.memory_space<vmem_shared>> -> memref<10008x128xf32, #tpu.memory_space<vmem_shared>>
      tpu.enqueue_indirect_dma source(%arg10 : memref<80x128xf32, #tpu.memory_space<vmem>>) target(%dma_start3A_319 : memref<10008x128xf32, #tpu.memory_space<vmem_shared>>) offsets(%dma_start3A_316 : memref<80xi32, #tpu.memory_space<vmem>>) semaphore(%arg16 : memref<!tpu.dma_semaphore, #tpu.memory_space<semaphore_mem>>) {add = true}
      %dma_wait3A_320 = arith.constant 0 : i32
      %dma_wait3A_321 = arith.constant 0 : i32
      %dma_wait3A_322 = tpu.memref_slice %arg8[%dma_wait3A_320, %dma_wait3A_321] : memref<63x80xi32, #tpu.memory_space<vmem>> -> memref<1x80xi32, #tpu.memory_space<vmem>>
      %dma_wait3A_323 = tpu.memref_squeeze %dma_wait3A_322 : memref<1x80xi32, #tpu.memory_space<vmem>> -> memref<80xi32, #tpu.memory_space<vmem>>
      %dma_wait3A_324 = arith.constant 0 : i32
      %dma_wait3A_325 = arith.constant 0 : i32
      %dma_wait3A_326 = tpu.memref_slice %arg18[%dma_wait3A_324, %dma_wait3A_325] : memref<10008x128xf32, #tpu.memory_space<vmem_shared>> -> memref<10008x128xf32, #tpu.memory_space<vmem_shared>>
      tpu.wait_indirect_dma semaphore(%arg15 : memref<!tpu.dma_semaphore, #tpu.memory_space<semaphore_mem>>) src(%arg9 : memref<80x128xf32, #tpu.memory_space<vmem>>) dst(%dma_wait3A_326 : memref<10008x128xf32, #tpu.memory_space<vmem_shared>>)
      %add3A_327 = arith.constant 2 : i32
      %add3A_328 = arith.addi %add3A_306, %add3A_327 : i32
      %mul3A_329 = arith.constant 80 : i32
      %mul3A_330 = arith.muli %add3A_328, %mul3A_329 : i32
      %dma_start3A_331 = tpu.memref_slice %arg7[%mul3A_330] : memref<10080xi32, #tpu.memory_space<vmem>> -> memref<80xi32, #tpu.memory_space<vmem>>
      %dma_start3A_332 = arith.constant 0 : i32
      %dma_start3A_333 = arith.constant 0 : i32
      %dma_start3A_334 = tpu.memref_slice %arg2[%dma_start3A_332, %dma_start3A_333] : memref<10000x128xf32, #tpu.memory_space<hbm>> -> memref<10000x128xf32, #tpu.memory_space<hbm>>
      tpu.enqueue_indirect_dma source(%dma_start3A_334 : memref<10000x128xf32, #tpu.memory_space<hbm>>) target(%arg9 : memref<80x128xf32, #tpu.memory_space<vmem>>) offsets(%dma_start3A_331 : memref<80xi32, #tpu.memory_space<vmem>>) semaphore(%arg12 : memref<!tpu.dma_semaphore, #tpu.memory_space<semaphore_mem>>)
    }
    %scan3A_60 = arith.constant 20 : i32
    %dma_wait3A_61 = arith.constant 0 : i32
    %dma_wait3A_62 = tpu.memref_slice %arg7[%dma_wait3A_61] : memref<10080xi32, #tpu.memory_space<vmem>> -> memref<80xi32, #tpu.memory_space<vmem>>
    %dma_wait3A_63 = arith.constant 0 : i32
    %dma_wait3A_64 = arith.constant 0 : i32
    %dma_wait3A_65 = tpu.memref_slice %arg2[%dma_wait3A_63, %dma_wait3A_64] : memref<10000x128xf32, #tpu.memory_space<hbm>> -> memref<10000x128xf32, #tpu.memory_space<hbm>>
    tpu.wait_indirect_dma semaphore(%arg14 : memref<!tpu.dma_semaphore, #tpu.memory_space<semaphore_mem>>) src(%dma_wait3A_65 : memref<10000x128xf32, #tpu.memory_space<hbm>>) dst(%arg11 : memref<80x128xf32, #tpu.memory_space<vmem>>)
    %dma_start3A_66 = arith.constant 62 : i32
    %dma_start3A_67 = arith.constant 0 : i32
    %dma_start3A_68 = tpu.memref_slice %arg8[%dma_start3A_66, %dma_start3A_67] : memref<63x80xi32, #tpu.memory_space<vmem>> -> memref<1x80xi32, #tpu.memory_space<vmem>>
    %dma_start3A_69 = tpu.memref_squeeze %dma_start3A_68 : memref<1x80xi32, #tpu.memory_space<vmem>> -> memref<80xi32, #tpu.memory_space<vmem>>
    %dma_start3A_70 = arith.constant 0 : i32
    %dma_start3A_71 = arith.constant 0 : i32
    %dma_start3A_72 = tpu.memref_slice %arg18[%dma_start3A_70, %dma_start3A_71] : memref<10008x128xf32, #tpu.memory_space<vmem_shared>> -> memref<10008x128xf32, #tpu.memory_space<vmem_shared>>
    tpu.enqueue_indirect_dma source(%arg11 : memref<80x128xf32, #tpu.memory_space<vmem>>) target(%dma_start3A_72 : memref<10008x128xf32, #tpu.memory_space<vmem_shared>>) offsets(%dma_start3A_69 : memref<80xi32, #tpu.memory_space<vmem>>) semaphore(%arg17 : memref<!tpu.dma_semaphore, #tpu.memory_space<semaphore_mem>>) {add = true}
    %dma_wait3A_73 = arith.constant 0 : i32
    %dma_wait3A_74 = arith.constant 0 : i32
    %dma_wait3A_75 = tpu.memref_slice %arg8[%dma_wait3A_73, %dma_wait3A_74] : memref<63x80xi32, #tpu.memory_space<vmem>> -> memref<1x80xi32, #tpu.memory_space<vmem>>
    %dma_wait3A_76 = tpu.memref_squeeze %dma_wait3A_75 : memref<1x80xi32, #tpu.memory_space<vmem>> -> memref<80xi32, #tpu.memory_space<vmem>>
    %dma_wait3A_77 = arith.constant 0 : i32
    %dma_wait3A_78 = arith.constant 0 : i32
    %dma_wait3A_79 = tpu.memref_slice %arg18[%dma_wait3A_77, %dma_wait3A_78] : memref<10008x128xf32, #tpu.memory_space<vmem_shared>> -> memref<10008x128xf32, #tpu.memory_space<vmem_shared>>
    tpu.wait_indirect_dma semaphore(%arg16 : memref<!tpu.dma_semaphore, #tpu.memory_space<semaphore_mem>>) src(%arg10 : memref<80x128xf32, #tpu.memory_space<vmem>>) dst(%dma_wait3A_79 : memref<10008x128xf32, #tpu.memory_space<vmem_shared>>)
    %dma_start3A_80 = arith.constant 5120 : i32
    %dma_start3A_81 = tpu.memref_slice %arg7[%dma_start3A_80] : memref<10080xi32, #tpu.memory_space<vmem>> -> memref<80xi32, #tpu.memory_space<vmem>>
    %dma_start3A_82 = arith.constant 0 : i32
    %dma_start3A_83 = arith.constant 0 : i32
    %dma_start3A_84 = tpu.memref_slice %arg2[%dma_start3A_82, %dma_start3A_83] : memref<10000x128xf32, #tpu.memory_space<hbm>> -> memref<10000x128xf32, #tpu.memory_space<hbm>>
    tpu.enqueue_indirect_dma source(%dma_start3A_84 : memref<10000x128xf32, #tpu.memory_space<hbm>>) target(%arg10 : memref<80x128xf32, #tpu.memory_space<vmem>>) offsets(%dma_start3A_81 : memref<80xi32, #tpu.memory_space<vmem>>) semaphore(%arg13 : memref<!tpu.dma_semaphore, #tpu.memory_space<semaphore_mem>>)
    %dma_wait3A_85 = arith.constant 0 : i32
    %dma_wait3A_86 = arith.constant 0 : i32
    %dma_wait3A_87 = tpu.memref_slice %arg8[%dma_wait3A_85, %dma_wait3A_86] : memref<63x80xi32, #tpu.memory_space<vmem>> -> memref<1x80xi32, #tpu.memory_space<vmem>>
    %dma_wait3A_88 = tpu.memref_squeeze %dma_wait3A_87 : memref<1x80xi32, #tpu.memory_space<vmem>> -> memref<80xi32, #tpu.memory_space<vmem>>
    %dma_wait3A_89 = arith.constant 0 : i32
    %dma_wait3A_90 = arith.constant 0 : i32
    %dma_wait3A_91 = tpu.memref_slice %arg18[%dma_wait3A_89, %dma_wait3A_90] : memref<10008x128xf32, #tpu.memory_space<vmem_shared>> -> memref<10008x128xf32, #tpu.memory_space<vmem_shared>>
    tpu.wait_indirect_dma semaphore(%arg17 : memref<!tpu.dma_semaphore, #tpu.memory_space<semaphore_mem>>) src(%arg11 : memref<80x128xf32, #tpu.memory_space<vmem>>) dst(%dma_wait3A_91 : memref<10008x128xf32, #tpu.memory_space<vmem_shared>>)
    %run_scoped3A_92 = arith.constant 1 : i32
    "tpu.region"() ({
      %run_scoped3A_244 = tpu.sem_alloc : memref<!tpu.dma_semaphore, #tpu.memory_space<semaphore_mem>>
      %dma_start3A_245 = arith.constant 0 : i32
      %dma_start3A_246 = arith.constant 0 : i32
      %dma_start3A_247 = tpu.memref_slice %arg4[%add3A, %run_scoped3A_92, %dma_start3A_245, %dma_start3A_246] : memref<32x2x63x80xi32, #tpu.memory_space<hbm>> -> memref<1x1x63x80xi32, #tpu.memory_space<hbm>>
      %dma_start3A_248 = tpu.memref_squeeze %dma_start3A_247 : memref<1x1x63x80xi32, #tpu.memory_space<hbm>> -> memref<63x80xi32, #tpu.memory_space<hbm>>
      %dma_start3A_249 = arith.constant 0 : i32
      %dma_start3A_250 = arith.constant 0 : i32
      %dma_start3A_251 = tpu.memref_slice %arg4[%add3A, %run_scoped3A_92, %dma_start3A_249, %dma_start3A_250] : memref<32x2x63x80xi32, #tpu.memory_space<hbm>> -> memref<1x1x63x80xi32, #tpu.memory_space<hbm>>
      %dma_start3A_252 = tpu.memref_squeeze %dma_start3A_251 : memref<1x1x63x80xi32, #tpu.memory_space<hbm>> -> memref<63x80xi32, #tpu.memory_space<hbm>>
      tpu.enqueue_dma source(%dma_start3A_252 : memref<63x80xi32, #tpu.memory_space<hbm>>) target(%arg8 : memref<63x80xi32, #tpu.memory_space<vmem>>) target_semaphore(%run_scoped3A_244 : memref<!tpu.dma_semaphore, #tpu.memory_space<semaphore_mem>>)
      %dma_wait3A_253 = arith.constant 0 : i32
      %dma_wait3A_254 = arith.constant 0 : i32
      %dma_wait3A_255 = tpu.memref_slice %arg4[%add3A, %run_scoped3A_92, %dma_wait3A_253, %dma_wait3A_254] : memref<32x2x63x80xi32, #tpu.memory_space<hbm>> -> memref<1x1x63x80xi32, #tpu.memory_space<hbm>>
      %dma_wait3A_256 = tpu.memref_squeeze %dma_wait3A_255 : memref<1x1x63x80xi32, #tpu.memory_space<hbm>> -> memref<63x80xi32, #tpu.memory_space<hbm>>
      %dma_wait3A_257 = arith.constant 0 : i32
      %dma_wait3A_258 = arith.constant 0 : i32
      %dma_wait3A_259 = tpu.memref_slice %arg4[%add3A, %run_scoped3A_92, %dma_wait3A_257, %dma_wait3A_258] : memref<32x2x63x80xi32, #tpu.memory_space<hbm>> -> memref<1x1x63x80xi32, #tpu.memory_space<hbm>>
      %dma_wait3A_260 = tpu.memref_squeeze %dma_wait3A_259 : memref<1x1x63x80xi32, #tpu.memory_space<hbm>> -> memref<63x80xi32, #tpu.memory_space<hbm>>
      tpu.wait_dma2 semaphore(%run_scoped3A_244 : memref<!tpu.dma_semaphore, #tpu.memory_space<semaphore_mem>>) src(%dma_wait3A_260 : memref<63x80xi32, #tpu.memory_space<hbm>>) dst(%arg8 : memref<63x80xi32, #tpu.memory_space<vmem>>)
      tpu.yield
    }) : () -> ()
    %dma_wait3A_93 = arith.constant 0 : i32
    %dma_wait3A_94 = tpu.memref_slice %arg7[%dma_wait3A_93] : memref<10080xi32, #tpu.memory_space<vmem>> -> memref<80xi32, #tpu.memory_space<vmem>>
    %dma_wait3A_95 = arith.constant 0 : i32
    %dma_wait3A_96 = arith.constant 0 : i32
    %dma_wait3A_97 = tpu.memref_slice %arg2[%dma_wait3A_95, %dma_wait3A_96] : memref<10000x128xf32, #tpu.memory_space<hbm>> -> memref<10000x128xf32, #tpu.memory_space<hbm>>
    tpu.wait_indirect_dma semaphore(%arg12 : memref<!tpu.dma_semaphore, #tpu.memory_space<semaphore_mem>>) src(%dma_wait3A_97 : memref<10000x128xf32, #tpu.memory_space<hbm>>) dst(%arg9 : memref<80x128xf32, #tpu.memory_space<vmem>>)
    %dma_start3A_98 = arith.constant 0 : i32
    %dma_start3A_99 = arith.constant 0 : i32
    %dma_start3A_100 = tpu.memref_slice %arg8[%dma_start3A_98, %dma_start3A_99] : memref<63x80xi32, #tpu.memory_space<vmem>> -> memref<1x80xi32, #tpu.memory_space<vmem>>
    %dma_start3A_101 = tpu.memref_squeeze %dma_start3A_100 : memref<1x80xi32, #tpu.memory_space<vmem>> -> memref<80xi32, #tpu.memory_space<vmem>>
    %dma_start3A_102 = arith.constant 0 : i32
    %dma_start3A_103 = arith.constant 0 : i32
    %dma_start3A_104 = tpu.memref_slice %arg18[%dma_start3A_102, %dma_start3A_103] : memref<10008x128xf32, #tpu.memory_space<vmem_shared>> -> memref<10008x128xf32, #tpu.memory_space<vmem_shared>>
    tpu.enqueue_indirect_dma source(%arg9 : memref<80x128xf32, #tpu.memory_space<vmem>>) target(%dma_start3A_104 : memref<10008x128xf32, #tpu.memory_space<vmem_shared>>) offsets(%dma_start3A_101 : memref<80xi32, #tpu.memory_space<vmem>>) semaphore(%arg15 : memref<!tpu.dma_semaphore, #tpu.memory_space<semaphore_mem>>) {add = true}
    %dma_start3A_105 = arith.constant 5200 : i32
    %dma_start3A_106 = tpu.memref_slice %arg7[%dma_start3A_105] : memref<10080xi32, #tpu.memory_space<vmem>> -> memref<80xi32, #tpu.memory_space<vmem>>
    %dma_start3A_107 = arith.constant 0 : i32
    %dma_start3A_108 = arith.constant 0 : i32
    %dma_start3A_109 = tpu.memref_slice %arg2[%dma_start3A_107, %dma_start3A_108] : memref<10000x128xf32, #tpu.memory_space<hbm>> -> memref<10000x128xf32, #tpu.memory_space<hbm>>
    tpu.enqueue_indirect_dma source(%dma_start3A_109 : memref<10000x128xf32, #tpu.memory_space<hbm>>) target(%arg11 : memref<80x128xf32, #tpu.memory_space<vmem>>) offsets(%dma_start3A_106 : memref<80xi32, #tpu.memory_space<vmem>>) semaphore(%arg14 : memref<!tpu.dma_semaphore, #tpu.memory_space<semaphore_mem>>)
    %dma_wait3A_110 = arith.constant 0 : i32
    %dma_wait3A_111 = tpu.memref_slice %arg7[%dma_wait3A_110] : memref<10080xi32, #tpu.memory_space<vmem>> -> memref<80xi32, #tpu.memory_space<vmem>>
    %dma_wait3A_112 = arith.constant 0 : i32
    %dma_wait3A_113 = arith.constant 0 : i32
    %dma_wait3A_114 = tpu.memref_slice %arg2[%dma_wait3A_112, %dma_wait3A_113] : memref<10000x128xf32, #tpu.memory_space<hbm>> -> memref<10000x128xf32, #tpu.memory_space<hbm>>
    tpu.wait_indirect_dma semaphore(%arg13 : memref<!tpu.dma_semaphore, #tpu.memory_space<semaphore_mem>>) src(%dma_wait3A_114 : memref<10000x128xf32, #tpu.memory_space<hbm>>) dst(%arg10 : memref<80x128xf32, #tpu.memory_space<vmem>>)
    %dma_start3A_115 = arith.constant 1 : i32
    %dma_start3A_116 = arith.constant 0 : i32
    %dma_start3A_117 = tpu.memref_slice %arg8[%dma_start3A_115, %dma_start3A_116] : memref<63x80xi32, #tpu.memory_space<vmem>> -> memref<1x80xi32, #tpu.memory_space<vmem>>
    %dma_start3A_118 = tpu.memref_squeeze %dma_start3A_117 : memref<1x80xi32, #tpu.memory_space<vmem>> -> memref<80xi32, #tpu.memory_space<vmem>>
    %dma_start3A_119 = arith.constant 0 : i32
    %dma_start3A_120 = arith.constant 0 : i32
    %dma_start3A_121 = tpu.memref_slice %arg18[%dma_start3A_119, %dma_start3A_120] : memref<10008x128xf32, #tpu.memory_space<vmem_shared>> -> memref<10008x128xf32, #tpu.memory_space<vmem_shared>>
    tpu.enqueue_indirect_dma source(%arg10 : memref<80x128xf32, #tpu.memory_space<vmem>>) target(%dma_start3A_121 : memref<10008x128xf32, #tpu.memory_space<vmem_shared>>) offsets(%dma_start3A_118 : memref<80xi32, #tpu.memory_space<vmem>>) semaphore(%arg16 : memref<!tpu.dma_semaphore, #tpu.memory_space<semaphore_mem>>) {add = true}
    %dma_wait3A_122 = arith.constant 0 : i32
    %dma_wait3A_123 = arith.constant 0 : i32
    %dma_wait3A_124 = tpu.memref_slice %arg8[%dma_wait3A_122, %dma_wait3A_123] : memref<63x80xi32, #tpu.memory_space<vmem>> -> memref<1x80xi32, #tpu.memory_space<vmem>>
    %dma_wait3A_125 = tpu.memref_squeeze %dma_wait3A_124 : memref<1x80xi32, #tpu.memory_space<vmem>> -> memref<80xi32, #tpu.memory_space<vmem>>
    %dma_wait3A_126 = arith.constant 0 : i32
    %dma_wait3A_127 = arith.constant 0 : i32
    %dma_wait3A_128 = tpu.memref_slice %arg18[%dma_wait3A_126, %dma_wait3A_127] : memref<10008x128xf32, #tpu.memory_space<vmem_shared>> -> memref<10008x128xf32, #tpu.memory_space<vmem_shared>>
    tpu.wait_indirect_dma semaphore(%arg15 : memref<!tpu.dma_semaphore, #tpu.memory_space<semaphore_mem>>) src(%arg9 : memref<80x128xf32, #tpu.memory_space<vmem>>) dst(%dma_wait3A_128 : memref<10008x128xf32, #tpu.memory_space<vmem_shared>>)
    %dma_start3A_129 = arith.constant 5280 : i32
    %dma_start3A_130 = tpu.memref_slice %arg7[%dma_start3A_129] : memref<10080xi32, #tpu.memory_space<vmem>> -> memref<80xi32, #tpu.memory_space<vmem>>
    %dma_start3A_131 = arith.constant 0 : i32
    %dma_start3A_132 = arith.constant 0 : i32
    %dma_start3A_133 = tpu.memref_slice %arg2[%dma_start3A_131, %dma_start3A_132] : memref<10000x128xf32, #tpu.memory_space<hbm>> -> memref<10000x128xf32, #tpu.memory_space<hbm>>
    tpu.enqueue_indirect_dma source(%dma_start3A_133 : memref<10000x128xf32, #tpu.memory_space<hbm>>) target(%arg9 : memref<80x128xf32, #tpu.memory_space<vmem>>) offsets(%dma_start3A_130 : memref<80xi32, #tpu.memory_space<vmem>>) semaphore(%arg12 : memref<!tpu.dma_semaphore, #tpu.memory_space<semaphore_mem>>)
    %scan3A_134 = arith.constant 0 : i32
    %scan3A_135 = arith.constant 0 : i32
    %scan3A_136 = arith.constant 19 : i32
    %scan3A_137 = arith.addi %scan3A_135, %scan3A_136 : i32
    %scan3A_138 = arith.constant 1 : i32
    scf.for %scan3A_244 = %scan3A_135 to %scan3A_137 step %scan3A_138  : i32 {
      %mul3A_245 = arith.constant 3 : i32
      %mul3A_246 = arith.muli %mul3A_245, %scan3A_244 : i32
      %add3A_247 = arith.constant 65 : i32
      %add3A_248 = arith.addi %add3A_247, %mul3A_246 : i32
      %sub3A = arith.constant 63 : i32
      %sub3A_249 = arith.subi %add3A_248, %sub3A : i32
      %dma_wait3A_250 = arith.constant 0 : i32
      %dma_wait3A_251 = tpu.memref_slice %arg7[%dma_wait3A_250] : memref<10080xi32, #tpu.memory_space<vmem>> -> memref<80xi32, #tpu.memory_space<vmem>>
      %dma_wait3A_252 = arith.constant 0 : i32
      %dma_wait3A_253 = arith.constant 0 : i32
      %dma_wait3A_254 = tpu.memref_slice %arg2[%dma_wait3A_252, %dma_wait3A_253] : memref<10000x128xf32, #tpu.memory_space<hbm>> -> memref<10000x128xf32, #tpu.memory_space<hbm>>
      tpu.wait_indirect_dma semaphore(%arg14 : memref<!tpu.dma_semaphore, #tpu.memory_space<semaphore_mem>>) src(%dma_wait3A_254 : memref<10000x128xf32, #tpu.memory_space<hbm>>) dst(%arg11 : memref<80x128xf32, #tpu.memory_space<vmem>>)
      %dma_start3A_255 = arith.constant 0 : i32
      %dma_start3A_256 = tpu.memref_slice %arg8[%sub3A_249, %dma_start3A_255] : memref<63x80xi32, #tpu.memory_space<vmem>> -> memref<1x80xi32, #tpu.memory_space<vmem>>
      %dma_start3A_257 = tpu.memref_squeeze %dma_start3A_256 : memref<1x80xi32, #tpu.memory_space<vmem>> -> memref<80xi32, #tpu.memory_space<vmem>>
      %dma_start3A_258 = arith.constant 0 : i32
      %dma_start3A_259 = arith.constant 0 : i32
      %dma_start3A_260 = tpu.memref_slice %arg18[%dma_start3A_258, %dma_start3A_259] : memref<10008x128xf32, #tpu.memory_space<vmem_shared>> -> memref<10008x128xf32, #tpu.memory_space<vmem_shared>>
      tpu.enqueue_indirect_dma source(%arg11 : memref<80x128xf32, #tpu.memory_space<vmem>>) target(%dma_start3A_260 : memref<10008x128xf32, #tpu.memory_space<vmem_shared>>) offsets(%dma_start3A_257 : memref<80xi32, #tpu.memory_space<vmem>>) semaphore(%arg17 : memref<!tpu.dma_semaphore, #tpu.memory_space<semaphore_mem>>) {add = true}
      %dma_wait3A_261 = arith.constant 0 : i32
      %dma_wait3A_262 = arith.constant 0 : i32
      %dma_wait3A_263 = tpu.memref_slice %arg8[%dma_wait3A_261, %dma_wait3A_262] : memref<63x80xi32, #tpu.memory_space<vmem>> -> memref<1x80xi32, #tpu.memory_space<vmem>>
      %dma_wait3A_264 = tpu.memref_squeeze %dma_wait3A_263 : memref<1x80xi32, #tpu.memory_space<vmem>> -> memref<80xi32, #tpu.memory_space<vmem>>
      %dma_wait3A_265 = arith.constant 0 : i32
      %dma_wait3A_266 = arith.constant 0 : i32
      %dma_wait3A_267 = tpu.memref_slice %arg18[%dma_wait3A_265, %dma_wait3A_266] : memref<10008x128xf32, #tpu.memory_space<vmem_shared>> -> memref<10008x128xf32, #tpu.memory_space<vmem_shared>>
      tpu.wait_indirect_dma semaphore(%arg16 : memref<!tpu.dma_semaphore, #tpu.memory_space<semaphore_mem>>) src(%arg10 : memref<80x128xf32, #tpu.memory_space<vmem>>) dst(%dma_wait3A_267 : memref<10008x128xf32, #tpu.memory_space<vmem_shared>>)
      %add3A_268 = arith.constant 2 : i32
      %add3A_269 = arith.addi %add3A_248, %add3A_268 : i32
      %mul3A_270 = arith.constant 80 : i32
      %mul3A_271 = arith.muli %add3A_269, %mul3A_270 : i32
      %dma_start3A_272 = tpu.memref_slice %arg7[%mul3A_271] : memref<10080xi32, #tpu.memory_space<vmem>> -> memref<80xi32, #tpu.memory_space<vmem>>
      %dma_start3A_273 = arith.constant 0 : i32
      %dma_start3A_274 = arith.constant 0 : i32
      %dma_start3A_275 = tpu.memref_slice %arg2[%dma_start3A_273, %dma_start3A_274] : memref<10000x128xf32, #tpu.memory_space<hbm>> -> memref<10000x128xf32, #tpu.memory_space<hbm>>
      tpu.enqueue_indirect_dma source(%dma_start3A_275 : memref<10000x128xf32, #tpu.memory_space<hbm>>) target(%arg10 : memref<80x128xf32, #tpu.memory_space<vmem>>) offsets(%dma_start3A_272 : memref<80xi32, #tpu.memory_space<vmem>>) semaphore(%arg13 : memref<!tpu.dma_semaphore, #tpu.memory_space<semaphore_mem>>)
      %add3A_276 = arith.constant 1 : i32
      %add3A_277 = arith.addi %add3A_248, %add3A_276 : i32
      %sub3A_278 = arith.constant 62 : i32
      %sub3A_279 = arith.subi %add3A_248, %sub3A_278 : i32
      %dma_wait3A_280 = arith.constant 0 : i32
      %dma_wait3A_281 = tpu.memref_slice %arg7[%dma_wait3A_280] : memref<10080xi32, #tpu.memory_space<vmem>> -> memref<80xi32, #tpu.memory_space<vmem>>
      %dma_wait3A_282 = arith.constant 0 : i32
      %dma_wait3A_283 = arith.constant 0 : i32
      %dma_wait3A_284 = tpu.memref_slice %arg2[%dma_wait3A_282, %dma_wait3A_283] : memref<10000x128xf32, #tpu.memory_space<hbm>> -> memref<10000x128xf32, #tpu.memory_space<hbm>>
      tpu.wait_indirect_dma semaphore(%arg12 : memref<!tpu.dma_semaphore, #tpu.memory_space<semaphore_mem>>) src(%dma_wait3A_284 : memref<10000x128xf32, #tpu.memory_space<hbm>>) dst(%arg9 : memref<80x128xf32, #tpu.memory_space<vmem>>)
      %dma_start3A_285 = arith.constant 0 : i32
      %dma_start3A_286 = tpu.memref_slice %arg8[%sub3A_279, %dma_start3A_285] : memref<63x80xi32, #tpu.memory_space<vmem>> -> memref<1x80xi32, #tpu.memory_space<vmem>>
      %dma_start3A_287 = tpu.memref_squeeze %dma_start3A_286 : memref<1x80xi32, #tpu.memory_space<vmem>> -> memref<80xi32, #tpu.memory_space<vmem>>
      %dma_start3A_288 = arith.constant 0 : i32
      %dma_start3A_289 = arith.constant 0 : i32
      %dma_start3A_290 = tpu.memref_slice %arg18[%dma_start3A_288, %dma_start3A_289] : memref<10008x128xf32, #tpu.memory_space<vmem_shared>> -> memref<10008x128xf32, #tpu.memory_space<vmem_shared>>
      tpu.enqueue_indirect_dma source(%arg9 : memref<80x128xf32, #tpu.memory_space<vmem>>) target(%dma_start3A_290 : memref<10008x128xf32, #tpu.memory_space<vmem_shared>>) offsets(%dma_start3A_287 : memref<80xi32, #tpu.memory_space<vmem>>) semaphore(%arg15 : memref<!tpu.dma_semaphore, #tpu.memory_space<semaphore_mem>>) {add = true}
      %dma_wait3A_291 = arith.constant 0 : i32
      %dma_wait3A_292 = arith.constant 0 : i32
      %dma_wait3A_293 = tpu.memref_slice %arg8[%dma_wait3A_291, %dma_wait3A_292] : memref<63x80xi32, #tpu.memory_space<vmem>> -> memref<1x80xi32, #tpu.memory_space<vmem>>
      %dma_wait3A_294 = tpu.memref_squeeze %dma_wait3A_293 : memref<1x80xi32, #tpu.memory_space<vmem>> -> memref<80xi32, #tpu.memory_space<vmem>>
      %dma_wait3A_295 = arith.constant 0 : i32
      %dma_wait3A_296 = arith.constant 0 : i32
      %dma_wait3A_297 = tpu.memref_slice %arg18[%dma_wait3A_295, %dma_wait3A_296] : memref<10008x128xf32, #tpu.memory_space<vmem_shared>> -> memref<10008x128xf32, #tpu.memory_space<vmem_shared>>
      tpu.wait_indirect_dma semaphore(%arg17 : memref<!tpu.dma_semaphore, #tpu.memory_space<semaphore_mem>>) src(%arg11 : memref<80x128xf32, #tpu.memory_space<vmem>>) dst(%dma_wait3A_297 : memref<10008x128xf32, #tpu.memory_space<vmem_shared>>)
      %add3A_298 = arith.constant 2 : i32
      %add3A_299 = arith.addi %add3A_277, %add3A_298 : i32
      %mul3A_300 = arith.constant 80 : i32
      %mul3A_301 = arith.muli %add3A_299, %mul3A_300 : i32
      %dma_start3A_302 = tpu.memref_slice %arg7[%mul3A_301] : memref<10080xi32, #tpu.memory_space<vmem>> -> memref<80xi32, #tpu.memory_space<vmem>>
      %dma_start3A_303 = arith.constant 0 : i32
      %dma_start3A_304 = arith.constant 0 : i32
      %dma_start3A_305 = tpu.memref_slice %arg2[%dma_start3A_303, %dma_start3A_304] : memref<10000x128xf32, #tpu.memory_space<hbm>> -> memref<10000x128xf32, #tpu.memory_space<hbm>>
      tpu.enqueue_indirect_dma source(%dma_start3A_305 : memref<10000x128xf32, #tpu.memory_space<hbm>>) target(%arg11 : memref<80x128xf32, #tpu.memory_space<vmem>>) offsets(%dma_start3A_302 : memref<80xi32, #tpu.memory_space<vmem>>) semaphore(%arg14 : memref<!tpu.dma_semaphore, #tpu.memory_space<semaphore_mem>>)
      %add3A_306 = arith.constant 2 : i32
      %add3A_307 = arith.addi %add3A_248, %add3A_306 : i32
      %sub3A_308 = arith.constant 61 : i32
      %sub3A_309 = arith.subi %add3A_248, %sub3A_308 : i32
      %dma_wait3A_310 = arith.constant 0 : i32
      %dma_wait3A_311 = tpu.memref_slice %arg7[%dma_wait3A_310] : memref<10080xi32, #tpu.memory_space<vmem>> -> memref<80xi32, #tpu.memory_space<vmem>>
      %dma_wait3A_312 = arith.constant 0 : i32
      %dma_wait3A_313 = arith.constant 0 : i32
      %dma_wait3A_314 = tpu.memref_slice %arg2[%dma_wait3A_312, %dma_wait3A_313] : memref<10000x128xf32, #tpu.memory_space<hbm>> -> memref<10000x128xf32, #tpu.memory_space<hbm>>
      tpu.wait_indirect_dma semaphore(%arg13 : memref<!tpu.dma_semaphore, #tpu.memory_space<semaphore_mem>>) src(%dma_wait3A_314 : memref<10000x128xf32, #tpu.memory_space<hbm>>) dst(%arg10 : memref<80x128xf32, #tpu.memory_space<vmem>>)
      %dma_start3A_315 = arith.constant 0 : i32
      %dma_start3A_316 = tpu.memref_slice %arg8[%sub3A_309, %dma_start3A_315] : memref<63x80xi32, #tpu.memory_space<vmem>> -> memref<1x80xi32, #tpu.memory_space<vmem>>
      %dma_start3A_317 = tpu.memref_squeeze %dma_start3A_316 : memref<1x80xi32, #tpu.memory_space<vmem>> -> memref<80xi32, #tpu.memory_space<vmem>>
      %dma_start3A_318 = arith.constant 0 : i32
      %dma_start3A_319 = arith.constant 0 : i32
      %dma_start3A_320 = tpu.memref_slice %arg18[%dma_start3A_318, %dma_start3A_319] : memref<10008x128xf32, #tpu.memory_space<vmem_shared>> -> memref<10008x128xf32, #tpu.memory_space<vmem_shared>>
      tpu.enqueue_indirect_dma source(%arg10 : memref<80x128xf32, #tpu.memory_space<vmem>>) target(%dma_start3A_320 : memref<10008x128xf32, #tpu.memory_space<vmem_shared>>) offsets(%dma_start3A_317 : memref<80xi32, #tpu.memory_space<vmem>>) semaphore(%arg16 : memref<!tpu.dma_semaphore, #tpu.memory_space<semaphore_mem>>) {add = true}
      %dma_wait3A_321 = arith.constant 0 : i32
      %dma_wait3A_322 = arith.constant 0 : i32
      %dma_wait3A_323 = tpu.memref_slice %arg8[%dma_wait3A_321, %dma_wait3A_322] : memref<63x80xi32, #tpu.memory_space<vmem>> -> memref<1x80xi32, #tpu.memory_space<vmem>>
      %dma_wait3A_324 = tpu.memref_squeeze %dma_wait3A_323 : memref<1x80xi32, #tpu.memory_space<vmem>> -> memref<80xi32, #tpu.memory_space<vmem>>
      %dma_wait3A_325 = arith.constant 0 : i32
      %dma_wait3A_326 = arith.constant 0 : i32
      %dma_wait3A_327 = tpu.memref_slice %arg18[%dma_wait3A_325, %dma_wait3A_326] : memref<10008x128xf32, #tpu.memory_space<vmem_shared>> -> memref<10008x128xf32, #tpu.memory_space<vmem_shared>>
      tpu.wait_indirect_dma semaphore(%arg15 : memref<!tpu.dma_semaphore, #tpu.memory_space<semaphore_mem>>) src(%arg9 : memref<80x128xf32, #tpu.memory_space<vmem>>) dst(%dma_wait3A_327 : memref<10008x128xf32, #tpu.memory_space<vmem_shared>>)
      %add3A_328 = arith.constant 2 : i32
      %add3A_329 = arith.addi %add3A_307, %add3A_328 : i32
      %mul3A_330 = arith.constant 80 : i32
      %mul3A_331 = arith.muli %add3A_329, %mul3A_330 : i32
      %dma_start3A_332 = tpu.memref_slice %arg7[%mul3A_331] : memref<10080xi32, #tpu.memory_space<vmem>> -> memref<80xi32, #tpu.memory_space<vmem>>
      %dma_start3A_333 = arith.constant 0 : i32
      %dma_start3A_334 = arith.constant 0 : i32
      %dma_start3A_335 = tpu.memref_slice %arg2[%dma_start3A_333, %dma_start3A_334] : memref<10000x128xf32, #tpu.memory_space<hbm>> -> memref<10000x128xf32, #tpu.memory_space<hbm>>
      tpu.enqueue_indirect_dma source(%dma_start3A_335 : memref<10000x128xf32, #tpu.memory_space<hbm>>) target(%arg9 : memref<80x128xf32, #tpu.memory_space<vmem>>) offsets(%dma_start3A_332 : memref<80xi32, #tpu.memory_space<vmem>>) semaphore(%arg12 : memref<!tpu.dma_semaphore, #tpu.memory_space<semaphore_mem>>)
    }
    %scan3A_139 = arith.constant 19 : i32
    %dma_wait3A_140 = arith.constant 0 : i32
    %dma_wait3A_141 = tpu.memref_slice %arg7[%dma_wait3A_140] : memref<10080xi32, #tpu.memory_space<vmem>> -> memref<80xi32, #tpu.memory_space<vmem>>
    %dma_wait3A_142 = arith.constant 0 : i32
    %dma_wait3A_143 = arith.constant 0 : i32
    %dma_wait3A_144 = tpu.memref_slice %arg2[%dma_wait3A_142, %dma_wait3A_143] : memref<10000x128xf32, #tpu.memory_space<hbm>> -> memref<10000x128xf32, #tpu.memory_space<hbm>>
    tpu.wait_indirect_dma semaphore(%arg14 : memref<!tpu.dma_semaphore, #tpu.memory_space<semaphore_mem>>) src(%dma_wait3A_144 : memref<10000x128xf32, #tpu.memory_space<hbm>>) dst(%arg11 : memref<80x128xf32, #tpu.memory_space<vmem>>)
    %dma_start3A_145 = arith.constant 59 : i32
    %dma_start3A_146 = arith.constant 0 : i32
    %dma_start3A_147 = tpu.memref_slice %arg8[%dma_start3A_145, %dma_start3A_146] : memref<63x80xi32, #tpu.memory_space<vmem>> -> memref<1x80xi32, #tpu.memory_space<vmem>>
    %dma_start3A_148 = tpu.memref_squeeze %dma_start3A_147 : memref<1x80xi32, #tpu.memory_space<vmem>> -> memref<80xi32, #tpu.memory_space<vmem>>
    %dma_start3A_149 = arith.constant 0 : i32
    %dma_start3A_150 = arith.constant 0 : i32
    %dma_start3A_151 = tpu.memref_slice %arg18[%dma_start3A_149, %dma_start3A_150] : memref<10008x128xf32, #tpu.memory_space<vmem_shared>> -> memref<10008x128xf32, #tpu.memory_space<vmem_shared>>
    tpu.enqueue_indirect_dma source(%arg11 : memref<80x128xf32, #tpu.memory_space<vmem>>) target(%dma_start3A_151 : memref<10008x128xf32, #tpu.memory_space<vmem_shared>>) offsets(%dma_start3A_148 : memref<80xi32, #tpu.memory_space<vmem>>) semaphore(%arg17 : memref<!tpu.dma_semaphore, #tpu.memory_space<semaphore_mem>>) {add = true}
    %dma_wait3A_152 = arith.constant 0 : i32
    %dma_wait3A_153 = arith.constant 0 : i32
    %dma_wait3A_154 = tpu.memref_slice %arg8[%dma_wait3A_152, %dma_wait3A_153] : memref<63x80xi32, #tpu.memory_space<vmem>> -> memref<1x80xi32, #tpu.memory_space<vmem>>
    %dma_wait3A_155 = tpu.memref_squeeze %dma_wait3A_154 : memref<1x80xi32, #tpu.memory_space<vmem>> -> memref<80xi32, #tpu.memory_space<vmem>>
    %dma_wait3A_156 = arith.constant 0 : i32
    %dma_wait3A_157 = arith.constant 0 : i32
    %dma_wait3A_158 = tpu.memref_slice %arg18[%dma_wait3A_156, %dma_wait3A_157] : memref<10008x128xf32, #tpu.memory_space<vmem_shared>> -> memref<10008x128xf32, #tpu.memory_space<vmem_shared>>
    tpu.wait_indirect_dma semaphore(%arg16 : memref<!tpu.dma_semaphore, #tpu.memory_space<semaphore_mem>>) src(%arg10 : memref<80x128xf32, #tpu.memory_space<vmem>>) dst(%dma_wait3A_158 : memref<10008x128xf32, #tpu.memory_space<vmem_shared>>)
    %dma_start3A_159 = arith.constant 9920 : i32
    %dma_start3A_160 = tpu.memref_slice %arg7[%dma_start3A_159] : memref<10080xi32, #tpu.memory_space<vmem>> -> memref<80xi32, #tpu.memory_space<vmem>>
    %dma_start3A_161 = arith.constant 0 : i32
    %dma_start3A_162 = arith.constant 0 : i32
    %dma_start3A_163 = tpu.memref_slice %arg2[%dma_start3A_161, %dma_start3A_162] : memref<10000x128xf32, #tpu.memory_space<hbm>> -> memref<10000x128xf32, #tpu.memory_space<hbm>>
    tpu.enqueue_indirect_dma source(%dma_start3A_163 : memref<10000x128xf32, #tpu.memory_space<hbm>>) target(%arg10 : memref<80x128xf32, #tpu.memory_space<vmem>>) offsets(%dma_start3A_160 : memref<80xi32, #tpu.memory_space<vmem>>) semaphore(%arg13 : memref<!tpu.dma_semaphore, #tpu.memory_space<semaphore_mem>>)
    %dma_wait3A_164 = arith.constant 0 : i32
    %dma_wait3A_165 = tpu.memref_slice %arg7[%dma_wait3A_164] : memref<10080xi32, #tpu.memory_space<vmem>> -> memref<80xi32, #tpu.memory_space<vmem>>
    %dma_wait3A_166 = arith.constant 0 : i32
    %dma_wait3A_167 = arith.constant 0 : i32
    %dma_wait3A_168 = tpu.memref_slice %arg2[%dma_wait3A_166, %dma_wait3A_167] : memref<10000x128xf32, #tpu.memory_space<hbm>> -> memref<10000x128xf32, #tpu.memory_space<hbm>>
    tpu.wait_indirect_dma semaphore(%arg12 : memref<!tpu.dma_semaphore, #tpu.memory_space<semaphore_mem>>) src(%dma_wait3A_168 : memref<10000x128xf32, #tpu.memory_space<hbm>>) dst(%arg9 : memref<80x128xf32, #tpu.memory_space<vmem>>)
    %dma_start3A_169 = arith.constant 60 : i32
    %dma_start3A_170 = arith.constant 0 : i32
    %dma_start3A_171 = tpu.memref_slice %arg8[%dma_start3A_169, %dma_start3A_170] : memref<63x80xi32, #tpu.memory_space<vmem>> -> memref<1x80xi32, #tpu.memory_space<vmem>>
    %dma_start3A_172 = tpu.memref_squeeze %dma_start3A_171 : memref<1x80xi32, #tpu.memory_space<vmem>> -> memref<80xi32, #tpu.memory_space<vmem>>
    %dma_start3A_173 = arith.constant 0 : i32
    %dma_start3A_174 = arith.constant 0 : i32
    %dma_start3A_175 = tpu.memref_slice %arg18[%dma_start3A_173, %dma_start3A_174] : memref<10008x128xf32, #tpu.memory_space<vmem_shared>> -> memref<10008x128xf32, #tpu.memory_space<vmem_shared>>
    tpu.enqueue_indirect_dma source(%arg9 : memref<80x128xf32, #tpu.memory_space<vmem>>) target(%dma_start3A_175 : memref<10008x128xf32, #tpu.memory_space<vmem_shared>>) offsets(%dma_start3A_172 : memref<80xi32, #tpu.memory_space<vmem>>) semaphore(%arg15 : memref<!tpu.dma_semaphore, #tpu.memory_space<semaphore_mem>>) {add = true}
    %dma_wait3A_176 = arith.constant 0 : i32
    %dma_wait3A_177 = arith.constant 0 : i32
    %dma_wait3A_178 = tpu.memref_slice %arg8[%dma_wait3A_176, %dma_wait3A_177] : memref<63x80xi32, #tpu.memory_space<vmem>> -> memref<1x80xi32, #tpu.memory_space<vmem>>
    %dma_wait3A_179 = tpu.memref_squeeze %dma_wait3A_178 : memref<1x80xi32, #tpu.memory_space<vmem>> -> memref<80xi32, #tpu.memory_space<vmem>>
    %dma_wait3A_180 = arith.constant 0 : i32
    %dma_wait3A_181 = arith.constant 0 : i32
    %dma_wait3A_182 = tpu.memref_slice %arg18[%dma_wait3A_180, %dma_wait3A_181] : memref<10008x128xf32, #tpu.memory_space<vmem_shared>> -> memref<10008x128xf32, #tpu.memory_space<vmem_shared>>
    tpu.wait_indirect_dma semaphore(%arg17 : memref<!tpu.dma_semaphore, #tpu.memory_space<semaphore_mem>>) src(%arg11 : memref<80x128xf32, #tpu.memory_space<vmem>>) dst(%dma_wait3A_182 : memref<10008x128xf32, #tpu.memory_space<vmem_shared>>)
    %dma_start3A_183 = arith.constant 10000 : i32
    %dma_start3A_184 = tpu.memref_slice %arg7[%dma_start3A_183] : memref<10080xi32, #tpu.memory_space<vmem>> -> memref<80xi32, #tpu.memory_space<vmem>>
    %dma_start3A_185 = arith.constant 0 : i32
    %dma_start3A_186 = arith.constant 0 : i32
    %dma_start3A_187 = tpu.memref_slice %arg2[%dma_start3A_185, %dma_start3A_186] : memref<10000x128xf32, #tpu.memory_space<hbm>> -> memref<10000x128xf32, #tpu.memory_space<hbm>>
    tpu.enqueue_indirect_dma source(%dma_start3A_187 : memref<10000x128xf32, #tpu.memory_space<hbm>>) target(%arg11 : memref<80x128xf32, #tpu.memory_space<vmem>>) offsets(%dma_start3A_184 : memref<80xi32, #tpu.memory_space<vmem>>) semaphore(%arg14 : memref<!tpu.dma_semaphore, #tpu.memory_space<semaphore_mem>>)
    %dma_wait3A_188 = arith.constant 0 : i32
    %dma_wait3A_189 = tpu.memref_slice %arg7[%dma_wait3A_188] : memref<10080xi32, #tpu.memory_space<vmem>> -> memref<80xi32, #tpu.memory_space<vmem>>
    %dma_wait3A_190 = arith.constant 0 : i32
    %dma_wait3A_191 = arith.constant 0 : i32
    %dma_wait3A_192 = tpu.memref_slice %arg2[%dma_wait3A_190, %dma_wait3A_191] : memref<10000x128xf32, #tpu.memory_space<hbm>> -> memref<10000x128xf32, #tpu.memory_space<hbm>>
    tpu.wait_indirect_dma semaphore(%arg13 : memref<!tpu.dma_semaphore, #tpu.memory_space<semaphore_mem>>) src(%dma_wait3A_192 : memref<10000x128xf32, #tpu.memory_space<hbm>>) dst(%arg10 : memref<80x128xf32, #tpu.memory_space<vmem>>)
    %dma_start3A_193 = arith.constant 61 : i32
    %dma_start3A_194 = arith.constant 0 : i32
    %dma_start3A_195 = tpu.memref_slice %arg8[%dma_start3A_193, %dma_start3A_194] : memref<63x80xi32, #tpu.memory_space<vmem>> -> memref<1x80xi32, #tpu.memory_space<vmem>>
    %dma_start3A_196 = tpu.memref_squeeze %dma_start3A_195 : memref<1x80xi32, #tpu.memory_space<vmem>> -> memref<80xi32, #tpu.memory_space<vmem>>
    %dma_start3A_197 = arith.constant 0 : i32
    %dma_start3A_198 = arith.constant 0 : i32
    %dma_start3A_199 = tpu.memref_slice %arg18[%dma_start3A_197, %dma_start3A_198] : memref<10008x128xf32, #tpu.memory_space<vmem_shared>> -> memref<10008x128xf32, #tpu.memory_space<vmem_shared>>
    tpu.enqueue_indirect_dma source(%arg10 : memref<80x128xf32, #tpu.memory_space<vmem>>) target(%dma_start3A_199 : memref<10008x128xf32, #tpu.memory_space<vmem_shared>>) offsets(%dma_start3A_196 : memref<80xi32, #tpu.memory_space<vmem>>) semaphore(%arg16 : memref<!tpu.dma_semaphore, #tpu.memory_space<semaphore_mem>>) {add = true}
    %dma_wait3A_200 = arith.constant 0 : i32
    %dma_wait3A_201 = arith.constant 0 : i32
    %dma_wait3A_202 = tpu.memref_slice %arg8[%dma_wait3A_200, %dma_wait3A_201] : memref<63x80xi32, #tpu.memory_space<vmem>> -> memref<1x80xi32, #tpu.memory_space<vmem>>
    %dma_wait3A_203 = tpu.memref_squeeze %dma_wait3A_202 : memref<1x80xi32, #tpu.memory_space<vmem>> -> memref<80xi32, #tpu.memory_space<vmem>>
    %dma_wait3A_204 = arith.constant 0 : i32
    %dma_wait3A_205 = arith.constant 0 : i32
    %dma_wait3A_206 = tpu.memref_slice %arg18[%dma_wait3A_204, %dma_wait3A_205] : memref<10008x128xf32, #tpu.memory_space<vmem_shared>> -> memref<10008x128xf32, #tpu.memory_space<vmem_shared>>
    tpu.wait_indirect_dma semaphore(%arg15 : memref<!tpu.dma_semaphore, #tpu.memory_space<semaphore_mem>>) src(%arg9 : memref<80x128xf32, #tpu.memory_space<vmem>>) dst(%dma_wait3A_206 : memref<10008x128xf32, #tpu.memory_space<vmem_shared>>)
    %dma_wait3A_207 = arith.constant 0 : i32
    %dma_wait3A_208 = tpu.memref_slice %arg7[%dma_wait3A_207] : memref<10080xi32, #tpu.memory_space<vmem>> -> memref<80xi32, #tpu.memory_space<vmem>>
    %dma_wait3A_209 = arith.constant 0 : i32
    %dma_wait3A_210 = arith.constant 0 : i32
    %dma_wait3A_211 = tpu.memref_slice %arg2[%dma_wait3A_209, %dma_wait3A_210] : memref<10000x128xf32, #tpu.memory_space<hbm>> -> memref<10000x128xf32, #tpu.memory_space<hbm>>
    tpu.wait_indirect_dma semaphore(%arg14 : memref<!tpu.dma_semaphore, #tpu.memory_space<semaphore_mem>>) src(%dma_wait3A_211 : memref<10000x128xf32, #tpu.memory_space<hbm>>) dst(%arg11 : memref<80x128xf32, #tpu.memory_space<vmem>>)
    %dma_start3A_212 = arith.constant 62 : i32
    %dma_start3A_213 = arith.constant 0 : i32
    %dma_start3A_214 = tpu.memref_slice %arg8[%dma_start3A_212, %dma_start3A_213] : memref<63x80xi32, #tpu.memory_space<vmem>> -> memref<1x80xi32, #tpu.memory_space<vmem>>
    %dma_start3A_215 = tpu.memref_squeeze %dma_start3A_214 : memref<1x80xi32, #tpu.memory_space<vmem>> -> memref<80xi32, #tpu.memory_space<vmem>>
    %dma_start3A_216 = arith.constant 0 : i32
    %dma_start3A_217 = arith.constant 0 : i32
    %dma_start3A_218 = tpu.memref_slice %arg18[%dma_start3A_216, %dma_start3A_217] : memref<10008x128xf32, #tpu.memory_space<vmem_shared>> -> memref<10008x128xf32, #tpu.memory_space<vmem_shared>>
    tpu.enqueue_indirect_dma source(%arg11 : memref<80x128xf32, #tpu.memory_space<vmem>>) target(%dma_start3A_218 : memref<10008x128xf32, #tpu.memory_space<vmem_shared>>) offsets(%dma_start3A_215 : memref<80xi32, #tpu.memory_space<vmem>>) semaphore(%arg17 : memref<!tpu.dma_semaphore, #tpu.memory_space<semaphore_mem>>) {add = true}
    %dma_wait3A_219 = arith.constant 0 : i32
    %dma_wait3A_220 = arith.constant 0 : i32
    %dma_wait3A_221 = tpu.memref_slice %arg8[%dma_wait3A_219, %dma_wait3A_220] : memref<63x80xi32, #tpu.memory_space<vmem>> -> memref<1x80xi32, #tpu.memory_space<vmem>>
    %dma_wait3A_222 = tpu.memref_squeeze %dma_wait3A_221 : memref<1x80xi32, #tpu.memory_space<vmem>> -> memref<80xi32, #tpu.memory_space<vmem>>
    %dma_wait3A_223 = arith.constant 0 : i32
    %dma_wait3A_224 = arith.constant 0 : i32
    %dma_wait3A_225 = tpu.memref_slice %arg18[%dma_wait3A_223, %dma_wait3A_224] : memref<10008x128xf32, #tpu.memory_space<vmem_shared>> -> memref<10008x128xf32, #tpu.memory_space<vmem_shared>>
    tpu.wait_indirect_dma semaphore(%arg16 : memref<!tpu.dma_semaphore, #tpu.memory_space<semaphore_mem>>) src(%arg10 : memref<80x128xf32, #tpu.memory_space<vmem>>) dst(%dma_wait3A_225 : memref<10008x128xf32, #tpu.memory_space<vmem_shared>>)
    %dma_wait3A_226 = arith.constant 0 : i32
    %dma_wait3A_227 = arith.constant 0 : i32
    %dma_wait3A_228 = tpu.memref_slice %arg8[%dma_wait3A_226, %dma_wait3A_227] : memref<63x80xi32, #tpu.memory_space<vmem>> -> memref<1x80xi32, #tpu.memory_space<vmem>>
    %dma_wait3A_229 = tpu.memref_squeeze %dma_wait3A_228 : memref<1x80xi32, #tpu.memory_space<vmem>> -> memref<80xi32, #tpu.memory_space<vmem>>
    %dma_wait3A_230 = arith.constant 0 : i32
    %dma_wait3A_231 = arith.constant 0 : i32
    %dma_wait3A_232 = tpu.memref_slice %arg18[%dma_wait3A_230, %dma_wait3A_231] : memref<10008x128xf32, #tpu.memory_space<vmem_shared>> -> memref<10008x128xf32, #tpu.memory_space<vmem_shared>>
    tpu.wait_indirect_dma semaphore(%arg17 : memref<!tpu.dma_semaphore, #tpu.memory_space<semaphore_mem>>) src(%arg11 : memref<80x128xf32, #tpu.memory_space<vmem>>) dst(%dma_wait3A_232 : memref<10008x128xf32, #tpu.memory_space<vmem_shared>>)
    %barrier3A_233 = arith.constant 0 : index
    tpu.barrier barrier_id(%barrier3A_233)
    %lt3A_234 = arith.constant 15 : i32
    %lt3A_235 = arith.cmpi slt, %arg1, %lt3A_234 : i32
    %convert_element_type3A_236 = arith.extui %lt3A_235 : i1 to i32
    %cond3A_237 = arith.constant 0 : i32
    %cond3A_238 = arith.cmpi ne, %convert_element_type3A_236, %cond3A_237 : i32
    scf.if %cond3A_238 {
      %mul3A_244 = arith.constant 632 : i32
      %mul3A_245 = arith.muli %arg1, %mul3A_244 : i32
      %mul3A_246 = arith.constant 632 : i32
      %mul3A_247 = arith.muli %arg1, %mul3A_246 : i32
      "tpu.region"() ({
        %run_scoped3A_248 = tpu.sem_alloc : memref<!tpu.dma_semaphore, #tpu.memory_space<semaphore_mem>>
        %dma_start3A_249 = arith.constant 0 : i32
        %dma_start3A_250 = tpu.memref_slice %arg6[%arg0, %mul3A_247, %dma_start3A_249] : memref<2x10008x128xf32, #tpu.memory_space<hbm>> -> memref<1x632x128xf32, #tpu.memory_space<hbm>>
        %dma_start3A_251 = tpu.memref_squeeze %dma_start3A_250 : memref<1x632x128xf32, #tpu.memory_space<hbm>> -> memref<632x128xf32, #tpu.memory_space<hbm>>
        %dma_start3A_252 = arith.constant 0 : i32
        %dma_start3A_253 = tpu.memref_slice %arg18[%mul3A_245, %dma_start3A_252] : memref<10008x128xf32, #tpu.memory_space<vmem_shared>> -> memref<632x128xf32, #tpu.memory_space<vmem_shared>>
        tpu.enqueue_dma source(%dma_start3A_253 : memref<632x128xf32, #tpu.memory_space<vmem_shared>>) target(%dma_start3A_251 : memref<632x128xf32, #tpu.memory_space<hbm>>) target_semaphore(%run_scoped3A_248 : memref<!tpu.dma_semaphore, #tpu.memory_space<semaphore_mem>>)
        %dma_wait3A_254 = arith.constant 0 : i32
        %dma_wait3A_255 = tpu.memref_slice %arg6[%arg0, %mul3A_247, %dma_wait3A_254] : memref<2x10008x128xf32, #tpu.memory_space<hbm>> -> memref<1x632x128xf32, #tpu.memory_space<hbm>>
        %dma_wait3A_256 = tpu.memref_squeeze %dma_wait3A_255 : memref<1x632x128xf32, #tpu.memory_space<hbm>> -> memref<632x128xf32, #tpu.memory_space<hbm>>
        %dma_wait3A_257 = arith.constant 0 : i32
        %dma_wait3A_258 = tpu.memref_slice %arg18[%mul3A_245, %dma_wait3A_257] : memref<10008x128xf32, #tpu.memory_space<vmem_shared>> -> memref<632x128xf32, #tpu.memory_space<vmem_shared>>
        tpu.wait_dma2 semaphore(%run_scoped3A_248 : memref<!tpu.dma_semaphore, #tpu.memory_space<semaphore_mem>>) src(%dma_wait3A_258 : memref<632x128xf32, #tpu.memory_space<vmem_shared>>) dst(%dma_wait3A_256 : memref<632x128xf32, #tpu.memory_space<hbm>>)
        tpu.yield
      }) : () -> ()
    } else {
    }
    %eq3A_239 = arith.constant 15 : i32
    %eq3A_240 = arith.cmpi eq, %arg1, %eq3A_239 : i32
    %convert_element_type3A_241 = arith.extui %eq3A_240 : i1 to i32
    %cond3A_242 = arith.constant 0 : i32
    %cond3A_243 = arith.cmpi ne, %convert_element_type3A_241, %cond3A_242 : i32
    scf.if %cond3A_243 {
      "tpu.region"() ({
        %run_scoped3A_244 = tpu.sem_alloc : memref<!tpu.dma_semaphore, #tpu.memory_space<semaphore_mem>>
        %dma_start3A_245 = arith.constant 9480 : i32
        %dma_start3A_246 = arith.constant 0 : i32
        %dma_start3A_247 = tpu.memref_slice %arg6[%arg0, %dma_start3A_245, %dma_start3A_246] : memref<2x10008x128xf32, #tpu.memory_space<hbm>> -> memref<1x528x128xf32, #tpu.memory_space<hbm>>
        %dma_start3A_248 = tpu.memref_squeeze %dma_start3A_247 : memref<1x528x128xf32, #tpu.memory_space<hbm>> -> memref<528x128xf32, #tpu.memory_space<hbm>>
        %dma_start3A_249 = arith.constant 9480 : i32
        %dma_start3A_250 = arith.constant 0 : i32
        %dma_start3A_251 = tpu.memref_slice %arg18[%dma_start3A_249, %dma_start3A_250] : memref<10008x128xf32, #tpu.memory_space<vmem_shared>> -> memref<528x128xf32, #tpu.memory_space<vmem_shared>>
        tpu.enqueue_dma source(%dma_start3A_251 : memref<528x128xf32, #tpu.memory_space<vmem_shared>>) target(%dma_start3A_248 : memref<528x128xf32, #tpu.memory_space<hbm>>) target_semaphore(%run_scoped3A_244 : memref<!tpu.dma_semaphore, #tpu.memory_space<semaphore_mem>>)
        %dma_wait3A_252 = arith.constant 9480 : i32
        %dma_wait3A_253 = arith.constant 0 : i32
        %dma_wait3A_254 = tpu.memref_slice %arg6[%arg0, %dma_wait3A_252, %dma_wait3A_253] : memref<2x10008x128xf32, #tpu.memory_space<hbm>> -> memref<1x528x128xf32, #tpu.memory_space<hbm>>
        %dma_wait3A_255 = tpu.memref_squeeze %dma_wait3A_254 : memref<1x528x128xf32, #tpu.memory_space<hbm>> -> memref<528x128xf32, #tpu.memory_space<hbm>>
        %dma_wait3A_256 = arith.constant 9480 : i32
        %dma_wait3A_257 = arith.constant 0 : i32
        %dma_wait3A_258 = tpu.memref_slice %arg18[%dma_wait3A_256, %dma_wait3A_257] : memref<10008x128xf32, #tpu.memory_space<vmem_shared>> -> memref<528x128xf32, #tpu.memory_space<vmem_shared>>
        tpu.wait_dma2 semaphore(%run_scoped3A_244 : memref<!tpu.dma_semaphore, #tpu.memory_space<semaphore_mem>>) src(%dma_wait3A_258 : memref<528x128xf32, #tpu.memory_space<vmem_shared>>) dst(%dma_wait3A_255 : memref<528x128xf32, #tpu.memory_space<hbm>>)
        tpu.yield
      }) : () -> ()
    } else {
    }
    return
  }
}

#map = affine_map<(d0, d1) -> (0, 0)>
#map1 = affine_map<(d0, d1) -> (0, 0, 0, 0)>
#map2 = affine_map<(d0, d1) -> (0, 0, 0)>
module attributes {stable_mosaic.version = 14 : i64} {
  func.func @_seg_sum(%arg0: i32, %arg1: i32, %arg2: memref<10000x128xf32, #tpu.memory_space<hbm>>, %arg3: memref<32x10080xi32, #tpu.memory_space<hbm>>, %arg4: memref<32x2x63x80xi32, #tpu.memory_space<hbm>>, %arg5: memref<632x128xf32, #tpu.memory_space<hbm>>, %arg6: memref<2x10008x128xf32, #tpu.memory_space<hbm>>, %arg7: memref<10080xi32, #tpu.memory_space<vmem>>, %arg8: memref<63x80xi32, #tpu.memory_space<vmem>>, %arg9: memref<80x128xf32, #tpu.memory_space<vmem>>, %arg10: memref<80x128xf32, #tpu.memory_space<vmem>>, %arg11: memref<80x128xf32, #tpu.memory_space<vmem>>, %arg12: memref<!tpu.dma_semaphore, #tpu.memory_space<semaphore_mem>>, %arg13: memref<!tpu.dma_semaphore, #tpu.memory_space<semaphore_mem>>, %arg14: memref<!tpu.dma_semaphore, #tpu.memory_space<semaphore_mem>>, %arg15: memref<!tpu.dma_semaphore, #tpu.memory_space<semaphore_mem>>, %arg16: memref<!tpu.dma_semaphore, #tpu.memory_space<semaphore_mem>>, %arg17: memref<!tpu.dma_semaphore, #tpu.memory_space<semaphore_mem>>, %arg18: memref<10008x128xf32, #tpu.memory_space<vmem_shared>>) attributes {dimension_semantics = [#tpu.dimension_semantics<core_parallel>, #tpu.dimension_semantics<subcore_parallel>], iteration_bounds = array<i64: 2, 16>, scalar_prefetch = 0 : i64, scratch_operands = 12 : i64, tpu.core_type = #tpu.core_type<sc_vector_subcore>, window_params = [{transform_indices = #map}, {transform_indices = #map}, {transform_indices = #map1}, {transform_indices = #map}, {transform_indices = #map2}]} {
    %mul3A = arith.constant 16 : i32
    %mul3A_0 = arith.muli %arg0, %mul3A : i32
    %add3A = arith.addi %mul3A_0, %arg1 : i32
    "tpu.region"() ({
      %run_scoped3A_244 = tpu.sem_alloc : memref<!tpu.dma_semaphore, #tpu.memory_space<semaphore_mem>>
      %dma_start3A_245 = arith.constant 0 : i32
      %dma_start3A_246 = tpu.memref_slice %arg3[%add3A, %dma_start3A_245] : memref<32x10080xi32, #tpu.memory_space<hbm>> -> memref<1x10080xi32, #tpu.memory_space<hbm>>
      %dma_start3A_247 = tpu.memref_squeeze %dma_start3A_246 : memref<1x10080xi32, #tpu.memory_space<hbm>> -> memref<10080xi32, #tpu.memory_space<hbm>>
      %dma_start3A_248 = arith.constant 0 : i32
      %dma_start3A_249 = tpu.memref_slice %arg3[%add3A, %dma_start3A_248] : memref<32x10080xi32, #tpu.memory_space<hbm>> -> memref<1x10080xi32, #tpu.memory_space<hbm>>
      %dma_start3A_250 = tpu.memref_squeeze %dma_start3A_249 : memref<1x10080xi32, #tpu.memory_space<hbm>> -> memref<10080xi32, #tpu.memory_space<hbm>>
      tpu.enqueue_dma source(%dma_start3A_250 : memref<10080xi32, #tpu.memory_space<hbm>>) target(%arg7 : memref<10080xi32, #tpu.memory_space<vmem>>) target_semaphore(%run_scoped3A_244 : memref<!tpu.dma_semaphore, #tpu.memory_space<semaphore_mem>>)
      %dma_wait3A_251 = arith.constant 0 : i32
      %dma_wait3A_252 = tpu.memref_slice %arg3[%add3A, %dma_wait3A_251] : memref<32x10080xi32, #tpu.memory_space<hbm>> -> memref<1x10080xi32, #tpu.memory_space<hbm>>
      %dma_wait3A_253 = tpu.memref_squeeze %dma_wait3A_252 : memref<1x10080xi32, #tpu.memory_space<hbm>> -> memref<10080xi32, #tpu.memory_space<hbm>>
      %dma_wait3A_254 = arith.constant 0 : i32
      %dma_wait3A_255 = tpu.memref_slice %arg3[%add3A, %dma_wait3A_254] : memref<32x10080xi32, #tpu.memory_space<hbm>> -> memref<1x10080xi32, #tpu.memory_space<hbm>>
      %dma_wait3A_256 = tpu.memref_squeeze %dma_wait3A_255 : memref<1x10080xi32, #tpu.memory_space<hbm>> -> memref<10080xi32, #tpu.memory_space<hbm>>
      tpu.wait_dma2 semaphore(%run_scoped3A_244 : memref<!tpu.dma_semaphore, #tpu.memory_space<semaphore_mem>>) src(%dma_wait3A_256 : memref<10080xi32, #tpu.memory_space<hbm>>) dst(%arg7 : memref<10080xi32, #tpu.memory_space<vmem>>)
      tpu.yield
    }) : () -> ()
    %run_scoped3A = arith.constant 0 : i32
    "tpu.region"() ({
      %run_scoped3A_244 = tpu.sem_alloc : memref<!tpu.dma_semaphore, #tpu.memory_space<semaphore_mem>>
      %dma_start3A_245 = arith.constant 0 : i32
      %dma_start3A_246 = arith.constant 0 : i32
      %dma_start3A_247 = tpu.memref_slice %arg4[%add3A, %run_scoped3A, %dma_start3A_245, %dma_start3A_246] : memref<32x2x63x80xi32, #tpu.memory_space<hbm>> -> memref<1x1x63x80xi32, #tpu.memory_space<hbm>>
      %dma_start3A_248 = tpu.memref_squeeze %dma_start3A_247 : memref<1x1x63x80xi32, #tpu.memory_space<hbm>> -> memref<63x80xi32, #tpu.memory_space<hbm>>
      %dma_start3A_249 = arith.constant 0 : i32
      %dma_start3A_250 = arith.constant 0 : i32
      %dma_start3A_251 = tpu.memref_slice %arg4[%add3A, %run_scoped3A, %dma_start3A_249, %dma_start3A_250] : memref<32x2x63x80xi32, #tpu.memory_space<hbm>> -> memref<1x1x63x80xi32, #tpu.memory_space<hbm>>
      %dma_start3A_252 = tpu.memref_squeeze %dma_start3A_251 : memref<1x1x63x80xi32, #tpu.memory_space<hbm>> -> memref<63x80xi32, #tpu.memory_space<hbm>>
      tpu.enqueue_dma source(%dma_start3A_252 : memref<63x80xi32, #tpu.memory_space<hbm>>) target(%arg8 : memref<63x80xi32, #tpu.memory_space<vmem>>) target_semaphore(%run_scoped3A_244 : memref<!tpu.dma_semaphore, #tpu.memory_space<semaphore_mem>>)
      %dma_wait3A_253 = arith.constant 0 : i32
      %dma_wait3A_254 = arith.constant 0 : i32
      %dma_wait3A_255 = tpu.memref_slice %arg4[%add3A, %run_scoped3A, %dma_wait3A_253, %dma_wait3A_254] : memref<32x2x63x80xi32, #tpu.memory_space<hbm>> -> memref<1x1x63x80xi32, #tpu.memory_space<hbm>>
      %dma_wait3A_256 = tpu.memref_squeeze %dma_wait3A_255 : memref<1x1x63x80xi32, #tpu.memory_space<hbm>> -> memref<63x80xi32, #tpu.memory_space<hbm>>
      %dma_wait3A_257 = arith.constant 0 : i32
      %dma_wait3A_258 = arith.constant 0 : i32
      %dma_wait3A_259 = tpu.memref_slice %arg4[%add3A, %run_scoped3A, %dma_wait3A_257, %dma_wait3A_258] : memref<32x2x63x80xi32, #tpu.memory_space<hbm>> -> memref<1x1x63x80xi32, #tpu.memory_space<hbm>>
      %dma_wait3A_260 = tpu.memref_squeeze %dma_wait3A_259 : memref<1x1x63x80xi32, #tpu.memory_space<hbm>> -> memref<63x80xi32, #tpu.memory_space<hbm>>
      tpu.wait_dma2 semaphore(%run_scoped3A_244 : memref<!tpu.dma_semaphore, #tpu.memory_space<semaphore_mem>>) src(%dma_wait3A_260 : memref<63x80xi32, #tpu.memory_space<hbm>>) dst(%arg8 : memref<63x80xi32, #tpu.memory_space<vmem>>)
      tpu.yield
    }) : () -> ()
    %dma_start3A = arith.constant 0 : i32
    %dma_start3A_1 = tpu.memref_slice %arg7[%dma_start3A] : memref<10080xi32, #tpu.memory_space<vmem>> -> memref<80xi32, #tpu.memory_space<vmem>>
    %dma_start3A_2 = arith.constant 0 : i32
    %dma_start3A_3 = arith.constant 0 : i32
    %dma_start3A_4 = tpu.memref_slice %arg2[%dma_start3A_2, %dma_start3A_3] : memref<10000x128xf32, #tpu.memory_space<hbm>> -> memref<10000x128xf32, #tpu.memory_space<hbm>>
    tpu.enqueue_indirect_dma source(%dma_start3A_4 : memref<10000x128xf32, #tpu.memory_space<hbm>>) target(%arg9 : memref<80x128xf32, #tpu.memory_space<vmem>>) offsets(%dma_start3A_1 : memref<80xi32, #tpu.memory_space<vmem>>) semaphore(%arg12 : memref<!tpu.dma_semaphore, #tpu.memory_space<semaphore_mem>>)
    %dma_start3A_5 = arith.constant 80 : i32
    %dma_start3A_6 = tpu.memref_slice %arg7[%dma_start3A_5] : memref<10080xi32, #tpu.memory_space<vmem>> -> memref<80xi32, #tpu.memory_space<vmem>>
    %dma_start3A_7 = arith.constant 0 : i32
    %dma_start3A_8 = arith.constant 0 : i32
    %dma_start3A_9 = tpu.memref_slice %arg2[%dma_start3A_7, %dma_start3A_8] : memref<10000x128xf32, #tpu.memory_space<hbm>> -> memref<10000x128xf32, #tpu.memory_space<hbm>>
    tpu.enqueue_indirect_dma source(%dma_start3A_9 : memref<10000x128xf32, #tpu.memory_space<hbm>>) target(%arg10 : memref<80x128xf32, #tpu.memory_space<vmem>>) offsets(%dma_start3A_6 : memref<80xi32, #tpu.memory_space<vmem>>) semaphore(%arg13 : memref<!tpu.dma_semaphore, #tpu.memory_space<semaphore_mem>>)
    %lt3A = arith.constant 15 : i32
    %lt3A_10 = arith.cmpi slt, %arg1, %lt3A : i32
    %convert_element_type3A = arith.extui %lt3A_10 : i1 to i32
    %cond3A = arith.constant 0 : i32
    %cond3A_11 = arith.cmpi ne, %convert_element_type3A, %cond3A : i32
    scf.if %cond3A_11 {
      %mul3A_244 = arith.constant 632 : i32
      %mul3A_245 = arith.muli %arg1, %mul3A_244 : i32
      "tpu.region"() ({
        %run_scoped3A_246 = tpu.sem_alloc : memref<!tpu.dma_semaphore, #tpu.memory_space<semaphore_mem>>
        %dma_start3A_247 = arith.constant 0 : i32
        %dma_start3A_248 = tpu.memref_slice %arg18[%mul3A_245, %dma_start3A_247] : memref<10008x128xf32, #tpu.memory_space<vmem_shared>> -> memref<632x128xf32, #tpu.memory_space<vmem_shared>>
        tpu.enqueue_dma source(%arg5 : memref<632x128xf32, #tpu.memory_space<hbm>>) target(%dma_start3A_248 : memref<632x128xf32, #tpu.memory_space<vmem_shared>>) target_semaphore(%run_scoped3A_246 : memref<!tpu.dma_semaphore, #tpu.memory_space<semaphore_mem>>)
        %dma_wait3A_249 = arith.constant 0 : i32
        %dma_wait3A_250 = tpu.memref_slice %arg18[%mul3A_245, %dma_wait3A_249] : memref<10008x128xf32, #tpu.memory_space<vmem_shared>> -> memref<632x128xf32, #tpu.memory_space<vmem_shared>>
        tpu.wait_dma2 semaphore(%run_scoped3A_246 : memref<!tpu.dma_semaphore, #tpu.memory_space<semaphore_mem>>) src(%arg5 : memref<632x128xf32, #tpu.memory_space<hbm>>) dst(%dma_wait3A_250 : memref<632x128xf32, #tpu.memory_space<vmem_shared>>)
        tpu.yield
      }) : () -> ()
    } else {
    }
    %eq3A = arith.constant 15 : i32
    %eq3A_12 = arith.cmpi eq, %arg1, %eq3A : i32
    %convert_element_type3A_13 = arith.extui %eq3A_12 : i1 to i32
    %cond3A_14 = arith.constant 0 : i32
    %cond3A_15 = arith.cmpi ne, %convert_element_type3A_13, %cond3A_14 : i32
    scf.if %cond3A_15 {
      "tpu.region"() ({
        %run_scoped3A_244 = tpu.sem_alloc : memref<!tpu.dma_semaphore, #tpu.memory_space<semaphore_mem>>
        %dma_start3A_245 = arith.constant 9480 : i32
        %dma_start3A_246 = arith.constant 0 : i32
        %dma_start3A_247 = tpu.memref_slice %arg18[%dma_start3A_245, %dma_start3A_246] : memref<10008x128xf32, #tpu.memory_space<vmem_shared>> -> memref<528x128xf32, #tpu.memory_space<vmem_shared>>
        %dma_start3A_248 = arith.constant 0 : i32
        %dma_start3A_249 = arith.constant 0 : i32
        %dma_start3A_250 = tpu.memref_slice %arg5[%dma_start3A_248, %dma_start3A_249] : memref<632x128xf32, #tpu.memory_space<hbm>> -> memref<528x128xf32, #tpu.memory_space<hbm>>
        tpu.enqueue_dma source(%dma_start3A_250 : memref<528x128xf32, #tpu.memory_space<hbm>>) target(%dma_start3A_247 : memref<528x128xf32, #tpu.memory_space<vmem_shared>>) target_semaphore(%run_scoped3A_244 : memref<!tpu.dma_semaphore, #tpu.memory_space<semaphore_mem>>)
        %dma_wait3A_251 = arith.constant 9480 : i32
        %dma_wait3A_252 = arith.constant 0 : i32
        %dma_wait3A_253 = tpu.memref_slice %arg18[%dma_wait3A_251, %dma_wait3A_252] : memref<10008x128xf32, #tpu.memory_space<vmem_shared>> -> memref<528x128xf32, #tpu.memory_space<vmem_shared>>
        %dma_wait3A_254 = arith.constant 0 : i32
        %dma_wait3A_255 = arith.constant 0 : i32
        %dma_wait3A_256 = tpu.memref_slice %arg5[%dma_wait3A_254, %dma_wait3A_255] : memref<632x128xf32, #tpu.memory_space<hbm>> -> memref<528x128xf32, #tpu.memory_space<hbm>>
        tpu.wait_dma2 semaphore(%run_scoped3A_244 : memref<!tpu.dma_semaphore, #tpu.memory_space<semaphore_mem>>) src(%dma_wait3A_256 : memref<528x128xf32, #tpu.memory_space<hbm>>) dst(%dma_wait3A_253 : memref<528x128xf32, #tpu.memory_space<vmem_shared>>)
        tpu.yield
      }) : () -> ()
    } else {
    }
    %barrier3A = arith.constant 0 : index
    tpu.barrier barrier_id(%barrier3A)
    %dma_wait3A = arith.constant 0 : i32
    %dma_wait3A_16 = tpu.memref_slice %arg7[%dma_wait3A] : memref<10080xi32, #tpu.memory_space<vmem>> -> memref<80xi32, #tpu.memory_space<vmem>>
    %dma_wait3A_17 = arith.constant 0 : i32
    %dma_wait3A_18 = arith.constant 0 : i32
    %dma_wait3A_19 = tpu.memref_slice %arg2[%dma_wait3A_17, %dma_wait3A_18] : memref<10000x128xf32, #tpu.memory_space<hbm>> -> memref<10000x128xf32, #tpu.memory_space<hbm>>
    tpu.wait_indirect_dma semaphore(%arg12 : memref<!tpu.dma_semaphore, #tpu.memory_space<semaphore_mem>>) src(%dma_wait3A_19 : memref<10000x128xf32, #tpu.memory_space<hbm>>) dst(%arg9 : memref<80x128xf32, #tpu.memory_space<vmem>>)
    %dma_start3A_20 = arith.constant 0 : i32
    %dma_start3A_21 = arith.constant 0 : i32
    %dma_start3A_22 = tpu.memref_slice %arg8[%dma_start3A_20, %dma_start3A_21] : memref<63x80xi32, #tpu.memory_space<vmem>> -> memref<1x80xi32, #tpu.memory_space<vmem>>
    %dma_start3A_23 = tpu.memref_squeeze %dma_start3A_22 : memref<1x80xi32, #tpu.memory_space<vmem>> -> memref<80xi32, #tpu.memory_space<vmem>>
    %dma_start3A_24 = arith.constant 0 : i32
    %dma_start3A_25 = arith.constant 0 : i32
    %dma_start3A_26 = tpu.memref_slice %arg18[%dma_start3A_24, %dma_start3A_25] : memref<10008x128xf32, #tpu.memory_space<vmem_shared>> -> memref<10008x128xf32, #tpu.memory_space<vmem_shared>>
    tpu.enqueue_indirect_dma source(%arg9 : memref<80x128xf32, #tpu.memory_space<vmem>>) target(%dma_start3A_26 : memref<10008x128xf32, #tpu.memory_space<vmem_shared>>) offsets(%dma_start3A_23 : memref<80xi32, #tpu.memory_space<vmem>>) semaphore(%arg15 : memref<!tpu.dma_semaphore, #tpu.memory_space<semaphore_mem>>) {add = true}
    %dma_start3A_27 = arith.constant 160 : i32
    %dma_start3A_28 = tpu.memref_slice %arg7[%dma_start3A_27] : memref<10080xi32, #tpu.memory_space<vmem>> -> memref<80xi32, #tpu.memory_space<vmem>>
    %dma_start3A_29 = arith.constant 0 : i32
    %dma_start3A_30 = arith.constant 0 : i32
    %dma_start3A_31 = tpu.memref_slice %arg2[%dma_start3A_29, %dma_start3A_30] : memref<10000x128xf32, #tpu.memory_space<hbm>> -> memref<10000x128xf32, #tpu.memory_space<hbm>>
    tpu.enqueue_indirect_dma source(%dma_start3A_31 : memref<10000x128xf32, #tpu.memory_space<hbm>>) target(%arg11 : memref<80x128xf32, #tpu.memory_space<vmem>>) offsets(%dma_start3A_28 : memref<80xi32, #tpu.memory_space<vmem>>) semaphore(%arg14 : memref<!tpu.dma_semaphore, #tpu.memory_space<semaphore_mem>>)
    %dma_wait3A_32 = arith.constant 0 : i32
    %dma_wait3A_33 = tpu.memref_slice %arg7[%dma_wait3A_32] : memref<10080xi32, #tpu.memory_space<vmem>> -> memref<80xi32, #tpu.memory_space<vmem>>
    %dma_wait3A_34 = arith.constant 0 : i32
    %dma_wait3A_35 = arith.constant 0 : i32
    %dma_wait3A_36 = tpu.memref_slice %arg2[%dma_wait3A_34, %dma_wait3A_35] : memref<10000x128xf32, #tpu.memory_space<hbm>> -> memref<10000x128xf32, #tpu.memory_space<hbm>>
    tpu.wait_indirect_dma semaphore(%arg13 : memref<!tpu.dma_semaphore, #tpu.memory_space<semaphore_mem>>) src(%dma_wait3A_36 : memref<10000x128xf32, #tpu.memory_space<hbm>>) dst(%arg10 : memref<80x128xf32, #tpu.memory_space<vmem>>)
    %dma_start3A_37 = arith.constant 1 : i32
    %dma_start3A_38 = arith.constant 0 : i32
    %dma_start3A_39 = tpu.memref_slice %arg8[%dma_start3A_37, %dma_start3A_38] : memref<63x80xi32, #tpu.memory_space<vmem>> -> memref<1x80xi32, #tpu.memory_space<vmem>>
    %dma_start3A_40 = tpu.memref_squeeze %dma_start3A_39 : memref<1x80xi32, #tpu.memory_space<vmem>> -> memref<80xi32, #tpu.memory_space<vmem>>
    %dma_start3A_41 = arith.constant 0 : i32
    %dma_start3A_42 = arith.constant 0 : i32
    %dma_start3A_43 = tpu.memref_slice %arg18[%dma_start3A_41, %dma_start3A_42] : memref<10008x128xf32, #tpu.memory_space<vmem_shared>> -> memref<10008x128xf32, #tpu.memory_space<vmem_shared>>
    tpu.enqueue_indirect_dma source(%arg10 : memref<80x128xf32, #tpu.memory_space<vmem>>) target(%dma_start3A_43 : memref<10008x128xf32, #tpu.memory_space<vmem_shared>>) offsets(%dma_start3A_40 : memref<80xi32, #tpu.memory_space<vmem>>) semaphore(%arg16 : memref<!tpu.dma_semaphore, #tpu.memory_space<semaphore_mem>>) {add = true}
    %dma_wait3A_44 = arith.constant 0 : i32
    %dma_wait3A_45 = arith.constant 0 : i32
    %dma_wait3A_46 = tpu.memref_slice %arg8[%dma_wait3A_44, %dma_wait3A_45] : memref<63x80xi32, #tpu.memory_space<vmem>> -> memref<1x80xi32, #tpu.memory_space<vmem>>
    %dma_wait3A_47 = tpu.memref_squeeze %dma_wait3A_46 : memref<1x80xi32, #tpu.memory_space<vmem>> -> memref<80xi32, #tpu.memory_space<vmem>>
    %dma_wait3A_48 = arith.constant 0 : i32
    %dma_wait3A_49 = arith.constant 0 : i32
    %dma_wait3A_50 = tpu.memref_slice %arg18[%dma_wait3A_48, %dma_wait3A_49] : memref<10008x128xf32, #tpu.memory_space<vmem_shared>> -> memref<10008x128xf32, #tpu.memory_space<vmem_shared>>
    tpu.wait_indirect_dma semaphore(%arg15 : memref<!tpu.dma_semaphore, #tpu.memory_space<semaphore_mem>>) src(%arg9 : memref<80x128xf32, #tpu.memory_space<vmem>>) dst(%dma_wait3A_50 : memref<10008x128xf32, #tpu.memory_space<vmem_shared>>)
    %dma_start3A_51 = arith.constant 240 : i32
    %dma_start3A_52 = tpu.memref_slice %arg7[%dma_start3A_51] : memref<10080xi32, #tpu.memory_space<vmem>> -> memref<80xi32, #tpu.memory_space<vmem>>
    %dma_start3A_53 = arith.constant 0 : i32
    %dma_start3A_54 = arith.constant 0 : i32
    %dma_start3A_55 = tpu.memref_slice %arg2[%dma_start3A_53, %dma_start3A_54] : memref<10000x128xf32, #tpu.memory_space<hbm>> -> memref<10000x128xf32, #tpu.memory_space<hbm>>
    tpu.enqueue_indirect_dma source(%dma_start3A_55 : memref<10000x128xf32, #tpu.memory_space<hbm>>) target(%arg9 : memref<80x128xf32, #tpu.memory_space<vmem>>) offsets(%dma_start3A_52 : memref<80xi32, #tpu.memory_space<vmem>>) semaphore(%arg12 : memref<!tpu.dma_semaphore, #tpu.memory_space<semaphore_mem>>)
    %scan3A = arith.constant 0 : i32
    %scan3A_56 = arith.constant 0 : i32
    %scan3A_57 = arith.constant 20 : i32
    %scan3A_58 = arith.addi %scan3A_56, %scan3A_57 : i32
    %scan3A_59 = arith.constant 1 : i32
    scf.for %scan3A_244 = %scan3A_56 to %scan3A_58 step %scan3A_59  : i32 {
      %mul3A_245 = arith.constant 3 : i32
      %mul3A_246 = arith.muli %mul3A_245, %scan3A_244 : i32
      %add3A_247 = arith.constant 2 : i32
      %add3A_248 = arith.addi %add3A_247, %mul3A_246 : i32
      %dma_wait3A_249 = arith.constant 0 : i32
      %dma_wait3A_250 = tpu.memref_slice %arg7[%dma_wait3A_249] : memref<10080xi32, #tpu.memory_space<vmem>> -> memref<80xi32, #tpu.memory_space<vmem>>
      %dma_wait3A_251 = arith.constant 0 : i32
      %dma_wait3A_252 = arith.constant 0 : i32
      %dma_wait3A_253 = tpu.memref_slice %arg2[%dma_wait3A_251, %dma_wait3A_252] : memref<10000x128xf32, #tpu.memory_space<hbm>> -> memref<10000x128xf32, #tpu.memory_space<hbm>>
      tpu.wait_indirect_dma semaphore(%arg14 : memref<!tpu.dma_semaphore, #tpu.memory_space<semaphore_mem>>) src(%dma_wait3A_253 : memref<10000x128xf32, #tpu.memory_space<hbm>>) dst(%arg11 : memref<80x128xf32, #tpu.memory_space<vmem>>)
      %dma_start3A_254 = arith.constant 0 : i32
      %dma_start3A_255 = tpu.memref_slice %arg8[%add3A_248, %dma_start3A_254] : memref<63x80xi32, #tpu.memory_space<vmem>> -> memref<1x80xi32, #tpu.memory_space<vmem>>
      %dma_start3A_256 = tpu.memref_squeeze %dma_start3A_255 : memref<1x80xi32, #tpu.memory_space<vmem>> -> memref<80xi32, #tpu.memory_space<vmem>>
      %dma_start3A_257 = arith.constant 0 : i32
      %dma_start3A_258 = arith.constant 0 : i32
      %dma_start3A_259 = tpu.memref_slice %arg18[%dma_start3A_257, %dma_start3A_258] : memref<10008x128xf32, #tpu.memory_space<vmem_shared>> -> memref<10008x128xf32, #tpu.memory_space<vmem_shared>>
      tpu.enqueue_indirect_dma source(%arg11 : memref<80x128xf32, #tpu.memory_space<vmem>>) target(%dma_start3A_259 : memref<10008x128xf32, #tpu.memory_space<vmem_shared>>) offsets(%dma_start3A_256 : memref<80xi32, #tpu.memory_space<vmem>>) semaphore(%arg17 : memref<!tpu.dma_semaphore, #tpu.memory_space<semaphore_mem>>) {add = true}
      %dma_wait3A_260 = arith.constant 0 : i32
      %dma_wait3A_261 = arith.constant 0 : i32
      %dma_wait3A_262 = tpu.memref_slice %arg8[%dma_wait3A_260, %dma_wait3A_261] : memref<63x80xi32, #tpu.memory_space<vmem>> -> memref<1x80xi32, #tpu.memory_space<vmem>>
      %dma_wait3A_263 = tpu.memref_squeeze %dma_wait3A_262 : memref<1x80xi32, #tpu.memory_space<vmem>> -> memref<80xi32, #tpu.memory_space<vmem>>
      %dma_wait3A_264 = arith.constant 0 : i32
      %dma_wait3A_265 = arith.constant 0 : i32
      %dma_wait3A_266 = tpu.memref_slice %arg18[%dma_wait3A_264, %dma_wait3A_265] : memref<10008x128xf32, #tpu.memory_space<vmem_shared>> -> memref<10008x128xf32, #tpu.memory_space<vmem_shared>>
      tpu.wait_indirect_dma semaphore(%arg16 : memref<!tpu.dma_semaphore, #tpu.memory_space<semaphore_mem>>) src(%arg10 : memref<80x128xf32, #tpu.memory_space<vmem>>) dst(%dma_wait3A_266 : memref<10008x128xf32, #tpu.memory_space<vmem_shared>>)
      %add3A_267 = arith.constant 2 : i32
      %add3A_268 = arith.addi %add3A_248, %add3A_267 : i32
      %mul3A_269 = arith.constant 80 : i32
      %mul3A_270 = arith.muli %add3A_268, %mul3A_269 : i32
      %dma_start3A_271 = tpu.memref_slice %arg7[%mul3A_270] : memref<10080xi32, #tpu.memory_space<vmem>> -> memref<80xi32, #tpu.memory_space<vmem>>
      %dma_start3A_272 = arith.constant 0 : i32
      %dma_start3A_273 = arith.constant 0 : i32
      %dma_start3A_274 = tpu.memref_slice %arg2[%dma_start3A_272, %dma_start3A_273] : memref<10000x128xf32, #tpu.memory_space<hbm>> -> memref<10000x128xf32, #tpu.memory_space<hbm>>
      tpu.enqueue_indirect_dma source(%dma_start3A_274 : memref<10000x128xf32, #tpu.memory_space<hbm>>) target(%arg10 : memref<80x128xf32, #tpu.memory_space<vmem>>) offsets(%dma_start3A_271 : memref<80xi32, #tpu.memory_space<vmem>>) semaphore(%arg13 : memref<!tpu.dma_semaphore, #tpu.memory_space<semaphore_mem>>)
      %add3A_275 = arith.constant 1 : i32
      %add3A_276 = arith.addi %add3A_248, %add3A_275 : i32
      %add3A_277 = arith.constant 1 : i32
      %add3A_278 = arith.addi %add3A_248, %add3A_277 : i32
      %dma_wait3A_279 = arith.constant 0 : i32
      %dma_wait3A_280 = tpu.memref_slice %arg7[%dma_wait3A_279] : memref<10080xi32, #tpu.memory_space<vmem>> -> memref<80xi32, #tpu.memory_space<vmem>>
      %dma_wait3A_281 = arith.constant 0 : i32
      %dma_wait3A_282 = arith.constant 0 : i32
      %dma_wait3A_283 = tpu.memref_slice %arg2[%dma_wait3A_281, %dma_wait3A_282] : memref<10000x128xf32, #tpu.memory_space<hbm>> -> memref<10000x128xf32, #tpu.memory_space<hbm>>
      tpu.wait_indirect_dma semaphore(%arg12 : memref<!tpu.dma_semaphore, #tpu.memory_space<semaphore_mem>>) src(%dma_wait3A_283 : memref<10000x128xf32, #tpu.memory_space<hbm>>) dst(%arg9 : memref<80x128xf32, #tpu.memory_space<vmem>>)
      %dma_start3A_284 = arith.constant 0 : i32
      %dma_start3A_285 = tpu.memref_slice %arg8[%add3A_278, %dma_start3A_284] : memref<63x80xi32, #tpu.memory_space<vmem>> -> memref<1x80xi32, #tpu.memory_space<vmem>>
      %dma_start3A_286 = tpu.memref_squeeze %dma_start3A_285 : memref<1x80xi32, #tpu.memory_space<vmem>> -> memref<80xi32, #tpu.memory_space<vmem>>
      %dma_start3A_287 = arith.constant 0 : i32
      %dma_start3A_288 = arith.constant 0 : i32
      %dma_start3A_289 = tpu.memref_slice %arg18[%dma_start3A_287, %dma_start3A_288] : memref<10008x128xf32, #tpu.memory_space<vmem_shared>> -> memref<10008x128xf32, #tpu.memory_space<vmem_shared>>
      tpu.enqueue_indirect_dma source(%arg9 : memref<80x128xf32, #tpu.memory_space<vmem>>) target(%dma_start3A_289 : memref<10008x128xf32, #tpu.memory_space<vmem_shared>>) offsets(%dma_start3A_286 : memref<80xi32, #tpu.memory_space<vmem>>) semaphore(%arg15 : memref<!tpu.dma_semaphore, #tpu.memory_space<semaphore_mem>>) {add = true}
      %dma_wait3A_290 = arith.constant 0 : i32
      %dma_wait3A_291 = arith.constant 0 : i32
      %dma_wait3A_292 = tpu.memref_slice %arg8[%dma_wait3A_290, %dma_wait3A_291] : memref<63x80xi32, #tpu.memory_space<vmem>> -> memref<1x80xi32, #tpu.memory_space<vmem>>
      %dma_wait3A_293 = tpu.memref_squeeze %dma_wait3A_292 : memref<1x80xi32, #tpu.memory_space<vmem>> -> memref<80xi32, #tpu.memory_space<vmem>>
      %dma_wait3A_294 = arith.constant 0 : i32
      %dma_wait3A_295 = arith.constant 0 : i32
      %dma_wait3A_296 = tpu.memref_slice %arg18[%dma_wait3A_294, %dma_wait3A_295] : memref<10008x128xf32, #tpu.memory_space<vmem_shared>> -> memref<10008x128xf32, #tpu.memory_space<vmem_shared>>
      tpu.wait_indirect_dma semaphore(%arg17 : memref<!tpu.dma_semaphore, #tpu.memory_space<semaphore_mem>>) src(%arg11 : memref<80x128xf32, #tpu.memory_space<vmem>>) dst(%dma_wait3A_296 : memref<10008x128xf32, #tpu.memory_space<vmem_shared>>)
      %add3A_297 = arith.constant 2 : i32
      %add3A_298 = arith.addi %add3A_276, %add3A_297 : i32
      %mul3A_299 = arith.constant 80 : i32
      %mul3A_300 = arith.muli %add3A_298, %mul3A_299 : i32
      %dma_start3A_301 = tpu.memref_slice %arg7[%mul3A_300] : memref<10080xi32, #tpu.memory_space<vmem>> -> memref<80xi32, #tpu.memory_space<vmem>>
      %dma_start3A_302 = arith.constant 0 : i32
      %dma_start3A_303 = arith.constant 0 : i32
      %dma_start3A_304 = tpu.memref_slice %arg2[%dma_start3A_302, %dma_start3A_303] : memref<10000x128xf32, #tpu.memory_space<hbm>> -> memref<10000x128xf32, #tpu.memory_space<hbm>>
      tpu.enqueue_indirect_dma source(%dma_start3A_304 : memref<10000x128xf32, #tpu.memory_space<hbm>>) target(%arg11 : memref<80x128xf32, #tpu.memory_space<vmem>>) offsets(%dma_start3A_301 : memref<80xi32, #tpu.memory_space<vmem>>) semaphore(%arg14 : memref<!tpu.dma_semaphore, #tpu.memory_space<semaphore_mem>>)
      %add3A_305 = arith.constant 2 : i32
      %add3A_306 = arith.addi %add3A_248, %add3A_305 : i32
      %add3A_307 = arith.constant 2 : i32
      %add3A_308 = arith.addi %add3A_248, %add3A_307 : i32
      %dma_wait3A_309 = arith.constant 0 : i32
      %dma_wait3A_310 = tpu.memref_slice %arg7[%dma_wait3A_309] : memref<10080xi32, #tpu.memory_space<vmem>> -> memref<80xi32, #tpu.memory_space<vmem>>
      %dma_wait3A_311 = arith.constant 0 : i32
      %dma_wait3A_312 = arith.constant 0 : i32
      %dma_wait3A_313 = tpu.memref_slice %arg2[%dma_wait3A_311, %dma_wait3A_312] : memref<10000x128xf32, #tpu.memory_space<hbm>> -> memref<10000x128xf32, #tpu.memory_space<hbm>>
      tpu.wait_indirect_dma semaphore(%arg13 : memref<!tpu.dma_semaphore, #tpu.memory_space<semaphore_mem>>) src(%dma_wait3A_313 : memref<10000x128xf32, #tpu.memory_space<hbm>>) dst(%arg10 : memref<80x128xf32, #tpu.memory_space<vmem>>)
      %dma_start3A_314 = arith.constant 0 : i32
      %dma_start3A_315 = tpu.memref_slice %arg8[%add3A_308, %dma_start3A_314] : memref<63x80xi32, #tpu.memory_space<vmem>> -> memref<1x80xi32, #tpu.memory_space<vmem>>
      %dma_start3A_316 = tpu.memref_squeeze %dma_start3A_315 : memref<1x80xi32, #tpu.memory_space<vmem>> -> memref<80xi32, #tpu.memory_space<vmem>>
      %dma_start3A_317 = arith.constant 0 : i32
      %dma_start3A_318 = arith.constant 0 : i32
      %dma_start3A_319 = tpu.memref_slice %arg18[%dma_start3A_317, %dma_start3A_318] : memref<10008x128xf32, #tpu.memory_space<vmem_shared>> -> memref<10008x128xf32, #tpu.memory_space<vmem_shared>>
      tpu.enqueue_indirect_dma source(%arg10 : memref<80x128xf32, #tpu.memory_space<vmem>>) target(%dma_start3A_319 : memref<10008x128xf32, #tpu.memory_space<vmem_shared>>) offsets(%dma_start3A_316 : memref<80xi32, #tpu.memory_space<vmem>>) semaphore(%arg16 : memref<!tpu.dma_semaphore, #tpu.memory_space<semaphore_mem>>) {add = true}
      %dma_wait3A_320 = arith.constant 0 : i32
      %dma_wait3A_321 = arith.constant 0 : i32
      %dma_wait3A_322 = tpu.memref_slice %arg8[%dma_wait3A_320, %dma_wait3A_321] : memref<63x80xi32, #tpu.memory_space<vmem>> -> memref<1x80xi32, #tpu.memory_space<vmem>>
      %dma_wait3A_323 = tpu.memref_squeeze %dma_wait3A_322 : memref<1x80xi32, #tpu.memory_space<vmem>> -> memref<80xi32, #tpu.memory_space<vmem>>
      %dma_wait3A_324 = arith.constant 0 : i32
      %dma_wait3A_325 = arith.constant 0 : i32
      %dma_wait3A_326 = tpu.memref_slice %arg18[%dma_wait3A_324, %dma_wait3A_325] : memref<10008x128xf32, #tpu.memory_space<vmem_shared>> -> memref<10008x128xf32, #tpu.memory_space<vmem_shared>>
      tpu.wait_indirect_dma semaphore(%arg15 : memref<!tpu.dma_semaphore, #tpu.memory_space<semaphore_mem>>) src(%arg9 : memref<80x128xf32, #tpu.memory_space<vmem>>) dst(%dma_wait3A_326 : memref<10008x128xf32, #tpu.memory_space<vmem_shared>>)
      %add3A_327 = arith.constant 2 : i32
      %add3A_328 = arith.addi %add3A_306, %add3A_327 : i32
      %mul3A_329 = arith.constant 80 : i32
      %mul3A_330 = arith.muli %add3A_328, %mul3A_329 : i32
      %dma_start3A_331 = tpu.memref_slice %arg7[%mul3A_330] : memref<10080xi32, #tpu.memory_space<vmem>> -> memref<80xi32, #tpu.memory_space<vmem>>
      %dma_start3A_332 = arith.constant 0 : i32
      %dma_start3A_333 = arith.constant 0 : i32
      %dma_start3A_334 = tpu.memref_slice %arg2[%dma_start3A_332, %dma_start3A_333] : memref<10000x128xf32, #tpu.memory_space<hbm>> -> memref<10000x128xf32, #tpu.memory_space<hbm>>
      tpu.enqueue_indirect_dma source(%dma_start3A_334 : memref<10000x128xf32, #tpu.memory_space<hbm>>) target(%arg9 : memref<80x128xf32, #tpu.memory_space<vmem>>) offsets(%dma_start3A_331 : memref<80xi32, #tpu.memory_space<vmem>>) semaphore(%arg12 : memref<!tpu.dma_semaphore, #tpu.memory_space<semaphore_mem>>)
    }
    %scan3A_60 = arith.constant 20 : i32
    %dma_wait3A_61 = arith.constant 0 : i32
    %dma_wait3A_62 = tpu.memref_slice %arg7[%dma_wait3A_61] : memref<10080xi32, #tpu.memory_space<vmem>> -> memref<80xi32, #tpu.memory_space<vmem>>
    %dma_wait3A_63 = arith.constant 0 : i32
    %dma_wait3A_64 = arith.constant 0 : i32
    %dma_wait3A_65 = tpu.memref_slice %arg2[%dma_wait3A_63, %dma_wait3A_64] : memref<10000x128xf32, #tpu.memory_space<hbm>> -> memref<10000x128xf32, #tpu.memory_space<hbm>>
    tpu.wait_indirect_dma semaphore(%arg14 : memref<!tpu.dma_semaphore, #tpu.memory_space<semaphore_mem>>) src(%dma_wait3A_65 : memref<10000x128xf32, #tpu.memory_space<hbm>>) dst(%arg11 : memref<80x128xf32, #tpu.memory_space<vmem>>)
    %dma_start3A_66 = arith.constant 62 : i32
    %dma_start3A_67 = arith.constant 0 : i32
    %dma_start3A_68 = tpu.memref_slice %arg8[%dma_start3A_66, %dma_start3A_67] : memref<63x80xi32, #tpu.memory_space<vmem>> -> memref<1x80xi32, #tpu.memory_space<vmem>>
    %dma_start3A_69 = tpu.memref_squeeze %dma_start3A_68 : memref<1x80xi32, #tpu.memory_space<vmem>> -> memref<80xi32, #tpu.memory_space<vmem>>
    %dma_start3A_70 = arith.constant 0 : i32
    %dma_start3A_71 = arith.constant 0 : i32
    %dma_start3A_72 = tpu.memref_slice %arg18[%dma_start3A_70, %dma_start3A_71] : memref<10008x128xf32, #tpu.memory_space<vmem_shared>> -> memref<10008x128xf32, #tpu.memory_space<vmem_shared>>
    tpu.enqueue_indirect_dma source(%arg11 : memref<80x128xf32, #tpu.memory_space<vmem>>) target(%dma_start3A_72 : memref<10008x128xf32, #tpu.memory_space<vmem_shared>>) offsets(%dma_start3A_69 : memref<80xi32, #tpu.memory_space<vmem>>) semaphore(%arg17 : memref<!tpu.dma_semaphore, #tpu.memory_space<semaphore_mem>>) {add = true}
    %dma_wait3A_73 = arith.constant 0 : i32
    %dma_wait3A_74 = arith.constant 0 : i32
    %dma_wait3A_75 = tpu.memref_slice %arg8[%dma_wait3A_73, %dma_wait3A_74] : memref<63x80xi32, #tpu.memory_space<vmem>> -> memref<1x80xi32, #tpu.memory_space<vmem>>
    %dma_wait3A_76 = tpu.memref_squeeze %dma_wait3A_75 : memref<1x80xi32, #tpu.memory_space<vmem>> -> memref<80xi32, #tpu.memory_space<vmem>>
    %dma_wait3A_77 = arith.constant 0 : i32
    %dma_wait3A_78 = arith.constant 0 : i32
    %dma_wait3A_79 = tpu.memref_slice %arg18[%dma_wait3A_77, %dma_wait3A_78] : memref<10008x128xf32, #tpu.memory_space<vmem_shared>> -> memref<10008x128xf32, #tpu.memory_space<vmem_shared>>
    tpu.wait_indirect_dma semaphore(%arg16 : memref<!tpu.dma_semaphore, #tpu.memory_space<semaphore_mem>>) src(%arg10 : memref<80x128xf32, #tpu.memory_space<vmem>>) dst(%dma_wait3A_79 : memref<10008x128xf32, #tpu.memory_space<vmem_shared>>)
    %dma_start3A_80 = arith.constant 5120 : i32
    %dma_start3A_81 = tpu.memref_slice %arg7[%dma_start3A_80] : memref<10080xi32, #tpu.memory_space<vmem>> -> memref<80xi32, #tpu.memory_space<vmem>>
    %dma_start3A_82 = arith.constant 0 : i32
    %dma_start3A_83 = arith.constant 0 : i32
    %dma_start3A_84 = tpu.memref_slice %arg2[%dma_start3A_82, %dma_start3A_83] : memref<10000x128xf32, #tpu.memory_space<hbm>> -> memref<10000x128xf32, #tpu.memory_space<hbm>>
    tpu.enqueue_indirect_dma source(%dma_start3A_84 : memref<10000x128xf32, #tpu.memory_space<hbm>>) target(%arg10 : memref<80x128xf32, #tpu.memory_space<vmem>>) offsets(%dma_start3A_81 : memref<80xi32, #tpu.memory_space<vmem>>) semaphore(%arg13 : memref<!tpu.dma_semaphore, #tpu.memory_space<semaphore_mem>>)
    %dma_wait3A_85 = arith.constant 0 : i32
    %dma_wait3A_86 = arith.constant 0 : i32
    %dma_wait3A_87 = tpu.memref_slice %arg8[%dma_wait3A_85, %dma_wait3A_86] : memref<63x80xi32, #tpu.memory_space<vmem>> -> memref<1x80xi32, #tpu.memory_space<vmem>>
    %dma_wait3A_88 = tpu.memref_squeeze %dma_wait3A_87 : memref<1x80xi32, #tpu.memory_space<vmem>> -> memref<80xi32, #tpu.memory_space<vmem>>
    %dma_wait3A_89 = arith.constant 0 : i32
    %dma_wait3A_90 = arith.constant 0 : i32
    %dma_wait3A_91 = tpu.memref_slice %arg18[%dma_wait3A_89, %dma_wait3A_90] : memref<10008x128xf32, #tpu.memory_space<vmem_shared>> -> memref<10008x128xf32, #tpu.memory_space<vmem_shared>>
    tpu.wait_indirect_dma semaphore(%arg17 : memref<!tpu.dma_semaphore, #tpu.memory_space<semaphore_mem>>) src(%arg11 : memref<80x128xf32, #tpu.memory_space<vmem>>) dst(%dma_wait3A_91 : memref<10008x128xf32, #tpu.memory_space<vmem_shared>>)
    %run_scoped3A_92 = arith.constant 1 : i32
    "tpu.region"() ({
      %run_scoped3A_244 = tpu.sem_alloc : memref<!tpu.dma_semaphore, #tpu.memory_space<semaphore_mem>>
      %dma_start3A_245 = arith.constant 0 : i32
      %dma_start3A_246 = arith.constant 0 : i32
      %dma_start3A_247 = tpu.memref_slice %arg4[%add3A, %run_scoped3A_92, %dma_start3A_245, %dma_start3A_246] : memref<32x2x63x80xi32, #tpu.memory_space<hbm>> -> memref<1x1x63x80xi32, #tpu.memory_space<hbm>>
      %dma_start3A_248 = tpu.memref_squeeze %dma_start3A_247 : memref<1x1x63x80xi32, #tpu.memory_space<hbm>> -> memref<63x80xi32, #tpu.memory_space<hbm>>
      %dma_start3A_249 = arith.constant 0 : i32
      %dma_start3A_250 = arith.constant 0 : i32
      %dma_start3A_251 = tpu.memref_slice %arg4[%add3A, %run_scoped3A_92, %dma_start3A_249, %dma_start3A_250] : memref<32x2x63x80xi32, #tpu.memory_space<hbm>> -> memref<1x1x63x80xi32, #tpu.memory_space<hbm>>
      %dma_start3A_252 = tpu.memref_squeeze %dma_start3A_251 : memref<1x1x63x80xi32, #tpu.memory_space<hbm>> -> memref<63x80xi32, #tpu.memory_space<hbm>>
      tpu.enqueue_dma source(%dma_start3A_252 : memref<63x80xi32, #tpu.memory_space<hbm>>) target(%arg8 : memref<63x80xi32, #tpu.memory_space<vmem>>) target_semaphore(%run_scoped3A_244 : memref<!tpu.dma_semaphore, #tpu.memory_space<semaphore_mem>>)
      %dma_wait3A_253 = arith.constant 0 : i32
      %dma_wait3A_254 = arith.constant 0 : i32
      %dma_wait3A_255 = tpu.memref_slice %arg4[%add3A, %run_scoped3A_92, %dma_wait3A_253, %dma_wait3A_254] : memref<32x2x63x80xi32, #tpu.memory_space<hbm>> -> memref<1x1x63x80xi32, #tpu.memory_space<hbm>>
      %dma_wait3A_256 = tpu.memref_squeeze %dma_wait3A_255 : memref<1x1x63x80xi32, #tpu.memory_space<hbm>> -> memref<63x80xi32, #tpu.memory_space<hbm>>
      %dma_wait3A_257 = arith.constant 0 : i32
      %dma_wait3A_258 = arith.constant 0 : i32
      %dma_wait3A_259 = tpu.memref_slice %arg4[%add3A, %run_scoped3A_92, %dma_wait3A_257, %dma_wait3A_258] : memref<32x2x63x80xi32, #tpu.memory_space<hbm>> -> memref<1x1x63x80xi32, #tpu.memory_space<hbm>>
      %dma_wait3A_260 = tpu.memref_squeeze %dma_wait3A_259 : memref<1x1x63x80xi32, #tpu.memory_space<hbm>> -> memref<63x80xi32, #tpu.memory_space<hbm>>
      tpu.wait_dma2 semaphore(%run_scoped3A_244 : memref<!tpu.dma_semaphore, #tpu.memory_space<semaphore_mem>>) src(%dma_wait3A_260 : memref<63x80xi32, #tpu.memory_space<hbm>>) dst(%arg8 : memref<63x80xi32, #tpu.memory_space<vmem>>)
      tpu.yield
    }) : () -> ()
    %dma_wait3A_93 = arith.constant 0 : i32
    %dma_wait3A_94 = tpu.memref_slice %arg7[%dma_wait3A_93] : memref<10080xi32, #tpu.memory_space<vmem>> -> memref<80xi32, #tpu.memory_space<vmem>>
    %dma_wait3A_95 = arith.constant 0 : i32
    %dma_wait3A_96 = arith.constant 0 : i32
    %dma_wait3A_97 = tpu.memref_slice %arg2[%dma_wait3A_95, %dma_wait3A_96] : memref<10000x128xf32, #tpu.memory_space<hbm>> -> memref<10000x128xf32, #tpu.memory_space<hbm>>
    tpu.wait_indirect_dma semaphore(%arg12 : memref<!tpu.dma_semaphore, #tpu.memory_space<semaphore_mem>>) src(%dma_wait3A_97 : memref<10000x128xf32, #tpu.memory_space<hbm>>) dst(%arg9 : memref<80x128xf32, #tpu.memory_space<vmem>>)
    %dma_start3A_98 = arith.constant 0 : i32
    %dma_start3A_99 = arith.constant 0 : i32
    %dma_start3A_100 = tpu.memref_slice %arg8[%dma_start3A_98, %dma_start3A_99] : memref<63x80xi32, #tpu.memory_space<vmem>> -> memref<1x80xi32, #tpu.memory_space<vmem>>
    %dma_start3A_101 = tpu.memref_squeeze %dma_start3A_100 : memref<1x80xi32, #tpu.memory_space<vmem>> -> memref<80xi32, #tpu.memory_space<vmem>>
    %dma_start3A_102 = arith.constant 0 : i32
    %dma_start3A_103 = arith.constant 0 : i32
    %dma_start3A_104 = tpu.memref_slice %arg18[%dma_start3A_102, %dma_start3A_103] : memref<10008x128xf32, #tpu.memory_space<vmem_shared>> -> memref<10008x128xf32, #tpu.memory_space<vmem_shared>>
    tpu.enqueue_indirect_dma source(%arg9 : memref<80x128xf32, #tpu.memory_space<vmem>>) target(%dma_start3A_104 : memref<10008x128xf32, #tpu.memory_space<vmem_shared>>) offsets(%dma_start3A_101 : memref<80xi32, #tpu.memory_space<vmem>>) semaphore(%arg15 : memref<!tpu.dma_semaphore, #tpu.memory_space<semaphore_mem>>) {add = true}
    %dma_start3A_105 = arith.constant 5200 : i32
    %dma_start3A_106 = tpu.memref_slice %arg7[%dma_start3A_105] : memref<10080xi32, #tpu.memory_space<vmem>> -> memref<80xi32, #tpu.memory_space<vmem>>
    %dma_start3A_107 = arith.constant 0 : i32
    %dma_start3A_108 = arith.constant 0 : i32
    %dma_start3A_109 = tpu.memref_slice %arg2[%dma_start3A_107, %dma_start3A_108] : memref<10000x128xf32, #tpu.memory_space<hbm>> -> memref<10000x128xf32, #tpu.memory_space<hbm>>
    tpu.enqueue_indirect_dma source(%dma_start3A_109 : memref<10000x128xf32, #tpu.memory_space<hbm>>) target(%arg11 : memref<80x128xf32, #tpu.memory_space<vmem>>) offsets(%dma_start3A_106 : memref<80xi32, #tpu.memory_space<vmem>>) semaphore(%arg14 : memref<!tpu.dma_semaphore, #tpu.memory_space<semaphore_mem>>)
    %dma_wait3A_110 = arith.constant 0 : i32
    %dma_wait3A_111 = tpu.memref_slice %arg7[%dma_wait3A_110] : memref<10080xi32, #tpu.memory_space<vmem>> -> memref<80xi32, #tpu.memory_space<vmem>>
    %dma_wait3A_112 = arith.constant 0 : i32
    %dma_wait3A_113 = arith.constant 0 : i32
    %dma_wait3A_114 = tpu.memref_slice %arg2[%dma_wait3A_112, %dma_wait3A_113] : memref<10000x128xf32, #tpu.memory_space<hbm>> -> memref<10000x128xf32, #tpu.memory_space<hbm>>
    tpu.wait_indirect_dma semaphore(%arg13 : memref<!tpu.dma_semaphore, #tpu.memory_space<semaphore_mem>>) src(%dma_wait3A_114 : memref<10000x128xf32, #tpu.memory_space<hbm>>) dst(%arg10 : memref<80x128xf32, #tpu.memory_space<vmem>>)
    %dma_start3A_115 = arith.constant 1 : i32
    %dma_start3A_116 = arith.constant 0 : i32
    %dma_start3A_117 = tpu.memref_slice %arg8[%dma_start3A_115, %dma_start3A_116] : memref<63x80xi32, #tpu.memory_space<vmem>> -> memref<1x80xi32, #tpu.memory_space<vmem>>
    %dma_start3A_118 = tpu.memref_squeeze %dma_start3A_117 : memref<1x80xi32, #tpu.memory_space<vmem>> -> memref<80xi32, #tpu.memory_space<vmem>>
    %dma_start3A_119 = arith.constant 0 : i32
    %dma_start3A_120 = arith.constant 0 : i32
    %dma_start3A_121 = tpu.memref_slice %arg18[%dma_start3A_119, %dma_start3A_120] : memref<10008x128xf32, #tpu.memory_space<vmem_shared>> -> memref<10008x128xf32, #tpu.memory_space<vmem_shared>>
    tpu.enqueue_indirect_dma source(%arg10 : memref<80x128xf32, #tpu.memory_space<vmem>>) target(%dma_start3A_121 : memref<10008x128xf32, #tpu.memory_space<vmem_shared>>) offsets(%dma_start3A_118 : memref<80xi32, #tpu.memory_space<vmem>>) semaphore(%arg16 : memref<!tpu.dma_semaphore, #tpu.memory_space<semaphore_mem>>) {add = true}
    %dma_wait3A_122 = arith.constant 0 : i32
    %dma_wait3A_123 = arith.constant 0 : i32
    %dma_wait3A_124 = tpu.memref_slice %arg8[%dma_wait3A_122, %dma_wait3A_123] : memref<63x80xi32, #tpu.memory_space<vmem>> -> memref<1x80xi32, #tpu.memory_space<vmem>>
    %dma_wait3A_125 = tpu.memref_squeeze %dma_wait3A_124 : memref<1x80xi32, #tpu.memory_space<vmem>> -> memref<80xi32, #tpu.memory_space<vmem>>
    %dma_wait3A_126 = arith.constant 0 : i32
    %dma_wait3A_127 = arith.constant 0 : i32
    %dma_wait3A_128 = tpu.memref_slice %arg18[%dma_wait3A_126, %dma_wait3A_127] : memref<10008x128xf32, #tpu.memory_space<vmem_shared>> -> memref<10008x128xf32, #tpu.memory_space<vmem_shared>>
    tpu.wait_indirect_dma semaphore(%arg15 : memref<!tpu.dma_semaphore, #tpu.memory_space<semaphore_mem>>) src(%arg9 : memref<80x128xf32, #tpu.memory_space<vmem>>) dst(%dma_wait3A_128 : memref<10008x128xf32, #tpu.memory_space<vmem_shared>>)
    %dma_start3A_129 = arith.constant 5280 : i32
    %dma_start3A_130 = tpu.memref_slice %arg7[%dma_start3A_129] : memref<10080xi32, #tpu.memory_space<vmem>> -> memref<80xi32, #tpu.memory_space<vmem>>
    %dma_start3A_131 = arith.constant 0 : i32
    %dma_start3A_132 = arith.constant 0 : i32
    %dma_start3A_133 = tpu.memref_slice %arg2[%dma_start3A_131, %dma_start3A_132] : memref<10000x128xf32, #tpu.memory_space<hbm>> -> memref<10000x128xf32, #tpu.memory_space<hbm>>
    tpu.enqueue_indirect_dma source(%dma_start3A_133 : memref<10000x128xf32, #tpu.memory_space<hbm>>) target(%arg9 : memref<80x128xf32, #tpu.memory_space<vmem>>) offsets(%dma_start3A_130 : memref<80xi32, #tpu.memory_space<vmem>>) semaphore(%arg12 : memref<!tpu.dma_semaphore, #tpu.memory_space<semaphore_mem>>)
    %scan3A_134 = arith.constant 0 : i32
    %scan3A_135 = arith.constant 0 : i32
    %scan3A_136 = arith.constant 19 : i32
    %scan3A_137 = arith.addi %scan3A_135, %scan3A_136 : i32
    %scan3A_138 = arith.constant 1 : i32
    scf.for %scan3A_244 = %scan3A_135 to %scan3A_137 step %scan3A_138  : i32 {
      %mul3A_245 = arith.constant 3 : i32
      %mul3A_246 = arith.muli %mul3A_245, %scan3A_244 : i32
      %add3A_247 = arith.constant 65 : i32
      %add3A_248 = arith.addi %add3A_247, %mul3A_246 : i32
      %sub3A = arith.constant 63 : i32
      %sub3A_249 = arith.subi %add3A_248, %sub3A : i32
      %dma_wait3A_250 = arith.constant 0 : i32
      %dma_wait3A_251 = tpu.memref_slice %arg7[%dma_wait3A_250] : memref<10080xi32, #tpu.memory_space<vmem>> -> memref<80xi32, #tpu.memory_space<vmem>>
      %dma_wait3A_252 = arith.constant 0 : i32
      %dma_wait3A_253 = arith.constant 0 : i32
      %dma_wait3A_254 = tpu.memref_slice %arg2[%dma_wait3A_252, %dma_wait3A_253] : memref<10000x128xf32, #tpu.memory_space<hbm>> -> memref<10000x128xf32, #tpu.memory_space<hbm>>
      tpu.wait_indirect_dma semaphore(%arg14 : memref<!tpu.dma_semaphore, #tpu.memory_space<semaphore_mem>>) src(%dma_wait3A_254 : memref<10000x128xf32, #tpu.memory_space<hbm>>) dst(%arg11 : memref<80x128xf32, #tpu.memory_space<vmem>>)
      %dma_start3A_255 = arith.constant 0 : i32
      %dma_start3A_256 = tpu.memref_slice %arg8[%sub3A_249, %dma_start3A_255] : memref<63x80xi32, #tpu.memory_space<vmem>> -> memref<1x80xi32, #tpu.memory_space<vmem>>
      %dma_start3A_257 = tpu.memref_squeeze %dma_start3A_256 : memref<1x80xi32, #tpu.memory_space<vmem>> -> memref<80xi32, #tpu.memory_space<vmem>>
      %dma_start3A_258 = arith.constant 0 : i32
      %dma_start3A_259 = arith.constant 0 : i32
      %dma_start3A_260 = tpu.memref_slice %arg18[%dma_start3A_258, %dma_start3A_259] : memref<10008x128xf32, #tpu.memory_space<vmem_shared>> -> memref<10008x128xf32, #tpu.memory_space<vmem_shared>>
      tpu.enqueue_indirect_dma source(%arg11 : memref<80x128xf32, #tpu.memory_space<vmem>>) target(%dma_start3A_260 : memref<10008x128xf32, #tpu.memory_space<vmem_shared>>) offsets(%dma_start3A_257 : memref<80xi32, #tpu.memory_space<vmem>>) semaphore(%arg17 : memref<!tpu.dma_semaphore, #tpu.memory_space<semaphore_mem>>) {add = true}
      %dma_wait3A_261 = arith.constant 0 : i32
      %dma_wait3A_262 = arith.constant 0 : i32
      %dma_wait3A_263 = tpu.memref_slice %arg8[%dma_wait3A_261, %dma_wait3A_262] : memref<63x80xi32, #tpu.memory_space<vmem>> -> memref<1x80xi32, #tpu.memory_space<vmem>>
      %dma_wait3A_264 = tpu.memref_squeeze %dma_wait3A_263 : memref<1x80xi32, #tpu.memory_space<vmem>> -> memref<80xi32, #tpu.memory_space<vmem>>
      %dma_wait3A_265 = arith.constant 0 : i32
      %dma_wait3A_266 = arith.constant 0 : i32
      %dma_wait3A_267 = tpu.memref_slice %arg18[%dma_wait3A_265, %dma_wait3A_266] : memref<10008x128xf32, #tpu.memory_space<vmem_shared>> -> memref<10008x128xf32, #tpu.memory_space<vmem_shared>>
      tpu.wait_indirect_dma semaphore(%arg16 : memref<!tpu.dma_semaphore, #tpu.memory_space<semaphore_mem>>) src(%arg10 : memref<80x128xf32, #tpu.memory_space<vmem>>) dst(%dma_wait3A_267 : memref<10008x128xf32, #tpu.memory_space<vmem_shared>>)
      %add3A_268 = arith.constant 2 : i32
      %add3A_269 = arith.addi %add3A_248, %add3A_268 : i32
      %mul3A_270 = arith.constant 80 : i32
      %mul3A_271 = arith.muli %add3A_269, %mul3A_270 : i32
      %dma_start3A_272 = tpu.memref_slice %arg7[%mul3A_271] : memref<10080xi32, #tpu.memory_space<vmem>> -> memref<80xi32, #tpu.memory_space<vmem>>
      %dma_start3A_273 = arith.constant 0 : i32
      %dma_start3A_274 = arith.constant 0 : i32
      %dma_start3A_275 = tpu.memref_slice %arg2[%dma_start3A_273, %dma_start3A_274] : memref<10000x128xf32, #tpu.memory_space<hbm>> -> memref<10000x128xf32, #tpu.memory_space<hbm>>
      tpu.enqueue_indirect_dma source(%dma_start3A_275 : memref<10000x128xf32, #tpu.memory_space<hbm>>) target(%arg10 : memref<80x128xf32, #tpu.memory_space<vmem>>) offsets(%dma_start3A_272 : memref<80xi32, #tpu.memory_space<vmem>>) semaphore(%arg13 : memref<!tpu.dma_semaphore, #tpu.memory_space<semaphore_mem>>)
      %add3A_276 = arith.constant 1 : i32
      %add3A_277 = arith.addi %add3A_248, %add3A_276 : i32
      %sub3A_278 = arith.constant 62 : i32
      %sub3A_279 = arith.subi %add3A_248, %sub3A_278 : i32
      %dma_wait3A_280 = arith.constant 0 : i32
      %dma_wait3A_281 = tpu.memref_slice %arg7[%dma_wait3A_280] : memref<10080xi32, #tpu.memory_space<vmem>> -> memref<80xi32, #tpu.memory_space<vmem>>
      %dma_wait3A_282 = arith.constant 0 : i32
      %dma_wait3A_283 = arith.constant 0 : i32
      %dma_wait3A_284 = tpu.memref_slice %arg2[%dma_wait3A_282, %dma_wait3A_283] : memref<10000x128xf32, #tpu.memory_space<hbm>> -> memref<10000x128xf32, #tpu.memory_space<hbm>>
      tpu.wait_indirect_dma semaphore(%arg12 : memref<!tpu.dma_semaphore, #tpu.memory_space<semaphore_mem>>) src(%dma_wait3A_284 : memref<10000x128xf32, #tpu.memory_space<hbm>>) dst(%arg9 : memref<80x128xf32, #tpu.memory_space<vmem>>)
      %dma_start3A_285 = arith.constant 0 : i32
      %dma_start3A_286 = tpu.memref_slice %arg8[%sub3A_279, %dma_start3A_285] : memref<63x80xi32, #tpu.memory_space<vmem>> -> memref<1x80xi32, #tpu.memory_space<vmem>>
      %dma_start3A_287 = tpu.memref_squeeze %dma_start3A_286 : memref<1x80xi32, #tpu.memory_space<vmem>> -> memref<80xi32, #tpu.memory_space<vmem>>
      %dma_start3A_288 = arith.constant 0 : i32
      %dma_start3A_289 = arith.constant 0 : i32
      %dma_start3A_290 = tpu.memref_slice %arg18[%dma_start3A_288, %dma_start3A_289] : memref<10008x128xf32, #tpu.memory_space<vmem_shared>> -> memref<10008x128xf32, #tpu.memory_space<vmem_shared>>
      tpu.enqueue_indirect_dma source(%arg9 : memref<80x128xf32, #tpu.memory_space<vmem>>) target(%dma_start3A_290 : memref<10008x128xf32, #tpu.memory_space<vmem_shared>>) offsets(%dma_start3A_287 : memref<80xi32, #tpu.memory_space<vmem>>) semaphore(%arg15 : memref<!tpu.dma_semaphore, #tpu.memory_space<semaphore_mem>>) {add = true}
      %dma_wait3A_291 = arith.constant 0 : i32
      %dma_wait3A_292 = arith.constant 0 : i32
      %dma_wait3A_293 = tpu.memref_slice %arg8[%dma_wait3A_291, %dma_wait3A_292] : memref<63x80xi32, #tpu.memory_space<vmem>> -> memref<1x80xi32, #tpu.memory_space<vmem>>
      %dma_wait3A_294 = tpu.memref_squeeze %dma_wait3A_293 : memref<1x80xi32, #tpu.memory_space<vmem>> -> memref<80xi32, #tpu.memory_space<vmem>>
      %dma_wait3A_295 = arith.constant 0 : i32
      %dma_wait3A_296 = arith.constant 0 : i32
      %dma_wait3A_297 = tpu.memref_slice %arg18[%dma_wait3A_295, %dma_wait3A_296] : memref<10008x128xf32, #tpu.memory_space<vmem_shared>> -> memref<10008x128xf32, #tpu.memory_space<vmem_shared>>
      tpu.wait_indirect_dma semaphore(%arg17 : memref<!tpu.dma_semaphore, #tpu.memory_space<semaphore_mem>>) src(%arg11 : memref<80x128xf32, #tpu.memory_space<vmem>>) dst(%dma_wait3A_297 : memref<10008x128xf32, #tpu.memory_space<vmem_shared>>)
      %add3A_298 = arith.constant 2 : i32
      %add3A_299 = arith.addi %add3A_277, %add3A_298 : i32
      %mul3A_300 = arith.constant 80 : i32
      %mul3A_301 = arith.muli %add3A_299, %mul3A_300 : i32
      %dma_start3A_302 = tpu.memref_slice %arg7[%mul3A_301] : memref<10080xi32, #tpu.memory_space<vmem>> -> memref<80xi32, #tpu.memory_space<vmem>>
      %dma_start3A_303 = arith.constant 0 : i32
      %dma_start3A_304 = arith.constant 0 : i32
      %dma_start3A_305 = tpu.memref_slice %arg2[%dma_start3A_303, %dma_start3A_304] : memref<10000x128xf32, #tpu.memory_space<hbm>> -> memref<10000x128xf32, #tpu.memory_space<hbm>>
      tpu.enqueue_indirect_dma source(%dma_start3A_305 : memref<10000x128xf32, #tpu.memory_space<hbm>>) target(%arg11 : memref<80x128xf32, #tpu.memory_space<vmem>>) offsets(%dma_start3A_302 : memref<80xi32, #tpu.memory_space<vmem>>) semaphore(%arg14 : memref<!tpu.dma_semaphore, #tpu.memory_space<semaphore_mem>>)
      %add3A_306 = arith.constant 2 : i32
      %add3A_307 = arith.addi %add3A_248, %add3A_306 : i32
      %sub3A_308 = arith.constant 61 : i32
      %sub3A_309 = arith.subi %add3A_248, %sub3A_308 : i32
      %dma_wait3A_310 = arith.constant 0 : i32
      %dma_wait3A_311 = tpu.memref_slice %arg7[%dma_wait3A_310] : memref<10080xi32, #tpu.memory_space<vmem>> -> memref<80xi32, #tpu.memory_space<vmem>>
      %dma_wait3A_312 = arith.constant 0 : i32
      %dma_wait3A_313 = arith.constant 0 : i32
      %dma_wait3A_314 = tpu.memref_slice %arg2[%dma_wait3A_312, %dma_wait3A_313] : memref<10000x128xf32, #tpu.memory_space<hbm>> -> memref<10000x128xf32, #tpu.memory_space<hbm>>
      tpu.wait_indirect_dma semaphore(%arg13 : memref<!tpu.dma_semaphore, #tpu.memory_space<semaphore_mem>>) src(%dma_wait3A_314 : memref<10000x128xf32, #tpu.memory_space<hbm>>) dst(%arg10 : memref<80x128xf32, #tpu.memory_space<vmem>>)
      %dma_start3A_315 = arith.constant 0 : i32
      %dma_start3A_316 = tpu.memref_slice %arg8[%sub3A_309, %dma_start3A_315] : memref<63x80xi32, #tpu.memory_space<vmem>> -> memref<1x80xi32, #tpu.memory_space<vmem>>
      %dma_start3A_317 = tpu.memref_squeeze %dma_start3A_316 : memref<1x80xi32, #tpu.memory_space<vmem>> -> memref<80xi32, #tpu.memory_space<vmem>>
      %dma_start3A_318 = arith.constant 0 : i32
      %dma_start3A_319 = arith.constant 0 : i32
      %dma_start3A_320 = tpu.memref_slice %arg18[%dma_start3A_318, %dma_start3A_319] : memref<10008x128xf32, #tpu.memory_space<vmem_shared>> -> memref<10008x128xf32, #tpu.memory_space<vmem_shared>>
      tpu.enqueue_indirect_dma source(%arg10 : memref<80x128xf32, #tpu.memory_space<vmem>>) target(%dma_start3A_320 : memref<10008x128xf32, #tpu.memory_space<vmem_shared>>) offsets(%dma_start3A_317 : memref<80xi32, #tpu.memory_space<vmem>>) semaphore(%arg16 : memref<!tpu.dma_semaphore, #tpu.memory_space<semaphore_mem>>) {add = true}
      %dma_wait3A_321 = arith.constant 0 : i32
      %dma_wait3A_322 = arith.constant 0 : i32
      %dma_wait3A_323 = tpu.memref_slice %arg8[%dma_wait3A_321, %dma_wait3A_322] : memref<63x80xi32, #tpu.memory_space<vmem>> -> memref<1x80xi32, #tpu.memory_space<vmem>>
      %dma_wait3A_324 = tpu.memref_squeeze %dma_wait3A_323 : memref<1x80xi32, #tpu.memory_space<vmem>> -> memref<80xi32, #tpu.memory_space<vmem>>
      %dma_wait3A_325 = arith.constant 0 : i32
      %dma_wait3A_326 = arith.constant 0 : i32
      %dma_wait3A_327 = tpu.memref_slice %arg18[%dma_wait3A_325, %dma_wait3A_326] : memref<10008x128xf32, #tpu.memory_space<vmem_shared>> -> memref<10008x128xf32, #tpu.memory_space<vmem_shared>>
      tpu.wait_indirect_dma semaphore(%arg15 : memref<!tpu.dma_semaphore, #tpu.memory_space<semaphore_mem>>) src(%arg9 : memref<80x128xf32, #tpu.memory_space<vmem>>) dst(%dma_wait3A_327 : memref<10008x128xf32, #tpu.memory_space<vmem_shared>>)
      %add3A_328 = arith.constant 2 : i32
      %add3A_329 = arith.addi %add3A_307, %add3A_328 : i32
      %mul3A_330 = arith.constant 80 : i32
      %mul3A_331 = arith.muli %add3A_329, %mul3A_330 : i32
      %dma_start3A_332 = tpu.memref_slice %arg7[%mul3A_331] : memref<10080xi32, #tpu.memory_space<vmem>> -> memref<80xi32, #tpu.memory_space<vmem>>
      %dma_start3A_333 = arith.constant 0 : i32
      %dma_start3A_334 = arith.constant 0 : i32
      %dma_start3A_335 = tpu.memref_slice %arg2[%dma_start3A_333, %dma_start3A_334] : memref<10000x128xf32, #tpu.memory_space<hbm>> -> memref<10000x128xf32, #tpu.memory_space<hbm>>
      tpu.enqueue_indirect_dma source(%dma_start3A_335 : memref<10000x128xf32, #tpu.memory_space<hbm>>) target(%arg9 : memref<80x128xf32, #tpu.memory_space<vmem>>) offsets(%dma_start3A_332 : memref<80xi32, #tpu.memory_space<vmem>>) semaphore(%arg12 : memref<!tpu.dma_semaphore, #tpu.memory_space<semaphore_mem>>)
    }
    %scan3A_139 = arith.constant 19 : i32
    %dma_wait3A_140 = arith.constant 0 : i32
    %dma_wait3A_141 = tpu.memref_slice %arg7[%dma_wait3A_140] : memref<10080xi32, #tpu.memory_space<vmem>> -> memref<80xi32, #tpu.memory_space<vmem>>
    %dma_wait3A_142 = arith.constant 0 : i32
    %dma_wait3A_143 = arith.constant 0 : i32
    %dma_wait3A_144 = tpu.memref_slice %arg2[%dma_wait3A_142, %dma_wait3A_143] : memref<10000x128xf32, #tpu.memory_space<hbm>> -> memref<10000x128xf32, #tpu.memory_space<hbm>>
    tpu.wait_indirect_dma semaphore(%arg14 : memref<!tpu.dma_semaphore, #tpu.memory_space<semaphore_mem>>) src(%dma_wait3A_144 : memref<10000x128xf32, #tpu.memory_space<hbm>>) dst(%arg11 : memref<80x128xf32, #tpu.memory_space<vmem>>)
    %dma_start3A_145 = arith.constant 59 : i32
    %dma_start3A_146 = arith.constant 0 : i32
    %dma_start3A_147 = tpu.memref_slice %arg8[%dma_start3A_145, %dma_start3A_146] : memref<63x80xi32, #tpu.memory_space<vmem>> -> memref<1x80xi32, #tpu.memory_space<vmem>>
    %dma_start3A_148 = tpu.memref_squeeze %dma_start3A_147 : memref<1x80xi32, #tpu.memory_space<vmem>> -> memref<80xi32, #tpu.memory_space<vmem>>
    %dma_start3A_149 = arith.constant 0 : i32
    %dma_start3A_150 = arith.constant 0 : i32
    %dma_start3A_151 = tpu.memref_slice %arg18[%dma_start3A_149, %dma_start3A_150] : memref<10008x128xf32, #tpu.memory_space<vmem_shared>> -> memref<10008x128xf32, #tpu.memory_space<vmem_shared>>
    tpu.enqueue_indirect_dma source(%arg11 : memref<80x128xf32, #tpu.memory_space<vmem>>) target(%dma_start3A_151 : memref<10008x128xf32, #tpu.memory_space<vmem_shared>>) offsets(%dma_start3A_148 : memref<80xi32, #tpu.memory_space<vmem>>) semaphore(%arg17 : memref<!tpu.dma_semaphore, #tpu.memory_space<semaphore_mem>>) {add = true}
    %dma_wait3A_152 = arith.constant 0 : i32
    %dma_wait3A_153 = arith.constant 0 : i32
    %dma_wait3A_154 = tpu.memref_slice %arg8[%dma_wait3A_152, %dma_wait3A_153] : memref<63x80xi32, #tpu.memory_space<vmem>> -> memref<1x80xi32, #tpu.memory_space<vmem>>
    %dma_wait3A_155 = tpu.memref_squeeze %dma_wait3A_154 : memref<1x80xi32, #tpu.memory_space<vmem>> -> memref<80xi32, #tpu.memory_space<vmem>>
    %dma_wait3A_156 = arith.constant 0 : i32
    %dma_wait3A_157 = arith.constant 0 : i32
    %dma_wait3A_158 = tpu.memref_slice %arg18[%dma_wait3A_156, %dma_wait3A_157] : memref<10008x128xf32, #tpu.memory_space<vmem_shared>> -> memref<10008x128xf32, #tpu.memory_space<vmem_shared>>
    tpu.wait_indirect_dma semaphore(%arg16 : memref<!tpu.dma_semaphore, #tpu.memory_space<semaphore_mem>>) src(%arg10 : memref<80x128xf32, #tpu.memory_space<vmem>>) dst(%dma_wait3A_158 : memref<10008x128xf32, #tpu.memory_space<vmem_shared>>)
    %dma_start3A_159 = arith.constant 9920 : i32
    %dma_start3A_160 = tpu.memref_slice %arg7[%dma_start3A_159] : memref<10080xi32, #tpu.memory_space<vmem>> -> memref<80xi32, #tpu.memory_space<vmem>>
    %dma_start3A_161 = arith.constant 0 : i32
    %dma_start3A_162 = arith.constant 0 : i32
    %dma_start3A_163 = tpu.memref_slice %arg2[%dma_start3A_161, %dma_start3A_162] : memref<10000x128xf32, #tpu.memory_space<hbm>> -> memref<10000x128xf32, #tpu.memory_space<hbm>>
    tpu.enqueue_indirect_dma source(%dma_start3A_163 : memref<10000x128xf32, #tpu.memory_space<hbm>>) target(%arg10 : memref<80x128xf32, #tpu.memory_space<vmem>>) offsets(%dma_start3A_160 : memref<80xi32, #tpu.memory_space<vmem>>) semaphore(%arg13 : memref<!tpu.dma_semaphore, #tpu.memory_space<semaphore_mem>>)
    %dma_wait3A_164 = arith.constant 0 : i32
    %dma_wait3A_165 = tpu.memref_slice %arg7[%dma_wait3A_164] : memref<10080xi32, #tpu.memory_space<vmem>> -> memref<80xi32, #tpu.memory_space<vmem>>
    %dma_wait3A_166 = arith.constant 0 : i32
    %dma_wait3A_167 = arith.constant 0 : i32
    %dma_wait3A_168 = tpu.memref_slice %arg2[%dma_wait3A_166, %dma_wait3A_167] : memref<10000x128xf32, #tpu.memory_space<hbm>> -> memref<10000x128xf32, #tpu.memory_space<hbm>>
    tpu.wait_indirect_dma semaphore(%arg12 : memref<!tpu.dma_semaphore, #tpu.memory_space<semaphore_mem>>) src(%dma_wait3A_168 : memref<10000x128xf32, #tpu.memory_space<hbm>>) dst(%arg9 : memref<80x128xf32, #tpu.memory_space<vmem>>)
    %dma_start3A_169 = arith.constant 60 : i32
    %dma_start3A_170 = arith.constant 0 : i32
    %dma_start3A_171 = tpu.memref_slice %arg8[%dma_start3A_169, %dma_start3A_170] : memref<63x80xi32, #tpu.memory_space<vmem>> -> memref<1x80xi32, #tpu.memory_space<vmem>>
    %dma_start3A_172 = tpu.memref_squeeze %dma_start3A_171 : memref<1x80xi32, #tpu.memory_space<vmem>> -> memref<80xi32, #tpu.memory_space<vmem>>
    %dma_start3A_173 = arith.constant 0 : i32
    %dma_start3A_174 = arith.constant 0 : i32
    %dma_start3A_175 = tpu.memref_slice %arg18[%dma_start3A_173, %dma_start3A_174] : memref<10008x128xf32, #tpu.memory_space<vmem_shared>> -> memref<10008x128xf32, #tpu.memory_space<vmem_shared>>
    tpu.enqueue_indirect_dma source(%arg9 : memref<80x128xf32, #tpu.memory_space<vmem>>) target(%dma_start3A_175 : memref<10008x128xf32, #tpu.memory_space<vmem_shared>>) offsets(%dma_start3A_172 : memref<80xi32, #tpu.memory_space<vmem>>) semaphore(%arg15 : memref<!tpu.dma_semaphore, #tpu.memory_space<semaphore_mem>>) {add = true}
    %dma_wait3A_176 = arith.constant 0 : i32
    %dma_wait3A_177 = arith.constant 0 : i32
    %dma_wait3A_178 = tpu.memref_slice %arg8[%dma_wait3A_176, %dma_wait3A_177] : memref<63x80xi32, #tpu.memory_space<vmem>> -> memref<1x80xi32, #tpu.memory_space<vmem>>
    %dma_wait3A_179 = tpu.memref_squeeze %dma_wait3A_178 : memref<1x80xi32, #tpu.memory_space<vmem>> -> memref<80xi32, #tpu.memory_space<vmem>>
    %dma_wait3A_180 = arith.constant 0 : i32
    %dma_wait3A_181 = arith.constant 0 : i32
    %dma_wait3A_182 = tpu.memref_slice %arg18[%dma_wait3A_180, %dma_wait3A_181] : memref<10008x128xf32, #tpu.memory_space<vmem_shared>> -> memref<10008x128xf32, #tpu.memory_space<vmem_shared>>
    tpu.wait_indirect_dma semaphore(%arg17 : memref<!tpu.dma_semaphore, #tpu.memory_space<semaphore_mem>>) src(%arg11 : memref<80x128xf32, #tpu.memory_space<vmem>>) dst(%dma_wait3A_182 : memref<10008x128xf32, #tpu.memory_space<vmem_shared>>)
    %dma_start3A_183 = arith.constant 10000 : i32
    %dma_start3A_184 = tpu.memref_slice %arg7[%dma_start3A_183] : memref<10080xi32, #tpu.memory_space<vmem>> -> memref<80xi32, #tpu.memory_space<vmem>>
    %dma_start3A_185 = arith.constant 0 : i32
    %dma_start3A_186 = arith.constant 0 : i32
    %dma_start3A_187 = tpu.memref_slice %arg2[%dma_start3A_185, %dma_start3A_186] : memref<10000x128xf32, #tpu.memory_space<hbm>> -> memref<10000x128xf32, #tpu.memory_space<hbm>>
    tpu.enqueue_indirect_dma source(%dma_start3A_187 : memref<10000x128xf32, #tpu.memory_space<hbm>>) target(%arg11 : memref<80x128xf32, #tpu.memory_space<vmem>>) offsets(%dma_start3A_184 : memref<80xi32, #tpu.memory_space<vmem>>) semaphore(%arg14 : memref<!tpu.dma_semaphore, #tpu.memory_space<semaphore_mem>>)
    %dma_wait3A_188 = arith.constant 0 : i32
    %dma_wait3A_189 = tpu.memref_slice %arg7[%dma_wait3A_188] : memref<10080xi32, #tpu.memory_space<vmem>> -> memref<80xi32, #tpu.memory_space<vmem>>
    %dma_wait3A_190 = arith.constant 0 : i32
    %dma_wait3A_191 = arith.constant 0 : i32
    %dma_wait3A_192 = tpu.memref_slice %arg2[%dma_wait3A_190, %dma_wait3A_191] : memref<10000x128xf32, #tpu.memory_space<hbm>> -> memref<10000x128xf32, #tpu.memory_space<hbm>>
    tpu.wait_indirect_dma semaphore(%arg13 : memref<!tpu.dma_semaphore, #tpu.memory_space<semaphore_mem>>) src(%dma_wait3A_192 : memref<10000x128xf32, #tpu.memory_space<hbm>>) dst(%arg10 : memref<80x128xf32, #tpu.memory_space<vmem>>)
    %dma_start3A_193 = arith.constant 61 : i32
    %dma_start3A_194 = arith.constant 0 : i32
    %dma_start3A_195 = tpu.memref_slice %arg8[%dma_start3A_193, %dma_start3A_194] : memref<63x80xi32, #tpu.memory_space<vmem>> -> memref<1x80xi32, #tpu.memory_space<vmem>>
    %dma_start3A_196 = tpu.memref_squeeze %dma_start3A_195 : memref<1x80xi32, #tpu.memory_space<vmem>> -> memref<80xi32, #tpu.memory_space<vmem>>
    %dma_start3A_197 = arith.constant 0 : i32
    %dma_start3A_198 = arith.constant 0 : i32
    %dma_start3A_199 = tpu.memref_slice %arg18[%dma_start3A_197, %dma_start3A_198] : memref<10008x128xf32, #tpu.memory_space<vmem_shared>> -> memref<10008x128xf32, #tpu.memory_space<vmem_shared>>
    tpu.enqueue_indirect_dma source(%arg10 : memref<80x128xf32, #tpu.memory_space<vmem>>) target(%dma_start3A_199 : memref<10008x128xf32, #tpu.memory_space<vmem_shared>>) offsets(%dma_start3A_196 : memref<80xi32, #tpu.memory_space<vmem>>) semaphore(%arg16 : memref<!tpu.dma_semaphore, #tpu.memory_space<semaphore_mem>>) {add = true}
    %dma_wait3A_200 = arith.constant 0 : i32
    %dma_wait3A_201 = arith.constant 0 : i32
    %dma_wait3A_202 = tpu.memref_slice %arg8[%dma_wait3A_200, %dma_wait3A_201] : memref<63x80xi32, #tpu.memory_space<vmem>> -> memref<1x80xi32, #tpu.memory_space<vmem>>
    %dma_wait3A_203 = tpu.memref_squeeze %dma_wait3A_202 : memref<1x80xi32, #tpu.memory_space<vmem>> -> memref<80xi32, #tpu.memory_space<vmem>>
    %dma_wait3A_204 = arith.constant 0 : i32
    %dma_wait3A_205 = arith.constant 0 : i32
    %dma_wait3A_206 = tpu.memref_slice %arg18[%dma_wait3A_204, %dma_wait3A_205] : memref<10008x128xf32, #tpu.memory_space<vmem_shared>> -> memref<10008x128xf32, #tpu.memory_space<vmem_shared>>
    tpu.wait_indirect_dma semaphore(%arg15 : memref<!tpu.dma_semaphore, #tpu.memory_space<semaphore_mem>>) src(%arg9 : memref<80x128xf32, #tpu.memory_space<vmem>>) dst(%dma_wait3A_206 : memref<10008x128xf32, #tpu.memory_space<vmem_shared>>)
    %dma_wait3A_207 = arith.constant 0 : i32
    %dma_wait3A_208 = tpu.memref_slice %arg7[%dma_wait3A_207] : memref<10080xi32, #tpu.memory_space<vmem>> -> memref<80xi32, #tpu.memory_space<vmem>>
    %dma_wait3A_209 = arith.constant 0 : i32
    %dma_wait3A_210 = arith.constant 0 : i32
    %dma_wait3A_211 = tpu.memref_slice %arg2[%dma_wait3A_209, %dma_wait3A_210] : memref<10000x128xf32, #tpu.memory_space<hbm>> -> memref<10000x128xf32, #tpu.memory_space<hbm>>
    tpu.wait_indirect_dma semaphore(%arg14 : memref<!tpu.dma_semaphore, #tpu.memory_space<semaphore_mem>>) src(%dma_wait3A_211 : memref<10000x128xf32, #tpu.memory_space<hbm>>) dst(%arg11 : memref<80x128xf32, #tpu.memory_space<vmem>>)
    %dma_start3A_212 = arith.constant 62 : i32
    %dma_start3A_213 = arith.constant 0 : i32
    %dma_start3A_214 = tpu.memref_slice %arg8[%dma_start3A_212, %dma_start3A_213] : memref<63x80xi32, #tpu.memory_space<vmem>> -> memref<1x80xi32, #tpu.memory_space<vmem>>
    %dma_start3A_215 = tpu.memref_squeeze %dma_start3A_214 : memref<1x80xi32, #tpu.memory_space<vmem>> -> memref<80xi32, #tpu.memory_space<vmem>>
    %dma_start3A_216 = arith.constant 0 : i32
    %dma_start3A_217 = arith.constant 0 : i32
    %dma_start3A_218 = tpu.memref_slice %arg18[%dma_start3A_216, %dma_start3A_217] : memref<10008x128xf32, #tpu.memory_space<vmem_shared>> -> memref<10008x128xf32, #tpu.memory_space<vmem_shared>>
    tpu.enqueue_indirect_dma source(%arg11 : memref<80x128xf32, #tpu.memory_space<vmem>>) target(%dma_start3A_218 : memref<10008x128xf32, #tpu.memory_space<vmem_shared>>) offsets(%dma_start3A_215 : memref<80xi32, #tpu.memory_space<vmem>>) semaphore(%arg17 : memref<!tpu.dma_semaphore, #tpu.memory_space<semaphore_mem>>) {add = true}
    %dma_wait3A_219 = arith.constant 0 : i32
    %dma_wait3A_220 = arith.constant 0 : i32
    %dma_wait3A_221 = tpu.memref_slice %arg8[%dma_wait3A_219, %dma_wait3A_220] : memref<63x80xi32, #tpu.memory_space<vmem>> -> memref<1x80xi32, #tpu.memory_space<vmem>>
    %dma_wait3A_222 = tpu.memref_squeeze %dma_wait3A_221 : memref<1x80xi32, #tpu.memory_space<vmem>> -> memref<80xi32, #tpu.memory_space<vmem>>
    %dma_wait3A_223 = arith.constant 0 : i32
    %dma_wait3A_224 = arith.constant 0 : i32
    %dma_wait3A_225 = tpu.memref_slice %arg18[%dma_wait3A_223, %dma_wait3A_224] : memref<10008x128xf32, #tpu.memory_space<vmem_shared>> -> memref<10008x128xf32, #tpu.memory_space<vmem_shared>>
    tpu.wait_indirect_dma semaphore(%arg16 : memref<!tpu.dma_semaphore, #tpu.memory_space<semaphore_mem>>) src(%arg10 : memref<80x128xf32, #tpu.memory_space<vmem>>) dst(%dma_wait3A_225 : memref<10008x128xf32, #tpu.memory_space<vmem_shared>>)
    %dma_wait3A_226 = arith.constant 0 : i32
    %dma_wait3A_227 = arith.constant 0 : i32
    %dma_wait3A_228 = tpu.memref_slice %arg8[%dma_wait3A_226, %dma_wait3A_227] : memref<63x80xi32, #tpu.memory_space<vmem>> -> memref<1x80xi32, #tpu.memory_space<vmem>>
    %dma_wait3A_229 = tpu.memref_squeeze %dma_wait3A_228 : memref<1x80xi32, #tpu.memory_space<vmem>> -> memref<80xi32, #tpu.memory_space<vmem>>
    %dma_wait3A_230 = arith.constant 0 : i32
    %dma_wait3A_231 = arith.constant 0 : i32
    %dma_wait3A_232 = tpu.memref_slice %arg18[%dma_wait3A_230, %dma_wait3A_231] : memref<10008x128xf32, #tpu.memory_space<vmem_shared>> -> memref<10008x128xf32, #tpu.memory_space<vmem_shared>>
    tpu.wait_indirect_dma semaphore(%arg17 : memref<!tpu.dma_semaphore, #tpu.memory_space<semaphore_mem>>) src(%arg11 : memref<80x128xf32, #tpu.memory_space<vmem>>) dst(%dma_wait3A_232 : memref<10008x128xf32, #tpu.memory_space<vmem_shared>>)
    %barrier3A_233 = arith.constant 0 : index
    tpu.barrier barrier_id(%barrier3A_233)
    %lt3A_234 = arith.constant 15 : i32
    %lt3A_235 = arith.cmpi slt, %arg1, %lt3A_234 : i32
    %convert_element_type3A_236 = arith.extui %lt3A_235 : i1 to i32
    %cond3A_237 = arith.constant 0 : i32
    %cond3A_238 = arith.cmpi ne, %convert_element_type3A_236, %cond3A_237 : i32
    scf.if %cond3A_238 {
      %mul3A_244 = arith.constant 632 : i32
      %mul3A_245 = arith.muli %arg1, %mul3A_244 : i32
      %mul3A_246 = arith.constant 632 : i32
      %mul3A_247 = arith.muli %arg1, %mul3A_246 : i32
      "tpu.region"() ({
        %run_scoped3A_248 = tpu.sem_alloc : memref<!tpu.dma_semaphore, #tpu.memory_space<semaphore_mem>>
        %dma_start3A_249 = arith.constant 0 : i32
        %dma_start3A_250 = tpu.memref_slice %arg6[%arg0, %mul3A_247, %dma_start3A_249] : memref<2x10008x128xf32, #tpu.memory_space<hbm>> -> memref<1x632x128xf32, #tpu.memory_space<hbm>>
        %dma_start3A_251 = tpu.memref_squeeze %dma_start3A_250 : memref<1x632x128xf32, #tpu.memory_space<hbm>> -> memref<632x128xf32, #tpu.memory_space<hbm>>
        %dma_start3A_252 = arith.constant 0 : i32
        %dma_start3A_253 = tpu.memref_slice %arg18[%mul3A_245, %dma_start3A_252] : memref<10008x128xf32, #tpu.memory_space<vmem_shared>> -> memref<632x128xf32, #tpu.memory_space<vmem_shared>>
        tpu.enqueue_dma source(%dma_start3A_253 : memref<632x128xf32, #tpu.memory_space<vmem_shared>>) target(%dma_start3A_251 : memref<632x128xf32, #tpu.memory_space<hbm>>) target_semaphore(%run_scoped3A_248 : memref<!tpu.dma_semaphore, #tpu.memory_space<semaphore_mem>>)
        %dma_wait3A_254 = arith.constant 0 : i32
        %dma_wait3A_255 = tpu.memref_slice %arg6[%arg0, %mul3A_247, %dma_wait3A_254] : memref<2x10008x128xf32, #tpu.memory_space<hbm>> -> memref<1x632x128xf32, #tpu.memory_space<hbm>>
        %dma_wait3A_256 = tpu.memref_squeeze %dma_wait3A_255 : memref<1x632x128xf32, #tpu.memory_space<hbm>> -> memref<632x128xf32, #tpu.memory_space<hbm>>
        %dma_wait3A_257 = arith.constant 0 : i32
        %dma_wait3A_258 = tpu.memref_slice %arg18[%mul3A_245, %dma_wait3A_257] : memref<10008x128xf32, #tpu.memory_space<vmem_shared>> -> memref<632x128xf32, #tpu.memory_space<vmem_shared>>
        tpu.wait_dma2 semaphore(%run_scoped3A_248 : memref<!tpu.dma_semaphore, #tpu.memory_space<semaphore_mem>>) src(%dma_wait3A_258 : memref<632x128xf32, #tpu.memory_space<vmem_shared>>) dst(%dma_wait3A_256 : memref<632x128xf32, #tpu.memory_space<hbm>>)
        tpu.yield
      }) : () -> ()
    } else {
    }
    %eq3A_239 = arith.constant 15 : i32
    %eq3A_240 = arith.cmpi eq, %arg1, %eq3A_239 : i32
    %convert_element_type3A_241 = arith.extui %eq3A_240 : i1 to i32
    %cond3A_242 = arith.constant 0 : i32
    %cond3A_243 = arith.cmpi ne, %convert_element_type3A_241, %cond3A_242 : i32
    scf.if %cond3A_243 {
      "tpu.region"() ({
        %run_scoped3A_244 = tpu.sem_alloc : memref<!tpu.dma_semaphore, #tpu.memory_space<semaphore_mem>>
        %dma_start3A_245 = arith.constant 9480 : i32
        %dma_start3A_246 = arith.constant 0 : i32
        %dma_start3A_247 = tpu.memref_slice %arg6[%arg0, %dma_start3A_245, %dma_start3A_246] : memref<2x10008x128xf32, #tpu.memory_space<hbm>> -> memref<1x528x128xf32, #tpu.memory_space<hbm>>
        %dma_start3A_248 = tpu.memref_squeeze %dma_start3A_247 : memref<1x528x128xf32, #tpu.memory_space<hbm>> -> memref<528x128xf32, #tpu.memory_space<hbm>>
        %dma_start3A_249 = arith.constant 9480 : i32
        %dma_start3A_250 = arith.constant 0 : i32
        %dma_start3A_251 = tpu.memref_slice %arg18[%dma_start3A_249, %dma_start3A_250] : memref<10008x128xf32, #tpu.memory_space<vmem_shared>> -> memref<528x128xf32, #tpu.memory_space<vmem_shared>>
        tpu.enqueue_dma source(%dma_start3A_251 : memref<528x128xf32, #tpu.memory_space<vmem_shared>>) target(%dma_start3A_248 : memref<528x128xf32, #tpu.memory_space<hbm>>) target_semaphore(%run_scoped3A_244 : memref<!tpu.dma_semaphore, #tpu.memory_space<semaphore_mem>>)
        %dma_wait3A_252 = arith.constant 9480 : i32
        %dma_wait3A_253 = arith.constant 0 : i32
        %dma_wait3A_254 = tpu.memref_slice %arg6[%arg0, %dma_wait3A_252, %dma_wait3A_253] : memref<2x10008x128xf32, #tpu.memory_space<hbm>> -> memref<1x528x128xf32, #tpu.memory_space<hbm>>
        %dma_wait3A_255 = tpu.memref_squeeze %dma_wait3A_254 : memref<1x528x128xf32, #tpu.memory_space<hbm>> -> memref<528x128xf32, #tpu.memory_space<hbm>>
        %dma_wait3A_256 = arith.constant 9480 : i32
        %dma_wait3A_257 = arith.constant 0 : i32
        %dma_wait3A_258 = tpu.memref_slice %arg18[%dma_wait3A_256, %dma_wait3A_257] : memref<10008x128xf32, #tpu.memory_space<vmem_shared>> -> memref<528x128xf32, #tpu.memory_space<vmem_shared>>
        tpu.wait_dma2 semaphore(%run_scoped3A_244 : memref<!tpu.dma_semaphore, #tpu.memory_space<semaphore_mem>>) src(%dma_wait3A_258 : memref<528x128xf32, #tpu.memory_space<vmem_shared>>) dst(%dma_wait3A_255 : memref<528x128xf32, #tpu.memory_space<hbm>>)
        tpu.yield
      }) : () -> ()
    } else {
    }
    return
  }
}

module attributes {stable_mosaic.version = 14 : i64} {
  func.func @_mlp_body(%arg0: i32, %arg1: memref<2x2000x128xf32, #tpu.memory_space<vmem>>, %arg2: memref<2000x128xf32, #tpu.memory_space<vmem>>, %arg3: memref<128x128xf32, #tpu.memory_space<vmem>>, %arg4: memref<1x128xf32, #tpu.memory_space<vmem>>, %arg5: memref<128x128xf32, #tpu.memory_space<vmem>>, %arg6: memref<1x128xf32, #tpu.memory_space<vmem>>, %arg7: memref<2000x128xf32, #tpu.memory_space<vmem>>) attributes {dimension_semantics = [#tpu.dimension_semantics<arbitrary>], iteration_bounds = array<i64: 5>, scalar_prefetch = 0 : i64, scratch_operands = 0 : i64, tpu.core_type = #tpu.core_type<tc>, window_params = [{transform_indices = @transform_0, window_bounds = array<i64: 2, 2000, 128>}, {transform_indices = @transform_1, window_bounds = array<i64: 2000, 128>}, {pipeline_mode = #tpu.pipeline_mode<synchronous>, transform_indices = @transform_2, window_bounds = array<i64: 128, 128>}, {pipeline_mode = #tpu.pipeline_mode<synchronous>, transform_indices = @transform_3, window_bounds = array<i64: 1, 128>}, {pipeline_mode = #tpu.pipeline_mode<synchronous>, transform_indices = @transform_4, window_bounds = array<i64: 128, 128>}, {pipeline_mode = #tpu.pipeline_mode<synchronous>, transform_indices = @transform_5, window_bounds = array<i64: 1, 128>}, {transform_indices = @transform_6, window_bounds = array<i64: 2000, 128>}]} {
    %get3A = arith.constant 0 : index
    %get3A_0 = arith.constant 0 : index
    %get3A_1 = vector.load %arg2[%get3A, %get3A_0] : memref<2000x128xf32, #tpu.memory_space<vmem>>, vector<2000x128xf32>
    %get3A_2 = arith.constant 0 : index
    %get3A_3 = arith.constant 0 : index
    %get3A_4 = arith.constant 0 : index
    %get3A_5 = vector.load %arg1[%get3A_2, %get3A_3, %get3A_4] : memref<2x2000x128xf32, #tpu.memory_space<vmem>>, vector<1x2000x128xf32>
    %get3A_6 = vector.shape_cast %get3A_5 : vector<1x2000x128xf32> to vector<2000x128xf32>
    %add3A = arith.addf %get3A_1, %get3A_6 : vector<2000x128xf32>
    %get3A_7 = arith.constant 1 : index
    %get3A_8 = arith.constant 0 : index
    %get3A_9 = arith.constant 0 : index
    %get3A_10 = vector.load %arg1[%get3A_7, %get3A_8, %get3A_9] : memref<2x2000x128xf32, #tpu.memory_space<vmem>>, vector<1x2000x128xf32>
    %get3A_11 = vector.shape_cast %get3A_10 : vector<1x2000x128xf32> to vector<2000x128xf32>
    %add3A_12 = arith.addf %add3A, %get3A_11 : vector<2000x128xf32>
    %get3A_13 = arith.constant 0 : index
    %get3A_14 = arith.constant 0 : index
    %get3A_15 = vector.load %arg3[%get3A_13, %get3A_14] : memref<128x128xf32, #tpu.memory_space<vmem>>, vector<128x128xf32>
    %dot_general3A = arith.constant dense<0.000000e+00> : vector<2000x128xf32>
    %dot_general3A_16 = tpu.matmul %add3A_12, %get3A_15, %dot_general3A {dimension_numbers = #tpu.dot_dimension_numbers<[1], [0], [0], [1], [0, 0, 1, 1], [], []>, transpose_lhs_hint = false} : vector<2000x128xf32>, vector<128x128xf32>, vector<2000x128xf32> -> vector<2000x128xf32>
    %get3A_17 = arith.constant 0 : index
    %get3A_18 = arith.constant 0 : index
    %get3A_19 = vector.load %arg4[%get3A_17, %get3A_18] : memref<1x128xf32, #tpu.memory_space<vmem>>, vector<1x128xf32>
    %add3A_20 = vector.broadcast %get3A_19 : vector<1x128xf32> to vector<2000x128xf32>
    %add3A_21 = arith.addf %dot_general3A_16, %add3A_20 : vector<2000x128xf32>
    %max3A = arith.constant 0.000000e+00 : f32
    %max3A_22 = vector.broadcast %max3A : f32 to vector<2000x128xf32>
    %max3A_23 = arith.maximumf %add3A_21, %max3A_22 : vector<2000x128xf32>
    %get3A_24 = arith.constant 0 : index
    %get3A_25 = arith.constant 0 : index
    %get3A_26 = vector.load %arg5[%get3A_24, %get3A_25] : memref<128x128xf32, #tpu.memory_space<vmem>>, vector<128x128xf32>
    %dot_general3A_27 = arith.constant dense<0.000000e+00> : vector<2000x128xf32>
    %dot_general3A_28 = tpu.matmul %max3A_23, %get3A_26, %dot_general3A_27 {dimension_numbers = #tpu.dot_dimension_numbers<[1], [0], [0], [1], [0, 0, 1, 1], [], []>, transpose_lhs_hint = false} : vector<2000x128xf32>, vector<128x128xf32>, vector<2000x128xf32> -> vector<2000x128xf32>
    %get3A_29 = arith.constant 0 : index
    %get3A_30 = arith.constant 0 : index
    %get3A_31 = vector.load %arg6[%get3A_29, %get3A_30] : memref<1x128xf32, #tpu.memory_space<vmem>>, vector<1x128xf32>
    %add3A_32 = vector.broadcast %get3A_31 : vector<1x128xf32> to vector<2000x128xf32>
    %add3A_33 = arith.addf %dot_general3A_28, %add3A_32 : vector<2000x128xf32>
    %max3A_34 = arith.constant 0.000000e+00 : f32
    %max3A_35 = vector.broadcast %max3A_34 : f32 to vector<2000x128xf32>
    %max3A_36 = arith.maximumf %add3A_33, %max3A_35 : vector<2000x128xf32>
    %swap3A = arith.constant 0 : index
    %swap3A_37 = arith.constant 0 : index
    %swap3A_38 = vector.load %arg7[%swap3A, %swap3A_37] : memref<2000x128xf32, #tpu.memory_space<vmem>>, vector<2000x128xf32>
    tpu.vector_store %arg7[%swap3A, %swap3A_37], %max3A_36 {strides = array<i32>} : memref<2000x128xf32, #tpu.memory_space<vmem>>, vector<2000x128xf32>,
    return
  }
  func.func @transform_0(%arg0: i32) -> (i32, i32, i32) {
    %c0_i32 = arith.constant 0 : i32
    %c0_i32_0 = arith.constant 0 : i32
    %c0_i32_1 = arith.constant 0 : i32
    return %c0_i32, %arg0, %c0_i32_0 : i32, i32, i32
  }
  func.func @transform_1(%arg0: i32) -> (i32, i32) {
    %c0_i32 = arith.constant 0 : i32
    %c0_i32_0 = arith.constant 0 : i32
    return %arg0, %c0_i32 : i32, i32
  }
  func.func @transform_2(%arg0: i32) -> (i32, i32) {
    %c0_i32 = arith.constant 0 : i32
    %c0_i32_0 = arith.constant 0 : i32
    %c0_i32_1 = arith.constant 0 : i32
    return %c0_i32, %c0_i32_0 : i32, i32
  }
  func.func @transform_3(%arg0: i32) -> (i32, i32) {
    %c0_i32 = arith.constant 0 : i32
    %c0_i32_0 = arith.constant 0 : i32
    %c0_i32_1 = arith.constant 0 : i32
    return %c0_i32, %c0_i32_0 : i32, i32
  }
  func.func @transform_4(%arg0: i32) -> (i32, i32) {
    %c0_i32 = arith.constant 0 : i32
    %c0_i32_0 = arith.constant 0 : i32
    %c0_i32_1 = arith.constant 0 : i32
    return %c0_i32, %c0_i32_0 : i32, i32
  }
  func.func @transform_5(%arg0: i32) -> (i32, i32) {
    %c0_i32 = arith.constant 0 : i32
    %c0_i32_0 = arith.constant 0 : i32
    %c0_i32_1 = arith.constant 0 : i32
    return %c0_i32, %c0_i32_0 : i32, i32
  }
  func.func @transform_6(%arg0: i32) -> (i32, i32) {
    %c0_i32 = arith.constant 0 : i32
    %c0_i32_0 = arith.constant 0 : i32
    return %arg0, %c0_i32 : i32, i32
  }
}

module attributes {stable_mosaic.version = 14 : i64} {
  func.func @_mlp_final_body(%arg0: i32, %arg1: memref<2x2000x128xf32, #tpu.memory_space<vmem>>, %arg2: memref<2000x128xf32, #tpu.memory_space<vmem>>, %arg3: memref<128x128xf32, #tpu.memory_space<vmem>>, %arg4: memref<1x128xf32, #tpu.memory_space<vmem>>, %arg5: memref<128x128xf32, #tpu.memory_space<vmem>>, %arg6: memref<1x128xf32, #tpu.memory_space<vmem>>, %arg7: memref<128x1xf32, #tpu.memory_space<vmem>>, %arg8: memref<1x1xf32, #tpu.memory_space<vmem>>, %arg9: memref<2000x1xf32, #tpu.memory_space<vmem>>) attributes {dimension_semantics = [#tpu.dimension_semantics<arbitrary>], iteration_bounds = array<i64: 5>, scalar_prefetch = 0 : i64, scratch_operands = 0 : i64, tpu.core_type = #tpu.core_type<tc>, window_params = [{transform_indices = @transform_0, window_bounds = array<i64: 2, 2000, 128>}, {transform_indices = @transform_1, window_bounds = array<i64: 2000, 128>}, {pipeline_mode = #tpu.pipeline_mode<synchronous>, transform_indices = @transform_2, window_bounds = array<i64: 128, 128>}, {pipeline_mode = #tpu.pipeline_mode<synchronous>, transform_indices = @transform_3, window_bounds = array<i64: 1, 128>}, {pipeline_mode = #tpu.pipeline_mode<synchronous>, transform_indices = @transform_4, window_bounds = array<i64: 128, 128>}, {pipeline_mode = #tpu.pipeline_mode<synchronous>, transform_indices = @transform_5, window_bounds = array<i64: 1, 128>}, {pipeline_mode = #tpu.pipeline_mode<synchronous>, transform_indices = @transform_6, window_bounds = array<i64: 128, 1>}, {pipeline_mode = #tpu.pipeline_mode<synchronous>, transform_indices = @transform_7, window_bounds = array<i64: 1, 1>}, {transform_indices = @transform_8, window_bounds = array<i64: 2000, 1>}]} {
    %get3A = arith.constant 0 : index
    %get3A_0 = arith.constant 0 : index
    %get3A_1 = vector.load %arg2[%get3A, %get3A_0] : memref<2000x128xf32, #tpu.memory_space<vmem>>, vector<2000x128xf32>
    %get3A_2 = arith.constant 0 : index
    %get3A_3 = arith.constant 0 : index
    %get3A_4 = arith.constant 0 : index
    %get3A_5 = vector.load %arg1[%get3A_2, %get3A_3, %get3A_4] : memref<2x2000x128xf32, #tpu.memory_space<vmem>>, vector<1x2000x128xf32>
    %get3A_6 = vector.shape_cast %get3A_5 : vector<1x2000x128xf32> to vector<2000x128xf32>
    %add3A = arith.addf %get3A_1, %get3A_6 : vector<2000x128xf32>
    %get3A_7 = arith.constant 1 : index
    %get3A_8 = arith.constant 0 : index
    %get3A_9 = arith.constant 0 : index
    %get3A_10 = vector.load %arg1[%get3A_7, %get3A_8, %get3A_9] : memref<2x2000x128xf32, #tpu.memory_space<vmem>>, vector<1x2000x128xf32>
    %get3A_11 = vector.shape_cast %get3A_10 : vector<1x2000x128xf32> to vector<2000x128xf32>
    %add3A_12 = arith.addf %add3A, %get3A_11 : vector<2000x128xf32>
    %get3A_13 = arith.constant 0 : index
    %get3A_14 = arith.constant 0 : index
    %get3A_15 = vector.load %arg3[%get3A_13, %get3A_14] : memref<128x128xf32, #tpu.memory_space<vmem>>, vector<128x128xf32>
    %dot_general3A = arith.constant dense<0.000000e+00> : vector<2000x128xf32>
    %dot_general3A_16 = tpu.matmul %add3A_12, %get3A_15, %dot_general3A {dimension_numbers = #tpu.dot_dimension_numbers<[1], [0], [0], [1], [0, 0, 1, 1], [], []>, transpose_lhs_hint = false} : vector<2000x128xf32>, vector<128x128xf32>, vector<2000x128xf32> -> vector<2000x128xf32>
    %get3A_17 = arith.constant 0 : index
    %get3A_18 = arith.constant 0 : index
    %get3A_19 = vector.load %arg4[%get3A_17, %get3A_18] : memref<1x128xf32, #tpu.memory_space<vmem>>, vector<1x128xf32>
    %add3A_20 = vector.broadcast %get3A_19 : vector<1x128xf32> to vector<2000x128xf32>
    %add3A_21 = arith.addf %dot_general3A_16, %add3A_20 : vector<2000x128xf32>
    %max3A = arith.constant 0.000000e+00 : f32
    %max3A_22 = vector.broadcast %max3A : f32 to vector<2000x128xf32>
    %max3A_23 = arith.maximumf %add3A_21, %max3A_22 : vector<2000x128xf32>
    %get3A_24 = arith.constant 0 : index
    %get3A_25 = arith.constant 0 : index
    %get3A_26 = vector.load %arg5[%get3A_24, %get3A_25] : memref<128x128xf32, #tpu.memory_space<vmem>>, vector<128x128xf32>
    %dot_general3A_27 = arith.constant dense<0.000000e+00> : vector<2000x128xf32>
    %dot_general3A_28 = tpu.matmul %max3A_23, %get3A_26, %dot_general3A_27 {dimension_numbers = #tpu.dot_dimension_numbers<[1], [0], [0], [1], [0, 0, 1, 1], [], []>, transpose_lhs_hint = false} : vector<2000x128xf32>, vector<128x128xf32>, vector<2000x128xf32> -> vector<2000x128xf32>
    %get3A_29 = arith.constant 0 : index
    %get3A_30 = arith.constant 0 : index
    %get3A_31 = vector.load %arg6[%get3A_29, %get3A_30] : memref<1x128xf32, #tpu.memory_space<vmem>>, vector<1x128xf32>
    %add3A_32 = vector.broadcast %get3A_31 : vector<1x128xf32> to vector<2000x128xf32>
    %add3A_33 = arith.addf %dot_general3A_28, %add3A_32 : vector<2000x128xf32>
    %max3A_34 = arith.constant 0.000000e+00 : f32
    %max3A_35 = vector.broadcast %max3A_34 : f32 to vector<2000x128xf32>
    %max3A_36 = arith.maximumf %add3A_33, %max3A_35 : vector<2000x128xf32>
    %get3A_37 = arith.constant 0 : index
    %get3A_38 = arith.constant 0 : index
    %get3A_39 = vector.load %arg7[%get3A_37, %get3A_38] : memref<128x1xf32, #tpu.memory_space<vmem>>, vector<128x1xf32>
    %dot_general3A_40 = arith.constant dense<0.000000e+00> : vector<2000x1xf32>
    %dot_general3A_41 = tpu.matmul %max3A_36, %get3A_39, %dot_general3A_40 {dimension_numbers = #tpu.dot_dimension_numbers<[1], [0], [0], [1], [0, 0, 1, 1], [], []>, transpose_lhs_hint = false} : vector<2000x128xf32>, vector<128x1xf32>, vector<2000x1xf32> -> vector<2000x1xf32>
    %get3A_42 = arith.constant 0 : index
    %get3A_43 = arith.constant 0 : index
    %get3A_44 = vector.load %arg8[%get3A_42, %get3A_43] : memref<1x1xf32, #tpu.memory_space<vmem>>, vector<1x1xf32>
    %add3A_45 = vector.broadcast %get3A_44 : vector<1x1xf32> to vector<2000x1xf32>
    %add3A_46 = arith.addf %dot_general3A_41, %add3A_45 : vector<2000x1xf32>
    %neg3A = arith.constant 0.000000e+00 : f32
    %neg3A_47 = vector.broadcast %neg3A : f32 to vector<2000x1xf32>
    %neg3A_48 = arith.subf %neg3A_47, %add3A_46 : vector<2000x1xf32>
    %exp3A = math.exp %neg3A_48 : vector<2000x1xf32>
    %add3A_49 = arith.constant 1.000000e+00 : f32
    %add3A_50 = vector.broadcast %add3A_49 : f32 to vector<2000x1xf32>
    %add3A_51 = arith.addf %add3A_50, %exp3A : vector<2000x1xf32>
    %div3A = arith.constant 1.000000e+00 : f32
    %div3A_52 = vector.broadcast %div3A : f32 to vector<2000x1xf32>
    %div3A_53 = arith.divf %div3A_52, %add3A_51 : vector<2000x1xf32>
    %swap3A = arith.constant 0 : index
    %swap3A_54 = arith.constant 0 : index
    %swap3A_55 = vector.load %arg9[%swap3A, %swap3A_54] : memref<2000x1xf32, #tpu.memory_space<vmem>>, vector<2000x1xf32>
    tpu.vector_store %arg9[%swap3A, %swap3A_54], %div3A_53 {strides = array<i32>} : memref<2000x1xf32, #tpu.memory_space<vmem>>, vector<2000x1xf32>,
    return
  }
  func.func @transform_0(%arg0: i32) -> (i32, i32, i32) {
    %c0_i32 = arith.constant 0 : i32
    %c0_i32_0 = arith.constant 0 : i32
    %c0_i32_1 = arith.constant 0 : i32
    return %c0_i32, %arg0, %c0_i32_0 : i32, i32, i32
  }
  func.func @transform_1(%arg0: i32) -> (i32, i32) {
    %c0_i32 = arith.constant 0 : i32
    %c0_i32_0 = arith.constant 0 : i32
    return %arg0, %c0_i32 : i32, i32
  }
  func.func @transform_2(%arg0: i32) -> (i32, i32) {
    %c0_i32 = arith.constant 0 : i32
    %c0_i32_0 = arith.constant 0 : i32
    %c0_i32_1 = arith.constant 0 : i32
    return %c0_i32, %c0_i32_0 : i32, i32
  }
  func.func @transform_3(%arg0: i32) -> (i32, i32) {
    %c0_i32 = arith.constant 0 : i32
    %c0_i32_0 = arith.constant 0 : i32
    %c0_i32_1 = arith.constant 0 : i32
    return %c0_i32, %c0_i32_0 : i32, i32
  }
  func.func @transform_4(%arg0: i32) -> (i32, i32) {
    %c0_i32 = arith.constant 0 : i32
    %c0_i32_0 = arith.constant 0 : i32
    %c0_i32_1 = arith.constant 0 : i32
    return %c0_i32, %c0_i32_0 : i32, i32
  }
  func.func @transform_5(%arg0: i32) -> (i32, i32) {
    %c0_i32 = arith.constant 0 : i32
    %c0_i32_0 = arith.constant 0 : i32
    %c0_i32_1 = arith.constant 0 : i32
    return %c0_i32, %c0_i32_0 : i32, i32
  }
  func.func @transform_6(%arg0: i32) -> (i32, i32) {
    %c0_i32 = arith.constant 0 : i32
    %c0_i32_0 = arith.constant 0 : i32
    %c0_i32_1 = arith.constant 0 : i32
    return %c0_i32, %c0_i32_0 : i32, i32
  }
  func.func @transform_7(%arg0: i32) -> (i32, i32) {
    %c0_i32 = arith.constant 0 : i32
    %c0_i32_0 = arith.constant 0 : i32
    %c0_i32_1 = arith.constant 0 : i32
    return %c0_i32, %c0_i32_0 : i32, i32
  }
  func.func @transform_8(%arg0: i32) -> (i32, i32) {
    %c0_i32 = arith.constant 0 : i32
    %c0_i32_0 = arith.constant 0 : i32
    return %arg0, %c0_i32 : i32, i32
  }
}

</mosaic_0001>

<sc_bundles>
// kernel: kernel.11.cloned.1.call-start
scs
__scs_entry_jumppad:
0x0: {  	(pc) =	sbr.rel $0x88, $3  }
0x1: {  	(tag) =	ssettag $0x0;
	lr =	simm.s32 $0x1  }
0x2: {  	[smem:$0x3F91] =	sst lr;
	_ =	strace $0xD0000000  }
0x3: {  	_ = 	snop  }
0x4: {  	_ = 	snop  }
0x5: {  	_ = 	snop  }
0x6: {  	_ = 	snop  }
0x7: {  	_ = 	snop  }
__scs_overlays_trampoline_lowered:
0x8: {  	[smem:$0x3FA0] =	sst s0  }
0x9: {  	[smem:$0x3FA1] =	sst s1  }
0xa: {  	[smem:$0x3FA2] =	sst s2  }
0xb: {  	[smem:$0x3FA3] =	sst s3  }
0xc: {  	[smem:$0x3FA4] =	sst s4  }
0xd: {  	[smem:$0x3FA5] =	sst s5  }
0xe: {  	[smem:$0x3FA6] =	sst s6  }
0xf: {  	[smem:$0x3FA7] =	sst s7  }
0x10: {  	[smem:$0x3FA8] =	sst s8  }
0x11: {  	[smem:$0x3FA9] =	sst s9;
	s0 =	simm.s32 @!p0 $0x0  }
0x12: {  	s1 =	sld [smem:$0x3F8F];
	s0 =	simm.s32 @p0 $0x1  }
0x13: {  	[smem:$0x3FAA] =	sst s0;
	s0 =	simm.s32 @!p1 $0x0  }
0x14: {  	s2 =	sld [smem:$0x3F8E];
	s0 =	simm.s32 @p1 $0x1  }
0x15: {  	[smem:$0x3FAB] =	sst s0;
	s0 =	simm.s32 @!p2 $0x0  }
0x16: {  	s3 =	sld [smem:$0x3FDB];
	s0 =	simm.s32 @p2 $0x1  }
0x17: {  	s4 =	simm.s32 $0x1BF5;
	[smem:$0x3FAD] =	sst s0  }
0x18: {  	s0 =	sld [smem:$0x3F90];
	_ =	swait.ge [sflag:s4], $0x0  }
0x19: {  	s7 =	sld [smem:$0x3F91]  }
0x1a: {  	s8 =	sadd.s32 $0xFFFFE003, lr  }
0x1b: {  	s9 =	sadd.s32 $0xFFFFFEF7, lr;
	s5 =	simm.s32 $0xFFFFFFFF;
	p2 =	slt.u32 s8, $0xFFFFF086  }
0x1c: {  	p1 =	slt.u32 s9, $0xF7A;
	s5 =	simm.s32 @!p2 $0x0  }
0x1d: {  	s5 =	simm.s32 @p1 $0x1;
	p0 =	seq.s32 s7, s2  }
0x1e: {  	s7 =	smul.u32 @!p0 $0xF7A, s2;
	p2 =	seq.s32 @!p0 s5, $0x0  }
0x1f: {  	s9 =	smul.u32 $0xF7A, s1;
	s8 =	simm.s32 @!p0 $0x1BF5;
	p2 =	por !p2, p0  }
0x20: {  	[sflag:s8] =	ssyncset.s32 @!p0 $0xFFFFF086;
	s6 =	sadd.s32 @!p0 s3, s7;
	s7 =	simm.s32 @!p0 $0x108  }
0x21: {  	s3 =	sadd.s32 s3, s9;
	s6 =	sadd.s32 @!p0 $0x88, s6;
	s7 =	simm.s32 @p2 $0x1082  }
0x22: {  	[simem:s7], [sflag:s8] =	dma.local @!p0 [hbm:s6], $0xF7A  }
0x23: {  	s9 =	sor.u32 $0xD0000000, s2;
	s6 =	simm.s32 $0x108;
	_ =	swait.ge @!p0 [sflag:s8], $0x0  }
0x24: {  	s3 =	sadd.s32 $0x88, s3;
	s6 =	simm.s32 @!p1 $0x1082;
	[sflag:s4] =	ssyncset.s32 $0xFFFFF086  }
0x25: {  	[simem:s6], [sflag:s4] =	dma.local [hbm:s3], $0xF7A  }
0x26: {  	[smem:$0x3F91] =	sst s1;
	(tag) =	ssettag s2;
	_ =	strace s9  }
0x27: {  	s1 =	sld [smem:$0x3FA1]  }
0x28: {  	s2 =	sld [smem:$0x3FA2]  }
0x29: {  	s4 =	sld [smem:$0x3FA4]  }
0x2a: {  	p0 =	seq.s32 s5, $0x0;
	s5 =	sld [smem:$0x3FA5]  }
0x2b: {  	s6 =	sld [smem:$0x3FA6]  }
0x2c: {  	s7 =	sld [smem:$0x3FA7]  }
0x2d: {  	s3 =	simm.s32 $0x108;
	s8 =	sld [smem:$0x3FA8]  }
0x2e: {  	s3 =	simm.s32 @!p0 $0x1082;
	s9 =	sld [smem:$0x3FA9]  }
0x2f: {  	lr =	sadd.s32 s0, s3;
	s0 =	sld [smem:$0x3FA0]  }
0x30: {  	s3 =	sld [smem:$0x3FA3]  }
0x31: {  	[smem:$0x3FAC] =	sst s10  }
0x32: {  	s10 =	sld [smem:$0x3FAA];
	_ =	sdelay $0x3  }
0x33: {  	p0 =	seq.s32 s10, $0x1;
	s10 =	sld [smem:$0x3FAC];
	_ =	sdelay $0x3  }
0x34: {  	[smem:$0x3FAC] =	sst s10  }
0x35: {  	s10 =	sld [smem:$0x3FAB];
	_ =	sdelay $0x3  }
0x36: {  	p1 =	seq.s32 s10, $0x1;
	s10 =	sld [smem:$0x3FAC];
	_ =	sdelay $0x3  }
0x37: {  	[smem:$0x3FAC] =	sst s10  }
0x38: {  	s10 =	sld [smem:$0x3FAD]  }
0x39: {  	_ = 	snop;
	(pc) =	sbr.ind lr, $3  }
0x3a: {  	_ = 	snop  }
0x3b: {  	_ = 	snop  }
0x3c: {  	p2 =	seq.s32 s10, $0x1;
	s10 =	sld [smem:$0x3FAC]  }
0x3d: {  	_ =	shalt  }
0x3e: {  	_ =	shalt  }
0x3f: {  	_ =	shalt  }
0x40: {  	_ =	shalt  }
0x41: {  	_ =	shalt  }
0x42: {  	_ =	shalt  }
0x43: {  	_ =	shalt  }
0x44: {  	_ =	shalt  }
0x45: {  	_ =	shalt  }
0x46: {  	_ =	shalt  }
0x47: {  	_ =	shalt  }
0x48: {  	_ =	shalt  }
0x49: {  	_ =	shalt  }
0x4a: {  	_ =	shalt  }
0x4b: {  	_ =	shalt  }
0x4c: {  	_ =	shalt  }
0x4d: {  	_ =	shalt  }
0x4e: {  	_ =	shalt  }
0x4f: {  	_ =	shalt  }
0x50: {  	_ =	shalt  }
0x51: {  	_ =	shalt  }
0x52: {  	_ =	shalt  }
0x53: {  	_ =	shalt  }
0x54: {  	_ =	shalt  }
0x55: {  	_ =	shalt  }
0x56: {  	_ =	shalt  }
0x57: {  	_ =	shalt  }
0x58: {  	_ =	shalt  }
0x59: {  	_ =	shalt  }
0x5a: {  	_ =	shalt  }
0x5b: {  	_ =	shalt  }
0x5c: {  	_ =	shalt  }
0x5d: {  	_ =	shalt  }
0x5e: {  	_ =	shalt  }
0x5f: {  	_ =	shalt  }
0x60: {  	_ =	shalt  }
0x61: {  	_ =	shalt  }
0x62: {  	_ =	shalt  }
0x63: {  	_ =	shalt  }
0x64: {  	_ =	shalt  }
0x65: {  	_ =	shalt  }
0x66: {  	_ =	shalt  }
0x67: {  	_ =	shalt  }
0x68: {  	_ =	shalt  }
0x69: {  	_ =	shalt  }
0x6a: {  	_ =	shalt  }
0x6b: {  	_ =	shalt  }
0x6c: {  	_ =	shalt  }
0x6d: {  	_ =	shalt  }
0x6e: {  	_ =	shalt  }
0x6f: {  	_ =	shalt  }
0x70: {  	_ =	shalt  }
0x71: {  	_ =	shalt  }
0x72: {  	_ =	shalt  }
0x73: {  	_ =	shalt  }
0x74: {  	_ =	shalt  }
0x75: {  	_ =	shalt  }
0x76: {  	_ =	shalt  }
0x77: {  	_ =	shalt  }
0x78: {  	_ =	shalt  }
0x79: {  	_ =	shalt  }
0x7a: {  	_ =	shalt  }
0x7b: {  	_ =	shalt  }
0x7c: {  	_ =	shalt  }
0x7d: {  	_ =	shalt  }
0x7e: {  	_ =	shalt  }
0x7f: {  	_ =	shalt  }
0x80: {  	_ =	shalt  }
0x81: {  	_ =	shalt  }
0x82: {  	_ =	shalt  }
0x83: {  	_ =	shalt  }
0x84: {  	_ =	shalt  }
0x85: {  	_ =	shalt  }
0x86: {  	_ =	shalt  }
0x87: {  	_ =	shalt  }
.Lfunc_end0:
.L_simem_size_0:
called_computation.1_lowered:
.L_overlay_start_0:
0x88: {  	s2 =	sld [smem:$0x3FD9]  }
0x89: {  	s3 =	sld [smem:$0x3FFE];
	_ =	sdelay $0x1  }
0x8a: {  	s1 =	srdreg.scid  }
0x8b: {  	s0 =	sand.u32 $0x1, s1  }
0x8c: {  	s16 =	sshll.u32 s0, $0xA;
	s2 =	sadd.s32 s3, s2  }
0x8d: {  	s2 =	sadd.s32 s2, s16  }
0x8e: {  	[smem:$0x3FB8] =	sst s2  }
0x8f: {  	_ = 	snop  }
0x90: {  	(tm) =	ssettm $0x1  }
0x91: {  	s17 =	sld [smem:$0x3FFB];
	_ =	sdelay $0x3  }
0x92: {  	_ =	strace s17  }
0x93: {  	s2 =	sld [smem:$0x3FFC];
	_ =	sdelay $0x3  }
0x94: {  	_ =	strace s2  }
0x95: {  	s2 =	sld [smem:$0x3FFD];
	_ =	sdelay $0x3  }
0x96: {  	_ =	strace s2  }
0x97: {  	_ =	strace $0x8FFFFFFF  }
0x98: {  	s18 =	sld [smem:$0x3FDB];
	_ =	sdelay $0x1  }
0x99: {  	s19 =	simm.s32 $_scs_section_size  }
0x9a: {  	s4 =	simm.s32 $_size__tile_overlayer_lowered;
	s5 =	simm.s32 $_tile_overlayer_lowered  }
0x9b: {  	s22 =	simm.s32 $0x1BFF;
	s21 =	sshll.u32 s5, $0x1;
	s2 =	sadd.s32 s19, s18  }
0x9c: {  	s6 =	simm.s32 $0x0;
	s20 =	sshll.u32 s4, $0x1;
	s4 =	sadd.s32 s21, s2  }
0x9d: {  	[timem:s6], [sflag:s22] =	dma.local [hbm:s4], s20  }
0x9e: {  	_ =	swait.ge [sflag:s22], s20  }
0x9f: {  	s3 =	ssub.s32 $0x0, s20;
	[sflag:s22] =	ssyncset.done $0x0  }
0xa0: {  	[sflag:s22] =	ssyncadd.s32 s3;
	_ =	sdelay $0x1  }
0xa1: {  	s23 =	simm.s32 $0x1B8B  }
0xa2: {  	_ =	swait.ge [sflag:s23], $0x1  }
0xa3: {  	[sflag:s23] =	ssyncset.done $0x0  }
0xa4: {  	s25 =	simm.s32 $0x1B8E;
	s24 =	sld [smem:$0x3FFE];
	[sflag:s23] =	ssyncadd.s32 $0xFFFFFFFF  }
0xa5: {  	s26 =	simm.s32 $execute0_lowered;
	[smem:$0x3FD2] =	sst s25  }
0xa6: {  	s4 =	sshll.u32 s26, $0x1;
	_ =	strace $0x80000049;
	[dreg:$0x1] =	wrdreg $0xFFFFFFFF  }
0xa7: {  	s28 =	simm.s32 $_size_execute0_lowered;
	s2 =	sadd.s32 s2, s4;
	[dreg:$0x0] =	wrdreg $0x0  }
0xa8: {  	s4 =	sshll.u32 s28, $0x1;
	[dreg:$0x2] =	wrdreg s2  }
0xa9: {  	[dreg:$0x3] =	wrdreg s4  }
0xaa: {  	[dreg:$0x4] =	wrdreg $0xC0  }
0xab: {  	_ =	task [dreg:s6], $0x5FFFF  }
0xac: {  	[dreg:$0x1] =	wrdreg $0xFFFFFFFF  }
0xad: {  	[dreg:$0x0] =	wrdreg $0x60  }
0xae: {  	[dreg:$0x2] =	wrdreg s24  }
0xaf: {  	[dreg:$0x3] =	wrdreg $0xBF800  }
0xb0: {  	[dreg:$0x4] =	wrdreg $0x9  }
0xb1: {  	_ =	task.clear_ibuf [dreg:s6], $0x5FFFF;
	_ =	strace $0x90000049  }
0xb2: {  	s29 =	simm.s32 $0x9;
	_ =	strace $0x8000004B  }
0xb3: {  	_ =	swait.ge [sflag:s29], $0x1  }
0xb4: {  	[sflag:s29] =	ssyncadd.s32 $0xFFFFFFFF  }
0xb5: {  	_ =	strace $0x9000004B  }
0xb6: {  	_ =	sfence  }
0xb7: {  	s30 =	sld [smem:$0x0];
	_ =	sdelay $0x2  }
0xb8: {  	s31 =	sshll.u32 s1, $0xD;
	s1 =	sshrl.u32 s1, $0x2  }
0xb9: {  	s3 =	sand.u32 $0x4000, s31;
	s1 =	sadd.s32 s1, s30  }
0xba: {  	s0 =	sor.u32 s3, s0;
	s1 =	sshll.u32 s1, $0x11  }
0xbb: {  	s0 =	sor.u32 s1, s0  }
0xbc: {  	s0 =	sadd.s32 $0x8F2B, s0  }
0xbd: {  	[sflag:s0] =	ssyncadd.remote.s32 $0x1  }
0xbe: {  	_ =	sfence.sel $0xFFFF  }
0xbf: {  	[dreg:$0x0] =	wrdreg $0xFFFFFFFF;
	(pc) =	sbr.abs _section_cstart, $3  }
0xc0: {  	[dreg:$0x1] =	wrdreg $0xFFFFFFFF  }
0xc1: {  	_ =	task.clear_ibuf [dreg:s6], $0x2FFFF;
	_ =	strace $0x9FFFFFFF  }
0xc2: {  	(tm) =	ssettm $0x7FFFFFFF  }
0xc3: {  	_ =	shalt  }
tec
execute0_lowered:
.L_overlay_start_1:
0x0: {  	(tag) =	ssettag $0x1  }
0x1: {  	s0 =	srdreg.scid;
	s6 =	rddreg [dreg:$0x0]  }
0x2: {  	s18 =	stileid.u32;
	s2 =	rddreg [dreg:$0x1];
	s14 =	simm.s32 $0x7  }
0x3: {  	s15 =	simm.s32 $0x2780;
	s16 =	simm.s32 $0x50;
	s17 =	simm.s32 $0x4780  }
0x4: {  	s22 =	simm.s32 $0x1;
	s24 =	simm.s32 $0x9780;
	s28 =	simm.s32 $0x4  }
0x5: {  	s30 =	simm.s32 $0x3;
	s31 =	simm.s32 $0x5;
	s0 =	sand.u32 $0x1, s0  }
0x6: {  	s5 =	sshll.u32 s18, $0x7;
	s9 =	smul.u32 $0x4F000, s18;
	s11 =	sadd.s32 $0x46600, s6  }
0x7: {  	s25 =	smul.u32 $0x13C00, s18;
	s19 =	sadd.s32 $0x128400, s2;
	p0 =	seq.s32 s18, $0xF  }
0x8: {  	s1 =	sshll.u32 s0, $0x4;
	s5 =	sand.u32 $0x380, s5;
	s8 =	ssub.s32 $0x2, s0  }
0x9: {  	s0 =	smul.u32 $0x138C00, s0;
	s19 =	sshrl.u32 @p0 s19, $0x3;
	s1 =	sor.u32 s18, s1  }
0xa: {  	s10 =	sshrl.u32 s8, $0x1;
	s9 =	sshrl.u32 s9, $0x2;
	s3 =	sshrl.u32 s1, $0x3  }
0xb: {  	s1 =	sshll.u32 s1, $0xB;
	s12 =	ssub.s32 s8, s10;
	s13 =	sadd.s32 s9, s2  }
0xc: {  	s8 =	sadd.s32 s25, s0;
	s0 =	sshrl.u32 s0, $0x3;
	s25 =	simm.s32 $0x2  }
0xd: {  	s4 =	smul.u32 $0x13C00, s3;
	s3 =	simm.s32 $0x0;
	s1 =	sadd.s32 s1, s6  }
0xe: {  	s29 =	sshrl.u32 s8, $0x3;
	s0 =	sadd.s32 s11, s0;
	s21 =	sshrl.u32 @!p0 s13, $0x3  }
0xf: {  	[smem:$0x7FF] =	sst s3;
	s8 =	sadd.s32 $0x3200, s1;
	s9 =	sadd.s32 s11, s29  }
0x10: {  	s10 =	sadd.s32 $0x25080, s0;
	s11 =	smax.u32 s12, $0x1;
	s0 =	sshll.u32 @!p0 s18, $0x6  }
0x11: {  	s18 =	simm.s32 $0x6F80;
	s12 =	simm.s32 $0x0;
	s4 =	sor.u32 s5, s4  }
0x12: {  	_ =	strace $0x8000004A;
	s20 =	sor.u32 @!p0 $0x1C07, s0;
	s5 =	sshrl.u32 s4, $0x3  }
0x13: {  	s0 =	simm.s32 $0x4680;
	s4 =	sadd.s32 $0x1F400, s6;
	s7 =	sadd.s32 s5, s6  }
0x14: {  	s5 =	sadd.s32 $0x1CC00, s6;
	s26 =	sadd.s32 $0x12E00, s7;
	s7 =	sadd.s32 $0x2E00, s1  }
0x15: {  	s1 =	simm.s32 $0x6;
	[dreg:$0x3] =	wrdreg s26;
	s26 =	simm.s32 $0x2800  }
.LBB2_1:
0x16: {  	s6 =	rddreg [dreg:$0x3];
	s13 =	simm.s32 $0x80;
	s23 =	simm.s32 $0x400  }
0x17: {  	[tilespmem:s3], [sflag:$0x7] =	stream.strided.gather [hbm4b:s6+s13], $0x2780, s23, s13, $0x38;
	[tilespmem:$0x1F840] =	vst v63  }
0x18: {  	_ =	swait.ge [sflag:s14], $0x2780  }
0x19: {  	[sflag:s14] =	ssyncset.done $0x0  }
0x1a: {  	[sflag:s14] =	ssyncadd.s32 $0xFFFFD880  }
0x1b: {  	[tilespmem:s15], [sflag:$0x7] =	stream.linear.gather [hbm4b:s7+s3], $0x1F80, $0x38;
	[tilespmem:$0x1F840] =	vst v63  }
0x1c: {  	_ =	swait.ge [sflag:s14], $0x1F80  }
0x1d: {  	[sflag:s14] =	ssyncset.done $0x0  }
0x1e: {  	[sflag:s14] =	ssyncadd.s32 $0xFFFFE080  }
0x1f: {  	[tilespmem:s17], [sflag:$0x1] =	stream.indirect.gather [hbm4b:s4+s16], $0x80, s3, s16, $0xb8;
	[tilespmem:$0x1F840] =	vst v63  }
0x20: {  	s13 =	simm.s32 @p0 $0x1FC7  }
0x21: {  	[tilespmem:s18], [sflag:$0x2] =	stream.indirect.gather [hbm4b:s4+s16], $0x80, s16, s16, $0xb8;
	[tilespmem:$0x1F840] =	vst v63  }
0x22: {  	[spmem:s19], [sflag:s13] =	dma.local @p0 [hbm:s5], $0x2100  }
0x23: {  	s13 =	simm.s32 @p0 $0x7  }
0x24: {  	_ =	swait.ge @p0 [sflag:s13], $0x2100  }
0x25: {  	[sflag:s13] =	ssyncset.done @p0 $0x0  }
0x26: {  	[sflag:s13] =	ssyncadd.s32 @p0 $0xFFFFDF00;
	s13 =	simm.s32 @!p0 $0x7  }
0x27: {  	[spmem:s21], [sflag:s20] =	dma.local @!p0 [hbm:s5], $0x2780  }
0x28: {  	_ =	swait.ge @!p0 [sflag:s13], $0x2780  }
0x29: {  	[sflag:s13] =	ssyncset.done @!p0 $0x0  }
0x2a: {  	[sflag:s13] =	ssyncadd.s32 @!p0 $0xFFFFD880  }
0x2b: {  	[bflag:$0x0] =	sbarrier.arrive $0xFFFF  }
0x2c: {  	_ =	swait.ge [sflag:s22], $0x2800  }
0x2d: {  	[sflag:s22] =	ssyncset.done $0x0  }
0x2e: {  	[sflag:s22] =	ssyncadd.s32 $0xFFFFD800  }
0x2f: {  	[spmem:s2] =	stream.indirect.scatter.add.f32 [tilespmem:s17], [sflag:$0x4], $0x80, s15, s16, $0xb8;
	[tilespmem:$0x1F840] =	vst v63  }
0x30: {  	s23 =	simm.s32 $0xA0  }
0x31: {  	[tilespmem:s24], [sflag:$0x3] =	stream.indirect.gather [hbm4b:s4+s16], $0x80, s23, s16, $0xb8;
	[tilespmem:$0x1F840] =	vst v63  }
0x32: {  	_ =	swait.ge [sflag:s25], $0x2800  }
0x33: {  	[sflag:s25] =	ssyncset.done $0x0  }
0x34: {  	[sflag:s25] =	ssyncadd.s32 $0xFFFFD800  }
0x35: {  	[spmem:s2] =	stream.indirect.scatter.add.f32 [tilespmem:s18], [sflag:$0x5], $0x80, s26, s16, $0xb8;
	[tilespmem:$0x1F840] =	vst v63  }
0x36: {  	_ =	swait.ge [sflag:s28], $0x2800  }
0x37: {  	[sflag:s28] =	ssyncset.done $0x0  }
0x38: {  	s13 =	simm.s32 $0xF0;
	[sflag:s28] =	ssyncadd.s32 $0xFFFFD800  }
0x39: {  	[tilespmem:s17], [sflag:$0x1] =	stream.indirect.gather [hbm4b:s4+s16], $0x80, s13, s16, $0xb8;
	[tilespmem:$0x1F840] =	vst v63  }
0x3a: {  	_ =	swait.ge [sflag:s30], $0x2800  }
0x3b: {  	[sflag:s30] =	ssyncset.done $0x0  }
0x3c: {  	s23 =	simm.s32 $0x2880;
	[sflag:s30] =	ssyncadd.s32 $0xFFFFD800  }
0x3d: {  	[spmem:s2] =	stream.indirect.scatter.add.f32 [tilespmem:s24], [sflag:$0x6], $0x80, s23, s16, $0xb8;
	[tilespmem:$0x1F840] =	vst v63  }
0x3e: {  	_ =	swait.ge [sflag:s31], $0x2800  }
0x3f: {  	[sflag:s31] =	ssyncset.done $0x0  }
0x40: {  	s6 =	simm.s32 $0x140;
	[sflag:s31] =	ssyncadd.s32 $0xFFFFD800  }
0x41: {  	[tilespmem:s18], [sflag:$0x2] =	stream.indirect.gather [hbm4b:s4+s16], $0x80, s6, s16, $0xb8;
	[tilespmem:$0x1F840] =	vst v63  }
0x42: {  	_ =	swait.ge [sflag:s22], $0x2800  }
0x43: {  	[sflag:s22] =	ssyncset.done $0x0  }
0x44: {  	s23 =	simm.s32 $0x2900;
	[sflag:s22] =	ssyncadd.s32 $0xFFFFD800  }
0x45: {  	[spmem:s2] =	stream.indirect.scatter.add.f32 [tilespmem:s17], [sflag:$0x4], $0x80, s23, s16, $0xb8;
	[tilespmem:$0x1F840] =	vst v63  }
0x46: {  	_ =	swait.ge [sflag:s1], $0x2800  }
0x47: {  	[sflag:s1] =	ssyncset.done $0x0  }
0x48: {  	s6 =	simm.s32 $0x190;
	[sflag:s1] =	ssyncadd.s32 $0xFFFFD800  }
0x49: {  	[tilespmem:s24], [sflag:$0x3] =	stream.indirect.gather [hbm4b:s4+s16], $0x80, s6, s16, $0xb8;
	[tilespmem:$0x1F840] =	vst v63  }
0x4a: {  	_ =	swait.ge [sflag:s25], $0x2800  }
0x4b: {  	[sflag:s25] =	ssyncset.done $0x0  }
0x4c: {  	s23 =	simm.s32 $0x2980;
	[sflag:s25] =	ssyncadd.s32 $0xFFFFD800  }
0x4d: {  	[spmem:s2] =	stream.indirect.scatter.add.f32 [tilespmem:s18], [sflag:$0x5], $0x80, s23, s16, $0xb8;
	[tilespmem:$0x1F840] =	vst v63  }
0x4e: {  	_ =	swait.ge [sflag:s28], $0x2800  }
0x4f: {  	s29 =	simm.s32 $0x1E0;
	[sflag:s28] =	ssyncset.done $0x0  }
0x50: {  	s13 =	simm.s32 $0x3C0;
	s23 =	simm.s32 $0x2B00;
	[sflag:s28] =	ssyncadd.s32 $0xFFFFD800  }
.LBB2_2:
0x51: {  	[tilespmem:s17], [sflag:$0x1] =	stream.indirect.gather [hbm4b:s4+s16], $0x80, s29, s16, $0xb8;
	[tilespmem:$0x1F840] =	vst v63  }
0x52: {  	s29 =	smov.u32 s13  }
0x53: {  	p1 =	sne.s32 s13, $0x4740;
	s13 =	sadd.s32 $0x3C0, s13;
	_ =	swait.ge [sflag:s30], $0x2800  }
0x54: {  	[sflag:s30] =	ssyncset.done $0x0  }
0x55: {  	s6 =	sadd.s32 $0xFFFFFF00, s23;
	[sflag:s30] =	ssyncadd.s32 $0xFFFFD800  }
0x56: {  	[spmem:s2] =	stream.indirect.scatter.add.f32 [tilespmem:s24], [sflag:$0x6], $0x80, s6, s16, $0xb8;
	[tilespmem:$0x1F840] =	vst v63  }
0x57: {  	_ =	swait.ge [sflag:s31], $0x2800  }
0x58: {  	s6 =	sshra.s32 s29, $0x2;
	[sflag:s31] =	ssyncset.done $0x0  }
0x59: {  	s29 =	sadd.s32 $0x140, s6;
	[sflag:s31] =	ssyncadd.s32 $0xFFFFD800  }
0x5a: {  	[tilespmem:s18], [sflag:$0x2] =	stream.indirect.gather [hbm4b:s4+s16], $0x80, s29, s16, $0xb8;
	[tilespmem:$0x1F840] =	vst v63  }
0x5b: {  	_ =	swait.ge [sflag:s22], $0x2800  }
0x5c: {  	[sflag:s22] =	ssyncset.done $0x0  }
0x5d: {  	s29 =	sadd.s32 $0xFFFFFF80, s23;
	[sflag:s22] =	ssyncadd.s32 $0xFFFFD800  }
0x5e: {  	[spmem:s2] =	stream.indirect.scatter.add.f32 [tilespmem:s17], [sflag:$0x4], $0x80, s29, s16, $0xb8;
	[tilespmem:$0x1F840] =	vst v63  }
0x5f: {  	_ =	swait.ge [sflag:s1], $0x2800  }
0x60: {  	[sflag:s1] =	ssyncset.done $0x0  }
0x61: {  	s29 =	sadd.s32 $0x190, s6;
	[sflag:s1] =	ssyncadd.s32 $0xFFFFD800  }
0x62: {  	[tilespmem:s24], [sflag:$0x3] =	stream.indirect.gather [hbm4b:s4+s16], $0x80, s29, s16, $0xb8;
	[tilespmem:$0x1F840] =	vst v63  }
0x63: {  	_ =	swait.ge [sflag:s25], $0x2800  }
0x64: {  	[sflag:s25] =	ssyncset.done $0x0  }
.Ltmp0:
0x65: {  	[sflag:s25] =	ssyncadd.s32 $0xFFFFD800;
	(pc) =	sbr.rel @p1 .LBB2_2-.Ltmp0, $4  }
0x66: {  	[spmem:s2] =	stream.indirect.scatter.add.f32 [tilespmem:s18], [sflag:$0x5], $0x80, s23, s16, $0xb8;
	[tilespmem:$0x1F840] =	vst v63  }
0x67: {  	_ =	swait.ge [sflag:s28], $0x2800  }
0x68: {  	[sflag:s28] =	ssyncset.done $0x0  }
0x69: {  	s29 =	sadd.s32 $0x1E0, s6;
	s23 =	sadd.s32 $0x180, s23;
	[sflag:s28] =	ssyncadd.s32 $0xFFFFD800  }
0x6a: {  	[tilespmem:s17], [sflag:$0x1] =	stream.indirect.gather [hbm4b:s4+s16], $0x80, s29, s16, $0xb8;
	[tilespmem:$0x1F840] =	vst v63  }
0x6b: {  	_ =	swait.ge [sflag:s30], $0x2800  }
0x6c: {  	[sflag:s30] =	ssyncset.done $0x0  }
0x6d: {  	[sflag:s30] =	ssyncadd.s32 $0xFFFFD800  }
0x6e: {  	[spmem:s2] =	stream.indirect.scatter.add.f32 [tilespmem:s24], [sflag:$0x6], $0x80, s0, s16, $0xb8;
	[tilespmem:$0x1F840] =	vst v63  }
0x6f: {  	_ =	swait.ge [sflag:s31], $0x2800  }
0x70: {  	[sflag:s31] =	ssyncset.done $0x0  }
0x71: {  	s6 =	simm.s32 $0x1400;
	[sflag:s31] =	ssyncadd.s32 $0xFFFFD800  }
0x72: {  	[tilespmem:s18], [sflag:$0x2] =	stream.indirect.gather [hbm4b:s4+s16], $0x80, s6, s16, $0xb8;
	[tilespmem:$0x1F840] =	vst v63  }
0x73: {  	_ =	swait.ge [sflag:s1], $0x2800  }
0x74: {  	[sflag:s1] =	ssyncset.done $0x0  }
0x75: {  	s13 =	simm.s32 $0x0;
	[sflag:s1] =	ssyncadd.s32 $0xFFFFD800  }
0x76: {  	[tilespmem:s15], [sflag:$0x7] =	stream.linear.gather [hbm4b:s8+s13], $0x1F80, $0x38;
	[tilespmem:$0x1F840] =	vst v63  }
0x77: {  	_ =	swait.ge [sflag:s14], $0x1F80  }
0x78: {  	[sflag:s14] =	ssyncset.done $0x0  }
0x79: {  	[sflag:s14] =	ssyncadd.s32 $0xFFFFE080  }
0x7a: {  	_ =	swait.ge [sflag:s22], $0x2800  }
0x7b: {  	[sflag:s22] =	ssyncset.done $0x0  }
0x7c: {  	[sflag:s22] =	ssyncadd.s32 $0xFFFFD800  }
0x7d: {  	[spmem:s2] =	stream.indirect.scatter.add.f32 [tilespmem:s17], [sflag:$0x4], $0x80, s15, s16, $0xb8;
	[tilespmem:$0x1F840] =	vst v63  }
0x7e: {  	s23 =	simm.s32 $0x1450  }
0x7f: {  	[tilespmem:s24], [sflag:$0x3] =	stream.indirect.gather [hbm4b:s4+s16], $0x80, s23, s16, $0xb8;
	[tilespmem:$0x1F840] =	vst v63  }
0x80: {  	_ =	swait.ge [sflag:s25], $0x2800  }
0x81: {  	[sflag:s25] =	ssyncset.done $0x0  }
0x82: {  	[sflag:s25] =	ssyncadd.s32 $0xFFFFD800  }
0x83: {  	[spmem:s2] =	stream.indirect.scatter.add.f32 [tilespmem:s18], [sflag:$0x5], $0x80, s26, s16, $0xb8;
	[tilespmem:$0x1F840] =	vst v63  }
0x84: {  	_ =	swait.ge [sflag:s28], $0x2800  }
0x85: {  	[sflag:s28] =	ssyncset.done $0x0  }
0x86: {  	s13 =	simm.s32 $0x14A0;
	[sflag:s28] =	ssyncadd.s32 $0xFFFFD800  }
0x87: {  	[tilespmem:s17], [sflag:$0x1] =	stream.indirect.gather [hbm4b:s4+s16], $0x80, s13, s16, $0xb8;
	[tilespmem:$0x1F840] =	vst v63  }
0x88: {  	_ =	swait.ge [sflag:s30], $0x2800  }
0x89: {  	[sflag:s30] =	ssyncset.done $0x0  }
0x8a: {  	s23 =	simm.s32 $0x2880;
	[sflag:s30] =	ssyncadd.s32 $0xFFFFD800  }
0x8b: {  	[spmem:s2] =	stream.indirect.scatter.add.f32 [tilespmem:s24], [sflag:$0x6], $0x80, s23, s16, $0xb8;
	[tilespmem:$0x1F840] =	vst v63  }
0x8c: {  	_ =	swait.ge [sflag:s31], $0x2800  }
0x8d: {  	[sflag:s31] =	ssyncset.done $0x0  }
0x8e: {  	s13 =	simm.s32 $0x14F0;
	[sflag:s31] =	ssyncadd.s32 $0xFFFFD800  }
0x8f: {  	[tilespmem:s18], [sflag:$0x2] =	stream.indirect.gather [hbm4b:s4+s16], $0x80, s13, s16, $0xb8;
	[tilespmem:$0x1F840] =	vst v63  }
0x90: {  	_ =	swait.ge [sflag:s22], $0x2800  }
0x91: {  	[sflag:s22] =	ssyncset.done $0x0  }
0x92: {  	s23 =	simm.s32 $0x2900;
	[sflag:s22] =	ssyncadd.s32 $0xFFFFD800  }
0x93: {  	[spmem:s2] =	stream.indirect.scatter.add.f32 [tilespmem:s17], [sflag:$0x4], $0x80, s23, s16, $0xb8;
	[tilespmem:$0x1F840] =	vst v63  }
0x94: {  	_ =	swait.ge [sflag:s1], $0x2800  }
0x95: {  	[sflag:s1] =	ssyncset.done $0x0  }
0x96: {  	s13 =	simm.s32 $0x1540;
	[sflag:s1] =	ssyncadd.s32 $0xFFFFD800  }
0x97: {  	[tilespmem:s24], [sflag:$0x3] =	stream.indirect.gather [hbm4b:s4+s16], $0x80, s13, s16, $0xb8;
	[tilespmem:$0x1F840] =	vst v63  }
0x98: {  	_ =	swait.ge [sflag:s25], $0x2800  }
0x99: {  	[sflag:s25] =	ssyncset.done $0x0  }
0x9a: {  	s23 =	simm.s32 $0x2980;
	[sflag:s25] =	ssyncadd.s32 $0xFFFFD800  }
0x9b: {  	[spmem:s2] =	stream.indirect.scatter.add.f32 [tilespmem:s18], [sflag:$0x5], $0x80, s23, s16, $0xb8;
	[tilespmem:$0x1F840] =	vst v63  }
0x9c: {  	_ =	swait.ge [sflag:s28], $0x2800  }
0x9d: {  	s29 =	simm.s32 $0x1590;
	[sflag:s28] =	ssyncset.done $0x0  }
0x9e: {  	s13 =	simm.s32 $0x3C0;
	s23 =	simm.s32 $0x2B00;
	[sflag:s28] =	ssyncadd.s32 $0xFFFFD800  }
.LBB2_4:
0x9f: {  	[tilespmem:s17], [sflag:$0x1] =	stream.indirect.gather [hbm4b:s4+s16], $0x80, s29, s16, $0xb8;
	[tilespmem:$0x1F840] =	vst v63  }
0xa0: {  	s6 =	smov.u32 s13  }
0xa1: {  	p1 =	sne.s32 s13, $0x4380;
	s13 =	sadd.s32 $0x3C0, s13;
	_ =	swait.ge [sflag:s30], $0x2800  }
0xa2: {  	[sflag:s30] =	ssyncset.done $0x0  }
0xa3: {  	s29 =	sadd.s32 $0xFFFFFF00, s23;
	[sflag:s30] =	ssyncadd.s32 $0xFFFFD800  }
0xa4: {  	[spmem:s2] =	stream.indirect.scatter.add.f32 [tilespmem:s24], [sflag:$0x6], $0x80, s29, s16, $0xb8;
	[tilespmem:$0x1F840] =	vst v63  }
0xa5: {  	_ =	swait.ge [sflag:s31], $0x2800  }
0xa6: {  	s6 =	sshra.s32 s6, $0x2;
	[sflag:s31] =	ssyncset.done $0x0  }
0xa7: {  	s29 =	sadd.s32 $0x14F0, s6;
	[sflag:s31] =	ssyncadd.s32 $0xFFFFD800  }
0xa8: {  	[tilespmem:s18], [sflag:$0x2] =	stream.indirect.gather [hbm4b:s4+s16], $0x80, s29, s16, $0xb8;
	[tilespmem:$0x1F840] =	vst v63  }
0xa9: {  	_ =	swait.ge [sflag:s22], $0x2800  }
0xaa: {  	[sflag:s22] =	ssyncset.done $0x0  }
0xab: {  	s29 =	sadd.s32 $0xFFFFFF80, s23;
	[sflag:s22] =	ssyncadd.s32 $0xFFFFD800  }
0xac: {  	[spmem:s2] =	stream.indirect.scatter.add.f32 [tilespmem:s17], [sflag:$0x4], $0x80, s29, s16, $0xb8;
	[tilespmem:$0x1F840] =	vst v63  }
0xad: {  	_ =	swait.ge [sflag:s1], $0x2800  }
0xae: {  	[sflag:s1] =	ssyncset.done $0x0  }
0xaf: {  	s29 =	sadd.s32 $0x1540, s6;
	[sflag:s1] =	ssyncadd.s32 $0xFFFFD800  }
0xb0: {  	[tilespmem:s24], [sflag:$0x3] =	stream.indirect.gather [hbm4b:s4+s16], $0x80, s29, s16, $0xb8;
	[tilespmem:$0x1F840] =	vst v63  }
0xb1: {  	_ =	swait.ge [sflag:s25], $0x2800  }
0xb2: {  	[sflag:s25] =	ssyncset.done $0x0  }
.Ltmp1:
0xb3: {  	[sflag:s25] =	ssyncadd.s32 $0xFFFFD800;
	(pc) =	sbr.rel @p1 .LBB2_4-.Ltmp1, $4  }
0xb4: {  	[spmem:s2] =	stream.indirect.scatter.add.f32 [tilespmem:s18], [sflag:$0x5], $0x80, s23, s16, $0xb8;
	[tilespmem:$0x1F840] =	vst v63  }
0xb5: {  	_ =	swait.ge [sflag:s28], $0x2800  }
0xb6: {  	[sflag:s28] =	ssyncset.done $0x0  }
0xb7: {  	s29 =	sadd.s32 $0x1590, s6;
	s23 =	sadd.s32 $0x180, s23;
	[sflag:s28] =	ssyncadd.s32 $0xFFFFD800  }
0xb8: {  	[tilespmem:s17], [sflag:$0x1] =	stream.indirect.gather [hbm4b:s4+s16], $0x80, s29, s16, $0xb8;
	[tilespmem:$0x1F840] =	vst v63  }
0xb9: {  	_ =	swait.ge [sflag:s30], $0x2800  }
0xba: {  	[sflag:s30] =	ssyncset.done $0x0  }
0xbb: {  	s6 =	simm.s32 $0x4500;
	[sflag:s30] =	ssyncadd.s32 $0xFFFFD800  }
0xbc: {  	[spmem:s2] =	stream.indirect.scatter.add.f32 [tilespmem:s24], [sflag:$0x6], $0x80, s6, s16, $0xb8;
	[tilespmem:$0x1F840] =	vst v63  }
0xbd: {  	_ =	swait.ge [sflag:s31], $0x2800  }
0xbe: {  	[sflag:s31] =	ssyncset.done $0x0  }
0xbf: {  	s29 =	simm.s32 $0x26C0;
	[sflag:s31] =	ssyncadd.s32 $0xFFFFD800  }
0xc0: {  	[tilespmem:s18], [sflag:$0x2] =	stream.indirect.gather [hbm4b:s4+s16], $0x80, s29, s16, $0xb8;
	[tilespmem:$0x1F840] =	vst v63  }
0xc1: {  	_ =	swait.ge [sflag:s22], $0x2800  }
0xc2: {  	[sflag:s22] =	ssyncset.done $0x0  }
0xc3: {  	s13 =	simm.s32 $0x4580;
	[sflag:s22] =	ssyncadd.s32 $0xFFFFD800  }
0xc4: {  	[spmem:s2] =	stream.indirect.scatter.add.f32 [tilespmem:s17], [sflag:$0x4], $0x80, s13, s16, $0xb8;
	[tilespmem:$0x1F840] =	vst v63  }
0xc5: {  	_ =	swait.ge [sflag:s1], $0x2800  }
0xc6: {  	[sflag:s1] =	ssyncset.done $0x0  }
0xc7: {  	s23 =	simm.s32 $0x2710;
	[sflag:s1] =	ssyncadd.s32 $0xFFFFD800  }
0xc8: {  	[tilespmem:s24], [sflag:$0x3] =	stream.indirect.gather [hbm4b:s4+s16], $0x80, s23, s16, $0xb8;
	[tilespmem:$0x1F840] =	vst v63  }
0xc9: {  	_ =	swait.ge [sflag:s25], $0x2800  }
0xca: {  	[sflag:s25] =	ssyncset.done $0x0  }
0xcb: {  	s29 =	simm.s32 $0x4600;
	[sflag:s25] =	ssyncadd.s32 $0xFFFFD800  }
0xcc: {  	[spmem:s2] =	stream.indirect.scatter.add.f32 [tilespmem:s18], [sflag:$0x5], $0x80, s29, s16, $0xb8;
	[tilespmem:$0x1F840] =	vst v63  }
0xcd: {  	_ =	swait.ge [sflag:s28], $0x2800  }
0xce: {  	[sflag:s28] =	ssyncset.done $0x0  }
0xcf: {  	[sflag:s28] =	ssyncadd.s32 $0xFFFFD800  }
0xd0: {  	_ =	swait.ge [sflag:s30], $0x2800  }
0xd1: {  	[sflag:s30] =	ssyncset.done $0x0  }
0xd2: {  	[sflag:s30] =	ssyncadd.s32 $0xFFFFD800  }
0xd3: {  	[spmem:s2] =	stream.indirect.scatter.add.f32 [tilespmem:s24], [sflag:$0x6], $0x80, s0, s16, $0xb8;
	[tilespmem:$0x1F840] =	vst v63  }
0xd4: {  	_ =	swait.ge [sflag:s31], $0x2800  }
0xd5: {  	[sflag:s31] =	ssyncset.done $0x0  }
0xd6: {  	[sflag:s31] =	ssyncadd.s32 $0xFFFFD800  }
0xd7: {  	_ =	swait.ge [sflag:s1], $0x2800  }
0xd8: {  	[sflag:s1] =	ssyncset.done $0x0  }
0xd9: {  	[sflag:s1] =	ssyncadd.s32 $0xFFFFD800  }
0xda: {  	s6 =	simm.s32 @p0 $0x1FC7;
	[bflag:$0x0] =	sbarrier.arrive $0xFFFF  }
0xdb: {  	[hbm:s10], [sflag:s6] =	dma.local @p0 [spmem:s19], $0x2100  }
0xdc: {  	s6 =	simm.s32 @p0 $0x7  }
0xdd: {  	s12 =	sadd.s32 $0x1, s12;
	_ =	swait.ge @p0 [sflag:s6], $0x2100  }
0xde: {  	p1 =	sne.s32 s12, s11;
	[sflag:s6] =	ssyncset.done @p0 $0x0  }
.Ltmp2:
0xdf: {  	[sflag:s6] =	ssyncadd.s32 @p0 $0xFFFFDF00;
	s6 =	simm.s32 @!p0 $0x7;
	(pc) =	sbr.rel @p1 .LBB2_1-.Ltmp2, $4  }
0xe0: {  	[hbm:s9], [sflag:s20] =	dma.local @!p0 [spmem:s21], $0x2780  }
0xe1: {  	_ =	swait.ge @!p0 [sflag:s6], $0x2780  }
0xe2: {  	[sflag:s6] =	ssyncset.done @!p0 $0x0  }
0xe3: {  	[sflag:s6] =	ssyncadd.s32 @!p0 $0xFFFFD880  }
0xe4: {  	_ =	sfence.sel $0x180000  }
0xe5: {  	[bflag:$0x0] =	sbarrier.arrive $0xFFFF  }
0xe6: {  	_ =	strace $0x9000004A  }
0xe7: {  	s0 =	stileid.u32;
	[bflag:$0x2] =	sbarrier.arrive $0xFFFF  }
0xe8: {  	p0 =	sne.s32 s0, $0x0;
	s0 =	rddreg [dreg:$0x2]  }
0xe9: {  	s0 =	sadd.s32 @!p0 $0x100000, s0  }
0xea: {  	[sflag:s0] =	ssyncadd.tile.s32 @!p0 $0x1;
	_ =	shalt  }
.Lfunc_end2:
_tile_overlayer_lowered:
.L_overlay_start_2:
0xeb: {  	(tag) =	ssettag $0x2  }
0xec: {  	s0 =	rddreg [dreg:$0x0];
	s2 =	stileid.u32  }
0xed: {  	s1 =	rddreg [dreg:$0x1];
	p0 =	sne.s32 s2, $0x0  }
0xee: {  	s3 =	rddreg [dreg:$0x2];
	[bflag:$0x3] =	sbarrier.arrive $0xFFFF;
	s2 =	simm.s32 @!p0 $0x1C07  }
0xef: {  	[timem:s3], [sflag:s2] =	dma.local @!p0 [hbm:s0], s1  }
0xf0: {  	s0 =	simm.s32 @!p0 $0x7  }
0xf1: {  	_ =	swait.ge @!p0 [sflag:s0], s1  }
0xf2: {  	s1 =	ssub.s32 @!p0 $0x0, s1;
	[sflag:s0] =	ssyncset.done @!p0 $0x0  }
0xf3: {  	[sflag:s0] =	ssyncadd.s32 @!p0 s1  }
0xf4: {  	[bflag:$0x3] =	sbarrier.arrive $0xFFFF  }
0xf5: {  	_ =	shalt  }

// kernel: kernel.14.cloned.1.call-start
scs
__scs_entry_jumppad:
0x0: {  	(pc) =	sbr.rel $0x88, $3  }
0x1: {  	(tag) =	ssettag $0x0;
	lr =	simm.s32 $0x1  }
0x2: {  	[smem:$0x3F91] =	sst lr;
	_ =	strace $0xD0000000  }
0x3: {  	_ = 	snop  }
0x4: {  	_ = 	snop  }
0x5: {  	_ = 	snop  }
0x6: {  	_ = 	snop  }
0x7: {  	_ = 	snop  }
__scs_overlays_trampoline_lowered:
0x8: {  	[smem:$0x3FA0] =	sst s0  }
0x9: {  	[smem:$0x3FA1] =	sst s1  }
0xa: {  	[smem:$0x3FA2] =	sst s2  }
0xb: {  	[smem:$0x3FA3] =	sst s3  }
0xc: {  	[smem:$0x3FA4] =	sst s4  }
0xd: {  	[smem:$0x3FA5] =	sst s5  }
0xe: {  	[smem:$0x3FA6] =	sst s6  }
0xf: {  	[smem:$0x3FA7] =	sst s7  }
0x10: {  	[smem:$0x3FA8] =	sst s8  }
0x11: {  	[smem:$0x3FA9] =	sst s9;
	s0 =	simm.s32 @!p0 $0x0  }
0x12: {  	s1 =	sld [smem:$0x3F8F];
	s0 =	simm.s32 @p0 $0x1  }
0x13: {  	[smem:$0x3FAA] =	sst s0;
	s0 =	simm.s32 @!p1 $0x0  }
0x14: {  	s2 =	sld [smem:$0x3F8E];
	s0 =	simm.s32 @p1 $0x1  }
0x15: {  	[smem:$0x3FAB] =	sst s0;
	s0 =	simm.s32 @!p2 $0x0  }
0x16: {  	s3 =	sld [smem:$0x3FDB];
	s0 =	simm.s32 @p2 $0x1  }
0x17: {  	s4 =	simm.s32 $0x1BF5;
	[smem:$0x3FAD] =	sst s0  }
0x18: {  	s0 =	sld [smem:$0x3F90];
	_ =	swait.ge [sflag:s4], $0x0  }
0x19: {  	s7 =	sld [smem:$0x3F91]  }
0x1a: {  	s8 =	sadd.s32 $0xFFFFE003, lr  }
0x1b: {  	s9 =	sadd.s32 $0xFFFFFEF7, lr;
	s5 =	simm.s32 $0xFFFFFFFF;
	p2 =	slt.u32 s8, $0xFFFFF086  }
0x1c: {  	p1 =	slt.u32 s9, $0xF7A;
	s5 =	simm.s32 @!p2 $0x0  }
0x1d: {  	s5 =	simm.s32 @p1 $0x1;
	p0 =	seq.s32 s7, s2  }
0x1e: {  	s7 =	smul.u32 @!p0 $0xF7A, s2;
	p2 =	seq.s32 @!p0 s5, $0x0  }
0x1f: {  	s9 =	smul.u32 $0xF7A, s1;
	s8 =	simm.s32 @!p0 $0x1BF5;
	p2 =	por !p2, p0  }
0x20: {  	[sflag:s8] =	ssyncset.s32 @!p0 $0xFFFFF086;
	s6 =	sadd.s32 @!p0 s3, s7;
	s7 =	simm.s32 @!p0 $0x108  }
0x21: {  	s3 =	sadd.s32 s3, s9;
	s6 =	sadd.s32 @!p0 $0x88, s6;
	s7 =	simm.s32 @p2 $0x1082  }
0x22: {  	[simem:s7], [sflag:s8] =	dma.local @!p0 [hbm:s6], $0xF7A  }
0x23: {  	s9 =	sor.u32 $0xD0000000, s2;
	s6 =	simm.s32 $0x108;
	_ =	swait.ge @!p0 [sflag:s8], $0x0  }
0x24: {  	s3 =	sadd.s32 $0x88, s3;
	s6 =	simm.s32 @!p1 $0x1082;
	[sflag:s4] =	ssyncset.s32 $0xFFFFF086  }
0x25: {  	[simem:s6], [sflag:s4] =	dma.local [hbm:s3], $0xF7A  }
0x26: {  	[smem:$0x3F91] =	sst s1;
	(tag) =	ssettag s2;
	_ =	strace s9  }
0x27: {  	s1 =	sld [smem:$0x3FA1]  }
0x28: {  	s2 =	sld [smem:$0x3FA2]  }
0x29: {  	s4 =	sld [smem:$0x3FA4]  }
0x2a: {  	p0 =	seq.s32 s5, $0x0;
	s5 =	sld [smem:$0x3FA5]  }
0x2b: {  	s6 =	sld [smem:$0x3FA6]  }
0x2c: {  	s7 =	sld [smem:$0x3FA7]  }
0x2d: {  	s3 =	simm.s32 $0x108;
	s8 =	sld [smem:$0x3FA8]  }
0x2e: {  	s3 =	simm.s32 @!p0 $0x1082;
	s9 =	sld [smem:$0x3FA9]  }
0x2f: {  	lr =	sadd.s32 s0, s3;
	s0 =	sld [smem:$0x3FA0]  }
0x30: {  	s3 =	sld [smem:$0x3FA3]  }
0x31: {  	[smem:$0x3FAC] =	sst s10  }
0x32: {  	s10 =	sld [smem:$0x3FAA];
	_ =	sdelay $0x3  }
0x33: {  	p0 =	seq.s32 s10, $0x1;
	s10 =	sld [smem:$0x3FAC];
	_ =	sdelay $0x3  }
0x34: {  	[smem:$0x3FAC] =	sst s10  }
0x35: {  	s10 =	sld [smem:$0x3FAB];
	_ =	sdelay $0x3  }
0x36: {  	p1 =	seq.s32 s10, $0x1;
	s10 =	sld [smem:$0x3FAC];
	_ =	sdelay $0x3  }
0x37: {  	[smem:$0x3FAC] =	sst s10  }
0x38: {  	s10 =	sld [smem:$0x3FAD]  }
0x39: {  	_ = 	snop;
	(pc) =	sbr.ind lr, $3  }
0x3a: {  	_ = 	snop  }
0x3b: {  	_ = 	snop  }
0x3c: {  	p2 =	seq.s32 s10, $0x1;
	s10 =	sld [smem:$0x3FAC]  }
0x3d: {  	_ =	shalt  }
0x3e: {  	_ =	shalt  }
0x3f: {  	_ =	shalt  }
0x40: {  	_ =	shalt  }
0x41: {  	_ =	shalt  }
0x42: {  	_ =	shalt  }
0x43: {  	_ =	shalt  }
0x44: {  	_ =	shalt  }
0x45: {  	_ =	shalt  }
0x46: {  	_ =	shalt  }
0x47: {  	_ =	shalt  }
0x48: {  	_ =	shalt  }
0x49: {  	_ =	shalt  }
0x4a: {  	_ =	shalt  }
0x4b: {  	_ =	shalt  }
0x4c: {  	_ =	shalt  }
0x4d: {  	_ =	shalt  }
0x4e: {  	_ =	shalt  }
0x4f: {  	_ =	shalt  }
0x50: {  	_ =	shalt  }
0x51: {  	_ =	shalt  }
0x52: {  	_ =	shalt  }
0x53: {  	_ =	shalt  }
0x54: {  	_ =	shalt  }
0x55: {  	_ =	shalt  }
0x56: {  	_ =	shalt  }
0x57: {  	_ =	shalt  }
0x58: {  	_ =	shalt  }
0x59: {  	_ =	shalt  }
0x5a: {  	_ =	shalt  }
0x5b: {  	_ =	shalt  }
0x5c: {  	_ =	shalt  }
0x5d: {  	_ =	shalt  }
0x5e: {  	_ =	shalt  }
0x5f: {  	_ =	shalt  }
0x60: {  	_ =	shalt  }
0x61: {  	_ =	shalt  }
0x62: {  	_ =	shalt  }
0x63: {  	_ =	shalt  }
0x64: {  	_ =	shalt  }
0x65: {  	_ =	shalt  }
0x66: {  	_ =	shalt  }
0x67: {  	_ =	shalt  }
0x68: {  	_ =	shalt  }
0x69: {  	_ =	shalt  }
0x6a: {  	_ =	shalt  }
0x6b: {  	_ =	shalt  }
0x6c: {  	_ =	shalt  }
0x6d: {  	_ =	shalt  }
0x6e: {  	_ =	shalt  }
0x6f: {  	_ =	shalt  }
0x70: {  	_ =	shalt  }
0x71: {  	_ =	shalt  }
0x72: {  	_ =	shalt  }
0x73: {  	_ =	shalt  }
0x74: {  	_ =	shalt  }
0x75: {  	_ =	shalt  }
0x76: {  	_ =	shalt  }
0x77: {  	_ =	shalt  }
0x78: {  	_ =	shalt  }
0x79: {  	_ =	shalt  }
0x7a: {  	_ =	shalt  }
0x7b: {  	_ =	shalt  }
0x7c: {  	_ =	shalt  }
0x7d: {  	_ =	shalt  }
0x7e: {  	_ =	shalt  }
0x7f: {  	_ =	shalt  }
0x80: {  	_ =	shalt  }
0x81: {  	_ =	shalt  }
0x82: {  	_ =	shalt  }
0x83: {  	_ =	shalt  }
0x84: {  	_ =	shalt  }
0x85: {  	_ =	shalt  }
0x86: {  	_ =	shalt  }
0x87: {  	_ =	shalt  }
.Lfunc_end0:
.L_simem_size_0:
called_computation.2_lowered:
.L_overlay_start_0:
0x88: {  	s2 =	sld [smem:$0x3FD9]  }
0x89: {  	s3 =	sld [smem:$0x3FFE];
	_ =	sdelay $0x1  }
0x8a: {  	s1 =	srdreg.scid  }
0x8b: {  	s0 =	sand.u32 $0x1, s1  }
0x8c: {  	s16 =	sshll.u32 s0, $0xA;
	s2 =	sadd.s32 s3, s2  }
0x8d: {  	s2 =	sadd.s32 s2, s16  }
0x8e: {  	[smem:$0x3FB8] =	sst s2  }
0x8f: {  	_ = 	snop  }
0x90: {  	(tm) =	ssettm $0x1  }
0x91: {  	s17 =	sld [smem:$0x3FFB];
	_ =	sdelay $0x3  }
0x92: {  	_ =	strace s17  }
0x93: {  	s2 =	sld [smem:$0x3FFC];
	_ =	sdelay $0x3  }
0x94: {  	_ =	strace s2  }
0x95: {  	s2 =	sld [smem:$0x3FFD];
	_ =	sdelay $0x3  }
0x96: {  	_ =	strace s2  }
0x97: {  	_ =	strace $0x8FFFFFFF  }
0x98: {  	s18 =	sld [smem:$0x3FDB];
	_ =	sdelay $0x1  }
0x99: {  	s19 =	simm.s32 $_scs_section_size  }
0x9a: {  	s4 =	simm.s32 $_size__tile_overlayer_lowered;
	s5 =	simm.s32 $_tile_overlayer_lowered  }
0x9b: {  	s22 =	simm.s32 $0x1BFF;
	s21 =	sshll.u32 s5, $0x1;
	s2 =	sadd.s32 s19, s18  }
0x9c: {  	s6 =	simm.s32 $0x0;
	s20 =	sshll.u32 s4, $0x1;
	s4 =	sadd.s32 s21, s2  }
0x9d: {  	[timem:s6], [sflag:s22] =	dma.local [hbm:s4], s20  }
0x9e: {  	_ =	swait.ge [sflag:s22], s20  }
0x9f: {  	s3 =	ssub.s32 $0x0, s20;
	[sflag:s22] =	ssyncset.done $0x0  }
0xa0: {  	[sflag:s22] =	ssyncadd.s32 s3;
	_ =	sdelay $0x1  }
0xa1: {  	s23 =	simm.s32 $0x1B8B  }
0xa2: {  	_ =	swait.ge [sflag:s23], $0x1  }
0xa3: {  	[sflag:s23] =	ssyncset.done $0x0  }
0xa4: {  	s25 =	simm.s32 $0x1B8E;
	s24 =	sld [smem:$0x3FFE];
	[sflag:s23] =	ssyncadd.s32 $0xFFFFFFFF  }
0xa5: {  	s26 =	simm.s32 $execute0_lowered;
	[smem:$0x3FD2] =	sst s25  }
0xa6: {  	s4 =	sshll.u32 s26, $0x1;
	_ =	strace $0x8000004C;
	[dreg:$0x1] =	wrdreg $0xFFFFFFFF  }
0xa7: {  	s28 =	simm.s32 $_size_execute0_lowered;
	s2 =	sadd.s32 s2, s4;
	[dreg:$0x0] =	wrdreg $0x0  }
0xa8: {  	s4 =	sshll.u32 s28, $0x1;
	[dreg:$0x2] =	wrdreg s2  }
0xa9: {  	[dreg:$0x3] =	wrdreg s4  }
0xaa: {  	[dreg:$0x4] =	wrdreg $0xC0  }
0xab: {  	_ =	task [dreg:s6], $0x5FFFF  }
0xac: {  	[dreg:$0x1] =	wrdreg $0xFFFFFFFF  }
0xad: {  	[dreg:$0x0] =	wrdreg $0x60  }
0xae: {  	[dreg:$0x2] =	wrdreg s24  }
0xaf: {  	[dreg:$0x3] =	wrdreg $0xBF800  }
0xb0: {  	[dreg:$0x4] =	wrdreg $0x9  }
0xb1: {  	_ =	task.clear_ibuf [dreg:s6], $0x5FFFF;
	_ =	strace $0x9000004C  }
0xb2: {  	s29 =	simm.s32 $0x9;
	_ =	strace $0x8000004E  }
0xb3: {  	_ =	swait.ge [sflag:s29], $0x1  }
0xb4: {  	[sflag:s29] =	ssyncadd.s32 $0xFFFFFFFF  }
0xb5: {  	_ =	strace $0x9000004E  }
0xb6: {  	_ =	sfence  }
0xb7: {  	s30 =	sld [smem:$0x0];
	_ =	sdelay $0x2  }
0xb8: {  	s31 =	sshll.u32 s1, $0xD;
	s1 =	sshrl.u32 s1, $0x2  }
0xb9: {  	s3 =	sand.u32 $0x4000, s31;
	s1 =	sadd.s32 s1, s30  }
0xba: {  	s0 =	sor.u32 s3, s0;
	s1 =	sshll.u32 s1, $0x11  }
0xbb: {  	s0 =	sor.u32 s1, s0  }
0xbc: {  	s0 =	sadd.s32 $0x8F2B, s0  }
0xbd: {  	[sflag:s0] =	ssyncadd.remote.s32 $0x1  }
0xbe: {  	_ =	sfence.sel $0xFFFF  }
0xbf: {  	[dreg:$0x0] =	wrdreg $0xFFFFFFFF;
	(pc) =	sbr.abs _section_cstart, $3  }
0xc0: {  	[dreg:$0x1] =	wrdreg $0xFFFFFFFF  }
0xc1: {  	_ =	task.clear_ibuf [dreg:s6], $0x2FFFF;
	_ =	strace $0x9FFFFFFF  }
0xc2: {  	(tm) =	ssettm $0x7FFFFFFF  }
0xc3: {  	_ =	shalt  }
tec
execute0_lowered:
.L_overlay_start_1:
0x0: {  	(tag) =	ssettag $0x1  }
0x1: {  	s0 =	srdreg.scid;
	s6 =	rddreg [dreg:$0x0]  }
0x2: {  	s18 =	stileid.u32;
	s2 =	rddreg [dreg:$0x1];
	s14 =	simm.s32 $0x7  }
0x3: {  	s15 =	simm.s32 $0x2780;
	s16 =	simm.s32 $0x50;
	s17 =	simm.s32 $0x4780  }
0x4: {  	s22 =	simm.s32 $0x1;
	s24 =	simm.s32 $0x9780;
	s28 =	simm.s32 $0x4  }
0x5: {  	s30 =	simm.s32 $0x3;
	s31 =	simm.s32 $0x5;
	s0 =	sand.u32 $0x1, s0  }
0x6: {  	s5 =	sshll.u32 s18, $0x7;
	s9 =	smul.u32 $0x4F000, s18;
	s11 =	sadd.s32 $0x46600, s6  }
0x7: {  	s25 =	smul.u32 $0x13C00, s18;
	s19 =	sadd.s32 $0x128400, s2;
	p0 =	seq.s32 s18, $0xF  }
0x8: {  	s1 =	sshll.u32 s0, $0x4;
	s5 =	sand.u32 $0x380, s5;
	s8 =	ssub.s32 $0x2, s0  }
0x9: {  	s0 =	smul.u32 $0x138C00, s0;
	s19 =	sshrl.u32 @p0 s19, $0x3;
	s1 =	sor.u32 s18, s1  }
0xa: {  	s10 =	sshrl.u32 s8, $0x1;
	s9 =	sshrl.u32 s9, $0x2;
	s3 =	sshrl.u32 s1, $0x3  }
0xb: {  	s1 =	sshll.u32 s1, $0xB;
	s12 =	ssub.s32 s8, s10;
	s13 =	sadd.s32 s9, s2  }
0xc: {  	s8 =	sadd.s32 s25, s0;
	s0 =	sshrl.u32 s0, $0x3;
	s25 =	simm.s32 $0x2  }
0xd: {  	s4 =	smul.u32 $0x13C00, s3;
	s3 =	simm.s32 $0x0;
	s1 =	sadd.s32 s1, s6  }
0xe: {  	s29 =	sshrl.u32 s8, $0x3;
	s0 =	sadd.s32 s11, s0;
	s21 =	sshrl.u32 @!p0 s13, $0x3  }
0xf: {  	[smem:$0x7FF] =	sst s3;
	s8 =	sadd.s32 $0x3200, s1;
	s9 =	sadd.s32 s11, s29  }
0x10: {  	s10 =	sadd.s32 $0x25080, s0;
	s11 =	smax.u32 s12, $0x1;
	s0 =	sshll.u32 @!p0 s18, $0x6  }
0x11: {  	s18 =	simm.s32 $0x6F80;
	s12 =	simm.s32 $0x0;
	s4 =	sor.u32 s5, s4  }
0x12: {  	_ =	strace $0x8000004D;
	s20 =	sor.u32 @!p0 $0x1C07, s0;
	s5 =	sshrl.u32 s4, $0x3  }
0x13: {  	s0 =	simm.s32 $0x4680;
	s4 =	sadd.s32 $0x1F400, s6;
	s7 =	sadd.s32 s5, s6  }
0x14: {  	s5 =	sadd.s32 $0x1CC00, s6;
	s26 =	sadd.s32 $0x12E00, s7;
	s7 =	sadd.s32 $0x2E00, s1  }
0x15: {  	s1 =	simm.s32 $0x6;
	[dreg:$0x3] =	wrdreg s26;
	s26 =	simm.s32 $0x2800  }
.LBB2_1:
0x16: {  	s6 =	rddreg [dreg:$0x3];
	s13 =	simm.s32 $0x80;
	s23 =	simm.s32 $0x400  }
0x17: {  	[tilespmem:s3], [sflag:$0x7] =	stream.strided.gather [hbm4b:s6+s13], $0x2780, s23, s13, $0x38;
	[tilespmem:$0x1F840] =	vst v63  }
0x18: {  	_ =	swait.ge [sflag:s14], $0x2780  }
0x19: {  	[sflag:s14] =	ssyncset.done $0x0  }
0x1a: {  	[sflag:s14] =	ssyncadd.s32 $0xFFFFD880  }
0x1b: {  	[tilespmem:s15], [sflag:$0x7] =	stream.linear.gather [hbm4b:s7+s3], $0x1F80, $0x38;
	[tilespmem:$0x1F840] =	vst v63  }
0x1c: {  	_ =	swait.ge [sflag:s14], $0x1F80  }
0x1d: {  	[sflag:s14] =	ssyncset.done $0x0  }
0x1e: {  	[sflag:s14] =	ssyncadd.s32 $0xFFFFE080  }
0x1f: {  	[tilespmem:s17], [sflag:$0x1] =	stream.indirect.gather [hbm4b:s4+s16], $0x80, s3, s16, $0xb8;
	[tilespmem:$0x1F840] =	vst v63  }
0x20: {  	s13 =	simm.s32 @p0 $0x1FC7  }
0x21: {  	[tilespmem:s18], [sflag:$0x2] =	stream.indirect.gather [hbm4b:s4+s16], $0x80, s16, s16, $0xb8;
	[tilespmem:$0x1F840] =	vst v63  }
0x22: {  	[spmem:s19], [sflag:s13] =	dma.local @p0 [hbm:s5], $0x2100  }
0x23: {  	s13 =	simm.s32 @p0 $0x7  }
0x24: {  	_ =	swait.ge @p0 [sflag:s13], $0x2100  }
0x25: {  	[sflag:s13] =	ssyncset.done @p0 $0x0  }
0x26: {  	[sflag:s13] =	ssyncadd.s32 @p0 $0xFFFFDF00;
	s13 =	simm.s32 @!p0 $0x7  }
0x27: {  	[spmem:s21], [sflag:s20] =	dma.local @!p0 [hbm:s5], $0x2780  }
0x28: {  	_ =	swait.ge @!p0 [sflag:s13], $0x2780  }
0x29: {  	[sflag:s13] =	ssyncset.done @!p0 $0x0  }
0x2a: {  	[sflag:s13] =	ssyncadd.s32 @!p0 $0xFFFFD880  }
0x2b: {  	[bflag:$0x0] =	sbarrier.arrive $0xFFFF  }
0x2c: {  	_ =	swait.ge [sflag:s22], $0x2800  }
0x2d: {  	[sflag:s22] =	ssyncset.done $0x0  }
0x2e: {  	[sflag:s22] =	ssyncadd.s32 $0xFFFFD800  }
0x2f: {  	[spmem:s2] =	stream.indirect.scatter.add.f32 [tilespmem:s17], [sflag:$0x4], $0x80, s15, s16, $0xb8;
	[tilespmem:$0x1F840] =	vst v63  }
0x30: {  	s23 =	simm.s32 $0xA0  }
0x31: {  	[tilespmem:s24], [sflag:$0x3] =	stream.indirect.gather [hbm4b:s4+s16], $0x80, s23, s16, $0xb8;
	[tilespmem:$0x1F840] =	vst v63  }
0x32: {  	_ =	swait.ge [sflag:s25], $0x2800  }
0x33: {  	[sflag:s25] =	ssyncset.done $0x0  }
0x34: {  	[sflag:s25] =	ssyncadd.s32 $0xFFFFD800  }
0x35: {  	[spmem:s2] =	stream.indirect.scatter.add.f32 [tilespmem:s18], [sflag:$0x5], $0x80, s26, s16, $0xb8;
	[tilespmem:$0x1F840] =	vst v63  }
0x36: {  	_ =	swait.ge [sflag:s28], $0x2800  }
0x37: {  	[sflag:s28] =	ssyncset.done $0x0  }
0x38: {  	s13 =	simm.s32 $0xF0;
	[sflag:s28] =	ssyncadd.s32 $0xFFFFD800  }
0x39: {  	[tilespmem:s17], [sflag:$0x1] =	stream.indirect.gather [hbm4b:s4+s16], $0x80, s13, s16, $0xb8;
	[tilespmem:$0x1F840] =	vst v63  }
0x3a: {  	_ =	swait.ge [sflag:s30], $0x2800  }
0x3b: {  	[sflag:s30] =	ssyncset.done $0x0  }
0x3c: {  	s23 =	simm.s32 $0x2880;
	[sflag:s30] =	ssyncadd.s32 $0xFFFFD800  }
0x3d: {  	[spmem:s2] =	stream.indirect.scatter.add.f32 [tilespmem:s24], [sflag:$0x6], $0x80, s23, s16, $0xb8;
	[tilespmem:$0x1F840] =	vst v63  }
0x3e: {  	_ =	swait.ge [sflag:s31], $0x2800  }
0x3f: {  	[sflag:s31] =	ssyncset.done $0x0  }
0x40: {  	s6 =	simm.s32 $0x140;
	[sflag:s31] =	ssyncadd.s32 $0xFFFFD800  }
0x41: {  	[tilespmem:s18], [sflag:$0x2] =	stream.indirect.gather [hbm4b:s4+s16], $0x80, s6, s16, $0xb8;
	[tilespmem:$0x1F840] =	vst v63  }
0x42: {  	_ =	swait.ge [sflag:s22], $0x2800  }
0x43: {  	[sflag:s22] =	ssyncset.done $0x0  }
0x44: {  	s23 =	simm.s32 $0x2900;
	[sflag:s22] =	ssyncadd.s32 $0xFFFFD800  }
0x45: {  	[spmem:s2] =	stream.indirect.scatter.add.f32 [tilespmem:s17], [sflag:$0x4], $0x80, s23, s16, $0xb8;
	[tilespmem:$0x1F840] =	vst v63  }
0x46: {  	_ =	swait.ge [sflag:s1], $0x2800  }
0x47: {  	[sflag:s1] =	ssyncset.done $0x0  }
0x48: {  	s6 =	simm.s32 $0x190;
	[sflag:s1] =	ssyncadd.s32 $0xFFFFD800  }
0x49: {  	[tilespmem:s24], [sflag:$0x3] =	stream.indirect.gather [hbm4b:s4+s16], $0x80, s6, s16, $0xb8;
	[tilespmem:$0x1F840] =	vst v63  }
0x4a: {  	_ =	swait.ge [sflag:s25], $0x2800  }
0x4b: {  	[sflag:s25] =	ssyncset.done $0x0  }
0x4c: {  	s23 =	simm.s32 $0x2980;
	[sflag:s25] =	ssyncadd.s32 $0xFFFFD800  }
0x4d: {  	[spmem:s2] =	stream.indirect.scatter.add.f32 [tilespmem:s18], [sflag:$0x5], $0x80, s23, s16, $0xb8;
	[tilespmem:$0x1F840] =	vst v63  }
0x4e: {  	_ =	swait.ge [sflag:s28], $0x2800  }
0x4f: {  	s29 =	simm.s32 $0x1E0;
	[sflag:s28] =	ssyncset.done $0x0  }
0x50: {  	s13 =	simm.s32 $0x3C0;
	s23 =	simm.s32 $0x2B00;
	[sflag:s28] =	ssyncadd.s32 $0xFFFFD800  }
.LBB2_2:
0x51: {  	[tilespmem:s17], [sflag:$0x1] =	stream.indirect.gather [hbm4b:s4+s16], $0x80, s29, s16, $0xb8;
	[tilespmem:$0x1F840] =	vst v63  }
0x52: {  	s29 =	smov.u32 s13  }
0x53: {  	p1 =	sne.s32 s13, $0x4740;
	s13 =	sadd.s32 $0x3C0, s13;
	_ =	swait.ge [sflag:s30], $0x2800  }
0x54: {  	[sflag:s30] =	ssyncset.done $0x0  }
0x55: {  	s6 =	sadd.s32 $0xFFFFFF00, s23;
	[sflag:s30] =	ssyncadd.s32 $0xFFFFD800  }
0x56: {  	[spmem:s2] =	stream.indirect.scatter.add.f32 [tilespmem:s24], [sflag:$0x6], $0x80, s6, s16, $0xb8;
	[tilespmem:$0x1F840] =	vst v63  }
0x57: {  	_ =	swait.ge [sflag:s31], $0x2800  }
0x58: {  	s6 =	sshra.s32 s29, $0x2;
	[sflag:s31] =	ssyncset.done $0x0  }
0x59: {  	s29 =	sadd.s32 $0x140, s6;
	[sflag:s31] =	ssyncadd.s32 $0xFFFFD800  }
0x5a: {  	[tilespmem:s18], [sflag:$0x2] =	stream.indirect.gather [hbm4b:s4+s16], $0x80, s29, s16, $0xb8;
	[tilespmem:$0x1F840] =	vst v63  }
0x5b: {  	_ =	swait.ge [sflag:s22], $0x2800  }
0x5c: {  	[sflag:s22] =	ssyncset.done $0x0  }
0x5d: {  	s29 =	sadd.s32 $0xFFFFFF80, s23;
	[sflag:s22] =	ssyncadd.s32 $0xFFFFD800  }
0x5e: {  	[spmem:s2] =	stream.indirect.scatter.add.f32 [tilespmem:s17], [sflag:$0x4], $0x80, s29, s16, $0xb8;
	[tilespmem:$0x1F840] =	vst v63  }
0x5f: {  	_ =	swait.ge [sflag:s1], $0x2800  }
0x60: {  	[sflag:s1] =	ssyncset.done $0x0  }
0x61: {  	s29 =	sadd.s32 $0x190, s6;
	[sflag:s1] =	ssyncadd.s32 $0xFFFFD800  }
0x62: {  	[tilespmem:s24], [sflag:$0x3] =	stream.indirect.gather [hbm4b:s4+s16], $0x80, s29, s16, $0xb8;
	[tilespmem:$0x1F840] =	vst v63  }
0x63: {  	_ =	swait.ge [sflag:s25], $0x2800  }
0x64: {  	[sflag:s25] =	ssyncset.done $0x0  }
.Ltmp0:
0x65: {  	[sflag:s25] =	ssyncadd.s32 $0xFFFFD800;
	(pc) =	sbr.rel @p1 .LBB2_2-.Ltmp0, $4  }
0x66: {  	[spmem:s2] =	stream.indirect.scatter.add.f32 [tilespmem:s18], [sflag:$0x5], $0x80, s23, s16, $0xb8;
	[tilespmem:$0x1F840] =	vst v63  }
0x67: {  	_ =	swait.ge [sflag:s28], $0x2800  }
0x68: {  	[sflag:s28] =	ssyncset.done $0x0  }
0x69: {  	s29 =	sadd.s32 $0x1E0, s6;
	s23 =	sadd.s32 $0x180, s23;
	[sflag:s28] =	ssyncadd.s32 $0xFFFFD800  }
0x6a: {  	[tilespmem:s17], [sflag:$0x1] =	stream.indirect.gather [hbm4b:s4+s16], $0x80, s29, s16, $0xb8;
	[tilespmem:$0x1F840] =	vst v63  }
0x6b: {  	_ =	swait.ge [sflag:s30], $0x2800  }
0x6c: {  	[sflag:s30] =	ssyncset.done $0x0  }
0x6d: {  	[sflag:s30] =	ssyncadd.s32 $0xFFFFD800  }
0x6e: {  	[spmem:s2] =	stream.indirect.scatter.add.f32 [tilespmem:s24], [sflag:$0x6], $0x80, s0, s16, $0xb8;
	[tilespmem:$0x1F840] =	vst v63  }
0x6f: {  	_ =	swait.ge [sflag:s31], $0x2800  }
0x70: {  	[sflag:s31] =	ssyncset.done $0x0  }
0x71: {  	s6 =	simm.s32 $0x1400;
	[sflag:s31] =	ssyncadd.s32 $0xFFFFD800  }
0x72: {  	[tilespmem:s18], [sflag:$0x2] =	stream.indirect.gather [hbm4b:s4+s16], $0x80, s6, s16, $0xb8;
	[tilespmem:$0x1F840] =	vst v63  }
0x73: {  	_ =	swait.ge [sflag:s1], $0x2800  }
0x74: {  	[sflag:s1] =	ssyncset.done $0x0  }
0x75: {  	s13 =	simm.s32 $0x0;
	[sflag:s1] =	ssyncadd.s32 $0xFFFFD800  }
0x76: {  	[tilespmem:s15], [sflag:$0x7] =	stream.linear.gather [hbm4b:s8+s13], $0x1F80, $0x38;
	[tilespmem:$0x1F840] =	vst v63  }
0x77: {  	_ =	swait.ge [sflag:s14], $0x1F80  }
0x78: {  	[sflag:s14] =	ssyncset.done $0x0  }
0x79: {  	[sflag:s14] =	ssyncadd.s32 $0xFFFFE080  }
0x7a: {  	_ =	swait.ge [sflag:s22], $0x2800  }
0x7b: {  	[sflag:s22] =	ssyncset.done $0x0  }
0x7c: {  	[sflag:s22] =	ssyncadd.s32 $0xFFFFD800  }
0x7d: {  	[spmem:s2] =	stream.indirect.scatter.add.f32 [tilespmem:s17], [sflag:$0x4], $0x80, s15, s16, $0xb8;
	[tilespmem:$0x1F840] =	vst v63  }
0x7e: {  	s23 =	simm.s32 $0x1450  }
0x7f: {  	[tilespmem:s24], [sflag:$0x3] =	stream.indirect.gather [hbm4b:s4+s16], $0x80, s23, s16, $0xb8;
	[tilespmem:$0x1F840] =	vst v63  }
0x80: {  	_ =	swait.ge [sflag:s25], $0x2800  }
0x81: {  	[sflag:s25] =	ssyncset.done $0x0  }
0x82: {  	[sflag:s25] =	ssyncadd.s32 $0xFFFFD800  }
0x83: {  	[spmem:s2] =	stream.indirect.scatter.add.f32 [tilespmem:s18], [sflag:$0x5], $0x80, s26, s16, $0xb8;
	[tilespmem:$0x1F840] =	vst v63  }
0x84: {  	_ =	swait.ge [sflag:s28], $0x2800  }
0x85: {  	[sflag:s28] =	ssyncset.done $0x0  }
0x86: {  	s13 =	simm.s32 $0x14A0;
	[sflag:s28] =	ssyncadd.s32 $0xFFFFD800  }
0x87: {  	[tilespmem:s17], [sflag:$0x1] =	stream.indirect.gather [hbm4b:s4+s16], $0x80, s13, s16, $0xb8;
	[tilespmem:$0x1F840] =	vst v63  }
0x88: {  	_ =	swait.ge [sflag:s30], $0x2800  }
0x89: {  	[sflag:s30] =	ssyncset.done $0x0  }
0x8a: {  	s23 =	simm.s32 $0x2880;
	[sflag:s30] =	ssyncadd.s32 $0xFFFFD800  }
0x8b: {  	[spmem:s2] =	stream.indirect.scatter.add.f32 [tilespmem:s24], [sflag:$0x6], $0x80, s23, s16, $0xb8;
	[tilespmem:$0x1F840] =	vst v63  }
0x8c: {  	_ =	swait.ge [sflag:s31], $0x2800  }
0x8d: {  	[sflag:s31] =	ssyncset.done $0x0  }
0x8e: {  	s13 =	simm.s32 $0x14F0;
	[sflag:s31] =	ssyncadd.s32 $0xFFFFD800  }
0x8f: {  	[tilespmem:s18], [sflag:$0x2] =	stream.indirect.gather [hbm4b:s4+s16], $0x80, s13, s16, $0xb8;
	[tilespmem:$0x1F840] =	vst v63  }
0x90: {  	_ =	swait.ge [sflag:s22], $0x2800  }
0x91: {  	[sflag:s22] =	ssyncset.done $0x0  }
0x92: {  	s23 =	simm.s32 $0x2900;
	[sflag:s22] =	ssyncadd.s32 $0xFFFFD800  }
0x93: {  	[spmem:s2] =	stream.indirect.scatter.add.f32 [tilespmem:s17], [sflag:$0x4], $0x80, s23, s16, $0xb8;
	[tilespmem:$0x1F840] =	vst v63  }
0x94: {  	_ =	swait.ge [sflag:s1], $0x2800  }
0x95: {  	[sflag:s1] =	ssyncset.done $0x0  }
0x96: {  	s13 =	simm.s32 $0x1540;
	[sflag:s1] =	ssyncadd.s32 $0xFFFFD800  }
0x97: {  	[tilespmem:s24], [sflag:$0x3] =	stream.indirect.gather [hbm4b:s4+s16], $0x80, s13, s16, $0xb8;
	[tilespmem:$0x1F840] =	vst v63  }
0x98: {  	_ =	swait.ge [sflag:s25], $0x2800  }
0x99: {  	[sflag:s25] =	ssyncset.done $0x0  }
0x9a: {  	s23 =	simm.s32 $0x2980;
	[sflag:s25] =	ssyncadd.s32 $0xFFFFD800  }
0x9b: {  	[spmem:s2] =	stream.indirect.scatter.add.f32 [tilespmem:s18], [sflag:$0x5], $0x80, s23, s16, $0xb8;
	[tilespmem:$0x1F840] =	vst v63  }
0x9c: {  	_ =	swait.ge [sflag:s28], $0x2800  }
0x9d: {  	s29 =	simm.s32 $0x1590;
	[sflag:s28] =	ssyncset.done $0x0  }
0x9e: {  	s13 =	simm.s32 $0x3C0;
	s23 =	simm.s32 $0x2B00;
	[sflag:s28] =	ssyncadd.s32 $0xFFFFD800  }
.LBB2_4:
0x9f: {  	[tilespmem:s17], [sflag:$0x1] =	stream.indirect.gather [hbm4b:s4+s16], $0x80, s29, s16, $0xb8;
	[tilespmem:$0x1F840] =	vst v63  }
0xa0: {  	s6 =	smov.u32 s13  }
0xa1: {  	p1 =	sne.s32 s13, $0x4380;
	s13 =	sadd.s32 $0x3C0, s13;
	_ =	swait.ge [sflag:s30], $0x2800  }
0xa2: {  	[sflag:s30] =	ssyncset.done $0x0  }
0xa3: {  	s29 =	sadd.s32 $0xFFFFFF00, s23;
	[sflag:s30] =	ssyncadd.s32 $0xFFFFD800  }
0xa4: {  	[spmem:s2] =	stream.indirect.scatter.add.f32 [tilespmem:s24], [sflag:$0x6], $0x80, s29, s16, $0xb8;
	[tilespmem:$0x1F840] =	vst v63  }
0xa5: {  	_ =	swait.ge [sflag:s31], $0x2800  }
0xa6: {  	s6 =	sshra.s32 s6, $0x2;
	[sflag:s31] =	ssyncset.done $0x0  }
0xa7: {  	s29 =	sadd.s32 $0x14F0, s6;
	[sflag:s31] =	ssyncadd.s32 $0xFFFFD800  }
0xa8: {  	[tilespmem:s18], [sflag:$0x2] =	stream.indirect.gather [hbm4b:s4+s16], $0x80, s29, s16, $0xb8;
	[tilespmem:$0x1F840] =	vst v63  }
0xa9: {  	_ =	swait.ge [sflag:s22], $0x2800  }
0xaa: {  	[sflag:s22] =	ssyncset.done $0x0  }
0xab: {  	s29 =	sadd.s32 $0xFFFFFF80, s23;
	[sflag:s22] =	ssyncadd.s32 $0xFFFFD800  }
0xac: {  	[spmem:s2] =	stream.indirect.scatter.add.f32 [tilespmem:s17], [sflag:$0x4], $0x80, s29, s16, $0xb8;
	[tilespmem:$0x1F840] =	vst v63  }
0xad: {  	_ =	swait.ge [sflag:s1], $0x2800  }
0xae: {  	[sflag:s1] =	ssyncset.done $0x0  }
0xaf: {  	s29 =	sadd.s32 $0x1540, s6;
	[sflag:s1] =	ssyncadd.s32 $0xFFFFD800  }
0xb0: {  	[tilespmem:s24], [sflag:$0x3] =	stream.indirect.gather [hbm4b:s4+s16], $0x80, s29, s16, $0xb8;
	[tilespmem:$0x1F840] =	vst v63  }
0xb1: {  	_ =	swait.ge [sflag:s25], $0x2800  }
0xb2: {  	[sflag:s25] =	ssyncset.done $0x0  }
.Ltmp1:
0xb3: {  	[sflag:s25] =	ssyncadd.s32 $0xFFFFD800;
	(pc) =	sbr.rel @p1 .LBB2_4-.Ltmp1, $4  }
0xb4: {  	[spmem:s2] =	stream.indirect.scatter.add.f32 [tilespmem:s18], [sflag:$0x5], $0x80, s23, s16, $0xb8;
	[tilespmem:$0x1F840] =	vst v63  }
0xb5: {  	_ =	swait.ge [sflag:s28], $0x2800  }
0xb6: {  	[sflag:s28] =	ssyncset.done $0x0  }
0xb7: {  	s29 =	sadd.s32 $0x1590, s6;
	s23 =	sadd.s32 $0x180, s23;
	[sflag:s28] =	ssyncadd.s32 $0xFFFFD800  }
0xb8: {  	[tilespmem:s17], [sflag:$0x1] =	stream.indirect.gather [hbm4b:s4+s16], $0x80, s29, s16, $0xb8;
	[tilespmem:$0x1F840] =	vst v63  }
0xb9: {  	_ =	swait.ge [sflag:s30], $0x2800  }
0xba: {  	[sflag:s30] =	ssyncset.done $0x0  }
0xbb: {  	s6 =	simm.s32 $0x4500;
	[sflag:s30] =	ssyncadd.s32 $0xFFFFD800  }
0xbc: {  	[spmem:s2] =	stream.indirect.scatter.add.f32 [tilespmem:s24], [sflag:$0x6], $0x80, s6, s16, $0xb8;
	[tilespmem:$0x1F840] =	vst v63  }
0xbd: {  	_ =	swait.ge [sflag:s31], $0x2800  }
0xbe: {  	[sflag:s31] =	ssyncset.done $0x0  }
0xbf: {  	s29 =	simm.s32 $0x26C0;
	[sflag:s31] =	ssyncadd.s32 $0xFFFFD800  }
0xc0: {  	[tilespmem:s18], [sflag:$0x2] =	stream.indirect.gather [hbm4b:s4+s16], $0x80, s29, s16, $0xb8;
	[tilespmem:$0x1F840] =	vst v63  }
0xc1: {  	_ =	swait.ge [sflag:s22], $0x2800  }
0xc2: {  	[sflag:s22] =	ssyncset.done $0x0  }
0xc3: {  	s13 =	simm.s32 $0x4580;
	[sflag:s22] =	ssyncadd.s32 $0xFFFFD800  }
0xc4: {  	[spmem:s2] =	stream.indirect.scatter.add.f32 [tilespmem:s17], [sflag:$0x4], $0x80, s13, s16, $0xb8;
	[tilespmem:$0x1F840] =	vst v63  }
0xc5: {  	_ =	swait.ge [sflag:s1], $0x2800  }
0xc6: {  	[sflag:s1] =	ssyncset.done $0x0  }
0xc7: {  	s23 =	simm.s32 $0x2710;
	[sflag:s1] =	ssyncadd.s32 $0xFFFFD800  }
0xc8: {  	[tilespmem:s24], [sflag:$0x3] =	stream.indirect.gather [hbm4b:s4+s16], $0x80, s23, s16, $0xb8;
	[tilespmem:$0x1F840] =	vst v63  }
0xc9: {  	_ =	swait.ge [sflag:s25], $0x2800  }
0xca: {  	[sflag:s25] =	ssyncset.done $0x0  }
0xcb: {  	s29 =	simm.s32 $0x4600;
	[sflag:s25] =	ssyncadd.s32 $0xFFFFD800  }
0xcc: {  	[spmem:s2] =	stream.indirect.scatter.add.f32 [tilespmem:s18], [sflag:$0x5], $0x80, s29, s16, $0xb8;
	[tilespmem:$0x1F840] =	vst v63  }
0xcd: {  	_ =	swait.ge [sflag:s28], $0x2800  }
0xce: {  	[sflag:s28] =	ssyncset.done $0x0  }
0xcf: {  	[sflag:s28] =	ssyncadd.s32 $0xFFFFD800  }
0xd0: {  	_ =	swait.ge [sflag:s30], $0x2800  }
0xd1: {  	[sflag:s30] =	ssyncset.done $0x0  }
0xd2: {  	[sflag:s30] =	ssyncadd.s32 $0xFFFFD800  }
0xd3: {  	[spmem:s2] =	stream.indirect.scatter.add.f32 [tilespmem:s24], [sflag:$0x6], $0x80, s0, s16, $0xb8;
	[tilespmem:$0x1F840] =	vst v63  }
0xd4: {  	_ =	swait.ge [sflag:s31], $0x2800  }
0xd5: {  	[sflag:s31] =	ssyncset.done $0x0  }
0xd6: {  	[sflag:s31] =	ssyncadd.s32 $0xFFFFD800  }
0xd7: {  	_ =	swait.ge [sflag:s1], $0x2800  }
0xd8: {  	[sflag:s1] =	ssyncset.done $0x0  }
0xd9: {  	[sflag:s1] =	ssyncadd.s32 $0xFFFFD800  }
0xda: {  	s6 =	simm.s32 @p0 $0x1FC7;
	[bflag:$0x0] =	sbarrier.arrive $0xFFFF  }
0xdb: {  	[hbm:s10], [sflag:s6] =	dma.local @p0 [spmem:s19], $0x2100  }
0xdc: {  	s6 =	simm.s32 @p0 $0x7  }
0xdd: {  	s12 =	sadd.s32 $0x1, s12;
	_ =	swait.ge @p0 [sflag:s6], $0x2100  }
0xde: {  	p1 =	sne.s32 s12, s11;
	[sflag:s6] =	ssyncset.done @p0 $0x0  }
.Ltmp2:
0xdf: {  	[sflag:s6] =	ssyncadd.s32 @p0 $0xFFFFDF00;
	s6 =	simm.s32 @!p0 $0x7;
	(pc) =	sbr.rel @p1 .LBB2_1-.Ltmp2, $4  }
0xe0: {  	[hbm:s9], [sflag:s20] =	dma.local @!p0 [spmem:s21], $0x2780  }
0xe1: {  	_ =	swait.ge @!p0 [sflag:s6], $0x2780  }
0xe2: {  	[sflag:s6] =	ssyncset.done @!p0 $0x0  }
0xe3: {  	[sflag:s6] =	ssyncadd.s32 @!p0 $0xFFFFD880  }
0xe4: {  	_ =	sfence.sel $0x180000  }
0xe5: {  	[bflag:$0x0] =	sbarrier.arrive $0xFFFF  }
0xe6: {  	_ =	strace $0x9000004D  }
0xe7: {  	s0 =	stileid.u32;
	[bflag:$0x2] =	sbarrier.arrive $0xFFFF  }
0xe8: {  	p0 =	sne.s32 s0, $0x0;
	s0 =	rddreg [dreg:$0x2]  }
0xe9: {  	s0 =	sadd.s32 @!p0 $0x100000, s0  }
0xea: {  	[sflag:s0] =	ssyncadd.tile.s32 @!p0 $0x1;
	_ =	shalt  }
.Lfunc_end2:
_tile_overlayer_lowered:
.L_overlay_start_2:
0xeb: {  	(tag) =	ssettag $0x2  }
0xec: {  	s0 =	rddreg [dreg:$0x0];
	s2 =	stileid.u32  }
0xed: {  	s1 =	rddreg [dreg:$0x1];
	p0 =	sne.s32 s2, $0x0  }
0xee: {  	s3 =	rddreg [dreg:$0x2];
	[bflag:$0x3] =	sbarrier.arrive $0xFFFF;
	s2 =	simm.s32 @!p0 $0x1C07  }
0xef: {  	[timem:s3], [sflag:s2] =	dma.local @!p0 [hbm:s0], s1  }
0xf0: {  	s0 =	simm.s32 @!p0 $0x7  }
0xf1: {  	_ =	swait.ge @!p0 [sflag:s0], s1  }
0xf2: {  	s1 =	ssub.s32 @!p0 $0x0, s1;
	[sflag:s0] =	ssyncset.done @!p0 $0x0  }
0xf3: {  	[sflag:s0] =	ssyncadd.s32 @!p0 s1  }
0xf4: {  	[bflag:$0x3] =	sbarrier.arrive $0xFFFF  }
0xf5: {  	_ =	shalt  }

// kernel: kernel.8.cloned.1.call-start
scs
__scs_entry_jumppad:
0x0: {  	(pc) =	sbr.rel $0x88, $3  }
0x1: {  	(tag) =	ssettag $0x0;
	lr =	simm.s32 $0x1  }
0x2: {  	[smem:$0x3F91] =	sst lr;
	_ =	strace $0xD0000000  }
0x3: {  	_ = 	snop  }
0x4: {  	_ = 	snop  }
0x5: {  	_ = 	snop  }
0x6: {  	_ = 	snop  }
0x7: {  	_ = 	snop  }
__scs_overlays_trampoline_lowered:
0x8: {  	[smem:$0x3FA0] =	sst s0  }
0x9: {  	[smem:$0x3FA1] =	sst s1  }
0xa: {  	[smem:$0x3FA2] =	sst s2  }
0xb: {  	[smem:$0x3FA3] =	sst s3  }
0xc: {  	[smem:$0x3FA4] =	sst s4  }
0xd: {  	[smem:$0x3FA5] =	sst s5  }
0xe: {  	[smem:$0x3FA6] =	sst s6  }
0xf: {  	[smem:$0x3FA7] =	sst s7  }
0x10: {  	[smem:$0x3FA8] =	sst s8  }
0x11: {  	[smem:$0x3FA9] =	sst s9;
	s0 =	simm.s32 @!p0 $0x0  }
0x12: {  	s1 =	sld [smem:$0x3F8F];
	s0 =	simm.s32 @p0 $0x1  }
0x13: {  	[smem:$0x3FAA] =	sst s0;
	s0 =	simm.s32 @!p1 $0x0  }
0x14: {  	s2 =	sld [smem:$0x3F8E];
	s0 =	simm.s32 @p1 $0x1  }
0x15: {  	[smem:$0x3FAB] =	sst s0;
	s0 =	simm.s32 @!p2 $0x0  }
0x16: {  	s3 =	sld [smem:$0x3FDB];
	s0 =	simm.s32 @p2 $0x1  }
0x17: {  	s4 =	simm.s32 $0x1BF5;
	[smem:$0x3FAD] =	sst s0  }
0x18: {  	s0 =	sld [smem:$0x3F90];
	_ =	swait.ge [sflag:s4], $0x0  }
0x19: {  	s7 =	sld [smem:$0x3F91]  }
0x1a: {  	s8 =	sadd.s32 $0xFFFFE003, lr  }
0x1b: {  	s9 =	sadd.s32 $0xFFFFFEF7, lr;
	s5 =	simm.s32 $0xFFFFFFFF;
	p2 =	slt.u32 s8, $0xFFFFF086  }
0x1c: {  	p1 =	slt.u32 s9, $0xF7A;
	s5 =	simm.s32 @!p2 $0x0  }
0x1d: {  	s5 =	simm.s32 @p1 $0x1;
	p0 =	seq.s32 s7, s2  }
0x1e: {  	s7 =	smul.u32 @!p0 $0xF7A, s2;
	p2 =	seq.s32 @!p0 s5, $0x0  }
0x1f: {  	s9 =	smul.u32 $0xF7A, s1;
	s8 =	simm.s32 @!p0 $0x1BF5;
	p2 =	por !p2, p0  }
0x20: {  	[sflag:s8] =	ssyncset.s32 @!p0 $0xFFFFF086;
	s6 =	sadd.s32 @!p0 s3, s7;
	s7 =	simm.s32 @!p0 $0x108  }
0x21: {  	s3 =	sadd.s32 s3, s9;
	s6 =	sadd.s32 @!p0 $0x88, s6;
	s7 =	simm.s32 @p2 $0x1082  }
0x22: {  	[simem:s7], [sflag:s8] =	dma.local @!p0 [hbm:s6], $0xF7A  }
0x23: {  	s9 =	sor.u32 $0xD0000000, s2;
	s6 =	simm.s32 $0x108;
	_ =	swait.ge @!p0 [sflag:s8], $0x0  }
0x24: {  	s3 =	sadd.s32 $0x88, s3;
	s6 =	simm.s32 @!p1 $0x1082;
	[sflag:s4] =	ssyncset.s32 $0xFFFFF086  }
0x25: {  	[simem:s6], [sflag:s4] =	dma.local [hbm:s3], $0xF7A  }
0x26: {  	[smem:$0x3F91] =	sst s1;
	(tag) =	ssettag s2;
	_ =	strace s9  }
0x27: {  	s1 =	sld [smem:$0x3FA1]  }
0x28: {  	s2 =	sld [smem:$0x3FA2]  }
0x29: {  	s4 =	sld [smem:$0x3FA4]  }
0x2a: {  	p0 =	seq.s32 s5, $0x0;
	s5 =	sld [smem:$0x3FA5]  }
0x2b: {  	s6 =	sld [smem:$0x3FA6]  }
0x2c: {  	s7 =	sld [smem:$0x3FA7]  }
0x2d: {  	s3 =	simm.s32 $0x108;
	s8 =	sld [smem:$0x3FA8]  }
0x2e: {  	s3 =	simm.s32 @!p0 $0x1082;
	s9 =	sld [smem:$0x3FA9]  }
0x2f: {  	lr =	sadd.s32 s0, s3;
	s0 =	sld [smem:$0x3FA0]  }
0x30: {  	s3 =	sld [smem:$0x3FA3]  }
0x31: {  	[smem:$0x3FAC] =	sst s10  }
0x32: {  	s10 =	sld [smem:$0x3FAA];
	_ =	sdelay $0x3  }
0x33: {  	p0 =	seq.s32 s10, $0x1;
	s10 =	sld [smem:$0x3FAC];
	_ =	sdelay $0x3  }
0x34: {  	[smem:$0x3FAC] =	sst s10  }
0x35: {  	s10 =	sld [smem:$0x3FAB];
	_ =	sdelay $0x3  }
0x36: {  	p1 =	seq.s32 s10, $0x1;
	s10 =	sld [smem:$0x3FAC];
	_ =	sdelay $0x3  }
0x37: {  	[smem:$0x3FAC] =	sst s10  }
0x38: {  	s10 =	sld [smem:$0x3FAD]  }
0x39: {  	_ = 	snop;
	(pc) =	sbr.ind lr, $3  }
0x3a: {  	_ = 	snop  }
0x3b: {  	_ = 	snop  }
0x3c: {  	p2 =	seq.s32 s10, $0x1;
	s10 =	sld [smem:$0x3FAC]  }
0x3d: {  	_ =	shalt  }
0x3e: {  	_ =	shalt  }
0x3f: {  	_ =	shalt  }
0x40: {  	_ =	shalt  }
0x41: {  	_ =	shalt  }
0x42: {  	_ =	shalt  }
0x43: {  	_ =	shalt  }
0x44: {  	_ =	shalt  }
0x45: {  	_ =	shalt  }
0x46: {  	_ =	shalt  }
0x47: {  	_ =	shalt  }
0x48: {  	_ =	shalt  }
0x49: {  	_ =	shalt  }
0x4a: {  	_ =	shalt  }
0x4b: {  	_ =	shalt  }
0x4c: {  	_ =	shalt  }
0x4d: {  	_ =	shalt  }
0x4e: {  	_ =	shalt  }
0x4f: {  	_ =	shalt  }
0x50: {  	_ =	shalt  }
0x51: {  	_ =	shalt  }
0x52: {  	_ =	shalt  }
0x53: {  	_ =	shalt  }
0x54: {  	_ =	shalt  }
0x55: {  	_ =	shalt  }
0x56: {  	_ =	shalt  }
0x57: {  	_ =	shalt  }
0x58: {  	_ =	shalt  }
0x59: {  	_ =	shalt  }
0x5a: {  	_ =	shalt  }
0x5b: {  	_ =	shalt  }
0x5c: {  	_ =	shalt  }
0x5d: {  	_ =	shalt  }
0x5e: {  	_ =	shalt  }
0x5f: {  	_ =	shalt  }
0x60: {  	_ =	shalt  }
0x61: {  	_ =	shalt  }
0x62: {  	_ =	shalt  }
0x63: {  	_ =	shalt  }
0x64: {  	_ =	shalt  }
0x65: {  	_ =	shalt  }
0x66: {  	_ =	shalt  }
0x67: {  	_ =	shalt  }
0x68: {  	_ =	shalt  }
0x69: {  	_ =	shalt  }
0x6a: {  	_ =	shalt  }
0x6b: {  	_ =	shalt  }
0x6c: {  	_ =	shalt  }
0x6d: {  	_ =	shalt  }
0x6e: {  	_ =	shalt  }
0x6f: {  	_ =	shalt  }
0x70: {  	_ =	shalt  }
0x71: {  	_ =	shalt  }
0x72: {  	_ =	shalt  }
0x73: {  	_ =	shalt  }
0x74: {  	_ =	shalt  }
0x75: {  	_ =	shalt  }
0x76: {  	_ =	shalt  }
0x77: {  	_ =	shalt  }
0x78: {  	_ =	shalt  }
0x79: {  	_ =	shalt  }
0x7a: {  	_ =	shalt  }
0x7b: {  	_ =	shalt  }
0x7c: {  	_ =	shalt  }
0x7d: {  	_ =	shalt  }
0x7e: {  	_ =	shalt  }
0x7f: {  	_ =	shalt  }
0x80: {  	_ =	shalt  }
0x81: {  	_ =	shalt  }
0x82: {  	_ =	shalt  }
0x83: {  	_ =	shalt  }
0x84: {  	_ =	shalt  }
0x85: {  	_ =	shalt  }
0x86: {  	_ =	shalt  }
0x87: {  	_ =	shalt  }
.Lfunc_end0:
.L_simem_size_0:
called_computation_lowered:
.L_overlay_start_0:
0x88: {  	s2 =	sld [smem:$0x3FD9]  }
0x89: {  	s3 =	sld [smem:$0x3FFE];
	_ =	sdelay $0x1  }
0x8a: {  	s1 =	srdreg.scid  }
0x8b: {  	s0 =	sand.u32 $0x1, s1  }
0x8c: {  	s17 =	sshll.u32 s0, $0xA;
	s2 =	sadd.s32 s3, s2  }
0x8d: {  	s2 =	sadd.s32 s2, s17  }
0x8e: {  	[smem:$0x3FB8] =	sst s2  }
0x8f: {  	_ = 	snop  }
0x90: {  	s2 =	sld [smem:$0x3FC9];
	(tm) =	ssettm $0x1  }
0x91: {  	s18 =	sld [smem:$0x3FFB];
	_ =	sdelay $0x3  }
0x92: {  	_ =	strace s18  }
0x93: {  	s3 =	sld [smem:$0x3FFC];
	_ =	sdelay $0x3  }
0x94: {  	_ =	strace s3  }
0x95: {  	s3 =	sld [smem:$0x3FFD];
	_ =	sdelay $0x3  }
0x96: {  	_ =	strace s3  }
0x97: {  	_ =	strace $0x8FFFFFFF  }
0x98: {  	s19 =	sld [smem:$0x3FDB];
	_ =	sdelay $0x1  }
0x99: {  	s4 =	simm.s32 $_scs_section_size  }
0x9a: {  	s5 =	simm.s32 $_size__tile_overlayer_lowered;
	s6 =	simm.s32 $_tile_overlayer_lowered  }
0x9b: {  	s22 =	simm.s32 $0x1BFF;
	s21 =	sshll.u32 s6, $0x1;
	s3 =	sadd.s32 s4, s19  }
0x9c: {  	s7 =	simm.s32 $0x0;
	s20 =	sshll.u32 s5, $0x1;
	s5 =	sadd.s32 s21, s3  }
0x9d: {  	[timem:s7], [sflag:s22] =	dma.local [hbm:s5], s20  }
0x9e: {  	_ =	swait.ge [sflag:s22], s20  }
0x9f: {  	s4 =	ssub.s32 $0x0, s20;
	[sflag:s22] =	ssyncset.done $0x0  }
0xa0: {  	[sflag:s22] =	ssyncadd.s32 s4;
	_ =	sdelay $0x1  }
0xa1: {  	s23 =	simm.s32 $0x1B8B  }
0xa2: {  	_ =	swait.ge [sflag:s23], $0x1  }
0xa3: {  	[sflag:s23] =	ssyncset.done $0x0  }
0xa4: {  	s25 =	simm.s32 $0x1B8E;
	s24 =	sld [smem:$0x3FFE];
	[sflag:s23] =	ssyncadd.s32 $0xFFFFFFFF  }
0xa5: {  	s26 =	simm.s32 $execute0_lowered;
	[smem:$0x3FD2] =	sst s25  }
0xa6: {  	s5 =	sshll.u32 s26, $0x1;
	_ =	strace $0x80000046;
	[dreg:$0x1] =	wrdreg $0xFFFFFFFF  }
0xa7: {  	s28 =	simm.s32 $_size_execute0_lowered;
	s3 =	sadd.s32 s3, s5;
	[dreg:$0x0] =	wrdreg $0x0  }
0xa8: {  	s5 =	sshll.u32 s28, $0x1;
	[dreg:$0x2] =	wrdreg s3  }
0xa9: {  	[dreg:$0x3] =	wrdreg s5  }
0xaa: {  	[dreg:$0x4] =	wrdreg $0xC0  }
0xab: {  	_ =	task [dreg:s7], $0x5FFFF  }
0xac: {  	[dreg:$0x1] =	wrdreg $0xFFFFFFFF  }
0xad: {  	[dreg:$0x0] =	wrdreg $0x60  }
0xae: {  	[dreg:$0x2] =	wrdreg s2  }
0xaf: {  	[dreg:$0x3] =	wrdreg s24  }
0xb0: {  	[dreg:$0x4] =	wrdreg $0xBF800  }
0xb1: {  	[dreg:$0x5] =	wrdreg $0x9  }
0xb2: {  	_ =	task.clear_ibuf [dreg:s7], $0x6FFFF;
	_ =	strace $0x90000046  }
0xb3: {  	s29 =	simm.s32 $0x9;
	_ =	strace $0x80000048  }
0xb4: {  	_ =	swait.ge [sflag:s29], $0x1  }
0xb5: {  	[sflag:s29] =	ssyncadd.s32 $0xFFFFFFFF  }
0xb6: {  	_ =	strace $0x90000048  }
0xb7: {  	_ =	sfence  }
0xb8: {  	s30 =	sld [smem:$0x0];
	_ =	sdelay $0x2  }
0xb9: {  	s31 =	sshll.u32 s1, $0xD;
	s1 =	sshrl.u32 s1, $0x2  }
0xba: {  	s3 =	sand.u32 $0x4000, s31;
	s1 =	sadd.s32 s1, s30  }
0xbb: {  	s0 =	sor.u32 s3, s0;
	s1 =	sshll.u32 s1, $0x11  }
0xbc: {  	s0 =	sor.u32 s1, s0  }
0xbd: {  	s0 =	sadd.s32 $0x8F2B, s0  }
0xbe: {  	[sflag:s0] =	ssyncadd.remote.s32 $0x1  }
0xbf: {  	_ =	sfence.sel $0xFFFF  }
0xc0: {  	[dreg:$0x0] =	wrdreg $0xFFFFFFFF;
	(pc) =	sbr.abs _section_cstart, $3  }
0xc1: {  	[dreg:$0x1] =	wrdreg $0xFFFFFFFF  }
0xc2: {  	_ =	task.clear_ibuf [dreg:s7], $0x2FFFF;
	_ =	strace $0x9FFFFFFF  }
0xc3: {  	(tm) =	ssettm $0x7FFFFFFF  }
tec
execute0_lowered:
.L_overlay_start_1:
0x0: {  	(tag) =	ssettag $0x1  }
0x1: {  	s0 =	srdreg.scid;
	s18 =	stileid.u32  }
0x2: {  	s6 =	rddreg [dreg:$0x1];
	s14 =	simm.s32 $0x7;
	s15 =	simm.s32 $0x2780  }
0x3: {  	s16 =	simm.s32 $0x50;
	s17 =	simm.s32 $0x4780;
	s22 =	simm.s32 $0x1  }
0x4: {  	s28 =	simm.s32 $0x4;
	s30 =	simm.s32 $0x3;
	s31 =	simm.s32 $0x5  }
0x5: {  	s0 =	sand.u32 $0x1, s0;
	s4 =	sshll.u32 s18, $0x7;
	s9 =	smul.u32 $0x4F000, s18  }
0x6: {  	s11 =	sadd.s32 $0x1F400, s6;
	s25 =	smul.u32 $0x13C00, s18;
	p0 =	seq.s32 s18, $0xF  }
0x7: {  	s1 =	sshll.u32 s0, $0x4;
	s7 =	sand.u32 $0x380, s4;
	s4 =	simm.s32 $0x0  }
0x8: {  	s8 =	ssub.s32 $0x2, s0;
	s2 =	sor.u32 s18, s1;
	s1 =	rddreg [dreg:$0x0]  }
0x9: {  	s0 =	smul.u32 $0x138C00, s0;
	[smem:$0x7FF] =	sst s4;
	s10 =	sshrl.u32 s8, $0x1  }
0xa: {  	s9 =	sshrl.u32 s9, $0x2;
	s3 =	sshrl.u32 s2, $0x3;
	s2 =	sshll.u32 s2, $0xB  }
0xb: {  	s12 =	ssub.s32 s8, s10;
	s8 =	sadd.s32 s25, s0;
	s0 =	sshrl.u32 s0, $0x3  }
0xc: {  	s25 =	simm.s32 $0x2;
	s5 =	smul.u32 $0x13C00, s3;
	s3 =	rddreg [dreg:$0x2]  }
0xd: {  	_ =	strace $0x80000047;
	s2 =	sadd.s32 s2, s6;
	s29 =	sshrl.u32 s8, $0x3  }
0xe: {  	s0 =	sadd.s32 s11, s0;
	s13 =	sadd.s32 s9, s3;
	s19 =	sadd.s32 $0x128400, s3  }
0xf: {  	s8 =	sadd.s32 $0x3200, s2;
	s9 =	sadd.s32 s11, s29;
	s10 =	sadd.s32 $0x25080, s0  }
0x10: {  	s11 =	smax.u32 s12, $0x1;
	s0 =	sshll.u32 @!p0 s18, $0x6;
	s18 =	simm.s32 $0x6F80  }
0x11: {  	s12 =	simm.s32 $0x0;
	s5 =	sor.u32 s7, s5;
	s7 =	sadd.s32 $0x2E00, s2  }
0x12: {  	s19 =	sshrl.u32 @p0 s19, $0x3;
	s20 =	sor.u32 @!p0 $0x1C07, s0;
	s5 =	sshrl.u32 s5, $0x3  }
0x13: {  	s21 =	sshrl.u32 @!p0 s13, $0x3;
	s2 =	simm.s32 $0x6;
	s24 =	sadd.s32 s5, s6  }
0x14: {  	s0 =	simm.s32 $0x4680;
	s5 =	sadd.s32 $0x1CC00, s6;
	s26 =	sadd.s32 $0x12E00, s24  }
0x15: {  	s24 =	simm.s32 $0x9780;
	[dreg:$0x4] =	wrdreg s26;
	s26 =	simm.s32 $0x2800  }
.LBB2_1:
0x16: {  	s6 =	rddreg [dreg:$0x4];
	s13 =	simm.s32 $0x80;
	s23 =	simm.s32 $0x400  }
0x17: {  	[tilespmem:s4], [sflag:$0x7] =	stream.strided.gather [hbm4b:s6+s13], $0x2780, s23, s13, $0x38;
	[tilespmem:$0x1F840] =	vst v63  }
0x18: {  	_ =	swait.ge [sflag:s14], $0x2780  }
0x19: {  	[sflag:s14] =	ssyncset.done $0x0  }
0x1a: {  	[sflag:s14] =	ssyncadd.s32 $0xFFFFD880  }
0x1b: {  	[tilespmem:s15], [sflag:$0x7] =	stream.linear.gather [hbm4b:s7+s4], $0x1F80, $0x38;
	[tilespmem:$0x1F840] =	vst v63  }
0x1c: {  	_ =	swait.ge [sflag:s14], $0x1F80  }
0x1d: {  	[sflag:s14] =	ssyncset.done $0x0  }
0x1e: {  	[sflag:s14] =	ssyncadd.s32 $0xFFFFE080  }
0x1f: {  	[tilespmem:s17], [sflag:$0x1] =	stream.indirect.gather [hbm4b:s1+s16], $0x80, s4, s16, $0xb8;
	[tilespmem:$0x1F840] =	vst v63  }
0x20: {  	s13 =	simm.s32 @p0 $0x1FC7  }
0x21: {  	[tilespmem:s18], [sflag:$0x2] =	stream.indirect.gather [hbm4b:s1+s16], $0x80, s16, s16, $0xb8;
	[tilespmem:$0x1F840] =	vst v63  }
0x22: {  	[spmem:s19], [sflag:s13] =	dma.local @p0 [hbm:s5], $0x2100  }
0x23: {  	s13 =	simm.s32 @p0 $0x7  }
0x24: {  	_ =	swait.ge @p0 [sflag:s13], $0x2100  }
0x25: {  	[sflag:s13] =	ssyncset.done @p0 $0x0  }
0x26: {  	[sflag:s13] =	ssyncadd.s32 @p0 $0xFFFFDF00;
	s13 =	simm.s32 @!p0 $0x7  }
0x27: {  	[spmem:s21], [sflag:s20] =	dma.local @!p0 [hbm:s5], $0x2780  }
0x28: {  	_ =	swait.ge @!p0 [sflag:s13], $0x2780  }
0x29: {  	[sflag:s13] =	ssyncset.done @!p0 $0x0  }
0x2a: {  	[sflag:s13] =	ssyncadd.s32 @!p0 $0xFFFFD880  }
0x2b: {  	[bflag:$0x0] =	sbarrier.arrive $0xFFFF  }
0x2c: {  	_ =	swait.ge [sflag:s22], $0x2800  }
0x2d: {  	[sflag:s22] =	ssyncset.done $0x0  }
0x2e: {  	[sflag:s22] =	ssyncadd.s32 $0xFFFFD800  }
0x2f: {  	[spmem:s3] =	stream.indirect.scatter.add.f32 [tilespmem:s17], [sflag:$0x4], $0x80, s15, s16, $0xb8;
	[tilespmem:$0x1F840] =	vst v63  }
0x30: {  	s23 =	simm.s32 $0xA0  }
0x31: {  	[tilespmem:s24], [sflag:$0x3] =	stream.indirect.gather [hbm4b:s1+s16], $0x80, s23, s16, $0xb8;
	[tilespmem:$0x1F840] =	vst v63  }
0x32: {  	_ =	swait.ge [sflag:s25], $0x2800  }
0x33: {  	[sflag:s25] =	ssyncset.done $0x0  }
0x34: {  	[sflag:s25] =	ssyncadd.s32 $0xFFFFD800  }
0x35: {  	[spmem:s3] =	stream.indirect.scatter.add.f32 [tilespmem:s18], [sflag:$0x5], $0x80, s26, s16, $0xb8;
	[tilespmem:$0x1F840] =	vst v63  }
0x36: {  	_ =	swait.ge [sflag:s28], $0x2800  }
0x37: {  	[sflag:s28] =	ssyncset.done $0x0  }
0x38: {  	s13 =	simm.s32 $0xF0;
	[sflag:s28] =	ssyncadd.s32 $0xFFFFD800  }
0x39: {  	[tilespmem:s17], [sflag:$0x1] =	stream.indirect.gather [hbm4b:s1+s16], $0x80, s13, s16, $0xb8;
	[tilespmem:$0x1F840] =	vst v63  }
0x3a: {  	_ =	swait.ge [sflag:s30], $0x2800  }
0x3b: {  	[sflag:s30] =	ssyncset.done $0x0  }
0x3c: {  	s23 =	simm.s32 $0x2880;
	[sflag:s30] =	ssyncadd.s32 $0xFFFFD800  }
0x3d: {  	[spmem:s3] =	stream.indirect.scatter.add.f32 [tilespmem:s24], [sflag:$0x6], $0x80, s23, s16, $0xb8;
	[tilespmem:$0x1F840] =	vst v63  }
0x3e: {  	_ =	swait.ge [sflag:s31], $0x2800  }
0x3f: {  	[sflag:s31] =	ssyncset.done $0x0  }
0x40: {  	s6 =	simm.s32 $0x140;
	[sflag:s31] =	ssyncadd.s32 $0xFFFFD800  }
0x41: {  	[tilespmem:s18], [sflag:$0x2] =	stream.indirect.gather [hbm4b:s1+s16], $0x80, s6, s16, $0xb8;
	[tilespmem:$0x1F840] =	vst v63  }
0x42: {  	_ =	swait.ge [sflag:s22], $0x2800  }
0x43: {  	[sflag:s22] =	ssyncset.done $0x0  }
0x44: {  	s23 =	simm.s32 $0x2900;
	[sflag:s22] =	ssyncadd.s32 $0xFFFFD800  }
0x45: {  	[spmem:s3] =	stream.indirect.scatter.add.f32 [tilespmem:s17], [sflag:$0x4], $0x80, s23, s16, $0xb8;
	[tilespmem:$0x1F840] =	vst v63  }
0x46: {  	_ =	swait.ge [sflag:s2], $0x2800  }
0x47: {  	[sflag:s2] =	ssyncset.done $0x0  }
0x48: {  	s6 =	simm.s32 $0x190;
	[sflag:s2] =	ssyncadd.s32 $0xFFFFD800  }
0x49: {  	[tilespmem:s24], [sflag:$0x3] =	stream.indirect.gather [hbm4b:s1+s16], $0x80, s6, s16, $0xb8;
	[tilespmem:$0x1F840] =	vst v63  }
0x4a: {  	_ =	swait.ge [sflag:s25], $0x2800  }
0x4b: {  	[sflag:s25] =	ssyncset.done $0x0  }
0x4c: {  	s23 =	simm.s32 $0x2980;
	[sflag:s25] =	ssyncadd.s32 $0xFFFFD800  }
0x4d: {  	[spmem:s3] =	stream.indirect.scatter.add.f32 [tilespmem:s18], [sflag:$0x5], $0x80, s23, s16, $0xb8;
	[tilespmem:$0x1F840] =	vst v63  }
0x4e: {  	_ =	swait.ge [sflag:s28], $0x2800  }
0x4f: {  	s29 =	simm.s32 $0x1E0;
	[sflag:s28] =	ssyncset.done $0x0  }
0x50: {  	s13 =	simm.s32 $0x3C0;
	s23 =	simm.s32 $0x2B00;
	[sflag:s28] =	ssyncadd.s32 $0xFFFFD800  }
.LBB2_2:
0x51: {  	[tilespmem:s17], [sflag:$0x1] =	stream.indirect.gather [hbm4b:s1+s16], $0x80, s29, s16, $0xb8;
	[tilespmem:$0x1F840] =	vst v63  }
0x52: {  	s29 =	smov.u32 s13  }
0x53: {  	p1 =	sne.s32 s13, $0x4740;
	s13 =	sadd.s32 $0x3C0, s13;
	_ =	swait.ge [sflag:s30], $0x2800  }
0x54: {  	[sflag:s30] =	ssyncset.done $0x0  }
0x55: {  	s6 =	sadd.s32 $0xFFFFFF00, s23;
	[sflag:s30] =	ssyncadd.s32 $0xFFFFD800  }
0x56: {  	[spmem:s3] =	stream.indirect.scatter.add.f32 [tilespmem:s24], [sflag:$0x6], $0x80, s6, s16, $0xb8;
	[tilespmem:$0x1F840] =	vst v63  }
0x57: {  	_ =	swait.ge [sflag:s31], $0x2800  }
0x58: {  	s6 =	sshra.s32 s29, $0x2;
	[sflag:s31] =	ssyncset.done $0x0  }
0x59: {  	s29 =	sadd.s32 $0x140, s6;
	[sflag:s31] =	ssyncadd.s32 $0xFFFFD800  }
0x5a: {  	[tilespmem:s18], [sflag:$0x2] =	stream.indirect.gather [hbm4b:s1+s16], $0x80, s29, s16, $0xb8;
	[tilespmem:$0x1F840] =	vst v63  }
0x5b: {  	_ =	swait.ge [sflag:s22], $0x2800  }
0x5c: {  	[sflag:s22] =	ssyncset.done $0x0  }
0x5d: {  	s29 =	sadd.s32 $0xFFFFFF80, s23;
	[sflag:s22] =	ssyncadd.s32 $0xFFFFD800  }
0x5e: {  	[spmem:s3] =	stream.indirect.scatter.add.f32 [tilespmem:s17], [sflag:$0x4], $0x80, s29, s16, $0xb8;
	[tilespmem:$0x1F840] =	vst v63  }
0x5f: {  	_ =	swait.ge [sflag:s2], $0x2800  }
0x60: {  	[sflag:s2] =	ssyncset.done $0x0  }
0x61: {  	s29 =	sadd.s32 $0x190, s6;
	[sflag:s2] =	ssyncadd.s32 $0xFFFFD800  }
0x62: {  	[tilespmem:s24], [sflag:$0x3] =	stream.indirect.gather [hbm4b:s1+s16], $0x80, s29, s16, $0xb8;
	[tilespmem:$0x1F840] =	vst v63  }
0x63: {  	_ =	swait.ge [sflag:s25], $0x2800  }
0x64: {  	[sflag:s25] =	ssyncset.done $0x0  }
.Ltmp0:
0x65: {  	[sflag:s25] =	ssyncadd.s32 $0xFFFFD800;
	(pc) =	sbr.rel @p1 .LBB2_2-.Ltmp0, $4  }
0x66: {  	[spmem:s3] =	stream.indirect.scatter.add.f32 [tilespmem:s18], [sflag:$0x5], $0x80, s23, s16, $0xb8;
	[tilespmem:$0x1F840] =	vst v63  }
0x67: {  	_ =	swait.ge [sflag:s28], $0x2800  }
0x68: {  	[sflag:s28] =	ssyncset.done $0x0  }
0x69: {  	s29 =	sadd.s32 $0x1E0, s6;
	s23 =	sadd.s32 $0x180, s23;
	[sflag:s28] =	ssyncadd.s32 $0xFFFFD800  }
0x6a: {  	[tilespmem:s17], [sflag:$0x1] =	stream.indirect.gather [hbm4b:s1+s16], $0x80, s29, s16, $0xb8;
	[tilespmem:$0x1F840] =	vst v63  }
0x6b: {  	_ =	swait.ge [sflag:s30], $0x2800  }
0x6c: {  	[sflag:s30] =	ssyncset.done $0x0  }
0x6d: {  	[sflag:s30] =	ssyncadd.s32 $0xFFFFD800  }
0x6e: {  	[spmem:s3] =	stream.indirect.scatter.add.f32 [tilespmem:s24], [sflag:$0x6], $0x80, s0, s16, $0xb8;
	[tilespmem:$0x1F840] =	vst v63  }
0x6f: {  	_ =	swait.ge [sflag:s31], $0x2800  }
0x70: {  	[sflag:s31] =	ssyncset.done $0x0  }
0x71: {  	s6 =	simm.s32 $0x1400;
	[sflag:s31] =	ssyncadd.s32 $0xFFFFD800  }
0x72: {  	[tilespmem:s18], [sflag:$0x2] =	stream.indirect.gather [hbm4b:s1+s16], $0x80, s6, s16, $0xb8;
	[tilespmem:$0x1F840] =	vst v63  }
0x73: {  	_ =	swait.ge [sflag:s2], $0x2800  }
0x74: {  	[sflag:s2] =	ssyncset.done $0x0  }
0x75: {  	s13 =	simm.s32 $0x0;
	[sflag:s2] =	ssyncadd.s32 $0xFFFFD800  }
0x76: {  	[tilespmem:s15], [sflag:$0x7] =	stream.linear.gather [hbm4b:s8+s13], $0x1F80, $0x38;
	[tilespmem:$0x1F840] =	vst v63  }
0x77: {  	_ =	swait.ge [sflag:s14], $0x1F80  }
0x78: {  	[sflag:s14] =	ssyncset.done $0x0  }
0x79: {  	[sflag:s14] =	ssyncadd.s32 $0xFFFFE080  }
0x7a: {  	_ =	swait.ge [sflag:s22], $0x2800  }
0x7b: {  	[sflag:s22] =	ssyncset.done $0x0  }
0x7c: {  	[sflag:s22] =	ssyncadd.s32 $0xFFFFD800  }
0x7d: {  	[spmem:s3] =	stream.indirect.scatter.add.f32 [tilespmem:s17], [sflag:$0x4], $0x80, s15, s16, $0xb8;
	[tilespmem:$0x1F840] =	vst v63  }
0x7e: {  	s23 =	simm.s32 $0x1450  }
0x7f: {  	[tilespmem:s24], [sflag:$0x3] =	stream.indirect.gather [hbm4b:s1+s16], $0x80, s23, s16, $0xb8;
	[tilespmem:$0x1F840] =	vst v63  }
0x80: {  	_ =	swait.ge [sflag:s25], $0x2800  }
0x81: {  	[sflag:s25] =	ssyncset.done $0x0  }
0x82: {  	[sflag:s25] =	ssyncadd.s32 $0xFFFFD800  }
0x83: {  	[spmem:s3] =	stream.indirect.scatter.add.f32 [tilespmem:s18], [sflag:$0x5], $0x80, s26, s16, $0xb8;
	[tilespmem:$0x1F840] =	vst v63  }
0x84: {  	_ =	swait.ge [sflag:s28], $0x2800  }
0x85: {  	[sflag:s28] =	ssyncset.done $0x0  }
0x86: {  	s13 =	simm.s32 $0x14A0;
	[sflag:s28] =	ssyncadd.s32 $0xFFFFD800  }
0x87: {  	[tilespmem:s17], [sflag:$0x1] =	stream.indirect.gather [hbm4b:s1+s16], $0x80, s13, s16, $0xb8;
	[tilespmem:$0x1F840] =	vst v63  }
0x88: {  	_ =	swait.ge [sflag:s30], $0x2800  }
0x89: {  	[sflag:s30] =	ssyncset.done $0x0  }
0x8a: {  	s23 =	simm.s32 $0x2880;
	[sflag:s30] =	ssyncadd.s32 $0xFFFFD800  }
0x8b: {  	[spmem:s3] =	stream.indirect.scatter.add.f32 [tilespmem:s24], [sflag:$0x6], $0x80, s23, s16, $0xb8;
	[tilespmem:$0x1F840] =	vst v63  }
0x8c: {  	_ =	swait.ge [sflag:s31], $0x2800  }
0x8d: {  	[sflag:s31] =	ssyncset.done $0x0  }
0x8e: {  	s13 =	simm.s32 $0x14F0;
	[sflag:s31] =	ssyncadd.s32 $0xFFFFD800  }
0x8f: {  	[tilespmem:s18], [sflag:$0x2] =	stream.indirect.gather [hbm4b:s1+s16], $0x80, s13, s16, $0xb8;
	[tilespmem:$0x1F840] =	vst v63  }
0x90: {  	_ =	swait.ge [sflag:s22], $0x2800  }
0x91: {  	[sflag:s22] =	ssyncset.done $0x0  }
0x92: {  	s23 =	simm.s32 $0x2900;
	[sflag:s22] =	ssyncadd.s32 $0xFFFFD800  }
0x93: {  	[spmem:s3] =	stream.indirect.scatter.add.f32 [tilespmem:s17], [sflag:$0x4], $0x80, s23, s16, $0xb8;
	[tilespmem:$0x1F840] =	vst v63  }
0x94: {  	_ =	swait.ge [sflag:s2], $0x2800  }
0x95: {  	[sflag:s2] =	ssyncset.done $0x0  }
0x96: {  	s13 =	simm.s32 $0x1540;
	[sflag:s2] =	ssyncadd.s32 $0xFFFFD800  }
0x97: {  	[tilespmem:s24], [sflag:$0x3] =	stream.indirect.gather [hbm4b:s1+s16], $0x80, s13, s16, $0xb8;
	[tilespmem:$0x1F840] =	vst v63  }
0x98: {  	_ =	swait.ge [sflag:s25], $0x2800  }
0x99: {  	[sflag:s25] =	ssyncset.done $0x0  }
0x9a: {  	s23 =	simm.s32 $0x2980;
	[sflag:s25] =	ssyncadd.s32 $0xFFFFD800  }
0x9b: {  	[spmem:s3] =	stream.indirect.scatter.add.f32 [tilespmem:s18], [sflag:$0x5], $0x80, s23, s16, $0xb8;
	[tilespmem:$0x1F840] =	vst v63  }
0x9c: {  	_ =	swait.ge [sflag:s28], $0x2800  }
0x9d: {  	s29 =	simm.s32 $0x1590;
	[sflag:s28] =	ssyncset.done $0x0  }
0x9e: {  	s13 =	simm.s32 $0x3C0;
	s23 =	simm.s32 $0x2B00;
	[sflag:s28] =	ssyncadd.s32 $0xFFFFD800  }
.LBB2_4:
0x9f: {  	[tilespmem:s17], [sflag:$0x1] =	stream.indirect.gather [hbm4b:s1+s16], $0x80, s29, s16, $0xb8;
	[tilespmem:$0x1F840] =	vst v63  }
0xa0: {  	s6 =	smov.u32 s13  }
0xa1: {  	p1 =	sne.s32 s13, $0x4380;
	s13 =	sadd.s32 $0x3C0, s13;
	_ =	swait.ge [sflag:s30], $0x2800  }
0xa2: {  	[sflag:s30] =	ssyncset.done $0x0  }
0xa3: {  	s29 =	sadd.s32 $0xFFFFFF00, s23;
	[sflag:s30] =	ssyncadd.s32 $0xFFFFD800  }
0xa4: {  	[spmem:s3] =	stream.indirect.scatter.add.f32 [tilespmem:s24], [sflag:$0x6], $0x80, s29, s16, $0xb8;
	[tilespmem:$0x1F840] =	vst v63  }
0xa5: {  	_ =	swait.ge [sflag:s31], $0x2800  }
0xa6: {  	s6 =	sshra.s32 s6, $0x2;
	[sflag:s31] =	ssyncset.done $0x0  }
0xa7: {  	s29 =	sadd.s32 $0x14F0, s6;
	[sflag:s31] =	ssyncadd.s32 $0xFFFFD800  }
0xa8: {  	[tilespmem:s18], [sflag:$0x2] =	stream.indirect.gather [hbm4b:s1+s16], $0x80, s29, s16, $0xb8;
	[tilespmem:$0x1F840] =	vst v63  }
0xa9: {  	_ =	swait.ge [sflag:s22], $0x2800  }
0xaa: {  	[sflag:s22] =	ssyncset.done $0x0  }
0xab: {  	s29 =	sadd.s32 $0xFFFFFF80, s23;
	[sflag:s22] =	ssyncadd.s32 $0xFFFFD800  }
0xac: {  	[spmem:s3] =	stream.indirect.scatter.add.f32 [tilespmem:s17], [sflag:$0x4], $0x80, s29, s16, $0xb8;
	[tilespmem:$0x1F840] =	vst v63  }
0xad: {  	_ =	swait.ge [sflag:s2], $0x2800  }
0xae: {  	[sflag:s2] =	ssyncset.done $0x0  }
0xaf: {  	s29 =	sadd.s32 $0x1540, s6;
	[sflag:s2] =	ssyncadd.s32 $0xFFFFD800  }
0xb0: {  	[tilespmem:s24], [sflag:$0x3] =	stream.indirect.gather [hbm4b:s1+s16], $0x80, s29, s16, $0xb8;
	[tilespmem:$0x1F840] =	vst v63  }
0xb1: {  	_ =	swait.ge [sflag:s25], $0x2800  }
0xb2: {  	[sflag:s25] =	ssyncset.done $0x0  }
.Ltmp1:
0xb3: {  	[sflag:s25] =	ssyncadd.s32 $0xFFFFD800;
	(pc) =	sbr.rel @p1 .LBB2_4-.Ltmp1, $4  }
0xb4: {  	[spmem:s3] =	stream.indirect.scatter.add.f32 [tilespmem:s18], [sflag:$0x5], $0x80, s23, s16, $0xb8;
	[tilespmem:$0x1F840] =	vst v63  }
0xb5: {  	_ =	swait.ge [sflag:s28], $0x2800  }
0xb6: {  	[sflag:s28] =	ssyncset.done $0x0  }
0xb7: {  	s29 =	sadd.s32 $0x1590, s6;
	s23 =	sadd.s32 $0x180, s23;
	[sflag:s28] =	ssyncadd.s32 $0xFFFFD800  }
0xb8: {  	[tilespmem:s17], [sflag:$0x1] =	stream.indirect.gather [hbm4b:s1+s16], $0x80, s29, s16, $0xb8;
	[tilespmem:$0x1F840] =	vst v63  }
0xb9: {  	_ =	swait.ge [sflag:s30], $0x2800  }
0xba: {  	[sflag:s30] =	ssyncset.done $0x0  }
0xbb: {  	s6 =	simm.s32 $0x4500;
	[sflag:s30] =	ssyncadd.s32 $0xFFFFD800  }
0xbc: {  	[spmem:s3] =	stream.indirect.scatter.add.f32 [tilespmem:s24], [sflag:$0x6], $0x80, s6, s16, $0xb8;
	[tilespmem:$0x1F840] =	vst v63  }
0xbd: {  	_ =	swait.ge [sflag:s31], $0x2800  }
0xbe: {  	[sflag:s31] =	ssyncset.done $0x0  }
0xbf: {  	s29 =	simm.s32 $0x26C0;
	[sflag:s31] =	ssyncadd.s32 $0xFFFFD800  }
0xc0: {  	[tilespmem:s18], [sflag:$0x2] =	stream.indirect.gather [hbm4b:s1+s16], $0x80, s29, s16, $0xb8;
	[tilespmem:$0x1F840] =	vst v63  }
0xc1: {  	_ =	swait.ge [sflag:s22], $0x2800  }
0xc2: {  	[sflag:s22] =	ssyncset.done $0x0  }
0xc3: {  	s13 =	simm.s32 $0x4580;
	[sflag:s22] =	ssyncadd.s32 $0xFFFFD800  }
0xc4: {  	[spmem:s3] =	stream.indirect.scatter.add.f32 [tilespmem:s17], [sflag:$0x4], $0x80, s13, s16, $0xb8;
	[tilespmem:$0x1F840] =	vst v63  }
0xc5: {  	_ =	swait.ge [sflag:s2], $0x2800  }
0xc6: {  	[sflag:s2] =	ssyncset.done $0x0  }
0xc7: {  	s23 =	simm.s32 $0x2710;
	[sflag:s2] =	ssyncadd.s32 $0xFFFFD800  }
0xc8: {  	[tilespmem:s24], [sflag:$0x3] =	stream.indirect.gather [hbm4b:s1+s16], $0x80, s23, s16, $0xb8;
	[tilespmem:$0x1F840] =	vst v63  }
0xc9: {  	_ =	swait.ge [sflag:s25], $0x2800  }
0xca: {  	[sflag:s25] =	ssyncset.done $0x0  }
0xcb: {  	s29 =	simm.s32 $0x4600;
	[sflag:s25] =	ssyncadd.s32 $0xFFFFD800  }
0xcc: {  	[spmem:s3] =	stream.indirect.scatter.add.f32 [tilespmem:s18], [sflag:$0x5], $0x80, s29, s16, $0xb8;
	[tilespmem:$0x1F840] =	vst v63  }
0xcd: {  	_ =	swait.ge [sflag:s28], $0x2800  }
0xce: {  	[sflag:s28] =	ssyncset.done $0x0  }
0xcf: {  	[sflag:s28] =	ssyncadd.s32 $0xFFFFD800  }
0xd0: {  	_ =	swait.ge [sflag:s30], $0x2800  }
0xd1: {  	[sflag:s30] =	ssyncset.done $0x0  }
0xd2: {  	[sflag:s30] =	ssyncadd.s32 $0xFFFFD800  }
0xd3: {  	[spmem:s3] =	stream.indirect.scatter.add.f32 [tilespmem:s24], [sflag:$0x6], $0x80, s0, s16, $0xb8;
	[tilespmem:$0x1F840] =	vst v63  }
0xd4: {  	_ =	swait.ge [sflag:s31], $0x2800  }
0xd5: {  	[sflag:s31] =	ssyncset.done $0x0  }
0xd6: {  	[sflag:s31] =	ssyncadd.s32 $0xFFFFD800  }
0xd7: {  	_ =	swait.ge [sflag:s2], $0x2800  }
0xd8: {  	[sflag:s2] =	ssyncset.done $0x0  }
0xd9: {  	[sflag:s2] =	ssyncadd.s32 $0xFFFFD800  }
0xda: {  	s6 =	simm.s32 @p0 $0x1FC7;
	[bflag:$0x0] =	sbarrier.arrive $0xFFFF  }
0xdb: {  	[hbm:s10], [sflag:s6] =	dma.local @p0 [spmem:s19], $0x2100  }
0xdc: {  	s6 =	simm.s32 @p0 $0x7  }
0xdd: {  	s12 =	sadd.s32 $0x1, s12;
	_ =	swait.ge @p0 [sflag:s6], $0x2100  }
0xde: {  	p1 =	sne.s32 s12, s11;
	[sflag:s6] =	ssyncset.done @p0 $0x0  }
.Ltmp2:
0xdf: {  	[sflag:s6] =	ssyncadd.s32 @p0 $0xFFFFDF00;
	s6 =	simm.s32 @!p0 $0x7;
	(pc) =	sbr.rel @p1 .LBB2_1-.Ltmp2, $4  }
0xe0: {  	[hbm:s9], [sflag:s20] =	dma.local @!p0 [spmem:s21], $0x2780  }
0xe1: {  	_ =	swait.ge @!p0 [sflag:s6], $0x2780  }
0xe2: {  	[sflag:s6] =	ssyncset.done @!p0 $0x0  }
0xe3: {  	[sflag:s6] =	ssyncadd.s32 @!p0 $0xFFFFD880  }
0xe4: {  	_ =	sfence.sel $0x180000  }
0xe5: {  	[bflag:$0x0] =	sbarrier.arrive $0xFFFF  }
0xe6: {  	_ =	strace $0x90000047  }
0xe7: {  	s0 =	stileid.u32;
	[bflag:$0x2] =	sbarrier.arrive $0xFFFF  }
0xe8: {  	p0 =	sne.s32 s0, $0x0;
	s0 =	rddreg [dreg:$0x3]  }
0xe9: {  	s0 =	sadd.s32 @!p0 $0x100000, s0  }
0xea: {  	[sflag:s0] =	ssyncadd.tile.s32 @!p0 $0x1;
	_ =	shalt  }
.Lfunc_end2:
_tile_overlayer_lowered:
.L_overlay_start_2:
0xeb: {  	(tag) =	ssettag $0x2  }
0xec: {  	s0 =	rddreg [dreg:$0x0];
	s2 =	stileid.u32  }
0xed: {  	s1 =	rddreg [dreg:$0x1];
	p0 =	sne.s32 s2, $0x0  }
0xee: {  	s3 =	rddreg [dreg:$0x2];
	[bflag:$0x3] =	sbarrier.arrive $0xFFFF;
	s2 =	simm.s32 @!p0 $0x1C07  }
0xef: {  	[timem:s3], [sflag:s2] =	dma.local @!p0 [hbm:s0], s1  }
0xf0: {  	s0 =	simm.s32 @!p0 $0x7  }
0xf1: {  	_ =	swait.ge @!p0 [sflag:s0], s1  }
0xf2: {  	s1 =	ssub.s32 @!p0 $0x0, s1;
	[sflag:s0] =	ssyncset.done @!p0 $0x0  }
0xf3: {  	[sflag:s0] =	ssyncadd.s32 @!p0 s1  }
0xf4: {  	[bflag:$0x3] =	sbarrier.arrive $0xFFFF  }
0xf5: {  	_ =	shalt  }

</sc_bundles>
